<compile_context>
chip_gen: v7x
topology: tpu7x:2x2x1
jax: 0.10.2.dev20260603
libtpu: 0.0.44.dev20260713+nightly
codegen_flags: <defaults>
</compile_context>

<pallas_src>
import functools

import jax
import jax.numpy as jnp
from jax import lax
from jax.experimental import pallas as pl
from jax.experimental.pallas import tpu as pltpu
from jax.experimental.pallas import tpu_sc as plsc

N0, N1, N2 = 50000, 20000, 5000
E0, E1 = 320000, 80000
D, DH = 128, 64

NC, NS, LANES = 2, 16, 16
CH = 128

C0 = 80
IB = 40
EP0 = 2 * NS * C0 * CH
R1P = 20480

C1 = 40
T1E = C1 * CH
EP1 = NS * T1E
R2P = 5120


def _pad_edges(src, dst, ep, n_src, n_dst, n_dst_pad):
    pe = ep - src.shape[0]
    ar = jnp.arange(pe, dtype=jnp.int32)
    src_p = jnp.concatenate([src, ar % n_src])
    dst_p = jnp.concatenate([dst, n_dst + ar % (n_dst_pad - n_dst)])
    return src_p, dst_p


def _sc_layer0_body(h_ref, src_ref, dst_ref, agg_out,
                    src_v, dst_v, rows0_v, rows1_v, rows2_v, rows3_v, acc_sp,
                    g0, g1, g2, g3, s0, s1, s2, s3):
    c = lax.axis_index("c")
    s = lax.axis_index("s")
    zv = jnp.zeros((2 * LANES,), jnp.bfloat16)
    rows = (rows0_v, rows1_v, rows2_v, rows3_v)
    gsem = (g0, g1, g2, g3)
    ssem = (s0, s1, s2, s3)

    def zero_rows0(i, _):
        r, q = i // 4, i % 4
        rows0_v[r, pl.ds(q * 2 * LANES, 2 * LANES)] = zv
        return 0

    def zero_acc():
        lax.fori_loop(0, 512, zero_rows0, 0)
        for k in range(10):
            pltpu.sync_copy(rows0_v, acc_sp.at[pl.ds(base + k * CH, CH)])

    base = s * (R1P // NS)
    zero_acc()
    plsc.subcore_barrier()

    nblk = C0 // IB
    for r in range(2):
        for hb in range(nblk):
            pltpu.sync_copy(src_ref.at[c, r, s, pl.ds(hb * IB, IB)], src_v)
            pltpu.sync_copy(dst_ref.at[c, r, s, pl.ds(hb * IB, IB)], dst_v)

            for k in range(4):
                pltpu.async_copy(h_ref.at[src_v.at[k]], rows[k], gsem[k])

            def quad(qq, _):
                j = 4 * qq
                for k in range(4):
                    pltpu.make_async_copy(h_ref.at[src_v.at[j + k]], rows[k],
                                          gsem[k]).wait()
                    pltpu.async_copy(rows[k], acc_sp.at[dst_v.at[j + k]],
                                     ssem[k], add=True)

                @pl.when(qq < IB // 4 - 1)
                def _():
                    for k in range(4):
                        pltpu.make_async_copy(rows[k],
                                              acc_sp.at[dst_v.at[j + k]],
                                              ssem[k]).wait()
                        pltpu.async_copy(h_ref.at[src_v.at[j + 4 + k]],
                                         rows[k], gsem[k])
                return 0
            lax.fori_loop(0, IB // 4, quad, 0)
            for k in range(4):
                pltpu.make_async_copy(rows[k], acc_sp.at[dst_v.at[k]],
                                      ssem[k]).wait()
        plsc.subcore_barrier()

        @pl.when(c == 0)
        def _():
            pltpu.sync_copy(acc_sp.at[pl.ds(base, R1P // NS)],
                            agg_out.at[0, r, pl.ds(base, R1P // NS)])

        @pl.when(c == 1)
        def _():
            pltpu.sync_copy(acc_sp.at[pl.ds(base, R1P // NS)],
                            agg_out.at[1, r, pl.ds(base, R1P // NS)])
        if r == 0:
            zero_acc()
            plsc.subcore_barrier()


_sc_layer0 = functools.partial(
    pl.kernel,
    out_type=jax.ShapeDtypeStruct((2, 2, R1P, D), jnp.bfloat16),
    mesh=plsc.VectorSubcoreMesh(core_axis_name="c", subcore_axis_name="s"),
    compiler_params=pltpu.CompilerParams(use_tc_tiling_on_sc=False),
    scratch_types=[
        pltpu.VMEM((IB, CH), jnp.int32),
        pltpu.VMEM((IB, CH), jnp.int32),
        pltpu.VMEM((CH, D), jnp.bfloat16),
        pltpu.VMEM((CH, D), jnp.bfloat16),
        pltpu.VMEM((CH, D), jnp.bfloat16),
        pltpu.VMEM((CH, D), jnp.bfloat16),
        pltpu.VMEM_SHARED((R1P, D), jnp.bfloat16),
    ] + [pltpu.SemaphoreType.DMA] * 8,
)(_sc_layer0_body)


def _sc_degrees_body(dst0_ref, dst1_ref, deg0_out, deg1_out,
                     dst_v, ones_v, zb16_v, deg0a_sp, deg0b_sp, deg1_sp,
                     dsem):
    c = lax.axis_index("c")
    s = lax.axis_index("s")
    zv = jnp.zeros((LANES,), jnp.float32)
    ov = jnp.ones((LANES,), jnp.float32)
    deg0_sps = (deg0a_sp, deg0b_sp)

    def fill16(i, _):
        ones_v[i, :] = ov
        zb16_v[i, :] = zv
        return 0
    lax.fori_loop(0, CH, fill16, 0)

    base0 = s * (R1P // NS)
    base1 = s * (R2P // NS)
    for rr in range(2):
        for k in range(10):
            pltpu.sync_copy(zb16_v,
                            deg0_sps[rr].at[pl.ds(base0 + k * CH, CH)])
    pltpu.sync_copy(zb16_v, deg1_sp.at[pl.ds(base1, CH)])
    pltpu.sync_copy(zb16_v, deg1_sp.at[pl.ds(base1 + CH, CH)])
    pltpu.sync_copy(zb16_v.at[:64], deg1_sp.at[pl.ds(base1 + 2 * CH, 64)])
    plsc.subcore_barrier()

    for rr in range(2):
        pltpu.sync_copy(dst0_ref.at[c, rr, s], dst_v)

        def chunk0(j, _):
            @pl.when(j >= 8)
            def _():
                pltpu.make_async_copy(ones_v, deg0_sps[rr].at[dst_v.at[0]],
                                      dsem).wait()
            pltpu.async_copy(ones_v, deg0_sps[rr].at[dst_v.at[j]], dsem,
                             add=True)
            return 0
        lax.fori_loop(0, C0, chunk0, 0)
        for _ in range(8):
            pltpu.make_async_copy(ones_v, deg0_sps[rr].at[dst_v.at[0]],
                                  dsem).wait()

    pltpu.sync_copy(dst1_ref.at[c, s], dst_v.at[pl.ds(0, C1)])

    def chunk1(j, _):
        @pl.when(j >= 8)
        def _():
            pltpu.make_async_copy(ones_v, deg1_sp.at[dst_v.at[0]],
                                  dsem).wait()
        pltpu.async_copy(ones_v, deg1_sp.at[dst_v.at[j]], dsem, add=True)
        return 0
    lax.fori_loop(0, C1, chunk1, 0)
    for _ in range(8):
        pltpu.make_async_copy(ones_v, deg1_sp.at[dst_v.at[0]], dsem).wait()
    plsc.subcore_barrier()

    for rr in range(2):
        @pl.when(c == 0)
        def _():
            pltpu.sync_copy(deg0_sps[rr].at[pl.ds(base0, R1P // NS)],
                            deg0_out.at[rr, pl.ds(base0, R1P // NS),
                                        pl.ds(0, LANES)])

        @pl.when(c == 1)
        def _():
            pltpu.sync_copy(deg0_sps[rr].at[pl.ds(base0, R1P // NS)],
                            deg0_out.at[rr, pl.ds(base0, R1P // NS),
                                        pl.ds(LANES, LANES)])
    pltpu.sync_copy(deg1_sp.at[pl.ds(base1, R2P // NS)],
                    deg1_out.at[c, pl.ds(base1, R2P // NS), pl.ds(0, LANES)])


_sc_degrees = functools.partial(
    pl.kernel,
    out_type=(jax.ShapeDtypeStruct((2, R1P, D), jnp.float32),
              jax.ShapeDtypeStruct((2, R2P, D), jnp.float32)),
    mesh=plsc.VectorSubcoreMesh(core_axis_name="c", subcore_axis_name="s"),
    compiler_params=pltpu.CompilerParams(use_tc_tiling_on_sc=False),
    scratch_types=[
        pltpu.VMEM((C0, CH), jnp.int32),
        pltpu.VMEM((CH, LANES), jnp.float32),
        pltpu.VMEM((CH, LANES), jnp.float32),
        pltpu.VMEM_SHARED((R1P, LANES), jnp.float32),
        pltpu.VMEM_SHARED((R1P, LANES), jnp.float32),
        pltpu.VMEM_SHARED((R2P, LANES), jnp.float32),
        pltpu.SemaphoreType.DMA,
    ],
)(_sc_degrees_body)


BR = 4096


def _tc_dense_body(hd_ref, agg_ref, deg_ref, ws_ref, wn_ref, b_ref, wcat_ref,
                   q_ref, p_ref):
    hd = hd_ref[...]
    a = agg_ref[...]
    d = deg_ref[...]
    deg0 = jnp.maximum(d[0, :, 0:1] + d[0, :, LANES:LANES + 1], 1.0)
    deg1 = jnp.maximum(d[1, :, 0:1] + d[1, :, LANES:LANES + 1], 1.0)
    m0 = (a[0, 0].astype(jnp.float32) + a[1, 0].astype(jnp.float32)) / deg0
    m1 = (a[0, 1].astype(jnp.float32) + a[1, 1].astype(jnp.float32)) / deg1
    o = (jax.nn.relu(jnp.dot(hd, ws_ref[0], preferred_element_type=jnp.float32)
                     + jnp.dot(m0, wn_ref[0], preferred_element_type=jnp.float32)
                     + b_ref[0])
         + jax.nn.relu(jnp.dot(hd, ws_ref[1], preferred_element_type=jnp.float32)
                       + jnp.dot(m1, wn_ref[1], preferred_element_type=jnp.float32)
                       + b_ref[1]))
    qp = jnp.dot(o, wcat_ref[...], preferred_element_type=jnp.float32)
    q_ref[0] = jnp.broadcast_to(qp[:, 0:1], (BR, LANES))
    q_ref[1] = jnp.broadcast_to(qp[:, 1:2], (BR, LANES))
    p_ref[...] = jnp.broadcast_to(qp[:, 2:3], (BR, LANES))


def _tc_dense(hd, agg, deg, ws, wn, b2, wcat):
    nb = R1P // BR
    return pl.pallas_call(
        _tc_dense_body,
        grid=(nb,),
        in_specs=[
            pl.BlockSpec((BR, D), lambda i: (i, 0)),
            pl.BlockSpec((2, 2, BR, D), lambda i: (0, 0, i, 0)),
            pl.BlockSpec((2, BR, D), lambda i: (0, i, 0)),
            pl.BlockSpec((2, D, D), lambda i: (0, 0, 0)),
            pl.BlockSpec((2, D, D), lambda i: (0, 0, 0)),
            pl.BlockSpec((2, 1, D), lambda i: (0, 0, 0)),
            pl.BlockSpec((D, D), lambda i: (0, 0)),
        ],
        out_specs=[
            pl.BlockSpec((2, BR, LANES), lambda i: (0, i, 0)),
            pl.BlockSpec((BR, LANES), lambda i: (i, 0)),
        ],
        out_shape=[
            jax.ShapeDtypeStruct((2, R1P, LANES), jnp.float32),
            jax.ShapeDtypeStruct((R1P, LANES), jnp.float32),
        ],
    )(hd, agg, deg, ws, wn, b2, wcat)


def _sc_layer1_body(q_ref, src_ref, dst_ref, sd_out,
                    src_v, dst_v, rows0_v, rows1_v, zb16_v, s_sp,
                    gsem0, gsem1, ssem0, ssem1):
    c = lax.axis_index("c")
    s = lax.axis_index("s")
    zv = jnp.zeros((LANES,), jnp.float32)

    def fill16(i, _):
        zb16_v[i, :] = zv
        return 0
    lax.fori_loop(0, CH, fill16, 0)

    base = s * (R2P // NS)
    pltpu.sync_copy(zb16_v, s_sp.at[pl.ds(base, CH)])
    pltpu.sync_copy(zb16_v, s_sp.at[pl.ds(base + CH, CH)])
    pltpu.sync_copy(zb16_v.at[:64], s_sp.at[pl.ds(base + 2 * CH, 64)])
    plsc.subcore_barrier()

    pltpu.sync_copy(src_ref.at[c, s], src_v)
    pltpu.sync_copy(dst_ref.at[c, s], dst_v)

    pltpu.async_copy(q_ref.at[src_v.at[0]], rows0_v, gsem0)
    pltpu.async_copy(q_ref.at[src_v.at[1]], rows1_v, gsem1)

    def pair(jj, _):
        j0 = 2 * jj
        pltpu.make_async_copy(q_ref.at[src_v.at[j0]], rows0_v, gsem0).wait()
        pltpu.async_copy(rows0_v, s_sp.at[dst_v.at[j0]], ssem0, add=True)
        pltpu.make_async_copy(q_ref.at[src_v.at[j0 + 1]], rows1_v,
                              gsem1).wait()
        pltpu.async_copy(rows1_v, s_sp.at[dst_v.at[j0 + 1]], ssem1, add=True)

        @pl.when(jj < C1 // 2 - 1)
        def _():
            pltpu.make_async_copy(rows0_v, s_sp.at[dst_v.at[j0]],
                                  ssem0).wait()
            pltpu.async_copy(q_ref.at[src_v.at[j0 + 2]], rows0_v, gsem0)
            pltpu.make_async_copy(rows1_v, s_sp.at[dst_v.at[j0 + 1]],
                                  ssem1).wait()
            pltpu.async_copy(q_ref.at[src_v.at[j0 + 3]], rows1_v, gsem1)
        return 0
    lax.fori_loop(0, C1 // 2, pair, 0)
    pltpu.make_async_copy(rows0_v, s_sp.at[dst_v.at[0]], ssem0).wait()
    pltpu.make_async_copy(rows1_v, s_sp.at[dst_v.at[1]], ssem1).wait()
    plsc.subcore_barrier()

    nrow = R2P // NS

    @pl.when(c == 0)
    def _():
        pltpu.sync_copy(s_sp.at[pl.ds(base, nrow)],
                        sd_out.at[pl.ds(base, nrow), pl.ds(0, LANES)])

    @pl.when(c == 1)
    def _():
        pltpu.sync_copy(s_sp.at[pl.ds(base, nrow)],
                        sd_out.at[pl.ds(base, nrow), pl.ds(LANES, LANES)])


_sc_layer1 = functools.partial(
    pl.kernel,
    out_type=jax.ShapeDtypeStruct((R2P, D), jnp.float32),
    mesh=plsc.VectorSubcoreMesh(core_axis_name="c", subcore_axis_name="s"),
    compiler_params=pltpu.CompilerParams(use_tc_tiling_on_sc=False),
    scratch_types=[
        pltpu.VMEM((C1, CH), jnp.int32),
        pltpu.VMEM((C1, CH), jnp.int32),
        pltpu.VMEM((CH, LANES), jnp.float32),
        pltpu.VMEM((CH, LANES), jnp.float32),
        pltpu.VMEM((CH, LANES), jnp.float32),
        pltpu.VMEM_SHARED((R2P, LANES), jnp.float32),
        pltpu.SemaphoreType.DMA,
        pltpu.SemaphoreType.DMA,
        pltpu.SemaphoreType.DMA,
        pltpu.SemaphoreType.DMA,
    ],
)(_sc_layer1_body)


def _tc_final_body(p_ref, sd_ref, dg_ref, b_ref, o_ref):
    p = p_ref[:, 0:1]
    sd = sd_ref[...]
    dg = dg_ref[...]
    s0 = sd[:, 0:1] / jnp.maximum(dg[0, :, 0:1], 1.0)
    s1 = sd[:, LANES:LANES + 1] / jnp.maximum(dg[1, :, 0:1], 1.0)
    o_ref[...] = jnp.broadcast_to(
        jax.nn.sigmoid(p + s0 + s1 + b_ref[0, 0:1]), (R2P, LANES))


def _tc_final(p, sd, deg1, bsum):
    return pl.pallas_call(
        _tc_final_body,
        grid=(1,),
        in_specs=[
            pl.BlockSpec((R2P, LANES), lambda i: (0, 0)),
            pl.BlockSpec((R2P, D), lambda i: (0, 0)),
            pl.BlockSpec((2, R2P, D), lambda i: (0, 0, 0)),
            pl.BlockSpec((1, LANES), lambda i: (0, 0)),
        ],
        out_specs=pl.BlockSpec((R2P, LANES), lambda i: (0, 0)),
        out_shape=jax.ShapeDtypeStruct((R2P, LANES), jnp.float32),
    )(p, sd, deg1, bsum)


def kernel(h, src0_r0, dst0_r0, src0_r1, dst0_r1, src1_r0, dst1_r0,
           src1_r1, dst1_r1, Wself0_r0, Wneigh0_r0, b0_r0, Wself0_r1,
           Wneigh0_r1, b0_r1, Wself1_r0, Wneigh1_r0, b1_r0, Wself1_r1,
           Wneigh1_r1, b1_r1):
    hflat = h.astype(jnp.bfloat16)

    s0p, d0p = _pad_edges(src0_r0, dst0_r0, EP0, N0, N1, R1P)
    s1p, d1p = _pad_edges(src0_r1, dst0_r1, EP0, N0, N1, R1P)
    srcA = jnp.stack([s0p.reshape(2, NS, C0, CH),
                      s1p.reshape(2, NS, C0, CH)], axis=1)
    dstA = jnp.stack([d0p.reshape(2, NS, C0, CH),
                      d1p.reshape(2, NS, C0, CH)], axis=1)

    agg = _sc_layer0(hflat, srcA, dstA)

    ws = jnp.stack([Wself0_r0, Wself0_r1])
    wn = jnp.stack([Wneigh0_r0, Wneigh0_r1])
    b2 = jnp.stack([b0_r0, b0_r1]).reshape(2, 1, D)
    wcat = jnp.concatenate(
        [Wneigh1_r0, Wneigh1_r1, Wself1_r0 + Wself1_r1,
         jnp.zeros((D, D - 3), jnp.float32)], axis=1)

    sb0, db0 = _pad_edges(src1_r0, dst1_r0, EP1, N1, N2, R2P)
    sb1, db1 = _pad_edges(src1_r1, dst1_r1, EP1, N1, N2, R2P)
    srcB = jnp.stack([sb0.reshape(NS, C1, CH),
                      (sb1 + R1P).reshape(NS, C1, CH)])
    dstB = jnp.stack([db0.reshape(NS, C1, CH), db1.reshape(NS, C1, CH)])

    deg0, deg1 = _sc_degrees(dstA, dstB)

    q2, p = _tc_dense(h, agg, deg0, ws, wn, b2, wcat)
    qf = q2.reshape(2 * R1P, LANES)

    sd = _sc_layer1(qf, srcB, dstB)

    bsum = jnp.broadcast_to((b1_r0 + b1_r1).reshape(1, 1), (1, LANES))
    out = _tc_final(p, sd, deg1, bsum)
    return out[:N2, 0:1]

# --- scband reference (transcript-rebuilt; emitter-appended) ---
"""Pipeline reference for scband-binary-rgcn-59107339928269 (READ-ONLY COPY).

The authoritative reference and input builder live on the scoring server;
editing this copy changes nothing except your own understanding.
"""

import jax, jax.numpy as jnp
import numpy as np

N0, N1, N2 = 50000, 20000, 5000
E0, E1 = 320000, 80000
D_IN, D_H = 128, 128


def setup_inputs(seed: int = 0) -> dict:
    key = jax.random.key(seed)
    ks = jax.random.split(key, 24)
    inp = {}
    inp["h"] = jax.random.normal(ks[0], (N0, D_IN), dtype=jnp.float32)
    # block 0 (layer 0): src in [0, N0), dst in [0, N1), two relations
    inp["src0_r0"] = jax.random.randint(ks[1], (E0,), 0, N0, dtype=jnp.int32)
    inp["dst0_r0"] = jax.random.randint(ks[2], (E0,), 0, N1, dtype=jnp.int32)
    inp["src0_r1"] = jax.random.randint(ks[3], (E0,), 0, N0, dtype=jnp.int32)
    inp["dst0_r1"] = jax.random.randint(ks[4], (E0,), 0, N1, dtype=jnp.int32)
    # block 1 (layer 1): src in [0, N1), dst in [0, N2)
    inp["src1_r0"] = jax.random.randint(ks[5], (E1,), 0, N1, dtype=jnp.int32)
    inp["dst1_r0"] = jax.random.randint(ks[6], (E1,), 0, N2, dtype=jnp.int32)
    inp["src1_r1"] = jax.random.randint(ks[7], (E1,), 0, N1, dtype=jnp.int32)
    inp["dst1_r1"] = jax.random.randint(ks[8], (E1,), 0, N2, dtype=jnp.int32)
    # SAGEConv params per (layer, relation): fc_self, fc_neigh, bias
    s = 0.05
    inp["Wself0_r0"] = s * jax.random.normal(ks[9], (D_IN, D_H), dtype=jnp.float32)
    inp["Wneigh0_r0"] = s * jax.random.normal(ks[10], (D_IN, D_H), dtype=jnp.float32)
    inp["b0_r0"] = jnp.zeros((D_H,), dtype=jnp.float32)
    inp["Wself0_r1"] = s * jax.random.normal(ks[11], (D_IN, D_H), dtype=jnp.float32)
    inp["Wneigh0_r1"] = s * jax.random.normal(ks[12], (D_IN, D_H), dtype=jnp.float32)
    inp["b0_r1"] = jnp.zeros((D_H,), dtype=jnp.float32)
    inp["Wself1_r0"] = s * jax.random.normal(ks[13], (D_H, 1), dtype=jnp.float32)
    inp["Wneigh1_r0"] = s * jax.random.normal(ks[14], (D_H, 1), dtype=jnp.float32)
    inp["b1_r0"] = jnp.zeros((1,), dtype=jnp.float32)
    inp["Wself1_r1"] = s * jax.random.normal(ks[15], (D_H, 1), dtype=jnp.float32)
    inp["Wneigh1_r1"] = s * jax.random.normal(ks[16], (D_H, 1), dtype=jnp.float32)
    inp["b1_r1"] = jnp.zeros((1,), dtype=jnp.float32)
    return inp


def _sage_mean(h_src, h_dst, src, dst, n_dst, Wself, Wneigh, b):
    # DGL SAGEConv aggregator_type='mean': fc_self(h_dst) + fc_neigh(mean_neigh(h_src)) + bias
    msg = jnp.take(h_src, src, axis=0)
    agg = jax.ops.segment_sum(msg, dst, num_segments=n_dst)
    deg = jax.ops.segment_sum(jnp.ones((dst.shape[0],), dtype=msg.dtype), dst, num_segments=n_dst)
    mean = agg / jnp.maximum(deg, 1.0)[:, None]
    return h_dst @ Wself + mean @ Wneigh + b


def reference(h, src0_r0, dst0_r0, src0_r1, dst0_r1, src1_r0, dst1_r0, src1_r1, dst1_r1,
              Wself0_r0, Wneigh0_r0, b0_r0, Wself0_r1, Wneigh0_r1, b0_r1,
              Wself1_r0, Wneigh1_r0, b1_r0, Wself1_r1, Wneigh1_r1, b1_r1):
    # Layer 0: HeteroGraphConv sums per-relation SAGEConv outputs (activation=relu inside conv)
    h_dst0 = h[:N1]
    o0 = (jax.nn.relu(_sage_mean(h, h_dst0, src0_r0, dst0_r0, N1, Wself0_r0, Wneigh0_r0, b0_r0))
          + jax.nn.relu(_sage_mean(h, h_dst0, src0_r1, dst0_r1, N1, Wself0_r1, Wneigh0_r1, b0_r1)))
    # Layer 1 (output layer, no activation): sum over relations, then sigmoid on label_entity
    h_dst1 = o0[:N2]
    o1 = (_sage_mean(o0, h_dst1, src1_r0, dst1_r0, N2, Wself1_r0, Wneigh1_r0, b1_r0)
          + _sage_mean(o0, h_dst1, src1_r1, dst1_r1, N2, Wself1_r1, Wneigh1_r1, b1_r1))
    return jax.nn.sigmoid(o1)

if __name__ == "__main__":
    import jax
    _d = setup_inputs()
    print(jax.jit(kernel)(*tuple(_d.values())))

</pallas_src>

<mosaic_0001>
#map = affine_map<(d0, d1) -> (0, 0)>
#map1 = affine_map<(d0, d1) -> (0, 0, 0, 0)>
module attributes {stable_mosaic.version = 14 : i64} {
  func.func @_sc_layer1_body(%arg0: i32, %arg1: i32, %arg2: memref<40960x16xf32, #tpu.memory_space<hbm>>, %arg3: memref<2x16x40x128xi32, #tpu.memory_space<hbm>>, %arg4: memref<2x16x40x128xi32, #tpu.memory_space<hbm>>, %arg5: memref<5120x128xf32, #tpu.memory_space<hbm>>, %arg6: memref<40x128xi32, #tpu.memory_space<vmem>>, %arg7: memref<40x128xi32, #tpu.memory_space<vmem>>, %arg8: memref<128x16xf32, #tpu.memory_space<vmem>>, %arg9: memref<128x16xf32, #tpu.memory_space<vmem>>, %arg10: memref<128x16xf32, #tpu.memory_space<vmem>>, %arg11: memref<5120x16xf32, #tpu.memory_space<vmem_shared>>, %arg12: memref<!tpu.dma_semaphore, #tpu.memory_space<semaphore_mem>>, %arg13: memref<!tpu.dma_semaphore, #tpu.memory_space<semaphore_mem>>, %arg14: memref<!tpu.dma_semaphore, #tpu.memory_space<semaphore_mem>>, %arg15: memref<!tpu.dma_semaphore, #tpu.memory_space<semaphore_mem>>) attributes {dimension_semantics = [#tpu.dimension_semantics<core_parallel>, #tpu.dimension_semantics<subcore_parallel>], iteration_bounds = array<i64: 2, 16>, scalar_prefetch = 0 : i64, scratch_operands = 10 : i64, tpu.core_type = #tpu.core_type<sc_vector_subcore>, window_params = [{transform_indices = #map}, {transform_indices = #map1}, {transform_indices = #map1}, {transform_indices = #map}]} {
    %broadcast_in_dim3A = arith.constant 0.000000e+00 : f32
    %broadcast_in_dim3A_0 = vector.broadcast %broadcast_in_dim3A : f32 to vector<16xf32>
    %scan3A = arith.constant 0 : i32
    %scan3A_1 = arith.constant 0 : i32
    %scan3A_2 = arith.constant 128 : i32
    %scan3A_3 = arith.addi %scan3A_1, %scan3A_2 : i32
    %scan3A_4 = arith.constant 1 : i32
    %scan3A_5 = scf.for %scan3A_52 = %scan3A_1 to %scan3A_3 step %scan3A_4 iter_args(%scan3A_53 = %scan3A) -> (i32)  : i32 {
      %swap3A = arith.index_cast %scan3A_52 : i32 to index
      %swap3A_54 = arith.constant 0 : index
      %swap3A_55 = tpu.vector_load %arg10[%swap3A, %swap3A_54] {strides = array<i32>} : memref<128x16xf32, #tpu.memory_space<vmem>>, vector<1x16xf32>,
      %swap3A_56 = vector.shape_cast %swap3A_55 : vector<1x16xf32> to vector<16xf32>
      %swap3A_57 = vector.shape_cast %broadcast_in_dim3A_0 : vector<16xf32> to vector<1x16xf32>
      tpu.vector_store %arg10[%swap3A, %swap3A_54], %swap3A_57 {strides = array<i32>} : memref<128x16xf32, #tpu.memory_space<vmem>>, vector<1x16xf32>,
      %scan3A_58 = arith.constant 0 : i32
      scf.yield %scan3A_58 : i32
    }
    %scan3A_6 = arith.constant 128 : i32
    %mul3A = arith.constant 320 : i32
    %mul3A_7 = arith.muli %arg1, %mul3A : i32
    "tpu.region"() ({
      %run_scoped3A = tpu.sem_alloc : memref<!tpu.dma_semaphore, #tpu.memory_space<semaphore_mem>>
      %dma_start3A_52 = arith.constant 0 : i32
      %dma_start3A_53 = tpu.memref_slice %arg11[%mul3A_7, %dma_start3A_52] : memref<5120x16xf32, #tpu.memory_space<vmem_shared>> -> memref<128x16xf32, #tpu.memory_space<vmem_shared>>
      %dma_start3A_54 = arith.constant 0 : i32
      %dma_start3A_55 = tpu.memref_slice %arg11[%mul3A_7, %dma_start3A_54] : memref<5120x16xf32, #tpu.memory_space<vmem_shared>> -> memref<128x16xf32, #tpu.memory_space<vmem_shared>>
      tpu.enqueue_dma source(%arg10 : memref<128x16xf32, #tpu.memory_space<vmem>>) target(%dma_start3A_55 : memref<128x16xf32, #tpu.memory_space<vmem_shared>>) target_semaphore(%run_scoped3A : memref<!tpu.dma_semaphore, #tpu.memory_space<semaphore_mem>>)
      %dma_wait3A_56 = arith.constant 0 : i32
      %dma_wait3A_57 = tpu.memref_slice %arg11[%mul3A_7, %dma_wait3A_56] : memref<5120x16xf32, #tpu.memory_space<vmem_shared>> -> memref<128x16xf32, #tpu.memory_space<vmem_shared>>
      %dma_wait3A_58 = arith.constant 0 : i32
      %dma_wait3A_59 = tpu.memref_slice %arg11[%mul3A_7, %dma_wait3A_58] : memref<5120x16xf32, #tpu.memory_space<vmem_shared>> -> memref<128x16xf32, #tpu.memory_space<vmem_shared>>
      tpu.wait_dma2 semaphore(%run_scoped3A : memref<!tpu.dma_semaphore, #tpu.memory_space<semaphore_mem>>) src(%arg10 : memref<128x16xf32, #tpu.memory_space<vmem>>) dst(%dma_wait3A_59 : memref<128x16xf32, #tpu.memory_space<vmem_shared>>)
      tpu.yield
    }) : () -> ()
    %add3A = arith.constant 128 : i32
    %add3A_8 = arith.addi %mul3A_7, %add3A : i32
    "tpu.region"() ({
      %run_scoped3A = tpu.sem_alloc : memref<!tpu.dma_semaphore, #tpu.memory_space<semaphore_mem>>
      %dma_start3A_52 = arith.constant 0 : i32
      %dma_start3A_53 = tpu.memref_slice %arg11[%add3A_8, %dma_start3A_52] : memref<5120x16xf32, #tpu.memory_space<vmem_shared>> -> memref<128x16xf32, #tpu.memory_space<vmem_shared>>
      %dma_start3A_54 = arith.constant 0 : i32
      %dma_start3A_55 = tpu.memref_slice %arg11[%add3A_8, %dma_start3A_54] : memref<5120x16xf32, #tpu.memory_space<vmem_shared>> -> memref<128x16xf32, #tpu.memory_space<vmem_shared>>
      tpu.enqueue_dma source(%arg10 : memref<128x16xf32, #tpu.memory_space<vmem>>) target(%dma_start3A_55 : memref<128x16xf32, #tpu.memory_space<vmem_shared>>) target_semaphore(%run_scoped3A : memref<!tpu.dma_semaphore, #tpu.memory_space<semaphore_mem>>)
      %dma_wait3A_56 = arith.constant 0 : i32
      %dma_wait3A_57 = tpu.memref_slice %arg11[%add3A_8, %dma_wait3A_56] : memref<5120x16xf32, #tpu.memory_space<vmem_shared>> -> memref<128x16xf32, #tpu.memory_space<vmem_shared>>
      %dma_wait3A_58 = arith.constant 0 : i32
      %dma_wait3A_59 = tpu.memref_slice %arg11[%add3A_8, %dma_wait3A_58] : memref<5120x16xf32, #tpu.memory_space<vmem_shared>> -> memref<128x16xf32, #tpu.memory_space<vmem_shared>>
      tpu.wait_dma2 semaphore(%run_scoped3A : memref<!tpu.dma_semaphore, #tpu.memory_space<semaphore_mem>>) src(%arg10 : memref<128x16xf32, #tpu.memory_space<vmem>>) dst(%dma_wait3A_59 : memref<128x16xf32, #tpu.memory_space<vmem_shared>>)
      tpu.yield
    }) : () -> ()
    %add3A_9 = arith.constant 256 : i32
    %add3A_10 = arith.addi %mul3A_7, %add3A_9 : i32
    "tpu.region"() ({
      %run_scoped3A = tpu.sem_alloc : memref<!tpu.dma_semaphore, #tpu.memory_space<semaphore_mem>>
      %dma_start3A_52 = arith.constant 0 : i32
      %dma_start3A_53 = arith.constant 0 : i32
      %dma_start3A_54 = tpu.memref_slice %arg10[%dma_start3A_52, %dma_start3A_53] : memref<128x16xf32, #tpu.memory_space<vmem>> -> memref<64x16xf32, #tpu.memory_space<vmem>>
      %dma_start3A_55 = arith.constant 0 : i32
      %dma_start3A_56 = tpu.memref_slice %arg11[%add3A_10, %dma_start3A_55] : memref<5120x16xf32, #tpu.memory_space<vmem_shared>> -> memref<64x16xf32, #tpu.memory_space<vmem_shared>>
      %dma_start3A_57 = arith.constant 0 : i32
      %dma_start3A_58 = tpu.memref_slice %arg11[%add3A_10, %dma_start3A_57] : memref<5120x16xf32, #tpu.memory_space<vmem_shared>> -> memref<64x16xf32, #tpu.memory_space<vmem_shared>>
      %dma_start3A_59 = arith.constant 0 : i32
      %dma_start3A_60 = arith.constant 0 : i32
      %dma_start3A_61 = tpu.memref_slice %arg10[%dma_start3A_59, %dma_start3A_60] : memref<128x16xf32, #tpu.memory_space<vmem>> -> memref<64x16xf32, #tpu.memory_space<vmem>>
      tpu.enqueue_dma source(%dma_start3A_61 : memref<64x16xf32, #tpu.memory_space<vmem>>) target(%dma_start3A_58 : memref<64x16xf32, #tpu.memory_space<vmem_shared>>) target_semaphore(%run_scoped3A : memref<!tpu.dma_semaphore, #tpu.memory_space<semaphore_mem>>)
      %dma_wait3A_62 = arith.constant 0 : i32
      %dma_wait3A_63 = arith.constant 0 : i32
      %dma_wait3A_64 = tpu.memref_slice %arg10[%dma_wait3A_62, %dma_wait3A_63] : memref<128x16xf32, #tpu.memory_space<vmem>> -> memref<64x16xf32, #tpu.memory_space<vmem>>
      %dma_wait3A_65 = arith.constant 0 : i32
      %dma_wait3A_66 = tpu.memref_slice %arg11[%add3A_10, %dma_wait3A_65] : memref<5120x16xf32, #tpu.memory_space<vmem_shared>> -> memref<64x16xf32, #tpu.memory_space<vmem_shared>>
      %dma_wait3A_67 = arith.constant 0 : i32
      %dma_wait3A_68 = tpu.memref_slice %arg11[%add3A_10, %dma_wait3A_67] : memref<5120x16xf32, #tpu.memory_space<vmem_shared>> -> memref<64x16xf32, #tpu.memory_space<vmem_shared>>
      %dma_wait3A_69 = arith.constant 0 : i32
      %dma_wait3A_70 = arith.constant 0 : i32
      %dma_wait3A_71 = tpu.memref_slice %arg10[%dma_wait3A_69, %dma_wait3A_70] : memref<128x16xf32, #tpu.memory_space<vmem>> -> memref<64x16xf32, #tpu.memory_space<vmem>>
      tpu.wait_dma2 semaphore(%run_scoped3A : memref<!tpu.dma_semaphore, #tpu.memory_space<semaphore_mem>>) src(%dma_wait3A_71 : memref<64x16xf32, #tpu.memory_space<vmem>>) dst(%dma_wait3A_68 : memref<64x16xf32, #tpu.memory_space<vmem_shared>>)
      tpu.yield
    }) : () -> ()
    %barrier3A = arith.constant 0 : index
    tpu.barrier barrier_id(%barrier3A)
    "tpu.region"() ({
      %run_scoped3A = tpu.sem_alloc : memref<!tpu.dma_semaphore, #tpu.memory_space<semaphore_mem>>
      %dma_start3A_52 = arith.constant 0 : i32
      %dma_start3A_53 = arith.constant 0 : i32
      %dma_start3A_54 = tpu.memref_slice %arg3[%arg0, %arg1, %dma_start3A_52, %dma_start3A_53] : memref<2x16x40x128xi32, #tpu.memory_space<hbm>> -> memref<1x1x40x128xi32, #tpu.memory_space<hbm>>
      %dma_start3A_55 = tpu.memref_squeeze %dma_start3A_54 : memref<1x1x40x128xi32, #tpu.memory_space<hbm>> -> memref<40x128xi32, #tpu.memory_space<hbm>>
      %dma_start3A_56 = arith.constant 0 : i32
      %dma_start3A_57 = arith.constant 0 : i32
      %dma_start3A_58 = tpu.memref_slice %arg3[%arg0, %arg1, %dma_start3A_56, %dma_start3A_57] : memref<2x16x40x128xi32, #tpu.memory_space<hbm>> -> memref<1x1x40x128xi32, #tpu.memory_space<hbm>>
      %dma_start3A_59 = tpu.memref_squeeze %dma_start3A_58 : memref<1x1x40x128xi32, #tpu.memory_space<hbm>> -> memref<40x128xi32, #tpu.memory_space<hbm>>
      tpu.enqueue_dma source(%dma_start3A_59 : memref<40x128xi32, #tpu.memory_space<hbm>>) target(%arg6 : memref<40x128xi32, #tpu.memory_space<vmem>>) target_semaphore(%run_scoped3A : memref<!tpu.dma_semaphore, #tpu.memory_space<semaphore_mem>>)
      %dma_wait3A_60 = arith.constant 0 : i32
      %dma_wait3A_61 = arith.constant 0 : i32
      %dma_wait3A_62 = tpu.memref_slice %arg3[%arg0, %arg1, %dma_wait3A_60, %dma_wait3A_61] : memref<2x16x40x128xi32, #tpu.memory_space<hbm>> -> memref<1x1x40x128xi32, #tpu.memory_space<hbm>>
      %dma_wait3A_63 = tpu.memref_squeeze %dma_wait3A_62 : memref<1x1x40x128xi32, #tpu.memory_space<hbm>> -> memref<40x128xi32, #tpu.memory_space<hbm>>
      %dma_wait3A_64 = arith.constant 0 : i32
      %dma_wait3A_65 = arith.constant 0 : i32
      %dma_wait3A_66 = tpu.memref_slice %arg3[%arg0, %arg1, %dma_wait3A_64, %dma_wait3A_65] : memref<2x16x40x128xi32, #tpu.memory_space<hbm>> -> memref<1x1x40x128xi32, #tpu.memory_space<hbm>>
      %dma_wait3A_67 = tpu.memref_squeeze %dma_wait3A_66 : memref<1x1x40x128xi32, #tpu.memory_space<hbm>> -> memref<40x128xi32, #tpu.memory_space<hbm>>
      tpu.wait_dma2 semaphore(%run_scoped3A : memref<!tpu.dma_semaphore, #tpu.memory_space<semaphore_mem>>) src(%dma_wait3A_67 : memref<40x128xi32, #tpu.memory_space<hbm>>) dst(%arg6 : memref<40x128xi32, #tpu.memory_space<vmem>>)
      tpu.yield
    }) : () -> ()
    "tpu.region"() ({
      %run_scoped3A = tpu.sem_alloc : memref<!tpu.dma_semaphore, #tpu.memory_space<semaphore_mem>>
      %dma_start3A_52 = arith.constant 0 : i32
      %dma_start3A_53 = arith.constant 0 : i32
      %dma_start3A_54 = tpu.memref_slice %arg4[%arg0, %arg1, %dma_start3A_52, %dma_start3A_53] : memref<2x16x40x128xi32, #tpu.memory_space<hbm>> -> memref<1x1x40x128xi32, #tpu.memory_space<hbm>>
      %dma_start3A_55 = tpu.memref_squeeze %dma_start3A_54 : memref<1x1x40x128xi32, #tpu.memory_space<hbm>> -> memref<40x128xi32, #tpu.memory_space<hbm>>
      %dma_start3A_56 = arith.constant 0 : i32
      %dma_start3A_57 = arith.constant 0 : i32
      %dma_start3A_58 = tpu.memref_slice %arg4[%arg0, %arg1, %dma_start3A_56, %dma_start3A_57] : memref<2x16x40x128xi32, #tpu.memory_space<hbm>> -> memref<1x1x40x128xi32, #tpu.memory_space<hbm>>
      %dma_start3A_59 = tpu.memref_squeeze %dma_start3A_58 : memref<1x1x40x128xi32, #tpu.memory_space<hbm>> -> memref<40x128xi32, #tpu.memory_space<hbm>>
      tpu.enqueue_dma source(%dma_start3A_59 : memref<40x128xi32, #tpu.memory_space<hbm>>) target(%arg7 : memref<40x128xi32, #tpu.memory_space<vmem>>) target_semaphore(%run_scoped3A : memref<!tpu.dma_semaphore, #tpu.memory_space<semaphore_mem>>)
      %dma_wait3A_60 = arith.constant 0 : i32
      %dma_wait3A_61 = arith.constant 0 : i32
      %dma_wait3A_62 = tpu.memref_slice %arg4[%arg0, %arg1, %dma_wait3A_60, %dma_wait3A_61] : memref<2x16x40x128xi32, #tpu.memory_space<hbm>> -> memref<1x1x40x128xi32, #tpu.memory_space<hbm>>
      %dma_wait3A_63 = tpu.memref_squeeze %dma_wait3A_62 : memref<1x1x40x128xi32, #tpu.memory_space<hbm>> -> memref<40x128xi32, #tpu.memory_space<hbm>>
      %dma_wait3A_64 = arith.constant 0 : i32
      %dma_wait3A_65 = arith.constant 0 : i32
      %dma_wait3A_66 = tpu.memref_slice %arg4[%arg0, %arg1, %dma_wait3A_64, %dma_wait3A_65] : memref<2x16x40x128xi32, #tpu.memory_space<hbm>> -> memref<1x1x40x128xi32, #tpu.memory_space<hbm>>
      %dma_wait3A_67 = tpu.memref_squeeze %dma_wait3A_66 : memref<1x1x40x128xi32, #tpu.memory_space<hbm>> -> memref<40x128xi32, #tpu.memory_space<hbm>>
      tpu.wait_dma2 semaphore(%run_scoped3A : memref<!tpu.dma_semaphore, #tpu.memory_space<semaphore_mem>>) src(%dma_wait3A_67 : memref<40x128xi32, #tpu.memory_space<hbm>>) dst(%arg7 : memref<40x128xi32, #tpu.memory_space<vmem>>)
      tpu.yield
    }) : () -> ()
    %dma_start3A = arith.constant 0 : i32
    %dma_start3A_11 = arith.constant 0 : i32
    %dma_start3A_12 = tpu.memref_slice %arg6[%dma_start3A, %dma_start3A_11] : memref<40x128xi32, #tpu.memory_space<vmem>> -> memref<1x128xi32, #tpu.memory_space<vmem>>
    %dma_start3A_13 = tpu.memref_squeeze %dma_start3A_12 : memref<1x128xi32, #tpu.memory_space<vmem>> -> memref<128xi32, #tpu.memory_space<vmem>>
    %dma_start3A_14 = arith.constant 0 : i32
    %dma_start3A_15 = arith.constant 0 : i32
    %dma_start3A_16 = tpu.memref_slice %arg2[%dma_start3A_14, %dma_start3A_15] : memref<40960x16xf32, #tpu.memory_space<hbm>> -> memref<40960x16xf32, #tpu.memory_space<hbm>>
    tpu.enqueue_indirect_dma source(%dma_start3A_16 : memref<40960x16xf32, #tpu.memory_space<hbm>>) target(%arg8 : memref<128x16xf32, #tpu.memory_space<vmem>>) offsets(%dma_start3A_13 : memref<128xi32, #tpu.memory_space<vmem>>) semaphore(%arg12 : memref<!tpu.dma_semaphore, #tpu.memory_space<semaphore_mem>>)
    %dma_start3A_17 = arith.constant 1 : i32
    %dma_start3A_18 = arith.constant 0 : i32
    %dma_start3A_19 = tpu.memref_slice %arg6[%dma_start3A_17, %dma_start3A_18] : memref<40x128xi32, #tpu.memory_space<vmem>> -> memref<1x128xi32, #tpu.memory_space<vmem>>
    %dma_start3A_20 = tpu.memref_squeeze %dma_start3A_19 : memref<1x128xi32, #tpu.memory_space<vmem>> -> memref<128xi32, #tpu.memory_space<vmem>>
    %dma_start3A_21 = arith.constant 0 : i32
    %dma_start3A_22 = arith.constant 0 : i32
    %dma_start3A_23 = tpu.memref_slice %arg2[%dma_start3A_21, %dma_start3A_22] : memref<40960x16xf32, #tpu.memory_space<hbm>> -> memref<40960x16xf32, #tpu.memory_space<hbm>>
    tpu.enqueue_indirect_dma source(%dma_start3A_23 : memref<40960x16xf32, #tpu.memory_space<hbm>>) target(%arg9 : memref<128x16xf32, #tpu.memory_space<vmem>>) offsets(%dma_start3A_20 : memref<128xi32, #tpu.memory_space<vmem>>) semaphore(%arg13 : memref<!tpu.dma_semaphore, #tpu.memory_space<semaphore_mem>>)
    %scan3A_24 = arith.constant 0 : i32
    %scan3A_25 = arith.constant 0 : i32
    %scan3A_26 = arith.constant 20 : i32
    %scan3A_27 = arith.addi %scan3A_25, %scan3A_26 : i32
    %scan3A_28 = arith.constant 1 : i32
    %scan3A_29 = scf.for %scan3A_52 = %scan3A_25 to %scan3A_27 step %scan3A_28 iter_args(%scan3A_53 = %scan3A_24) -> (i32)  : i32 {
      %mul3A_54 = arith.constant 2 : i32
      %mul3A_55 = arith.muli %mul3A_54, %scan3A_52 : i32
      %dma_wait3A_56 = arith.constant 0 : i32
      %dma_wait3A_57 = tpu.memref_slice %arg6[%mul3A_55, %dma_wait3A_56] : memref<40x128xi32, #tpu.memory_space<vmem>> -> memref<1x128xi32, #tpu.memory_space<vmem>>
      %dma_wait3A_58 = tpu.memref_squeeze %dma_wait3A_57 : memref<1x128xi32, #tpu.memory_space<vmem>> -> memref<128xi32, #tpu.memory_space<vmem>>
      %dma_wait3A_59 = arith.constant 0 : i32
      %dma_wait3A_60 = arith.constant 0 : i32
      %dma_wait3A_61 = tpu.memref_slice %arg2[%dma_wait3A_59, %dma_wait3A_60] : memref<40960x16xf32, #tpu.memory_space<hbm>> -> memref<40960x16xf32, #tpu.memory_space<hbm>>
      tpu.wait_indirect_dma semaphore(%arg12 : memref<!tpu.dma_semaphore, #tpu.memory_space<semaphore_mem>>) src(%dma_wait3A_61 : memref<40960x16xf32, #tpu.memory_space<hbm>>) dst(%arg8 : memref<128x16xf32, #tpu.memory_space<vmem>>)
      %dma_start3A_62 = arith.constant 0 : i32
      %dma_start3A_63 = tpu.memref_slice %arg7[%mul3A_55, %dma_start3A_62] : memref<40x128xi32, #tpu.memory_space<vmem>> -> memref<1x128xi32, #tpu.memory_space<vmem>>
      %dma_start3A_64 = tpu.memref_squeeze %dma_start3A_63 : memref<1x128xi32, #tpu.memory_space<vmem>> -> memref<128xi32, #tpu.memory_space<vmem>>
      %dma_start3A_65 = arith.constant 0 : i32
      %dma_start3A_66 = arith.constant 0 : i32
      %dma_start3A_67 = tpu.memref_slice %arg11[%dma_start3A_65, %dma_start3A_66] : memref<5120x16xf32, #tpu.memory_space<vmem_shared>> -> memref<5120x16xf32, #tpu.memory_space<vmem_shared>>
      tpu.enqueue_indirect_dma source(%arg8 : memref<128x16xf32, #tpu.memory_space<vmem>>) target(%dma_start3A_67 : memref<5120x16xf32, #tpu.memory_space<vmem_shared>>) offsets(%dma_start3A_64 : memref<128xi32, #tpu.memory_space<vmem>>) semaphore(%arg14 : memref<!tpu.dma_semaphore, #tpu.memory_space<semaphore_mem>>) {add = true}
      %add3A_68 = arith.constant 1 : i32
      %add3A_69 = arith.addi %mul3A_55, %add3A_68 : i32
      %dma_wait3A_70 = arith.constant 0 : i32
      %dma_wait3A_71 = tpu.memref_slice %arg6[%add3A_69, %dma_wait3A_70] : memref<40x128xi32, #tpu.memory_space<vmem>> -> memref<1x128xi32, #tpu.memory_space<vmem>>
      %dma_wait3A_72 = tpu.memref_squeeze %dma_wait3A_71 : memref<1x128xi32, #tpu.memory_space<vmem>> -> memref<128xi32, #tpu.memory_space<vmem>>
      %dma_wait3A_73 = arith.constant 0 : i32
      %dma_wait3A_74 = arith.constant 0 : i32
      %dma_wait3A_75 = tpu.memref_slice %arg2[%dma_wait3A_73, %dma_wait3A_74] : memref<40960x16xf32, #tpu.memory_space<hbm>> -> memref<40960x16xf32, #tpu.memory_space<hbm>>
      tpu.wait_indirect_dma semaphore(%arg13 : memref<!tpu.dma_semaphore, #tpu.memory_space<semaphore_mem>>) src(%dma_wait3A_75 : memref<40960x16xf32, #tpu.memory_space<hbm>>) dst(%arg9 : memref<128x16xf32, #tpu.memory_space<vmem>>)
      %add3A_76 = arith.constant 1 : i32
      %add3A_77 = arith.addi %mul3A_55, %add3A_76 : i32
      %dma_start3A_78 = arith.constant 0 : i32
      %dma_start3A_79 = tpu.memref_slice %arg7[%add3A_77, %dma_start3A_78] : memref<40x128xi32, #tpu.memory_space<vmem>> -> memref<1x128xi32, #tpu.memory_space<vmem>>
      %dma_start3A_80 = tpu.memref_squeeze %dma_start3A_79 : memref<1x128xi32, #tpu.memory_space<vmem>> -> memref<128xi32, #tpu.memory_space<vmem>>
      %dma_start3A_81 = arith.constant 0 : i32
      %dma_start3A_82 = arith.constant 0 : i32
      %dma_start3A_83 = tpu.memref_slice %arg11[%dma_start3A_81, %dma_start3A_82] : memref<5120x16xf32, #tpu.memory_space<vmem_shared>> -> memref<5120x16xf32, #tpu.memory_space<vmem_shared>>
      tpu.enqueue_indirect_dma source(%arg9 : memref<128x16xf32, #tpu.memory_space<vmem>>) target(%dma_start3A_83 : memref<5120x16xf32, #tpu.memory_space<vmem_shared>>) offsets(%dma_start3A_80 : memref<128xi32, #tpu.memory_space<vmem>>) semaphore(%arg15 : memref<!tpu.dma_semaphore, #tpu.memory_space<semaphore_mem>>) {add = true}
      %lt3A = arith.constant 19 : i32
      %lt3A_84 = arith.cmpi slt, %scan3A_52, %lt3A : i32
      %convert_element_type3A_85 = arith.extui %lt3A_84 : i1 to i32
      %cond3A_86 = arith.constant 0 : i32
      %cond3A_87 = arith.cmpi ne, %convert_element_type3A_85, %cond3A_86 : i32
      scf.if %cond3A_87 {
        %dma_wait3A_89 = arith.constant 0 : i32
        %dma_wait3A_90 = tpu.memref_slice %arg7[%mul3A_55, %dma_wait3A_89] : memref<40x128xi32, #tpu.memory_space<vmem>> -> memref<1x128xi32, #tpu.memory_space<vmem>>
        %dma_wait3A_91 = tpu.memref_squeeze %dma_wait3A_90 : memref<1x128xi32, #tpu.memory_space<vmem>> -> memref<128xi32, #tpu.memory_space<vmem>>
        %dma_wait3A_92 = arith.constant 0 : i32
        %dma_wait3A_93 = arith.constant 0 : i32
        %dma_wait3A_94 = tpu.memref_slice %arg11[%dma_wait3A_92, %dma_wait3A_93] : memref<5120x16xf32, #tpu.memory_space<vmem_shared>> -> memref<5120x16xf32, #tpu.memory_space<vmem_shared>>
        tpu.wait_indirect_dma semaphore(%arg14 : memref<!tpu.dma_semaphore, #tpu.memory_space<semaphore_mem>>) src(%arg8 : memref<128x16xf32, #tpu.memory_space<vmem>>) dst(%dma_wait3A_94 : memref<5120x16xf32, #tpu.memory_space<vmem_shared>>)
        %add3A_95 = arith.constant 2 : i32
        %add3A_96 = arith.addi %mul3A_55, %add3A_95 : i32
        %dma_start3A_97 = arith.constant 0 : i32
        %dma_start3A_98 = tpu.memref_slice %arg6[%add3A_96, %dma_start3A_97] : memref<40x128xi32, #tpu.memory_space<vmem>> -> memref<1x128xi32, #tpu.memory_space<vmem>>
        %dma_start3A_99 = tpu.memref_squeeze %dma_start3A_98 : memref<1x128xi32, #tpu.memory_space<vmem>> -> memref<128xi32, #tpu.memory_space<vmem>>
        %dma_start3A_100 = arith.constant 0 : i32
        %dma_start3A_101 = arith.constant 0 : i32
        %dma_start3A_102 = tpu.memref_slice %arg2[%dma_start3A_100, %dma_start3A_101] : memref<40960x16xf32, #tpu.memory_space<hbm>> -> memref<40960x16xf32, #tpu.memory_space<hbm>>
        tpu.enqueue_indirect_dma source(%dma_start3A_102 : memref<40960x16xf32, #tpu.memory_space<hbm>>) target(%arg8 : memref<128x16xf32, #tpu.memory_space<vmem>>) offsets(%dma_start3A_99 : memref<128xi32, #tpu.memory_space<vmem>>) semaphore(%arg12 : memref<!tpu.dma_semaphore, #tpu.memory_space<semaphore_mem>>)
        %add3A_103 = arith.constant 1 : i32
        %add3A_104 = arith.addi %mul3A_55, %add3A_103 : i32
        %dma_wait3A_105 = arith.constant 0 : i32
        %dma_wait3A_106 = tpu.memref_slice %arg7[%add3A_104, %dma_wait3A_105] : memref<40x128xi32, #tpu.memory_space<vmem>> -> memref<1x128xi32, #tpu.memory_space<vmem>>
        %dma_wait3A_107 = tpu.memref_squeeze %dma_wait3A_106 : memref<1x128xi32, #tpu.memory_space<vmem>> -> memref<128xi32, #tpu.memory_space<vmem>>
        %dma_wait3A_108 = arith.constant 0 : i32
        %dma_wait3A_109 = arith.constant 0 : i32
        %dma_wait3A_110 = tpu.memref_slice %arg11[%dma_wait3A_108, %dma_wait3A_109] : memref<5120x16xf32, #tpu.memory_space<vmem_shared>> -> memref<5120x16xf32, #tpu.memory_space<vmem_shared>>
        tpu.wait_indirect_dma semaphore(%arg15 : memref<!tpu.dma_semaphore, #tpu.memory_space<semaphore_mem>>) src(%arg9 : memref<128x16xf32, #tpu.memory_space<vmem>>) dst(%dma_wait3A_110 : memref<5120x16xf32, #tpu.memory_space<vmem_shared>>)
        %add3A_111 = arith.constant 3 : i32
        %add3A_112 = arith.addi %mul3A_55, %add3A_111 : i32
        %dma_start3A_113 = arith.constant 0 : i32
        %dma_start3A_114 = tpu.memref_slice %arg6[%add3A_112, %dma_start3A_113] : memref<40x128xi32, #tpu.memory_space<vmem>> -> memref<1x128xi32, #tpu.memory_space<vmem>>
        %dma_start3A_115 = tpu.memref_squeeze %dma_start3A_114 : memref<1x128xi32, #tpu.memory_space<vmem>> -> memref<128xi32, #tpu.memory_space<vmem>>
        %dma_start3A_116 = arith.constant 0 : i32
        %dma_start3A_117 = arith.constant 0 : i32
        %dma_start3A_118 = tpu.memref_slice %arg2[%dma_start3A_116, %dma_start3A_117] : memref<40960x16xf32, #tpu.memory_space<hbm>> -> memref<40960x16xf32, #tpu.memory_space<hbm>>
        tpu.enqueue_indirect_dma source(%dma_start3A_118 : memref<40960x16xf32, #tpu.memory_space<hbm>>) target(%arg9 : memref<128x16xf32, #tpu.memory_space<vmem>>) offsets(%dma_start3A_115 : memref<128xi32, #tpu.memory_space<vmem>>) semaphore(%arg13 : memref<!tpu.dma_semaphore, #tpu.memory_space<semaphore_mem>>)
      } else {
      }
      %scan3A_88 = arith.constant 0 : i32
      scf.yield %scan3A_88 : i32
    }
    %scan3A_30 = arith.constant 20 : i32
    %dma_wait3A = arith.constant 0 : i32
    %dma_wait3A_31 = arith.constant 0 : i32
    %dma_wait3A_32 = tpu.memref_slice %arg7[%dma_wait3A, %dma_wait3A_31] : memref<40x128xi32, #tpu.memory_space<vmem>> -> memref<1x128xi32, #tpu.memory_space<vmem>>
    %dma_wait3A_33 = tpu.memref_squeeze %dma_wait3A_32 : memref<1x128xi32, #tpu.memory_space<vmem>> -> memref<128xi32, #tpu.memory_space<vmem>>
    %dma_wait3A_34 = arith.constant 0 : i32
    %dma_wait3A_35 = arith.constant 0 : i32
    %dma_wait3A_36 = tpu.memref_slice %arg11[%dma_wait3A_34, %dma_wait3A_35] : memref<5120x16xf32, #tpu.memory_space<vmem_shared>> -> memref<5120x16xf32, #tpu.memory_space<vmem_shared>>
    tpu.wait_indirect_dma semaphore(%arg14 : memref<!tpu.dma_semaphore, #tpu.memory_space<semaphore_mem>>) src(%arg8 : memref<128x16xf32, #tpu.memory_space<vmem>>) dst(%dma_wait3A_36 : memref<5120x16xf32, #tpu.memory_space<vmem_shared>>)
    %dma_wait3A_37 = arith.constant 1 : i32
    %dma_wait3A_38 = arith.constant 0 : i32
    %dma_wait3A_39 = tpu.memref_slice %arg7[%dma_wait3A_37, %dma_wait3A_38] : memref<40x128xi32, #tpu.memory_space<vmem>> -> memref<1x128xi32, #tpu.memory_space<vmem>>
    %dma_wait3A_40 = tpu.memref_squeeze %dma_wait3A_39 : memref<1x128xi32, #tpu.memory_space<vmem>> -> memref<128xi32, #tpu.memory_space<vmem>>
    %dma_wait3A_41 = arith.constant 0 : i32
    %dma_wait3A_42 = arith.constant 0 : i32
    %dma_wait3A_43 = tpu.memref_slice %arg11[%dma_wait3A_41, %dma_wait3A_42] : memref<5120x16xf32, #tpu.memory_space<vmem_shared>> -> memref<5120x16xf32, #tpu.memory_space<vmem_shared>>
    tpu.wait_indirect_dma semaphore(%arg15 : memref<!tpu.dma_semaphore, #tpu.memory_space<semaphore_mem>>) src(%arg9 : memref<128x16xf32, #tpu.memory_space<vmem>>) dst(%dma_wait3A_43 : memref<5120x16xf32, #tpu.memory_space<vmem_shared>>)
    %barrier3A_44 = arith.constant 0 : index
    tpu.barrier barrier_id(%barrier3A_44)
    %eq3A = arith.constant 0 : i32
    %eq3A_45 = arith.cmpi eq, %arg0, %eq3A : i32
    %convert_element_type3A = arith.extui %eq3A_45 : i1 to i32
    %cond3A = arith.constant 0 : i32
    %cond3A_46 = arith.cmpi ne, %convert_element_type3A, %cond3A : i32
    scf.if %cond3A_46 {
      "tpu.region"() ({
        %run_scoped3A = tpu.sem_alloc : memref<!tpu.dma_semaphore, #tpu.memory_space<semaphore_mem>>
        %dma_start3A_52 = arith.constant 0 : i32
        %dma_start3A_53 = tpu.memref_slice %arg5[%mul3A_7, %dma_start3A_52] : memref<5120x128xf32, #tpu.memory_space<hbm>> -> memref<320x16xf32, #tpu.memory_space<hbm>>
        %dma_start3A_54 = arith.constant 0 : i32
        %dma_start3A_55 = tpu.memref_slice %arg11[%mul3A_7, %dma_start3A_54] : memref<5120x16xf32, #tpu.memory_space<vmem_shared>> -> memref<320x16xf32, #tpu.memory_space<vmem_shared>>
        tpu.enqueue_dma source(%dma_start3A_55 : memref<320x16xf32, #tpu.memory_space<vmem_shared>>) target(%dma_start3A_53 : memref<320x16xf32, #tpu.memory_space<hbm>>) target_semaphore(%run_scoped3A : memref<!tpu.dma_semaphore, #tpu.memory_space<semaphore_mem>>)
        %dma_wait3A_56 = arith.constant 0 : i32
        %dma_wait3A_57 = tpu.memref_slice %arg5[%mul3A_7, %dma_wait3A_56] : memref<5120x128xf32, #tpu.memory_space<hbm>> -> memref<320x16xf32, #tpu.memory_space<hbm>>
        %dma_wait3A_58 = arith.constant 0 : i32
        %dma_wait3A_59 = tpu.memref_slice %arg11[%mul3A_7, %dma_wait3A_58] : memref<5120x16xf32, #tpu.memory_space<vmem_shared>> -> memref<320x16xf32, #tpu.memory_space<vmem_shared>>
        tpu.wait_dma2 semaphore(%run_scoped3A : memref<!tpu.dma_semaphore, #tpu.memory_space<semaphore_mem>>) src(%dma_wait3A_59 : memref<320x16xf32, #tpu.memory_space<vmem_shared>>) dst(%dma_wait3A_57 : memref<320x16xf32, #tpu.memory_space<hbm>>)
        tpu.yield
      }) : () -> ()
    } else {
    }
    %eq3A_47 = arith.constant 1 : i32
    %eq3A_48 = arith.cmpi eq, %arg0, %eq3A_47 : i32
    %convert_element_type3A_49 = arith.extui %eq3A_48 : i1 to i32
    %cond3A_50 = arith.constant 0 : i32
    %cond3A_51 = arith.cmpi ne, %convert_element_type3A_49, %cond3A_50 : i32
    scf.if %cond3A_51 {
      "tpu.region"() ({
        %run_scoped3A = tpu.sem_alloc : memref<!tpu.dma_semaphore, #tpu.memory_space<semaphore_mem>>
        %dma_start3A_52 = arith.constant 16 : i32
        %dma_start3A_53 = tpu.memref_slice %arg5[%mul3A_7, %dma_start3A_52] : memref<5120x128xf32, #tpu.memory_space<hbm>> -> memref<320x16xf32, #tpu.memory_space<hbm>>
        %dma_start3A_54 = arith.constant 0 : i32
        %dma_start3A_55 = tpu.memref_slice %arg11[%mul3A_7, %dma_start3A_54] : memref<5120x16xf32, #tpu.memory_space<vmem_shared>> -> memref<320x16xf32, #tpu.memory_space<vmem_shared>>
        tpu.enqueue_dma source(%dma_start3A_55 : memref<320x16xf32, #tpu.memory_space<vmem_shared>>) target(%dma_start3A_53 : memref<320x16xf32, #tpu.memory_space<hbm>>) target_semaphore(%run_scoped3A : memref<!tpu.dma_semaphore, #tpu.memory_space<semaphore_mem>>)
        %dma_wait3A_56 = arith.constant 16 : i32
        %dma_wait3A_57 = tpu.memref_slice %arg5[%mul3A_7, %dma_wait3A_56] : memref<5120x128xf32, #tpu.memory_space<hbm>> -> memref<320x16xf32, #tpu.memory_space<hbm>>
        %dma_wait3A_58 = arith.constant 0 : i32
        %dma_wait3A_59 = tpu.memref_slice %arg11[%mul3A_7, %dma_wait3A_58] : memref<5120x16xf32, #tpu.memory_space<vmem_shared>> -> memref<320x16xf32, #tpu.memory_space<vmem_shared>>
        tpu.wait_dma2 semaphore(%run_scoped3A : memref<!tpu.dma_semaphore, #tpu.memory_space<semaphore_mem>>) src(%dma_wait3A_59 : memref<320x16xf32, #tpu.memory_space<vmem_shared>>) dst(%dma_wait3A_57 : memref<320x16xf32, #tpu.memory_space<hbm>>)
        tpu.yield
      }) : () -> ()
    } else {
    }
    return
  }
}

#map = affine_map<(d0, d1) -> (0, 0, 0, 0, 0)>
#map1 = affine_map<(d0, d1) -> (0, 0, 0, 0)>
#map2 = affine_map<(d0, d1) -> (0, 0, 0)>
module attributes {stable_mosaic.version = 14 : i64} {
  func.func @_sc_degrees_body(%arg0: i32, %arg1: i32, %arg2: memref<2x2x16x80x128xi32, #tpu.memory_space<hbm>>, %arg3: memref<2x16x40x128xi32, #tpu.memory_space<hbm>>, %arg4: memref<2x20480x128xf32, #tpu.memory_space<hbm>>, %arg5: memref<2x5120x128xf32, #tpu.memory_space<hbm>>, %arg6: memref<80x128xi32, #tpu.memory_space<vmem>>, %arg7: memref<128x16xf32, #tpu.memory_space<vmem>>, %arg8: memref<128x16xf32, #tpu.memory_space<vmem>>, %arg9: memref<20480x16xf32, #tpu.memory_space<vmem_shared>>, %arg10: memref<20480x16xf32, #tpu.memory_space<vmem_shared>>, %arg11: memref<5120x16xf32, #tpu.memory_space<vmem_shared>>, %arg12: memref<!tpu.dma_semaphore, #tpu.memory_space<semaphore_mem>>) attributes {dimension_semantics = [#tpu.dimension_semantics<core_parallel>, #tpu.dimension_semantics<subcore_parallel>], iteration_bounds = array<i64: 2, 16>, scalar_prefetch = 0 : i64, scratch_operands = 7 : i64, tpu.core_type = #tpu.core_type<sc_vector_subcore>, window_params = [{transform_indices = #map}, {transform_indices = #map1}, {transform_indices = #map2}, {transform_indices = #map2}]} {
    %broadcast_in_dim3A = arith.constant 0.000000e+00 : f32
    %broadcast_in_dim3A_0 = vector.broadcast %broadcast_in_dim3A : f32 to vector<16xf32>
    %broadcast_in_dim3A_1 = arith.constant 1.000000e+00 : f32
    %broadcast_in_dim3A_2 = vector.broadcast %broadcast_in_dim3A_1 : f32 to vector<16xf32>
    %scan3A = arith.constant 0 : i32
    %scan3A_3 = arith.constant 0 : i32
    %scan3A_4 = arith.constant 128 : i32
    %scan3A_5 = arith.addi %scan3A_3, %scan3A_4 : i32
    %scan3A_6 = arith.constant 1 : i32
    %scan3A_7 = scf.for %scan3A_262 = %scan3A_3 to %scan3A_5 step %scan3A_6 iter_args(%scan3A_263 = %scan3A) -> (i32)  : i32 {
      %swap3A = arith.index_cast %scan3A_262 : i32 to index
      %swap3A_264 = arith.constant 0 : index
      %swap3A_265 = tpu.vector_load %arg7[%swap3A, %swap3A_264] {strides = array<i32>} : memref<128x16xf32, #tpu.memory_space<vmem>>, vector<1x16xf32>,
      %swap3A_266 = vector.shape_cast %swap3A_265 : vector<1x16xf32> to vector<16xf32>
      %swap3A_267 = vector.shape_cast %broadcast_in_dim3A_2 : vector<16xf32> to vector<1x16xf32>
      tpu.vector_store %arg7[%swap3A, %swap3A_264], %swap3A_267 {strides = array<i32>} : memref<128x16xf32, #tpu.memory_space<vmem>>, vector<1x16xf32>,
      %swap3A_268 = arith.index_cast %scan3A_262 : i32 to index
      %swap3A_269 = arith.constant 0 : index
      %swap3A_270 = tpu.vector_load %arg8[%swap3A_268, %swap3A_269] {strides = array<i32>} : memref<128x16xf32, #tpu.memory_space<vmem>>, vector<1x16xf32>,
      %swap3A_271 = vector.shape_cast %swap3A_270 : vector<1x16xf32> to vector<16xf32>
      %swap3A_272 = vector.shape_cast %broadcast_in_dim3A_0 : vector<16xf32> to vector<1x16xf32>
      tpu.vector_store %arg8[%swap3A_268, %swap3A_269], %swap3A_272 {strides = array<i32>} : memref<128x16xf32, #tpu.memory_space<vmem>>, vector<1x16xf32>,
      %scan3A_273 = arith.constant 0 : i32
      scf.yield %scan3A_273 : i32
    }
    %scan3A_8 = arith.constant 128 : i32
    %mul3A = arith.constant 1280 : i32
    %mul3A_9 = arith.muli %arg1, %mul3A : i32
    %mul3A_10 = arith.constant 320 : i32
    %mul3A_11 = arith.muli %arg1, %mul3A_10 : i32
    %add3A = arith.constant 0 : i32
    %add3A_12 = arith.addi %mul3A_9, %add3A : i32
    "tpu.region"() ({
      %run_scoped3A_262 = tpu.sem_alloc : memref<!tpu.dma_semaphore, #tpu.memory_space<semaphore_mem>>
      %dma_start3A = arith.constant 0 : i32
      %dma_start3A_263 = tpu.memref_slice %arg9[%add3A_12, %dma_start3A] : memref<20480x16xf32, #tpu.memory_space<vmem_shared>> -> memref<128x16xf32, #tpu.memory_space<vmem_shared>>
      %dma_start3A_264 = arith.constant 0 : i32
      %dma_start3A_265 = tpu.memref_slice %arg9[%add3A_12, %dma_start3A_264] : memref<20480x16xf32, #tpu.memory_space<vmem_shared>> -> memref<128x16xf32, #tpu.memory_space<vmem_shared>>
      tpu.enqueue_dma source(%arg8 : memref<128x16xf32, #tpu.memory_space<vmem>>) target(%dma_start3A_265 : memref<128x16xf32, #tpu.memory_space<vmem_shared>>) target_semaphore(%run_scoped3A_262 : memref<!tpu.dma_semaphore, #tpu.memory_space<semaphore_mem>>)
      %dma_wait3A_266 = arith.constant 0 : i32
      %dma_wait3A_267 = tpu.memref_slice %arg9[%add3A_12, %dma_wait3A_266] : memref<20480x16xf32, #tpu.memory_space<vmem_shared>> -> memref<128x16xf32, #tpu.memory_space<vmem_shared>>
      %dma_wait3A_268 = arith.constant 0 : i32
      %dma_wait3A_269 = tpu.memref_slice %arg9[%add3A_12, %dma_wait3A_268] : memref<20480x16xf32, #tpu.memory_space<vmem_shared>> -> memref<128x16xf32, #tpu.memory_space<vmem_shared>>
      tpu.wait_dma2 semaphore(%run_scoped3A_262 : memref<!tpu.dma_semaphore, #tpu.memory_space<semaphore_mem>>) src(%arg8 : memref<128x16xf32, #tpu.memory_space<vmem>>) dst(%dma_wait3A_269 : memref<128x16xf32, #tpu.memory_space<vmem_shared>>)
      tpu.yield
    }) : () -> ()
    %add3A_13 = arith.constant 128 : i32
    %add3A_14 = arith.addi %mul3A_9, %add3A_13 : i32
    "tpu.region"() ({
      %run_scoped3A_262 = tpu.sem_alloc : memref<!tpu.dma_semaphore, #tpu.memory_space<semaphore_mem>>
      %dma_start3A = arith.constant 0 : i32
      %dma_start3A_263 = tpu.memref_slice %arg9[%add3A_14, %dma_start3A] : memref<20480x16xf32, #tpu.memory_space<vmem_shared>> -> memref<128x16xf32, #tpu.memory_space<vmem_shared>>
      %dma_start3A_264 = arith.constant 0 : i32
      %dma_start3A_265 = tpu.memref_slice %arg9[%add3A_14, %dma_start3A_264] : memref<20480x16xf32, #tpu.memory_space<vmem_shared>> -> memref<128x16xf32, #tpu.memory_space<vmem_shared>>
      tpu.enqueue_dma source(%arg8 : memref<128x16xf32, #tpu.memory_space<vmem>>) target(%dma_start3A_265 : memref<128x16xf32, #tpu.memory_space<vmem_shared>>) target_semaphore(%run_scoped3A_262 : memref<!tpu.dma_semaphore, #tpu.memory_space<semaphore_mem>>)
      %dma_wait3A_266 = arith.constant 0 : i32
      %dma_wait3A_267 = tpu.memref_slice %arg9[%add3A_14, %dma_wait3A_266] : memref<20480x16xf32, #tpu.memory_space<vmem_shared>> -> memref<128x16xf32, #tpu.memory_space<vmem_shared>>
      %dma_wait3A_268 = arith.constant 0 : i32
      %dma_wait3A_269 = tpu.memref_slice %arg9[%add3A_14, %dma_wait3A_268] : memref<20480x16xf32, #tpu.memory_space<vmem_shared>> -> memref<128x16xf32, #tpu.memory_space<vmem_shared>>
      tpu.wait_dma2 semaphore(%run_scoped3A_262 : memref<!tpu.dma_semaphore, #tpu.memory_space<semaphore_mem>>) src(%arg8 : memref<128x16xf32, #tpu.memory_space<vmem>>) dst(%dma_wait3A_269 : memref<128x16xf32, #tpu.memory_space<vmem_shared>>)
      tpu.yield
    }) : () -> ()
    %add3A_15 = arith.constant 256 : i32
    %add3A_16 = arith.addi %mul3A_9, %add3A_15 : i32
    "tpu.region"() ({
      %run_scoped3A_262 = tpu.sem_alloc : memref<!tpu.dma_semaphore, #tpu.memory_space<semaphore_mem>>
      %dma_start3A = arith.constant 0 : i32
      %dma_start3A_263 = tpu.memref_slice %arg9[%add3A_16, %dma_start3A] : memref<20480x16xf32, #tpu.memory_space<vmem_shared>> -> memref<128x16xf32, #tpu.memory_space<vmem_shared>>
      %dma_start3A_264 = arith.constant 0 : i32
      %dma_start3A_265 = tpu.memref_slice %arg9[%add3A_16, %dma_start3A_264] : memref<20480x16xf32, #tpu.memory_space<vmem_shared>> -> memref<128x16xf32, #tpu.memory_space<vmem_shared>>
      tpu.enqueue_dma source(%arg8 : memref<128x16xf32, #tpu.memory_space<vmem>>) target(%dma_start3A_265 : memref<128x16xf32, #tpu.memory_space<vmem_shared>>) target_semaphore(%run_scoped3A_262 : memref<!tpu.dma_semaphore, #tpu.memory_space<semaphore_mem>>)
      %dma_wait3A_266 = arith.constant 0 : i32
      %dma_wait3A_267 = tpu.memref_slice %arg9[%add3A_16, %dma_wait3A_266] : memref<20480x16xf32, #tpu.memory_space<vmem_shared>> -> memref<128x16xf32, #tpu.memory_space<vmem_shared>>
      %dma_wait3A_268 = arith.constant 0 : i32
      %dma_wait3A_269 = tpu.memref_slice %arg9[%add3A_16, %dma_wait3A_268] : memref<20480x16xf32, #tpu.memory_space<vmem_shared>> -> memref<128x16xf32, #tpu.memory_space<vmem_shared>>
      tpu.wait_dma2 semaphore(%run_scoped3A_262 : memref<!tpu.dma_semaphore, #tpu.memory_space<semaphore_mem>>) src(%arg8 : memref<128x16xf32, #tpu.memory_space<vmem>>) dst(%dma_wait3A_269 : memref<128x16xf32, #tpu.memory_space<vmem_shared>>)
      tpu.yield
    }) : () -> ()
    %add3A_17 = arith.constant 384 : i32
    %add3A_18 = arith.addi %mul3A_9, %add3A_17 : i32
    "tpu.region"() ({
      %run_scoped3A_262 = tpu.sem_alloc : memref<!tpu.dma_semaphore, #tpu.memory_space<semaphore_mem>>
      %dma_start3A = arith.constant 0 : i32
      %dma_start3A_263 = tpu.memref_slice %arg9[%add3A_18, %dma_start3A] : memref<20480x16xf32, #tpu.memory_space<vmem_shared>> -> memref<128x16xf32, #tpu.memory_space<vmem_shared>>
      %dma_start3A_264 = arith.constant 0 : i32
      %dma_start3A_265 = tpu.memref_slice %arg9[%add3A_18, %dma_start3A_264] : memref<20480x16xf32, #tpu.memory_space<vmem_shared>> -> memref<128x16xf32, #tpu.memory_space<vmem_shared>>
      tpu.enqueue_dma source(%arg8 : memref<128x16xf32, #tpu.memory_space<vmem>>) target(%dma_start3A_265 : memref<128x16xf32, #tpu.memory_space<vmem_shared>>) target_semaphore(%run_scoped3A_262 : memref<!tpu.dma_semaphore, #tpu.memory_space<semaphore_mem>>)
      %dma_wait3A_266 = arith.constant 0 : i32
      %dma_wait3A_267 = tpu.memref_slice %arg9[%add3A_18, %dma_wait3A_266] : memref<20480x16xf32, #tpu.memory_space<vmem_shared>> -> memref<128x16xf32, #tpu.memory_space<vmem_shared>>
      %dma_wait3A_268 = arith.constant 0 : i32
      %dma_wait3A_269 = tpu.memref_slice %arg9[%add3A_18, %dma_wait3A_268] : memref<20480x16xf32, #tpu.memory_space<vmem_shared>> -> memref<128x16xf32, #tpu.memory_space<vmem_shared>>
      tpu.wait_dma2 semaphore(%run_scoped3A_262 : memref<!tpu.dma_semaphore, #tpu.memory_space<semaphore_mem>>) src(%arg8 : memref<128x16xf32, #tpu.memory_space<vmem>>) dst(%dma_wait3A_269 : memref<128x16xf32, #tpu.memory_space<vmem_shared>>)
      tpu.yield
    }) : () -> ()
    %add3A_19 = arith.constant 512 : i32
    %add3A_20 = arith.addi %mul3A_9, %add3A_19 : i32
    "tpu.region"() ({
      %run_scoped3A_262 = tpu.sem_alloc : memref<!tpu.dma_semaphore, #tpu.memory_space<semaphore_mem>>
      %dma_start3A = arith.constant 0 : i32
      %dma_start3A_263 = tpu.memref_slice %arg9[%add3A_20, %dma_start3A] : memref<20480x16xf32, #tpu.memory_space<vmem_shared>> -> memref<128x16xf32, #tpu.memory_space<vmem_shared>>
      %dma_start3A_264 = arith.constant 0 : i32
      %dma_start3A_265 = tpu.memref_slice %arg9[%add3A_20, %dma_start3A_264] : memref<20480x16xf32, #tpu.memory_space<vmem_shared>> -> memref<128x16xf32, #tpu.memory_space<vmem_shared>>
      tpu.enqueue_dma source(%arg8 : memref<128x16xf32, #tpu.memory_space<vmem>>) target(%dma_start3A_265 : memref<128x16xf32, #tpu.memory_space<vmem_shared>>) target_semaphore(%run_scoped3A_262 : memref<!tpu.dma_semaphore, #tpu.memory_space<semaphore_mem>>)
      %dma_wait3A_266 = arith.constant 0 : i32
      %dma_wait3A_267 = tpu.memref_slice %arg9[%add3A_20, %dma_wait3A_266] : memref<20480x16xf32, #tpu.memory_space<vmem_shared>> -> memref<128x16xf32, #tpu.memory_space<vmem_shared>>
      %dma_wait3A_268 = arith.constant 0 : i32
      %dma_wait3A_269 = tpu.memref_slice %arg9[%add3A_20, %dma_wait3A_268] : memref<20480x16xf32, #tpu.memory_space<vmem_shared>> -> memref<128x16xf32, #tpu.memory_space<vmem_shared>>
      tpu.wait_dma2 semaphore(%run_scoped3A_262 : memref<!tpu.dma_semaphore, #tpu.memory_space<semaphore_mem>>) src(%arg8 : memref<128x16xf32, #tpu.memory_space<vmem>>) dst(%dma_wait3A_269 : memref<128x16xf32, #tpu.memory_space<vmem_shared>>)
      tpu.yield
    }) : () -> ()
    %add3A_21 = arith.constant 640 : i32
    %add3A_22 = arith.addi %mul3A_9, %add3A_21 : i32
    "tpu.region"() ({
      %run_scoped3A_262 = tpu.sem_alloc : memref<!tpu.dma_semaphore, #tpu.memory_space<semaphore_mem>>
      %dma_start3A = arith.constant 0 : i32
      %dma_start3A_263 = tpu.memref_slice %arg9[%add3A_22, %dma_start3A] : memref<20480x16xf32, #tpu.memory_space<vmem_shared>> -> memref<128x16xf32, #tpu.memory_space<vmem_shared>>
      %dma_start3A_264 = arith.constant 0 : i32
      %dma_start3A_265 = tpu.memref_slice %arg9[%add3A_22, %dma_start3A_264] : memref<20480x16xf32, #tpu.memory_space<vmem_shared>> -> memref<128x16xf32, #tpu.memory_space<vmem_shared>>
      tpu.enqueue_dma source(%arg8 : memref<128x16xf32, #tpu.memory_space<vmem>>) target(%dma_start3A_265 : memref<128x16xf32, #tpu.memory_space<vmem_shared>>) target_semaphore(%run_scoped3A_262 : memref<!tpu.dma_semaphore, #tpu.memory_space<semaphore_mem>>)
      %dma_wait3A_266 = arith.constant 0 : i32
      %dma_wait3A_267 = tpu.memref_slice %arg9[%add3A_22, %dma_wait3A_266] : memref<20480x16xf32, #tpu.memory_space<vmem_shared>> -> memref<128x16xf32, #tpu.memory_space<vmem_shared>>
      %dma_wait3A_268 = arith.constant 0 : i32
      %dma_wait3A_269 = tpu.memref_slice %arg9[%add3A_22, %dma_wait3A_268] : memref<20480x16xf32, #tpu.memory_space<vmem_shared>> -> memref<128x16xf32, #tpu.memory_space<vmem_shared>>
      tpu.wait_dma2 semaphore(%run_scoped3A_262 : memref<!tpu.dma_semaphore, #tpu.memory_space<semaphore_mem>>) src(%arg8 : memref<128x16xf32, #tpu.memory_space<vmem>>) dst(%dma_wait3A_269 : memref<128x16xf32, #tpu.memory_space<vmem_shared>>)
      tpu.yield
    }) : () -> ()
    %add3A_23 = arith.constant 768 : i32
    %add3A_24 = arith.addi %mul3A_9, %add3A_23 : i32
    "tpu.region"() ({
      %run_scoped3A_262 = tpu.sem_alloc : memref<!tpu.dma_semaphore, #tpu.memory_space<semaphore_mem>>
      %dma_start3A = arith.constant 0 : i32
      %dma_start3A_263 = tpu.memref_slice %arg9[%add3A_24, %dma_start3A] : memref<20480x16xf32, #tpu.memory_space<vmem_shared>> -> memref<128x16xf32, #tpu.memory_space<vmem_shared>>
      %dma_start3A_264 = arith.constant 0 : i32
      %dma_start3A_265 = tpu.memref_slice %arg9[%add3A_24, %dma_start3A_264] : memref<20480x16xf32, #tpu.memory_space<vmem_shared>> -> memref<128x16xf32, #tpu.memory_space<vmem_shared>>
      tpu.enqueue_dma source(%arg8 : memref<128x16xf32, #tpu.memory_space<vmem>>) target(%dma_start3A_265 : memref<128x16xf32, #tpu.memory_space<vmem_shared>>) target_semaphore(%run_scoped3A_262 : memref<!tpu.dma_semaphore, #tpu.memory_space<semaphore_mem>>)
      %dma_wait3A_266 = arith.constant 0 : i32
      %dma_wait3A_267 = tpu.memref_slice %arg9[%add3A_24, %dma_wait3A_266] : memref<20480x16xf32, #tpu.memory_space<vmem_shared>> -> memref<128x16xf32, #tpu.memory_space<vmem_shared>>
      %dma_wait3A_268 = arith.constant 0 : i32
      %dma_wait3A_269 = tpu.memref_slice %arg9[%add3A_24, %dma_wait3A_268] : memref<20480x16xf32, #tpu.memory_space<vmem_shared>> -> memref<128x16xf32, #tpu.memory_space<vmem_shared>>
      tpu.wait_dma2 semaphore(%run_scoped3A_262 : memref<!tpu.dma_semaphore, #tpu.memory_space<semaphore_mem>>) src(%arg8 : memref<128x16xf32, #tpu.memory_space<vmem>>) dst(%dma_wait3A_269 : memref<128x16xf32, #tpu.memory_space<vmem_shared>>)
      tpu.yield
    }) : () -> ()
    %add3A_25 = arith.constant 896 : i32
    %add3A_26 = arith.addi %mul3A_9, %add3A_25 : i32
    "tpu.region"() ({
      %run_scoped3A_262 = tpu.sem_alloc : memref<!tpu.dma_semaphore, #tpu.memory_space<semaphore_mem>>
      %dma_start3A = arith.constant 0 : i32
      %dma_start3A_263 = tpu.memref_slice %arg9[%add3A_26, %dma_start3A] : memref<20480x16xf32, #tpu.memory_space<vmem_shared>> -> memref<128x16xf32, #tpu.memory_space<vmem_shared>>
      %dma_start3A_264 = arith.constant 0 : i32
      %dma_start3A_265 = tpu.memref_slice %arg9[%add3A_26, %dma_start3A_264] : memref<20480x16xf32, #tpu.memory_space<vmem_shared>> -> memref<128x16xf32, #tpu.memory_space<vmem_shared>>
      tpu.enqueue_dma source(%arg8 : memref<128x16xf32, #tpu.memory_space<vmem>>) target(%dma_start3A_265 : memref<128x16xf32, #tpu.memory_space<vmem_shared>>) target_semaphore(%run_scoped3A_262 : memref<!tpu.dma_semaphore, #tpu.memory_space<semaphore_mem>>)
      %dma_wait3A_266 = arith.constant 0 : i32
      %dma_wait3A_267 = tpu.memref_slice %arg9[%add3A_26, %dma_wait3A_266] : memref<20480x16xf32, #tpu.memory_space<vmem_shared>> -> memref<128x16xf32, #tpu.memory_space<vmem_shared>>
      %dma_wait3A_268 = arith.constant 0 : i32
      %dma_wait3A_269 = tpu.memref_slice %arg9[%add3A_26, %dma_wait3A_268] : memref<20480x16xf32, #tpu.memory_space<vmem_shared>> -> memref<128x16xf32, #tpu.memory_space<vmem_shared>>
      tpu.wait_dma2 semaphore(%run_scoped3A_262 : memref<!tpu.dma_semaphore, #tpu.memory_space<semaphore_mem>>) src(%arg8 : memref<128x16xf32, #tpu.memory_space<vmem>>) dst(%dma_wait3A_269 : memref<128x16xf32, #tpu.memory_space<vmem_shared>>)
      tpu.yield
    }) : () -> ()
    %add3A_27 = arith.constant 1024 : i32
    %add3A_28 = arith.addi %mul3A_9, %add3A_27 : i32
    "tpu.region"() ({
      %run_scoped3A_262 = tpu.sem_alloc : memref<!tpu.dma_semaphore, #tpu.memory_space<semaphore_mem>>
      %dma_start3A = arith.constant 0 : i32
      %dma_start3A_263 = tpu.memref_slice %arg9[%add3A_28, %dma_start3A] : memref<20480x16xf32, #tpu.memory_space<vmem_shared>> -> memref<128x16xf32, #tpu.memory_space<vmem_shared>>
      %dma_start3A_264 = arith.constant 0 : i32
      %dma_start3A_265 = tpu.memref_slice %arg9[%add3A_28, %dma_start3A_264] : memref<20480x16xf32, #tpu.memory_space<vmem_shared>> -> memref<128x16xf32, #tpu.memory_space<vmem_shared>>
      tpu.enqueue_dma source(%arg8 : memref<128x16xf32, #tpu.memory_space<vmem>>) target(%dma_start3A_265 : memref<128x16xf32, #tpu.memory_space<vmem_shared>>) target_semaphore(%run_scoped3A_262 : memref<!tpu.dma_semaphore, #tpu.memory_space<semaphore_mem>>)
      %dma_wait3A_266 = arith.constant 0 : i32
      %dma_wait3A_267 = tpu.memref_slice %arg9[%add3A_28, %dma_wait3A_266] : memref<20480x16xf32, #tpu.memory_space<vmem_shared>> -> memref<128x16xf32, #tpu.memory_space<vmem_shared>>
      %dma_wait3A_268 = arith.constant 0 : i32
      %dma_wait3A_269 = tpu.memref_slice %arg9[%add3A_28, %dma_wait3A_268] : memref<20480x16xf32, #tpu.memory_space<vmem_shared>> -> memref<128x16xf32, #tpu.memory_space<vmem_shared>>
      tpu.wait_dma2 semaphore(%run_scoped3A_262 : memref<!tpu.dma_semaphore, #tpu.memory_space<semaphore_mem>>) src(%arg8 : memref<128x16xf32, #tpu.memory_space<vmem>>) dst(%dma_wait3A_269 : memref<128x16xf32, #tpu.memory_space<vmem_shared>>)
      tpu.yield
    }) : () -> ()
    %add3A_29 = arith.constant 1152 : i32
    %add3A_30 = arith.addi %mul3A_9, %add3A_29 : i32
    "tpu.region"() ({
      %run_scoped3A_262 = tpu.sem_alloc : memref<!tpu.dma_semaphore, #tpu.memory_space<semaphore_mem>>
      %dma_start3A = arith.constant 0 : i32
      %dma_start3A_263 = tpu.memref_slice %arg9[%add3A_30, %dma_start3A] : memref<20480x16xf32, #tpu.memory_space<vmem_shared>> -> memref<128x16xf32, #tpu.memory_space<vmem_shared>>
      %dma_start3A_264 = arith.constant 0 : i32
      %dma_start3A_265 = tpu.memref_slice %arg9[%add3A_30, %dma_start3A_264] : memref<20480x16xf32, #tpu.memory_space<vmem_shared>> -> memref<128x16xf32, #tpu.memory_space<vmem_shared>>
      tpu.enqueue_dma source(%arg8 : memref<128x16xf32, #tpu.memory_space<vmem>>) target(%dma_start3A_265 : memref<128x16xf32, #tpu.memory_space<vmem_shared>>) target_semaphore(%run_scoped3A_262 : memref<!tpu.dma_semaphore, #tpu.memory_space<semaphore_mem>>)
      %dma_wait3A_266 = arith.constant 0 : i32
      %dma_wait3A_267 = tpu.memref_slice %arg9[%add3A_30, %dma_wait3A_266] : memref<20480x16xf32, #tpu.memory_space<vmem_shared>> -> memref<128x16xf32, #tpu.memory_space<vmem_shared>>
      %dma_wait3A_268 = arith.constant 0 : i32
      %dma_wait3A_269 = tpu.memref_slice %arg9[%add3A_30, %dma_wait3A_268] : memref<20480x16xf32, #tpu.memory_space<vmem_shared>> -> memref<128x16xf32, #tpu.memory_space<vmem_shared>>
      tpu.wait_dma2 semaphore(%run_scoped3A_262 : memref<!tpu.dma_semaphore, #tpu.memory_space<semaphore_mem>>) src(%arg8 : memref<128x16xf32, #tpu.memory_space<vmem>>) dst(%dma_wait3A_269 : memref<128x16xf32, #tpu.memory_space<vmem_shared>>)
      tpu.yield
    }) : () -> ()
    %add3A_31 = arith.constant 0 : i32
    %add3A_32 = arith.addi %mul3A_9, %add3A_31 : i32
    "tpu.region"() ({
      %run_scoped3A_262 = tpu.sem_alloc : memref<!tpu.dma_semaphore, #tpu.memory_space<semaphore_mem>>
      %dma_start3A = arith.constant 0 : i32
      %dma_start3A_263 = tpu.memref_slice %arg10[%add3A_32, %dma_start3A] : memref<20480x16xf32, #tpu.memory_space<vmem_shared>> -> memref<128x16xf32, #tpu.memory_space<vmem_shared>>
      %dma_start3A_264 = arith.constant 0 : i32
      %dma_start3A_265 = tpu.memref_slice %arg10[%add3A_32, %dma_start3A_264] : memref<20480x16xf32, #tpu.memory_space<vmem_shared>> -> memref<128x16xf32, #tpu.memory_space<vmem_shared>>
      tpu.enqueue_dma source(%arg8 : memref<128x16xf32, #tpu.memory_space<vmem>>) target(%dma_start3A_265 : memref<128x16xf32, #tpu.memory_space<vmem_shared>>) target_semaphore(%run_scoped3A_262 : memref<!tpu.dma_semaphore, #tpu.memory_space<semaphore_mem>>)
      %dma_wait3A_266 = arith.constant 0 : i32
      %dma_wait3A_267 = tpu.memref_slice %arg10[%add3A_32, %dma_wait3A_266] : memref<20480x16xf32, #tpu.memory_space<vmem_shared>> -> memref<128x16xf32, #tpu.memory_space<vmem_shared>>
      %dma_wait3A_268 = arith.constant 0 : i32
      %dma_wait3A_269 = tpu.memref_slice %arg10[%add3A_32, %dma_wait3A_268] : memref<20480x16xf32, #tpu.memory_space<vmem_shared>> -> memref<128x16xf32, #tpu.memory_space<vmem_shared>>
      tpu.wait_dma2 semaphore(%run_scoped3A_262 : memref<!tpu.dma_semaphore, #tpu.memory_space<semaphore_mem>>) src(%arg8 : memref<128x16xf32, #tpu.memory_space<vmem>>) dst(%dma_wait3A_269 : memref<128x16xf32, #tpu.memory_space<vmem_shared>>)
      tpu.yield
    }) : () -> ()
    %add3A_33 = arith.constant 128 : i32
    %add3A_34 = arith.addi %mul3A_9, %add3A_33 : i32
    "tpu.region"() ({
      %run_scoped3A_262 = tpu.sem_alloc : memref<!tpu.dma_semaphore, #tpu.memory_space<semaphore_mem>>
      %dma_start3A = arith.constant 0 : i32
      %dma_start3A_263 = tpu.memref_slice %arg10[%add3A_34, %dma_start3A] : memref<20480x16xf32, #tpu.memory_space<vmem_shared>> -> memref<128x16xf32, #tpu.memory_space<vmem_shared>>
      %dma_start3A_264 = arith.constant 0 : i32
      %dma_start3A_265 = tpu.memref_slice %arg10[%add3A_34, %dma_start3A_264] : memref<20480x16xf32, #tpu.memory_space<vmem_shared>> -> memref<128x16xf32, #tpu.memory_space<vmem_shared>>
      tpu.enqueue_dma source(%arg8 : memref<128x16xf32, #tpu.memory_space<vmem>>) target(%dma_start3A_265 : memref<128x16xf32, #tpu.memory_space<vmem_shared>>) target_semaphore(%run_scoped3A_262 : memref<!tpu.dma_semaphore, #tpu.memory_space<semaphore_mem>>)
      %dma_wait3A_266 = arith.constant 0 : i32
      %dma_wait3A_267 = tpu.memref_slice %arg10[%add3A_34, %dma_wait3A_266] : memref<20480x16xf32, #tpu.memory_space<vmem_shared>> -> memref<128x16xf32, #tpu.memory_space<vmem_shared>>
      %dma_wait3A_268 = arith.constant 0 : i32
      %dma_wait3A_269 = tpu.memref_slice %arg10[%add3A_34, %dma_wait3A_268] : memref<20480x16xf32, #tpu.memory_space<vmem_shared>> -> memref<128x16xf32, #tpu.memory_space<vmem_shared>>
      tpu.wait_dma2 semaphore(%run_scoped3A_262 : memref<!tpu.dma_semaphore, #tpu.memory_space<semaphore_mem>>) src(%arg8 : memref<128x16xf32, #tpu.memory_space<vmem>>) dst(%dma_wait3A_269 : memref<128x16xf32, #tpu.memory_space<vmem_shared>>)
      tpu.yield
    }) : () -> ()
    %add3A_35 = arith.constant 256 : i32
    %add3A_36 = arith.addi %mul3A_9, %add3A_35 : i32
    "tpu.region"() ({
      %run_scoped3A_262 = tpu.sem_alloc : memref<!tpu.dma_semaphore, #tpu.memory_space<semaphore_mem>>
      %dma_start3A = arith.constant 0 : i32
      %dma_start3A_263 = tpu.memref_slice %arg10[%add3A_36, %dma_start3A] : memref<20480x16xf32, #tpu.memory_space<vmem_shared>> -> memref<128x16xf32, #tpu.memory_space<vmem_shared>>
      %dma_start3A_264 = arith.constant 0 : i32
      %dma_start3A_265 = tpu.memref_slice %arg10[%add3A_36, %dma_start3A_264] : memref<20480x16xf32, #tpu.memory_space<vmem_shared>> -> memref<128x16xf32, #tpu.memory_space<vmem_shared>>
      tpu.enqueue_dma source(%arg8 : memref<128x16xf32, #tpu.memory_space<vmem>>) target(%dma_start3A_265 : memref<128x16xf32, #tpu.memory_space<vmem_shared>>) target_semaphore(%run_scoped3A_262 : memref<!tpu.dma_semaphore, #tpu.memory_space<semaphore_mem>>)
      %dma_wait3A_266 = arith.constant 0 : i32
      %dma_wait3A_267 = tpu.memref_slice %arg10[%add3A_36, %dma_wait3A_266] : memref<20480x16xf32, #tpu.memory_space<vmem_shared>> -> memref<128x16xf32, #tpu.memory_space<vmem_shared>>
      %dma_wait3A_268 = arith.constant 0 : i32
      %dma_wait3A_269 = tpu.memref_slice %arg10[%add3A_36, %dma_wait3A_268] : memref<20480x16xf32, #tpu.memory_space<vmem_shared>> -> memref<128x16xf32, #tpu.memory_space<vmem_shared>>
      tpu.wait_dma2 semaphore(%run_scoped3A_262 : memref<!tpu.dma_semaphore, #tpu.memory_space<semaphore_mem>>) src(%arg8 : memref<128x16xf32, #tpu.memory_space<vmem>>) dst(%dma_wait3A_269 : memref<128x16xf32, #tpu.memory_space<vmem_shared>>)
      tpu.yield
    }) : () -> ()
    %add3A_37 = arith.constant 384 : i32
    %add3A_38 = arith.addi %mul3A_9, %add3A_37 : i32
    "tpu.region"() ({
      %run_scoped3A_262 = tpu.sem_alloc : memref<!tpu.dma_semaphore, #tpu.memory_space<semaphore_mem>>
      %dma_start3A = arith.constant 0 : i32
      %dma_start3A_263 = tpu.memref_slice %arg10[%add3A_38, %dma_start3A] : memref<20480x16xf32, #tpu.memory_space<vmem_shared>> -> memref<128x16xf32, #tpu.memory_space<vmem_shared>>
      %dma_start3A_264 = arith.constant 0 : i32
      %dma_start3A_265 = tpu.memref_slice %arg10[%add3A_38, %dma_start3A_264] : memref<20480x16xf32, #tpu.memory_space<vmem_shared>> -> memref<128x16xf32, #tpu.memory_space<vmem_shared>>
      tpu.enqueue_dma source(%arg8 : memref<128x16xf32, #tpu.memory_space<vmem>>) target(%dma_start3A_265 : memref<128x16xf32, #tpu.memory_space<vmem_shared>>) target_semaphore(%run_scoped3A_262 : memref<!tpu.dma_semaphore, #tpu.memory_space<semaphore_mem>>)
      %dma_wait3A_266 = arith.constant 0 : i32
      %dma_wait3A_267 = tpu.memref_slice %arg10[%add3A_38, %dma_wait3A_266] : memref<20480x16xf32, #tpu.memory_space<vmem_shared>> -> memref<128x16xf32, #tpu.memory_space<vmem_shared>>
      %dma_wait3A_268 = arith.constant 0 : i32
      %dma_wait3A_269 = tpu.memref_slice %arg10[%add3A_38, %dma_wait3A_268] : memref<20480x16xf32, #tpu.memory_space<vmem_shared>> -> memref<128x16xf32, #tpu.memory_space<vmem_shared>>
      tpu.wait_dma2 semaphore(%run_scoped3A_262 : memref<!tpu.dma_semaphore, #tpu.memory_space<semaphore_mem>>) src(%arg8 : memref<128x16xf32, #tpu.memory_space<vmem>>) dst(%dma_wait3A_269 : memref<128x16xf32, #tpu.memory_space<vmem_shared>>)
      tpu.yield
    }) : () -> ()
    %add3A_39 = arith.constant 512 : i32
    %add3A_40 = arith.addi %mul3A_9, %add3A_39 : i32
    "tpu.region"() ({
      %run_scoped3A_262 = tpu.sem_alloc : memref<!tpu.dma_semaphore, #tpu.memory_space<semaphore_mem>>
      %dma_start3A = arith.constant 0 : i32
      %dma_start3A_263 = tpu.memref_slice %arg10[%add3A_40, %dma_start3A] : memref<20480x16xf32, #tpu.memory_space<vmem_shared>> -> memref<128x16xf32, #tpu.memory_space<vmem_shared>>
      %dma_start3A_264 = arith.constant 0 : i32
      %dma_start3A_265 = tpu.memref_slice %arg10[%add3A_40, %dma_start3A_264] : memref<20480x16xf32, #tpu.memory_space<vmem_shared>> -> memref<128x16xf32, #tpu.memory_space<vmem_shared>>
      tpu.enqueue_dma source(%arg8 : memref<128x16xf32, #tpu.memory_space<vmem>>) target(%dma_start3A_265 : memref<128x16xf32, #tpu.memory_space<vmem_shared>>) target_semaphore(%run_scoped3A_262 : memref<!tpu.dma_semaphore, #tpu.memory_space<semaphore_mem>>)
      %dma_wait3A_266 = arith.constant 0 : i32
      %dma_wait3A_267 = tpu.memref_slice %arg10[%add3A_40, %dma_wait3A_266] : memref<20480x16xf32, #tpu.memory_space<vmem_shared>> -> memref<128x16xf32, #tpu.memory_space<vmem_shared>>
      %dma_wait3A_268 = arith.constant 0 : i32
      %dma_wait3A_269 = tpu.memref_slice %arg10[%add3A_40, %dma_wait3A_268] : memref<20480x16xf32, #tpu.memory_space<vmem_shared>> -> memref<128x16xf32, #tpu.memory_space<vmem_shared>>
      tpu.wait_dma2 semaphore(%run_scoped3A_262 : memref<!tpu.dma_semaphore, #tpu.memory_space<semaphore_mem>>) src(%arg8 : memref<128x16xf32, #tpu.memory_space<vmem>>) dst(%dma_wait3A_269 : memref<128x16xf32, #tpu.memory_space<vmem_shared>>)
      tpu.yield
    }) : () -> ()
    %add3A_41 = arith.constant 640 : i32
    %add3A_42 = arith.addi %mul3A_9, %add3A_41 : i32
    "tpu.region"() ({
      %run_scoped3A_262 = tpu.sem_alloc : memref<!tpu.dma_semaphore, #tpu.memory_space<semaphore_mem>>
      %dma_start3A = arith.constant 0 : i32
      %dma_start3A_263 = tpu.memref_slice %arg10[%add3A_42, %dma_start3A] : memref<20480x16xf32, #tpu.memory_space<vmem_shared>> -> memref<128x16xf32, #tpu.memory_space<vmem_shared>>
      %dma_start3A_264 = arith.constant 0 : i32
      %dma_start3A_265 = tpu.memref_slice %arg10[%add3A_42, %dma_start3A_264] : memref<20480x16xf32, #tpu.memory_space<vmem_shared>> -> memref<128x16xf32, #tpu.memory_space<vmem_shared>>
      tpu.enqueue_dma source(%arg8 : memref<128x16xf32, #tpu.memory_space<vmem>>) target(%dma_start3A_265 : memref<128x16xf32, #tpu.memory_space<vmem_shared>>) target_semaphore(%run_scoped3A_262 : memref<!tpu.dma_semaphore, #tpu.memory_space<semaphore_mem>>)
      %dma_wait3A_266 = arith.constant 0 : i32
      %dma_wait3A_267 = tpu.memref_slice %arg10[%add3A_42, %dma_wait3A_266] : memref<20480x16xf32, #tpu.memory_space<vmem_shared>> -> memref<128x16xf32, #tpu.memory_space<vmem_shared>>
      %dma_wait3A_268 = arith.constant 0 : i32
      %dma_wait3A_269 = tpu.memref_slice %arg10[%add3A_42, %dma_wait3A_268] : memref<20480x16xf32, #tpu.memory_space<vmem_shared>> -> memref<128x16xf32, #tpu.memory_space<vmem_shared>>
      tpu.wait_dma2 semaphore(%run_scoped3A_262 : memref<!tpu.dma_semaphore, #tpu.memory_space<semaphore_mem>>) src(%arg8 : memref<128x16xf32, #tpu.memory_space<vmem>>) dst(%dma_wait3A_269 : memref<128x16xf32, #tpu.memory_space<vmem_shared>>)
      tpu.yield
    }) : () -> ()
    %add3A_43 = arith.constant 768 : i32
    %add3A_44 = arith.addi %mul3A_9, %add3A_43 : i32
    "tpu.region"() ({
      %run_scoped3A_262 = tpu.sem_alloc : memref<!tpu.dma_semaphore, #tpu.memory_space<semaphore_mem>>
      %dma_start3A = arith.constant 0 : i32
      %dma_start3A_263 = tpu.memref_slice %arg10[%add3A_44, %dma_start3A] : memref<20480x16xf32, #tpu.memory_space<vmem_shared>> -> memref<128x16xf32, #tpu.memory_space<vmem_shared>>
      %dma_start3A_264 = arith.constant 0 : i32
      %dma_start3A_265 = tpu.memref_slice %arg10[%add3A_44, %dma_start3A_264] : memref<20480x16xf32, #tpu.memory_space<vmem_shared>> -> memref<128x16xf32, #tpu.memory_space<vmem_shared>>
      tpu.enqueue_dma source(%arg8 : memref<128x16xf32, #tpu.memory_space<vmem>>) target(%dma_start3A_265 : memref<128x16xf32, #tpu.memory_space<vmem_shared>>) target_semaphore(%run_scoped3A_262 : memref<!tpu.dma_semaphore, #tpu.memory_space<semaphore_mem>>)
      %dma_wait3A_266 = arith.constant 0 : i32
      %dma_wait3A_267 = tpu.memref_slice %arg10[%add3A_44, %dma_wait3A_266] : memref<20480x16xf32, #tpu.memory_space<vmem_shared>> -> memref<128x16xf32, #tpu.memory_space<vmem_shared>>
      %dma_wait3A_268 = arith.constant 0 : i32
      %dma_wait3A_269 = tpu.memref_slice %arg10[%add3A_44, %dma_wait3A_268] : memref<20480x16xf32, #tpu.memory_space<vmem_shared>> -> memref<128x16xf32, #tpu.memory_space<vmem_shared>>
      tpu.wait_dma2 semaphore(%run_scoped3A_262 : memref<!tpu.dma_semaphore, #tpu.memory_space<semaphore_mem>>) src(%arg8 : memref<128x16xf32, #tpu.memory_space<vmem>>) dst(%dma_wait3A_269 : memref<128x16xf32, #tpu.memory_space<vmem_shared>>)
      tpu.yield
    }) : () -> ()
    %add3A_45 = arith.constant 896 : i32
    %add3A_46 = arith.addi %mul3A_9, %add3A_45 : i32
    "tpu.region"() ({
      %run_scoped3A_262 = tpu.sem_alloc : memref<!tpu.dma_semaphore, #tpu.memory_space<semaphore_mem>>
      %dma_start3A = arith.constant 0 : i32
      %dma_start3A_263 = tpu.memref_slice %arg10[%add3A_46, %dma_start3A] : memref<20480x16xf32, #tpu.memory_space<vmem_shared>> -> memref<128x16xf32, #tpu.memory_space<vmem_shared>>
      %dma_start3A_264 = arith.constant 0 : i32
      %dma_start3A_265 = tpu.memref_slice %arg10[%add3A_46, %dma_start3A_264] : memref<20480x16xf32, #tpu.memory_space<vmem_shared>> -> memref<128x16xf32, #tpu.memory_space<vmem_shared>>
      tpu.enqueue_dma source(%arg8 : memref<128x16xf32, #tpu.memory_space<vmem>>) target(%dma_start3A_265 : memref<128x16xf32, #tpu.memory_space<vmem_shared>>) target_semaphore(%run_scoped3A_262 : memref<!tpu.dma_semaphore, #tpu.memory_space<semaphore_mem>>)
      %dma_wait3A_266 = arith.constant 0 : i32
      %dma_wait3A_267 = tpu.memref_slice %arg10[%add3A_46, %dma_wait3A_266] : memref<20480x16xf32, #tpu.memory_space<vmem_shared>> -> memref<128x16xf32, #tpu.memory_space<vmem_shared>>
      %dma_wait3A_268 = arith.constant 0 : i32
      %dma_wait3A_269 = tpu.memref_slice %arg10[%add3A_46, %dma_wait3A_268] : memref<20480x16xf32, #tpu.memory_space<vmem_shared>> -> memref<128x16xf32, #tpu.memory_space<vmem_shared>>
      tpu.wait_dma2 semaphore(%run_scoped3A_262 : memref<!tpu.dma_semaphore, #tpu.memory_space<semaphore_mem>>) src(%arg8 : memref<128x16xf32, #tpu.memory_space<vmem>>) dst(%dma_wait3A_269 : memref<128x16xf32, #tpu.memory_space<vmem_shared>>)
      tpu.yield
    }) : () -> ()
    %add3A_47 = arith.constant 1024 : i32
    %add3A_48 = arith.addi %mul3A_9, %add3A_47 : i32
    "tpu.region"() ({
      %run_scoped3A_262 = tpu.sem_alloc : memref<!tpu.dma_semaphore, #tpu.memory_space<semaphore_mem>>
      %dma_start3A = arith.constant 0 : i32
      %dma_start3A_263 = tpu.memref_slice %arg10[%add3A_48, %dma_start3A] : memref<20480x16xf32, #tpu.memory_space<vmem_shared>> -> memref<128x16xf32, #tpu.memory_space<vmem_shared>>
      %dma_start3A_264 = arith.constant 0 : i32
      %dma_start3A_265 = tpu.memref_slice %arg10[%add3A_48, %dma_start3A_264] : memref<20480x16xf32, #tpu.memory_space<vmem_shared>> -> memref<128x16xf32, #tpu.memory_space<vmem_shared>>
      tpu.enqueue_dma source(%arg8 : memref<128x16xf32, #tpu.memory_space<vmem>>) target(%dma_start3A_265 : memref<128x16xf32, #tpu.memory_space<vmem_shared>>) target_semaphore(%run_scoped3A_262 : memref<!tpu.dma_semaphore, #tpu.memory_space<semaphore_mem>>)
      %dma_wait3A_266 = arith.constant 0 : i32
      %dma_wait3A_267 = tpu.memref_slice %arg10[%add3A_48, %dma_wait3A_266] : memref<20480x16xf32, #tpu.memory_space<vmem_shared>> -> memref<128x16xf32, #tpu.memory_space<vmem_shared>>
      %dma_wait3A_268 = arith.constant 0 : i32
      %dma_wait3A_269 = tpu.memref_slice %arg10[%add3A_48, %dma_wait3A_268] : memref<20480x16xf32, #tpu.memory_space<vmem_shared>> -> memref<128x16xf32, #tpu.memory_space<vmem_shared>>
      tpu.wait_dma2 semaphore(%run_scoped3A_262 : memref<!tpu.dma_semaphore, #tpu.memory_space<semaphore_mem>>) src(%arg8 : memref<128x16xf32, #tpu.memory_space<vmem>>) dst(%dma_wait3A_269 : memref<128x16xf32, #tpu.memory_space<vmem_shared>>)
      tpu.yield
    }) : () -> ()
    %add3A_49 = arith.constant 1152 : i32
    %add3A_50 = arith.addi %mul3A_9, %add3A_49 : i32
    "tpu.region"() ({
      %run_scoped3A_262 = tpu.sem_alloc : memref<!tpu.dma_semaphore, #tpu.memory_space<semaphore_mem>>
      %dma_start3A = arith.constant 0 : i32
      %dma_start3A_263 = tpu.memref_slice %arg10[%add3A_50, %dma_start3A] : memref<20480x16xf32, #tpu.memory_space<vmem_shared>> -> memref<128x16xf32, #tpu.memory_space<vmem_shared>>
      %dma_start3A_264 = arith.constant 0 : i32
      %dma_start3A_265 = tpu.memref_slice %arg10[%add3A_50, %dma_start3A_264] : memref<20480x16xf32, #tpu.memory_space<vmem_shared>> -> memref<128x16xf32, #tpu.memory_space<vmem_shared>>
      tpu.enqueue_dma source(%arg8 : memref<128x16xf32, #tpu.memory_space<vmem>>) target(%dma_start3A_265 : memref<128x16xf32, #tpu.memory_space<vmem_shared>>) target_semaphore(%run_scoped3A_262 : memref<!tpu.dma_semaphore, #tpu.memory_space<semaphore_mem>>)
      %dma_wait3A_266 = arith.constant 0 : i32
      %dma_wait3A_267 = tpu.memref_slice %arg10[%add3A_50, %dma_wait3A_266] : memref<20480x16xf32, #tpu.memory_space<vmem_shared>> -> memref<128x16xf32, #tpu.memory_space<vmem_shared>>
      %dma_wait3A_268 = arith.constant 0 : i32
      %dma_wait3A_269 = tpu.memref_slice %arg10[%add3A_50, %dma_wait3A_268] : memref<20480x16xf32, #tpu.memory_space<vmem_shared>> -> memref<128x16xf32, #tpu.memory_space<vmem_shared>>
      tpu.wait_dma2 semaphore(%run_scoped3A_262 : memref<!tpu.dma_semaphore, #tpu.memory_space<semaphore_mem>>) src(%arg8 : memref<128x16xf32, #tpu.memory_space<vmem>>) dst(%dma_wait3A_269 : memref<128x16xf32, #tpu.memory_space<vmem_shared>>)
      tpu.yield
    }) : () -> ()
    "tpu.region"() ({
      %run_scoped3A_262 = tpu.sem_alloc : memref<!tpu.dma_semaphore, #tpu.memory_space<semaphore_mem>>
      %dma_start3A = arith.constant 0 : i32
      %dma_start3A_263 = tpu.memref_slice %arg11[%mul3A_11, %dma_start3A] : memref<5120x16xf32, #tpu.memory_space<vmem_shared>> -> memref<128x16xf32, #tpu.memory_space<vmem_shared>>
      %dma_start3A_264 = arith.constant 0 : i32
      %dma_start3A_265 = tpu.memref_slice %arg11[%mul3A_11, %dma_start3A_264] : memref<5120x16xf32, #tpu.memory_space<vmem_shared>> -> memref<128x16xf32, #tpu.memory_space<vmem_shared>>
      tpu.enqueue_dma source(%arg8 : memref<128x16xf32, #tpu.memory_space<vmem>>) target(%dma_start3A_265 : memref<128x16xf32, #tpu.memory_space<vmem_shared>>) target_semaphore(%run_scoped3A_262 : memref<!tpu.dma_semaphore, #tpu.memory_space<semaphore_mem>>)
      %dma_wait3A_266 = arith.constant 0 : i32
      %dma_wait3A_267 = tpu.memref_slice %arg11[%mul3A_11, %dma_wait3A_266] : memref<5120x16xf32, #tpu.memory_space<vmem_shared>> -> memref<128x16xf32, #tpu.memory_space<vmem_shared>>
      %dma_wait3A_268 = arith.constant 0 : i32
      %dma_wait3A_269 = tpu.memref_slice %arg11[%mul3A_11, %dma_wait3A_268] : memref<5120x16xf32, #tpu.memory_space<vmem_shared>> -> memref<128x16xf32, #tpu.memory_space<vmem_shared>>
      tpu.wait_dma2 semaphore(%run_scoped3A_262 : memref<!tpu.dma_semaphore, #tpu.memory_space<semaphore_mem>>) src(%arg8 : memref<128x16xf32, #tpu.memory_space<vmem>>) dst(%dma_wait3A_269 : memref<128x16xf32, #tpu.memory_space<vmem_shared>>)
      tpu.yield
    }) : () -> ()
    %add3A_51 = arith.constant 128 : i32
    %add3A_52 = arith.addi %mul3A_11, %add3A_51 : i32
    "tpu.region"() ({
      %run_scoped3A_262 = tpu.sem_alloc : memref<!tpu.dma_semaphore, #tpu.memory_space<semaphore_mem>>
      %dma_start3A = arith.constant 0 : i32
      %dma_start3A_263 = tpu.memref_slice %arg11[%add3A_52, %dma_start3A] : memref<5120x16xf32, #tpu.memory_space<vmem_shared>> -> memref<128x16xf32, #tpu.memory_space<vmem_shared>>
      %dma_start3A_264 = arith.constant 0 : i32
      %dma_start3A_265 = tpu.memref_slice %arg11[%add3A_52, %dma_start3A_264] : memref<5120x16xf32, #tpu.memory_space<vmem_shared>> -> memref<128x16xf32, #tpu.memory_space<vmem_shared>>
      tpu.enqueue_dma source(%arg8 : memref<128x16xf32, #tpu.memory_space<vmem>>) target(%dma_start3A_265 : memref<128x16xf32, #tpu.memory_space<vmem_shared>>) target_semaphore(%run_scoped3A_262 : memref<!tpu.dma_semaphore, #tpu.memory_space<semaphore_mem>>)
      %dma_wait3A_266 = arith.constant 0 : i32
      %dma_wait3A_267 = tpu.memref_slice %arg11[%add3A_52, %dma_wait3A_266] : memref<5120x16xf32, #tpu.memory_space<vmem_shared>> -> memref<128x16xf32, #tpu.memory_space<vmem_shared>>
      %dma_wait3A_268 = arith.constant 0 : i32
      %dma_wait3A_269 = tpu.memref_slice %arg11[%add3A_52, %dma_wait3A_268] : memref<5120x16xf32, #tpu.memory_space<vmem_shared>> -> memref<128x16xf32, #tpu.memory_space<vmem_shared>>
      tpu.wait_dma2 semaphore(%run_scoped3A_262 : memref<!tpu.dma_semaphore, #tpu.memory_space<semaphore_mem>>) src(%arg8 : memref<128x16xf32, #tpu.memory_space<vmem>>) dst(%dma_wait3A_269 : memref<128x16xf32, #tpu.memory_space<vmem_shared>>)
      tpu.yield
    }) : () -> ()
    %add3A_53 = arith.constant 256 : i32
    %add3A_54 = arith.addi %mul3A_11, %add3A_53 : i32
    "tpu.region"() ({
      %run_scoped3A_262 = tpu.sem_alloc : memref<!tpu.dma_semaphore, #tpu.memory_space<semaphore_mem>>
      %dma_start3A = arith.constant 0 : i32
      %dma_start3A_263 = arith.constant 0 : i32
      %dma_start3A_264 = tpu.memref_slice %arg8[%dma_start3A, %dma_start3A_263] : memref<128x16xf32, #tpu.memory_space<vmem>> -> memref<64x16xf32, #tpu.memory_space<vmem>>
      %dma_start3A_265 = arith.constant 0 : i32
      %dma_start3A_266 = tpu.memref_slice %arg11[%add3A_54, %dma_start3A_265] : memref<5120x16xf32, #tpu.memory_space<vmem_shared>> -> memref<64x16xf32, #tpu.memory_space<vmem_shared>>
      %dma_start3A_267 = arith.constant 0 : i32
      %dma_start3A_268 = tpu.memref_slice %arg11[%add3A_54, %dma_start3A_267] : memref<5120x16xf32, #tpu.memory_space<vmem_shared>> -> memref<64x16xf32, #tpu.memory_space<vmem_shared>>
      %dma_start3A_269 = arith.constant 0 : i32
      %dma_start3A_270 = arith.constant 0 : i32
      %dma_start3A_271 = tpu.memref_slice %arg8[%dma_start3A_269, %dma_start3A_270] : memref<128x16xf32, #tpu.memory_space<vmem>> -> memref<64x16xf32, #tpu.memory_space<vmem>>
      tpu.enqueue_dma source(%dma_start3A_271 : memref<64x16xf32, #tpu.memory_space<vmem>>) target(%dma_start3A_268 : memref<64x16xf32, #tpu.memory_space<vmem_shared>>) target_semaphore(%run_scoped3A_262 : memref<!tpu.dma_semaphore, #tpu.memory_space<semaphore_mem>>)
      %dma_wait3A_272 = arith.constant 0 : i32
      %dma_wait3A_273 = arith.constant 0 : i32
      %dma_wait3A_274 = tpu.memref_slice %arg8[%dma_wait3A_272, %dma_wait3A_273] : memref<128x16xf32, #tpu.memory_space<vmem>> -> memref<64x16xf32, #tpu.memory_space<vmem>>
      %dma_wait3A_275 = arith.constant 0 : i32
      %dma_wait3A_276 = tpu.memref_slice %arg11[%add3A_54, %dma_wait3A_275] : memref<5120x16xf32, #tpu.memory_space<vmem_shared>> -> memref<64x16xf32, #tpu.memory_space<vmem_shared>>
      %dma_wait3A_277 = arith.constant 0 : i32
      %dma_wait3A_278 = tpu.memref_slice %arg11[%add3A_54, %dma_wait3A_277] : memref<5120x16xf32, #tpu.memory_space<vmem_shared>> -> memref<64x16xf32, #tpu.memory_space<vmem_shared>>
      %dma_wait3A_279 = arith.constant 0 : i32
      %dma_wait3A_280 = arith.constant 0 : i32
      %dma_wait3A_281 = tpu.memref_slice %arg8[%dma_wait3A_279, %dma_wait3A_280] : memref<128x16xf32, #tpu.memory_space<vmem>> -> memref<64x16xf32, #tpu.memory_space<vmem>>
      tpu.wait_dma2 semaphore(%run_scoped3A_262 : memref<!tpu.dma_semaphore, #tpu.memory_space<semaphore_mem>>) src(%dma_wait3A_281 : memref<64x16xf32, #tpu.memory_space<vmem>>) dst(%dma_wait3A_278 : memref<64x16xf32, #tpu.memory_space<vmem_shared>>)
      tpu.yield
    }) : () -> ()
    %barrier3A = arith.constant 0 : index
    tpu.barrier barrier_id(%barrier3A)
    %run_scoped3A = arith.constant 0 : i32
    "tpu.region"() ({
      %run_scoped3A_262 = tpu.sem_alloc : memref<!tpu.dma_semaphore, #tpu.memory_space<semaphore_mem>>
      %dma_start3A = arith.constant 0 : i32
      %dma_start3A_263 = arith.constant 0 : i32
      %dma_start3A_264 = tpu.memref_slice %arg2[%arg0, %run_scoped3A, %arg1, %dma_start3A, %dma_start3A_263] : memref<2x2x16x80x128xi32, #tpu.memory_space<hbm>> -> memref<1x1x1x80x128xi32, #tpu.memory_space<hbm>>
      %dma_start3A_265 = tpu.memref_squeeze %dma_start3A_264 : memref<1x1x1x80x128xi32, #tpu.memory_space<hbm>> -> memref<80x128xi32, #tpu.memory_space<hbm>>
      %dma_start3A_266 = arith.constant 0 : i32
      %dma_start3A_267 = arith.constant 0 : i32
      %dma_start3A_268 = tpu.memref_slice %arg2[%arg0, %run_scoped3A, %arg1, %dma_start3A_266, %dma_start3A_267] : memref<2x2x16x80x128xi32, #tpu.memory_space<hbm>> -> memref<1x1x1x80x128xi32, #tpu.memory_space<hbm>>
      %dma_start3A_269 = tpu.memref_squeeze %dma_start3A_268 : memref<1x1x1x80x128xi32, #tpu.memory_space<hbm>> -> memref<80x128xi32, #tpu.memory_space<hbm>>
      tpu.enqueue_dma source(%dma_start3A_269 : memref<80x128xi32, #tpu.memory_space<hbm>>) target(%arg6 : memref<80x128xi32, #tpu.memory_space<vmem>>) target_semaphore(%run_scoped3A_262 : memref<!tpu.dma_semaphore, #tpu.memory_space<semaphore_mem>>)
      %dma_wait3A_270 = arith.constant 0 : i32
      %dma_wait3A_271 = arith.constant 0 : i32
      %dma_wait3A_272 = tpu.memref_slice %arg2[%arg0, %run_scoped3A, %arg1, %dma_wait3A_270, %dma_wait3A_271] : memref<2x2x16x80x128xi32, #tpu.memory_space<hbm>> -> memref<1x1x1x80x128xi32, #tpu.memory_space<hbm>>
      %dma_wait3A_273 = tpu.memref_squeeze %dma_wait3A_272 : memref<1x1x1x80x128xi32, #tpu.memory_space<hbm>> -> memref<80x128xi32, #tpu.memory_space<hbm>>
      %dma_wait3A_274 = arith.constant 0 : i32
      %dma_wait3A_275 = arith.constant 0 : i32
      %dma_wait3A_276 = tpu.memref_slice %arg2[%arg0, %run_scoped3A, %arg1, %dma_wait3A_274, %dma_wait3A_275] : memref<2x2x16x80x128xi32, #tpu.memory_space<hbm>> -> memref<1x1x1x80x128xi32, #tpu.memory_space<hbm>>
      %dma_wait3A_277 = tpu.memref_squeeze %dma_wait3A_276 : memref<1x1x1x80x128xi32, #tpu.memory_space<hbm>> -> memref<80x128xi32, #tpu.memory_space<hbm>>
      tpu.wait_dma2 semaphore(%run_scoped3A_262 : memref<!tpu.dma_semaphore, #tpu.memory_space<semaphore_mem>>) src(%dma_wait3A_277 : memref<80x128xi32, #tpu.memory_space<hbm>>) dst(%arg6 : memref<80x128xi32, #tpu.memory_space<vmem>>)
      tpu.yield
    }) : () -> ()
    %scan3A_55 = arith.constant 0 : i32
    %scan3A_56 = arith.constant 0 : i32
    %scan3A_57 = arith.constant 80 : i32
    %scan3A_58 = arith.addi %scan3A_56, %scan3A_57 : i32
    %scan3A_59 = arith.constant 1 : i32
    %scan3A_60 = scf.for %scan3A_262 = %scan3A_56 to %scan3A_58 step %scan3A_59 iter_args(%scan3A_263 = %scan3A_55) -> (i32)  : i32 {
      %ge3A = arith.constant 8 : i32
      %ge3A_264 = arith.cmpi sge, %scan3A_262, %ge3A : i32
      %convert_element_type3A_265 = arith.extui %ge3A_264 : i1 to i32
      %cond3A_266 = arith.constant 0 : i32
      %cond3A_267 = arith.cmpi ne, %convert_element_type3A_265, %cond3A_266 : i32
      scf.if %cond3A_267 {
        %dma_wait3A_274 = arith.constant 0 : i32
        %dma_wait3A_275 = arith.constant 0 : i32
        %dma_wait3A_276 = tpu.memref_slice %arg6[%dma_wait3A_274, %dma_wait3A_275] : memref<80x128xi32, #tpu.memory_space<vmem>> -> memref<1x128xi32, #tpu.memory_space<vmem>>
        %dma_wait3A_277 = tpu.memref_squeeze %dma_wait3A_276 : memref<1x128xi32, #tpu.memory_space<vmem>> -> memref<128xi32, #tpu.memory_space<vmem>>
        %dma_wait3A_278 = arith.constant 0 : i32
        %dma_wait3A_279 = arith.constant 0 : i32
        %dma_wait3A_280 = tpu.memref_slice %arg9[%dma_wait3A_278, %dma_wait3A_279] : memref<20480x16xf32, #tpu.memory_space<vmem_shared>> -> memref<20480x16xf32, #tpu.memory_space<vmem_shared>>
        tpu.wait_indirect_dma semaphore(%arg12 : memref<!tpu.dma_semaphore, #tpu.memory_space<semaphore_mem>>) src(%arg7 : memref<128x16xf32, #tpu.memory_space<vmem>>) dst(%dma_wait3A_280 : memref<20480x16xf32, #tpu.memory_space<vmem_shared>>)
      } else {
      }
      %dma_start3A = arith.constant 0 : i32
      %dma_start3A_268 = tpu.memref_slice %arg6[%scan3A_262, %dma_start3A] : memref<80x128xi32, #tpu.memory_space<vmem>> -> memref<1x128xi32, #tpu.memory_space<vmem>>
      %dma_start3A_269 = tpu.memref_squeeze %dma_start3A_268 : memref<1x128xi32, #tpu.memory_space<vmem>> -> memref<128xi32, #tpu.memory_space<vmem>>
      %dma_start3A_270 = arith.constant 0 : i32
      %dma_start3A_271 = arith.constant 0 : i32
      %dma_start3A_272 = tpu.memref_slice %arg9[%dma_start3A_270, %dma_start3A_271] : memref<20480x16xf32, #tpu.memory_space<vmem_shared>> -> memref<20480x16xf32, #tpu.memory_space<vmem_shared>>
      tpu.enqueue_indirect_dma source(%arg7 : memref<128x16xf32, #tpu.memory_space<vmem>>) target(%dma_start3A_272 : memref<20480x16xf32, #tpu.memory_space<vmem_shared>>) offsets(%dma_start3A_269 : memref<128xi32, #tpu.memory_space<vmem>>) semaphore(%arg12 : memref<!tpu.dma_semaphore, #tpu.memory_space<semaphore_mem>>) {add = true}
      %scan3A_273 = arith.constant 0 : i32
      scf.yield %scan3A_273 : i32
    }
    %scan3A_61 = arith.constant 80 : i32
    %dma_wait3A = arith.constant 0 : i32
    %dma_wait3A_62 = arith.constant 0 : i32
    %dma_wait3A_63 = tpu.memref_slice %arg6[%dma_wait3A, %dma_wait3A_62] : memref<80x128xi32, #tpu.memory_space<vmem>> -> memref<1x128xi32, #tpu.memory_space<vmem>>
    %dma_wait3A_64 = tpu.memref_squeeze %dma_wait3A_63 : memref<1x128xi32, #tpu.memory_space<vmem>> -> memref<128xi32, #tpu.memory_space<vmem>>
    %dma_wait3A_65 = arith.constant 0 : i32
    %dma_wait3A_66 = arith.constant 0 : i32
    %dma_wait3A_67 = tpu.memref_slice %arg9[%dma_wait3A_65, %dma_wait3A_66] : memref<20480x16xf32, #tpu.memory_space<vmem_shared>> -> memref<20480x16xf32, #tpu.memory_space<vmem_shared>>
    tpu.wait_indirect_dma semaphore(%arg12 : memref<!tpu.dma_semaphore, #tpu.memory_space<semaphore_mem>>) src(%arg7 : memref<128x16xf32, #tpu.memory_space<vmem>>) dst(%dma_wait3A_67 : memref<20480x16xf32, #tpu.memory_space<vmem_shared>>)
    %dma_wait3A_68 = arith.constant 0 : i32
    %dma_wait3A_69 = arith.constant 0 : i32
    %dma_wait3A_70 = tpu.memref_slice %arg6[%dma_wait3A_68, %dma_wait3A_69] : memref<80x128xi32, #tpu.memory_space<vmem>> -> memref<1x128xi32, #tpu.memory_space<vmem>>
    %dma_wait3A_71 = tpu.memref_squeeze %dma_wait3A_70 : memref<1x128xi32, #tpu.memory_space<vmem>> -> memref<128xi32, #tpu.memory_space<vmem>>
    %dma_wait3A_72 = arith.constant 0 : i32
    %dma_wait3A_73 = arith.constant 0 : i32
    %dma_wait3A_74 = tpu.memref_slice %arg9[%dma_wait3A_72, %dma_wait3A_73] : memref<20480x16xf32, #tpu.memory_space<vmem_shared>> -> memref<20480x16xf32, #tpu.memory_space<vmem_shared>>
    tpu.wait_indirect_dma semaphore(%arg12 : memref<!tpu.dma_semaphore, #tpu.memory_space<semaphore_mem>>) src(%arg7 : memref<128x16xf32, #tpu.memory_space<vmem>>) dst(%dma_wait3A_74 : memref<20480x16xf32, #tpu.memory_space<vmem_shared>>)
    %dma_wait3A_75 = arith.constant 0 : i32
    %dma_wait3A_76 = arith.constant 0 : i32
    %dma_wait3A_77 = tpu.memref_slice %arg6[%dma_wait3A_75, %dma_wait3A_76] : memref<80x128xi32, #tpu.memory_space<vmem>> -> memref<1x128xi32, #tpu.memory_space<vmem>>
    %dma_wait3A_78 = tpu.memref_squeeze %dma_wait3A_77 : memref<1x128xi32, #tpu.memory_space<vmem>> -> memref<128xi32, #tpu.memory_space<vmem>>
    %dma_wait3A_79 = arith.constant 0 : i32
    %dma_wait3A_80 = arith.constant 0 : i32
    %dma_wait3A_81 = tpu.memref_slice %arg9[%dma_wait3A_79, %dma_wait3A_80] : memref<20480x16xf32, #tpu.memory_space<vmem_shared>> -> memref<20480x16xf32, #tpu.memory_space<vmem_shared>>
    tpu.wait_indirect_dma semaphore(%arg12 : memref<!tpu.dma_semaphore, #tpu.memory_space<semaphore_mem>>) src(%arg7 : memref<128x16xf32, #tpu.memory_space<vmem>>) dst(%dma_wait3A_81 : memref<20480x16xf32, #tpu.memory_space<vmem_shared>>)
    %dma_wait3A_82 = arith.constant 0 : i32
    %dma_wait3A_83 = arith.constant 0 : i32
    %dma_wait3A_84 = tpu.memref_slice %arg6[%dma_wait3A_82, %dma_wait3A_83] : memref<80x128xi32, #tpu.memory_space<vmem>> -> memref<1x128xi32, #tpu.memory_space<vmem>>
    %dma_wait3A_85 = tpu.memref_squeeze %dma_wait3A_84 : memref<1x128xi32, #tpu.memory_space<vmem>> -> memref<128xi32, #tpu.memory_space<vmem>>
    %dma_wait3A_86 = arith.constant 0 : i32
    %dma_wait3A_87 = arith.constant 0 : i32
    %dma_wait3A_88 = tpu.memref_slice %arg9[%dma_wait3A_86, %dma_wait3A_87] : memref<20480x16xf32, #tpu.memory_space<vmem_shared>> -> memref<20480x16xf32, #tpu.memory_space<vmem_shared>>
    tpu.wait_indirect_dma semaphore(%arg12 : memref<!tpu.dma_semaphore, #tpu.memory_space<semaphore_mem>>) src(%arg7 : memref<128x16xf32, #tpu.memory_space<vmem>>) dst(%dma_wait3A_88 : memref<20480x16xf32, #tpu.memory_space<vmem_shared>>)
    %dma_wait3A_89 = arith.constant 0 : i32
    %dma_wait3A_90 = arith.constant 0 : i32
    %dma_wait3A_91 = tpu.memref_slice %arg6[%dma_wait3A_89, %dma_wait3A_90] : memref<80x128xi32, #tpu.memory_space<vmem>> -> memref<1x128xi32, #tpu.memory_space<vmem>>
    %dma_wait3A_92 = tpu.memref_squeeze %dma_wait3A_91 : memref<1x128xi32, #tpu.memory_space<vmem>> -> memref<128xi32, #tpu.memory_space<vmem>>
    %dma_wait3A_93 = arith.constant 0 : i32
    %dma_wait3A_94 = arith.constant 0 : i32
    %dma_wait3A_95 = tpu.memref_slice %arg9[%dma_wait3A_93, %dma_wait3A_94] : memref<20480x16xf32, #tpu.memory_space<vmem_shared>> -> memref<20480x16xf32, #tpu.memory_space<vmem_shared>>
    tpu.wait_indirect_dma semaphore(%arg12 : memref<!tpu.dma_semaphore, #tpu.memory_space<semaphore_mem>>) src(%arg7 : memref<128x16xf32, #tpu.memory_space<vmem>>) dst(%dma_wait3A_95 : memref<20480x16xf32, #tpu.memory_space<vmem_shared>>)
    %dma_wait3A_96 = arith.constant 0 : i32
    %dma_wait3A_97 = arith.constant 0 : i32
    %dma_wait3A_98 = tpu.memref_slice %arg6[%dma_wait3A_96, %dma_wait3A_97] : memref<80x128xi32, #tpu.memory_space<vmem>> -> memref<1x128xi32, #tpu.memory_space<vmem>>
    %dma_wait3A_99 = tpu.memref_squeeze %dma_wait3A_98 : memref<1x128xi32, #tpu.memory_space<vmem>> -> memref<128xi32, #tpu.memory_space<vmem>>
    %dma_wait3A_100 = arith.constant 0 : i32
    %dma_wait3A_101 = arith.constant 0 : i32
    %dma_wait3A_102 = tpu.memref_slice %arg9[%dma_wait3A_100, %dma_wait3A_101] : memref<20480x16xf32, #tpu.memory_space<vmem_shared>> -> memref<20480x16xf32, #tpu.memory_space<vmem_shared>>
    tpu.wait_indirect_dma semaphore(%arg12 : memref<!tpu.dma_semaphore, #tpu.memory_space<semaphore_mem>>) src(%arg7 : memref<128x16xf32, #tpu.memory_space<vmem>>) dst(%dma_wait3A_102 : memref<20480x16xf32, #tpu.memory_space<vmem_shared>>)
    %dma_wait3A_103 = arith.constant 0 : i32
    %dma_wait3A_104 = arith.constant 0 : i32
    %dma_wait3A_105 = tpu.memref_slice %arg6[%dma_wait3A_103, %dma_wait3A_104] : memref<80x128xi32, #tpu.memory_space<vmem>> -> memref<1x128xi32, #tpu.memory_space<vmem>>
    %dma_wait3A_106 = tpu.memref_squeeze %dma_wait3A_105 : memref<1x128xi32, #tpu.memory_space<vmem>> -> memref<128xi32, #tpu.memory_space<vmem>>
    %dma_wait3A_107 = arith.constant 0 : i32
    %dma_wait3A_108 = arith.constant 0 : i32
    %dma_wait3A_109 = tpu.memref_slice %arg9[%dma_wait3A_107, %dma_wait3A_108] : memref<20480x16xf32, #tpu.memory_space<vmem_shared>> -> memref<20480x16xf32, #tpu.memory_space<vmem_shared>>
    tpu.wait_indirect_dma semaphore(%arg12 : memref<!tpu.dma_semaphore, #tpu.memory_space<semaphore_mem>>) src(%arg7 : memref<128x16xf32, #tpu.memory_space<vmem>>) dst(%dma_wait3A_109 : memref<20480x16xf32, #tpu.memory_space<vmem_shared>>)
    %dma_wait3A_110 = arith.constant 0 : i32
    %dma_wait3A_111 = arith.constant 0 : i32
    %dma_wait3A_112 = tpu.memref_slice %arg6[%dma_wait3A_110, %dma_wait3A_111] : memref<80x128xi32, #tpu.memory_space<vmem>> -> memref<1x128xi32, #tpu.memory_space<vmem>>
    %dma_wait3A_113 = tpu.memref_squeeze %dma_wait3A_112 : memref<1x128xi32, #tpu.memory_space<vmem>> -> memref<128xi32, #tpu.memory_space<vmem>>
    %dma_wait3A_114 = arith.constant 0 : i32
    %dma_wait3A_115 = arith.constant 0 : i32
    %dma_wait3A_116 = tpu.memref_slice %arg9[%dma_wait3A_114, %dma_wait3A_115] : memref<20480x16xf32, #tpu.memory_space<vmem_shared>> -> memref<20480x16xf32, #tpu.memory_space<vmem_shared>>
    tpu.wait_indirect_dma semaphore(%arg12 : memref<!tpu.dma_semaphore, #tpu.memory_space<semaphore_mem>>) src(%arg7 : memref<128x16xf32, #tpu.memory_space<vmem>>) dst(%dma_wait3A_116 : memref<20480x16xf32, #tpu.memory_space<vmem_shared>>)
    %run_scoped3A_117 = arith.constant 1 : i32
    "tpu.region"() ({
      %run_scoped3A_262 = tpu.sem_alloc : memref<!tpu.dma_semaphore, #tpu.memory_space<semaphore_mem>>
      %dma_start3A = arith.constant 0 : i32
      %dma_start3A_263 = arith.constant 0 : i32
      %dma_start3A_264 = tpu.memref_slice %arg2[%arg0, %run_scoped3A_117, %arg1, %dma_start3A, %dma_start3A_263] : memref<2x2x16x80x128xi32, #tpu.memory_space<hbm>> -> memref<1x1x1x80x128xi32, #tpu.memory_space<hbm>>
      %dma_start3A_265 = tpu.memref_squeeze %dma_start3A_264 : memref<1x1x1x80x128xi32, #tpu.memory_space<hbm>> -> memref<80x128xi32, #tpu.memory_space<hbm>>
      %dma_start3A_266 = arith.constant 0 : i32
      %dma_start3A_267 = arith.constant 0 : i32
      %dma_start3A_268 = tpu.memref_slice %arg2[%arg0, %run_scoped3A_117, %arg1, %dma_start3A_266, %dma_start3A_267] : memref<2x2x16x80x128xi32, #tpu.memory_space<hbm>> -> memref<1x1x1x80x128xi32, #tpu.memory_space<hbm>>
      %dma_start3A_269 = tpu.memref_squeeze %dma_start3A_268 : memref<1x1x1x80x128xi32, #tpu.memory_space<hbm>> -> memref<80x128xi32, #tpu.memory_space<hbm>>
      tpu.enqueue_dma source(%dma_start3A_269 : memref<80x128xi32, #tpu.memory_space<hbm>>) target(%arg6 : memref<80x128xi32, #tpu.memory_space<vmem>>) target_semaphore(%run_scoped3A_262 : memref<!tpu.dma_semaphore, #tpu.memory_space<semaphore_mem>>)
      %dma_wait3A_270 = arith.constant 0 : i32
      %dma_wait3A_271 = arith.constant 0 : i32
      %dma_wait3A_272 = tpu.memref_slice %arg2[%arg0, %run_scoped3A_117, %arg1, %dma_wait3A_270, %dma_wait3A_271] : memref<2x2x16x80x128xi32, #tpu.memory_space<hbm>> -> memref<1x1x1x80x128xi32, #tpu.memory_space<hbm>>
      %dma_wait3A_273 = tpu.memref_squeeze %dma_wait3A_272 : memref<1x1x1x80x128xi32, #tpu.memory_space<hbm>> -> memref<80x128xi32, #tpu.memory_space<hbm>>
      %dma_wait3A_274 = arith.constant 0 : i32
      %dma_wait3A_275 = arith.constant 0 : i32
      %dma_wait3A_276 = tpu.memref_slice %arg2[%arg0, %run_scoped3A_117, %arg1, %dma_wait3A_274, %dma_wait3A_275] : memref<2x2x16x80x128xi32, #tpu.memory_space<hbm>> -> memref<1x1x1x80x128xi32, #tpu.memory_space<hbm>>
      %dma_wait3A_277 = tpu.memref_squeeze %dma_wait3A_276 : memref<1x1x1x80x128xi32, #tpu.memory_space<hbm>> -> memref<80x128xi32, #tpu.memory_space<hbm>>
      tpu.wait_dma2 semaphore(%run_scoped3A_262 : memref<!tpu.dma_semaphore, #tpu.memory_space<semaphore_mem>>) src(%dma_wait3A_277 : memref<80x128xi32, #tpu.memory_space<hbm>>) dst(%arg6 : memref<80x128xi32, #tpu.memory_space<vmem>>)
      tpu.yield
    }) : () -> ()
    %scan3A_118 = arith.constant 0 : i32
    %scan3A_119 = arith.constant 0 : i32
    %scan3A_120 = arith.constant 80 : i32
    %scan3A_121 = arith.addi %scan3A_119, %scan3A_120 : i32
    %scan3A_122 = arith.constant 1 : i32
    %scan3A_123 = scf.for %scan3A_262 = %scan3A_119 to %scan3A_121 step %scan3A_122 iter_args(%scan3A_263 = %scan3A_118) -> (i32)  : i32 {
      %ge3A = arith.constant 8 : i32
      %ge3A_264 = arith.cmpi sge, %scan3A_262, %ge3A : i32
      %convert_element_type3A_265 = arith.extui %ge3A_264 : i1 to i32
      %cond3A_266 = arith.constant 0 : i32
      %cond3A_267 = arith.cmpi ne, %convert_element_type3A_265, %cond3A_266 : i32
      scf.if %cond3A_267 {
        %dma_wait3A_274 = arith.constant 0 : i32
        %dma_wait3A_275 = arith.constant 0 : i32
        %dma_wait3A_276 = tpu.memref_slice %arg6[%dma_wait3A_274, %dma_wait3A_275] : memref<80x128xi32, #tpu.memory_space<vmem>> -> memref<1x128xi32, #tpu.memory_space<vmem>>
        %dma_wait3A_277 = tpu.memref_squeeze %dma_wait3A_276 : memref<1x128xi32, #tpu.memory_space<vmem>> -> memref<128xi32, #tpu.memory_space<vmem>>
        %dma_wait3A_278 = arith.constant 0 : i32
        %dma_wait3A_279 = arith.constant 0 : i32
        %dma_wait3A_280 = tpu.memref_slice %arg10[%dma_wait3A_278, %dma_wait3A_279] : memref<20480x16xf32, #tpu.memory_space<vmem_shared>> -> memref<20480x16xf32, #tpu.memory_space<vmem_shared>>
        tpu.wait_indirect_dma semaphore(%arg12 : memref<!tpu.dma_semaphore, #tpu.memory_space<semaphore_mem>>) src(%arg7 : memref<128x16xf32, #tpu.memory_space<vmem>>) dst(%dma_wait3A_280 : memref<20480x16xf32, #tpu.memory_space<vmem_shared>>)
      } else {
      }
      %dma_start3A = arith.constant 0 : i32
      %dma_start3A_268 = tpu.memref_slice %arg6[%scan3A_262, %dma_start3A] : memref<80x128xi32, #tpu.memory_space<vmem>> -> memref<1x128xi32, #tpu.memory_space<vmem>>
      %dma_start3A_269 = tpu.memref_squeeze %dma_start3A_268 : memref<1x128xi32, #tpu.memory_space<vmem>> -> memref<128xi32, #tpu.memory_space<vmem>>
      %dma_start3A_270 = arith.constant 0 : i32
      %dma_start3A_271 = arith.constant 0 : i32
      %dma_start3A_272 = tpu.memref_slice %arg10[%dma_start3A_270, %dma_start3A_271] : memref<20480x16xf32, #tpu.memory_space<vmem_shared>> -> memref<20480x16xf32, #tpu.memory_space<vmem_shared>>
      tpu.enqueue_indirect_dma source(%arg7 : memref<128x16xf32, #tpu.memory_space<vmem>>) target(%dma_start3A_272 : memref<20480x16xf32, #tpu.memory_space<vmem_shared>>) offsets(%dma_start3A_269 : memref<128xi32, #tpu.memory_space<vmem>>) semaphore(%arg12 : memref<!tpu.dma_semaphore, #tpu.memory_space<semaphore_mem>>) {add = true}
      %scan3A_273 = arith.constant 0 : i32
      scf.yield %scan3A_273 : i32
    }
    %scan3A_124 = arith.constant 80 : i32
    %dma_wait3A_125 = arith.constant 0 : i32
    %dma_wait3A_126 = arith.constant 0 : i32
    %dma_wait3A_127 = tpu.memref_slice %arg6[%dma_wait3A_125, %dma_wait3A_126] : memref<80x128xi32, #tpu.memory_space<vmem>> -> memref<1x128xi32, #tpu.memory_space<vmem>>
    %dma_wait3A_128 = tpu.memref_squeeze %dma_wait3A_127 : memref<1x128xi32, #tpu.memory_space<vmem>> -> memref<128xi32, #tpu.memory_space<vmem>>
    %dma_wait3A_129 = arith.constant 0 : i32
    %dma_wait3A_130 = arith.constant 0 : i32
    %dma_wait3A_131 = tpu.memref_slice %arg10[%dma_wait3A_129, %dma_wait3A_130] : memref<20480x16xf32, #tpu.memory_space<vmem_shared>> -> memref<20480x16xf32, #tpu.memory_space<vmem_shared>>
    tpu.wait_indirect_dma semaphore(%arg12 : memref<!tpu.dma_semaphore, #tpu.memory_space<semaphore_mem>>) src(%arg7 : memref<128x16xf32, #tpu.memory_space<vmem>>) dst(%dma_wait3A_131 : memref<20480x16xf32, #tpu.memory_space<vmem_shared>>)
    %dma_wait3A_132 = arith.constant 0 : i32
    %dma_wait3A_133 = arith.constant 0 : i32
    %dma_wait3A_134 = tpu.memref_slice %arg6[%dma_wait3A_132, %dma_wait3A_133] : memref<80x128xi32, #tpu.memory_space<vmem>> -> memref<1x128xi32, #tpu.memory_space<vmem>>
    %dma_wait3A_135 = tpu.memref_squeeze %dma_wait3A_134 : memref<1x128xi32, #tpu.memory_space<vmem>> -> memref<128xi32, #tpu.memory_space<vmem>>
    %dma_wait3A_136 = arith.constant 0 : i32
    %dma_wait3A_137 = arith.constant 0 : i32
    %dma_wait3A_138 = tpu.memref_slice %arg10[%dma_wait3A_136, %dma_wait3A_137] : memref<20480x16xf32, #tpu.memory_space<vmem_shared>> -> memref<20480x16xf32, #tpu.memory_space<vmem_shared>>
    tpu.wait_indirect_dma semaphore(%arg12 : memref<!tpu.dma_semaphore, #tpu.memory_space<semaphore_mem>>) src(%arg7 : memref<128x16xf32, #tpu.memory_space<vmem>>) dst(%dma_wait3A_138 : memref<20480x16xf32, #tpu.memory_space<vmem_shared>>)
    %dma_wait3A_139 = arith.constant 0 : i32
    %dma_wait3A_140 = arith.constant 0 : i32
    %dma_wait3A_141 = tpu.memref_slice %arg6[%dma_wait3A_139, %dma_wait3A_140] : memref<80x128xi32, #tpu.memory_space<vmem>> -> memref<1x128xi32, #tpu.memory_space<vmem>>
    %dma_wait3A_142 = tpu.memref_squeeze %dma_wait3A_141 : memref<1x128xi32, #tpu.memory_space<vmem>> -> memref<128xi32, #tpu.memory_space<vmem>>
    %dma_wait3A_143 = arith.constant 0 : i32
    %dma_wait3A_144 = arith.constant 0 : i32
    %dma_wait3A_145 = tpu.memref_slice %arg10[%dma_wait3A_143, %dma_wait3A_144] : memref<20480x16xf32, #tpu.memory_space<vmem_shared>> -> memref<20480x16xf32, #tpu.memory_space<vmem_shared>>
    tpu.wait_indirect_dma semaphore(%arg12 : memref<!tpu.dma_semaphore, #tpu.memory_space<semaphore_mem>>) src(%arg7 : memref<128x16xf32, #tpu.memory_space<vmem>>) dst(%dma_wait3A_145 : memref<20480x16xf32, #tpu.memory_space<vmem_shared>>)
    %dma_wait3A_146 = arith.constant 0 : i32
    %dma_wait3A_147 = arith.constant 0 : i32
    %dma_wait3A_148 = tpu.memref_slice %arg6[%dma_wait3A_146, %dma_wait3A_147] : memref<80x128xi32, #tpu.memory_space<vmem>> -> memref<1x128xi32, #tpu.memory_space<vmem>>
    %dma_wait3A_149 = tpu.memref_squeeze %dma_wait3A_148 : memref<1x128xi32, #tpu.memory_space<vmem>> -> memref<128xi32, #tpu.memory_space<vmem>>
    %dma_wait3A_150 = arith.constant 0 : i32
    %dma_wait3A_151 = arith.constant 0 : i32
    %dma_wait3A_152 = tpu.memref_slice %arg10[%dma_wait3A_150, %dma_wait3A_151] : memref<20480x16xf32, #tpu.memory_space<vmem_shared>> -> memref<20480x16xf32, #tpu.memory_space<vmem_shared>>
    tpu.wait_indirect_dma semaphore(%arg12 : memref<!tpu.dma_semaphore, #tpu.memory_space<semaphore_mem>>) src(%arg7 : memref<128x16xf32, #tpu.memory_space<vmem>>) dst(%dma_wait3A_152 : memref<20480x16xf32, #tpu.memory_space<vmem_shared>>)
    %dma_wait3A_153 = arith.constant 0 : i32
    %dma_wait3A_154 = arith.constant 0 : i32
    %dma_wait3A_155 = tpu.memref_slice %arg6[%dma_wait3A_153, %dma_wait3A_154] : memref<80x128xi32, #tpu.memory_space<vmem>> -> memref<1x128xi32, #tpu.memory_space<vmem>>
    %dma_wait3A_156 = tpu.memref_squeeze %dma_wait3A_155 : memref<1x128xi32, #tpu.memory_space<vmem>> -> memref<128xi32, #tpu.memory_space<vmem>>
    %dma_wait3A_157 = arith.constant 0 : i32
    %dma_wait3A_158 = arith.constant 0 : i32
    %dma_wait3A_159 = tpu.memref_slice %arg10[%dma_wait3A_157, %dma_wait3A_158] : memref<20480x16xf32, #tpu.memory_space<vmem_shared>> -> memref<20480x16xf32, #tpu.memory_space<vmem_shared>>
    tpu.wait_indirect_dma semaphore(%arg12 : memref<!tpu.dma_semaphore, #tpu.memory_space<semaphore_mem>>) src(%arg7 : memref<128x16xf32, #tpu.memory_space<vmem>>) dst(%dma_wait3A_159 : memref<20480x16xf32, #tpu.memory_space<vmem_shared>>)
    %dma_wait3A_160 = arith.constant 0 : i32
    %dma_wait3A_161 = arith.constant 0 : i32
    %dma_wait3A_162 = tpu.memref_slice %arg6[%dma_wait3A_160, %dma_wait3A_161] : memref<80x128xi32, #tpu.memory_space<vmem>> -> memref<1x128xi32, #tpu.memory_space<vmem>>
    %dma_wait3A_163 = tpu.memref_squeeze %dma_wait3A_162 : memref<1x128xi32, #tpu.memory_space<vmem>> -> memref<128xi32, #tpu.memory_space<vmem>>
    %dma_wait3A_164 = arith.constant 0 : i32
    %dma_wait3A_165 = arith.constant 0 : i32
    %dma_wait3A_166 = tpu.memref_slice %arg10[%dma_wait3A_164, %dma_wait3A_165] : memref<20480x16xf32, #tpu.memory_space<vmem_shared>> -> memref<20480x16xf32, #tpu.memory_space<vmem_shared>>
    tpu.wait_indirect_dma semaphore(%arg12 : memref<!tpu.dma_semaphore, #tpu.memory_space<semaphore_mem>>) src(%arg7 : memref<128x16xf32, #tpu.memory_space<vmem>>) dst(%dma_wait3A_166 : memref<20480x16xf32, #tpu.memory_space<vmem_shared>>)
    %dma_wait3A_167 = arith.constant 0 : i32
    %dma_wait3A_168 = arith.constant 0 : i32
    %dma_wait3A_169 = tpu.memref_slice %arg6[%dma_wait3A_167, %dma_wait3A_168] : memref<80x128xi32, #tpu.memory_space<vmem>> -> memref<1x128xi32, #tpu.memory_space<vmem>>
    %dma_wait3A_170 = tpu.memref_squeeze %dma_wait3A_169 : memref<1x128xi32, #tpu.memory_space<vmem>> -> memref<128xi32, #tpu.memory_space<vmem>>
    %dma_wait3A_171 = arith.constant 0 : i32
    %dma_wait3A_172 = arith.constant 0 : i32
    %dma_wait3A_173 = tpu.memref_slice %arg10[%dma_wait3A_171, %dma_wait3A_172] : memref<20480x16xf32, #tpu.memory_space<vmem_shared>> -> memref<20480x16xf32, #tpu.memory_space<vmem_shared>>
    tpu.wait_indirect_dma semaphore(%arg12 : memref<!tpu.dma_semaphore, #tpu.memory_space<semaphore_mem>>) src(%arg7 : memref<128x16xf32, #tpu.memory_space<vmem>>) dst(%dma_wait3A_173 : memref<20480x16xf32, #tpu.memory_space<vmem_shared>>)
    %dma_wait3A_174 = arith.constant 0 : i32
    %dma_wait3A_175 = arith.constant 0 : i32
    %dma_wait3A_176 = tpu.memref_slice %arg6[%dma_wait3A_174, %dma_wait3A_175] : memref<80x128xi32, #tpu.memory_space<vmem>> -> memref<1x128xi32, #tpu.memory_space<vmem>>
    %dma_wait3A_177 = tpu.memref_squeeze %dma_wait3A_176 : memref<1x128xi32, #tpu.memory_space<vmem>> -> memref<128xi32, #tpu.memory_space<vmem>>
    %dma_wait3A_178 = arith.constant 0 : i32
    %dma_wait3A_179 = arith.constant 0 : i32
    %dma_wait3A_180 = tpu.memref_slice %arg10[%dma_wait3A_178, %dma_wait3A_179] : memref<20480x16xf32, #tpu.memory_space<vmem_shared>> -> memref<20480x16xf32, #tpu.memory_space<vmem_shared>>
    tpu.wait_indirect_dma semaphore(%arg12 : memref<!tpu.dma_semaphore, #tpu.memory_space<semaphore_mem>>) src(%arg7 : memref<128x16xf32, #tpu.memory_space<vmem>>) dst(%dma_wait3A_180 : memref<20480x16xf32, #tpu.memory_space<vmem_shared>>)
    "tpu.region"() ({
      %run_scoped3A_262 = tpu.sem_alloc : memref<!tpu.dma_semaphore, #tpu.memory_space<semaphore_mem>>
      %dma_start3A = arith.constant 0 : i32
      %dma_start3A_263 = arith.constant 0 : i32
      %dma_start3A_264 = tpu.memref_slice %arg6[%dma_start3A, %dma_start3A_263] : memref<80x128xi32, #tpu.memory_space<vmem>> -> memref<40x128xi32, #tpu.memory_space<vmem>>
      %dma_start3A_265 = arith.constant 0 : i32
      %dma_start3A_266 = arith.constant 0 : i32
      %dma_start3A_267 = tpu.memref_slice %arg3[%arg0, %arg1, %dma_start3A_265, %dma_start3A_266] : memref<2x16x40x128xi32, #tpu.memory_space<hbm>> -> memref<1x1x40x128xi32, #tpu.memory_space<hbm>>
      %dma_start3A_268 = tpu.memref_squeeze %dma_start3A_267 : memref<1x1x40x128xi32, #tpu.memory_space<hbm>> -> memref<40x128xi32, #tpu.memory_space<hbm>>
      %dma_start3A_269 = arith.constant 0 : i32
      %dma_start3A_270 = arith.constant 0 : i32
      %dma_start3A_271 = tpu.memref_slice %arg6[%dma_start3A_269, %dma_start3A_270] : memref<80x128xi32, #tpu.memory_space<vmem>> -> memref<40x128xi32, #tpu.memory_space<vmem>>
      %dma_start3A_272 = arith.constant 0 : i32
      %dma_start3A_273 = arith.constant 0 : i32
      %dma_start3A_274 = tpu.memref_slice %arg3[%arg0, %arg1, %dma_start3A_272, %dma_start3A_273] : memref<2x16x40x128xi32, #tpu.memory_space<hbm>> -> memref<1x1x40x128xi32, #tpu.memory_space<hbm>>
      %dma_start3A_275 = tpu.memref_squeeze %dma_start3A_274 : memref<1x1x40x128xi32, #tpu.memory_space<hbm>> -> memref<40x128xi32, #tpu.memory_space<hbm>>
      tpu.enqueue_dma source(%dma_start3A_275 : memref<40x128xi32, #tpu.memory_space<hbm>>) target(%dma_start3A_271 : memref<40x128xi32, #tpu.memory_space<vmem>>) target_semaphore(%run_scoped3A_262 : memref<!tpu.dma_semaphore, #tpu.memory_space<semaphore_mem>>)
      %dma_wait3A_276 = arith.constant 0 : i32
      %dma_wait3A_277 = arith.constant 0 : i32
      %dma_wait3A_278 = tpu.memref_slice %arg6[%dma_wait3A_276, %dma_wait3A_277] : memref<80x128xi32, #tpu.memory_space<vmem>> -> memref<40x128xi32, #tpu.memory_space<vmem>>
      %dma_wait3A_279 = arith.constant 0 : i32
      %dma_wait3A_280 = arith.constant 0 : i32
      %dma_wait3A_281 = tpu.memref_slice %arg3[%arg0, %arg1, %dma_wait3A_279, %dma_wait3A_280] : memref<2x16x40x128xi32, #tpu.memory_space<hbm>> -> memref<1x1x40x128xi32, #tpu.memory_space<hbm>>
      %dma_wait3A_282 = tpu.memref_squeeze %dma_wait3A_281 : memref<1x1x40x128xi32, #tpu.memory_space<hbm>> -> memref<40x128xi32, #tpu.memory_space<hbm>>
      %dma_wait3A_283 = arith.constant 0 : i32
      %dma_wait3A_284 = arith.constant 0 : i32
      %dma_wait3A_285 = tpu.memref_slice %arg6[%dma_wait3A_283, %dma_wait3A_284] : memref<80x128xi32, #tpu.memory_space<vmem>> -> memref<40x128xi32, #tpu.memory_space<vmem>>
      %dma_wait3A_286 = arith.constant 0 : i32
      %dma_wait3A_287 = arith.constant 0 : i32
      %dma_wait3A_288 = tpu.memref_slice %arg3[%arg0, %arg1, %dma_wait3A_286, %dma_wait3A_287] : memref<2x16x40x128xi32, #tpu.memory_space<hbm>> -> memref<1x1x40x128xi32, #tpu.memory_space<hbm>>
      %dma_wait3A_289 = tpu.memref_squeeze %dma_wait3A_288 : memref<1x1x40x128xi32, #tpu.memory_space<hbm>> -> memref<40x128xi32, #tpu.memory_space<hbm>>
      tpu.wait_dma2 semaphore(%run_scoped3A_262 : memref<!tpu.dma_semaphore, #tpu.memory_space<semaphore_mem>>) src(%dma_wait3A_289 : memref<40x128xi32, #tpu.memory_space<hbm>>) dst(%dma_wait3A_285 : memref<40x128xi32, #tpu.memory_space<vmem>>)
      tpu.yield
    }) : () -> ()
    %scan3A_181 = arith.constant 0 : i32
    %scan3A_182 = arith.constant 0 : i32
    %scan3A_183 = arith.constant 40 : i32
    %scan3A_184 = arith.addi %scan3A_182, %scan3A_183 : i32
    %scan3A_185 = arith.constant 1 : i32
    %scan3A_186 = scf.for %scan3A_262 = %scan3A_182 to %scan3A_184 step %scan3A_185 iter_args(%scan3A_263 = %scan3A_181) -> (i32)  : i32 {
      %ge3A = arith.constant 8 : i32
      %ge3A_264 = arith.cmpi sge, %scan3A_262, %ge3A : i32
      %convert_element_type3A_265 = arith.extui %ge3A_264 : i1 to i32
      %cond3A_266 = arith.constant 0 : i32
      %cond3A_267 = arith.cmpi ne, %convert_element_type3A_265, %cond3A_266 : i32
      scf.if %cond3A_267 {
        %dma_wait3A_274 = arith.constant 0 : i32
        %dma_wait3A_275 = arith.constant 0 : i32
        %dma_wait3A_276 = tpu.memref_slice %arg6[%dma_wait3A_274, %dma_wait3A_275] : memref<80x128xi32, #tpu.memory_space<vmem>> -> memref<1x128xi32, #tpu.memory_space<vmem>>
        %dma_wait3A_277 = tpu.memref_squeeze %dma_wait3A_276 : memref<1x128xi32, #tpu.memory_space<vmem>> -> memref<128xi32, #tpu.memory_space<vmem>>
        %dma_wait3A_278 = arith.constant 0 : i32
        %dma_wait3A_279 = arith.constant 0 : i32
        %dma_wait3A_280 = tpu.memref_slice %arg11[%dma_wait3A_278, %dma_wait3A_279] : memref<5120x16xf32, #tpu.memory_space<vmem_shared>> -> memref<5120x16xf32, #tpu.memory_space<vmem_shared>>
        tpu.wait_indirect_dma semaphore(%arg12 : memref<!tpu.dma_semaphore, #tpu.memory_space<semaphore_mem>>) src(%arg7 : memref<128x16xf32, #tpu.memory_space<vmem>>) dst(%dma_wait3A_280 : memref<5120x16xf32, #tpu.memory_space<vmem_shared>>)
      } else {
      }
      %dma_start3A = arith.constant 0 : i32
      %dma_start3A_268 = tpu.memref_slice %arg6[%scan3A_262, %dma_start3A] : memref<80x128xi32, #tpu.memory_space<vmem>> -> memref<1x128xi32, #tpu.memory_space<vmem>>
      %dma_start3A_269 = tpu.memref_squeeze %dma_start3A_268 : memref<1x128xi32, #tpu.memory_space<vmem>> -> memref<128xi32, #tpu.memory_space<vmem>>
      %dma_start3A_270 = arith.constant 0 : i32
      %dma_start3A_271 = arith.constant 0 : i32
      %dma_start3A_272 = tpu.memref_slice %arg11[%dma_start3A_270, %dma_start3A_271] : memref<5120x16xf32, #tpu.memory_space<vmem_shared>> -> memref<5120x16xf32, #tpu.memory_space<vmem_shared>>
      tpu.enqueue_indirect_dma source(%arg7 : memref<128x16xf32, #tpu.memory_space<vmem>>) target(%dma_start3A_272 : memref<5120x16xf32, #tpu.memory_space<vmem_shared>>) offsets(%dma_start3A_269 : memref<128xi32, #tpu.memory_space<vmem>>) semaphore(%arg12 : memref<!tpu.dma_semaphore, #tpu.memory_space<semaphore_mem>>) {add = true}
      %scan3A_273 = arith.constant 0 : i32
      scf.yield %scan3A_273 : i32
    }
    %scan3A_187 = arith.constant 40 : i32
    %dma_wait3A_188 = arith.constant 0 : i32
    %dma_wait3A_189 = arith.constant 0 : i32
    %dma_wait3A_190 = tpu.memref_slice %arg6[%dma_wait3A_188, %dma_wait3A_189] : memref<80x128xi32, #tpu.memory_space<vmem>> -> memref<1x128xi32, #tpu.memory_space<vmem>>
    %dma_wait3A_191 = tpu.memref_squeeze %dma_wait3A_190 : memref<1x128xi32, #tpu.memory_space<vmem>> -> memref<128xi32, #tpu.memory_space<vmem>>
    %dma_wait3A_192 = arith.constant 0 : i32
    %dma_wait3A_193 = arith.constant 0 : i32
    %dma_wait3A_194 = tpu.memref_slice %arg11[%dma_wait3A_192, %dma_wait3A_193] : memref<5120x16xf32, #tpu.memory_space<vmem_shared>> -> memref<5120x16xf32, #tpu.memory_space<vmem_shared>>
    tpu.wait_indirect_dma semaphore(%arg12 : memref<!tpu.dma_semaphore, #tpu.memory_space<semaphore_mem>>) src(%arg7 : memref<128x16xf32, #tpu.memory_space<vmem>>) dst(%dma_wait3A_194 : memref<5120x16xf32, #tpu.memory_space<vmem_shared>>)
    %dma_wait3A_195 = arith.constant 0 : i32
    %dma_wait3A_196 = arith.constant 0 : i32
    %dma_wait3A_197 = tpu.memref_slice %arg6[%dma_wait3A_195, %dma_wait3A_196] : memref<80x128xi32, #tpu.memory_space<vmem>> -> memref<1x128xi32, #tpu.memory_space<vmem>>
    %dma_wait3A_198 = tpu.memref_squeeze %dma_wait3A_197 : memref<1x128xi32, #tpu.memory_space<vmem>> -> memref<128xi32, #tpu.memory_space<vmem>>
    %dma_wait3A_199 = arith.constant 0 : i32
    %dma_wait3A_200 = arith.constant 0 : i32
    %dma_wait3A_201 = tpu.memref_slice %arg11[%dma_wait3A_199, %dma_wait3A_200] : memref<5120x16xf32, #tpu.memory_space<vmem_shared>> -> memref<5120x16xf32, #tpu.memory_space<vmem_shared>>
    tpu.wait_indirect_dma semaphore(%arg12 : memref<!tpu.dma_semaphore, #tpu.memory_space<semaphore_mem>>) src(%arg7 : memref<128x16xf32, #tpu.memory_space<vmem>>) dst(%dma_wait3A_201 : memref<5120x16xf32, #tpu.memory_space<vmem_shared>>)
    %dma_wait3A_202 = arith.constant 0 : i32
    %dma_wait3A_203 = arith.constant 0 : i32
    %dma_wait3A_204 = tpu.memref_slice %arg6[%dma_wait3A_202, %dma_wait3A_203] : memref<80x128xi32, #tpu.memory_space<vmem>> -> memref<1x128xi32, #tpu.memory_space<vmem>>
    %dma_wait3A_205 = tpu.memref_squeeze %dma_wait3A_204 : memref<1x128xi32, #tpu.memory_space<vmem>> -> memref<128xi32, #tpu.memory_space<vmem>>
    %dma_wait3A_206 = arith.constant 0 : i32
    %dma_wait3A_207 = arith.constant 0 : i32
    %dma_wait3A_208 = tpu.memref_slice %arg11[%dma_wait3A_206, %dma_wait3A_207] : memref<5120x16xf32, #tpu.memory_space<vmem_shared>> -> memref<5120x16xf32, #tpu.memory_space<vmem_shared>>
    tpu.wait_indirect_dma semaphore(%arg12 : memref<!tpu.dma_semaphore, #tpu.memory_space<semaphore_mem>>) src(%arg7 : memref<128x16xf32, #tpu.memory_space<vmem>>) dst(%dma_wait3A_208 : memref<5120x16xf32, #tpu.memory_space<vmem_shared>>)
    %dma_wait3A_209 = arith.constant 0 : i32
    %dma_wait3A_210 = arith.constant 0 : i32
    %dma_wait3A_211 = tpu.memref_slice %arg6[%dma_wait3A_209, %dma_wait3A_210] : memref<80x128xi32, #tpu.memory_space<vmem>> -> memref<1x128xi32, #tpu.memory_space<vmem>>
    %dma_wait3A_212 = tpu.memref_squeeze %dma_wait3A_211 : memref<1x128xi32, #tpu.memory_space<vmem>> -> memref<128xi32, #tpu.memory_space<vmem>>
    %dma_wait3A_213 = arith.constant 0 : i32
    %dma_wait3A_214 = arith.constant 0 : i32
    %dma_wait3A_215 = tpu.memref_slice %arg11[%dma_wait3A_213, %dma_wait3A_214] : memref<5120x16xf32, #tpu.memory_space<vmem_shared>> -> memref<5120x16xf32, #tpu.memory_space<vmem_shared>>
    tpu.wait_indirect_dma semaphore(%arg12 : memref<!tpu.dma_semaphore, #tpu.memory_space<semaphore_mem>>) src(%arg7 : memref<128x16xf32, #tpu.memory_space<vmem>>) dst(%dma_wait3A_215 : memref<5120x16xf32, #tpu.memory_space<vmem_shared>>)
    %dma_wait3A_216 = arith.constant 0 : i32
    %dma_wait3A_217 = arith.constant 0 : i32
    %dma_wait3A_218 = tpu.memref_slice %arg6[%dma_wait3A_216, %dma_wait3A_217] : memref<80x128xi32, #tpu.memory_space<vmem>> -> memref<1x128xi32, #tpu.memory_space<vmem>>
    %dma_wait3A_219 = tpu.memref_squeeze %dma_wait3A_218 : memref<1x128xi32, #tpu.memory_space<vmem>> -> memref<128xi32, #tpu.memory_space<vmem>>
    %dma_wait3A_220 = arith.constant 0 : i32
    %dma_wait3A_221 = arith.constant 0 : i32
    %dma_wait3A_222 = tpu.memref_slice %arg11[%dma_wait3A_220, %dma_wait3A_221] : memref<5120x16xf32, #tpu.memory_space<vmem_shared>> -> memref<5120x16xf32, #tpu.memory_space<vmem_shared>>
    tpu.wait_indirect_dma semaphore(%arg12 : memref<!tpu.dma_semaphore, #tpu.memory_space<semaphore_mem>>) src(%arg7 : memref<128x16xf32, #tpu.memory_space<vmem>>) dst(%dma_wait3A_222 : memref<5120x16xf32, #tpu.memory_space<vmem_shared>>)
    %dma_wait3A_223 = arith.constant 0 : i32
    %dma_wait3A_224 = arith.constant 0 : i32
    %dma_wait3A_225 = tpu.memref_slice %arg6[%dma_wait3A_223, %dma_wait3A_224] : memref<80x128xi32, #tpu.memory_space<vmem>> -> memref<1x128xi32, #tpu.memory_space<vmem>>
    %dma_wait3A_226 = tpu.memref_squeeze %dma_wait3A_225 : memref<1x128xi32, #tpu.memory_space<vmem>> -> memref<128xi32, #tpu.memory_space<vmem>>
    %dma_wait3A_227 = arith.constant 0 : i32
    %dma_wait3A_228 = arith.constant 0 : i32
    %dma_wait3A_229 = tpu.memref_slice %arg11[%dma_wait3A_227, %dma_wait3A_228] : memref<5120x16xf32, #tpu.memory_space<vmem_shared>> -> memref<5120x16xf32, #tpu.memory_space<vmem_shared>>
    tpu.wait_indirect_dma semaphore(%arg12 : memref<!tpu.dma_semaphore, #tpu.memory_space<semaphore_mem>>) src(%arg7 : memref<128x16xf32, #tpu.memory_space<vmem>>) dst(%dma_wait3A_229 : memref<5120x16xf32, #tpu.memory_space<vmem_shared>>)
    %dma_wait3A_230 = arith.constant 0 : i32
    %dma_wait3A_231 = arith.constant 0 : i32
    %dma_wait3A_232 = tpu.memref_slice %arg6[%dma_wait3A_230, %dma_wait3A_231] : memref<80x128xi32, #tpu.memory_space<vmem>> -> memref<1x128xi32, #tpu.memory_space<vmem>>
    %dma_wait3A_233 = tpu.memref_squeeze %dma_wait3A_232 : memref<1x128xi32, #tpu.memory_space<vmem>> -> memref<128xi32, #tpu.memory_space<vmem>>
    %dma_wait3A_234 = arith.constant 0 : i32
    %dma_wait3A_235 = arith.constant 0 : i32
    %dma_wait3A_236 = tpu.memref_slice %arg11[%dma_wait3A_234, %dma_wait3A_235] : memref<5120x16xf32, #tpu.memory_space<vmem_shared>> -> memref<5120x16xf32, #tpu.memory_space<vmem_shared>>
    tpu.wait_indirect_dma semaphore(%arg12 : memref<!tpu.dma_semaphore, #tpu.memory_space<semaphore_mem>>) src(%arg7 : memref<128x16xf32, #tpu.memory_space<vmem>>) dst(%dma_wait3A_236 : memref<5120x16xf32, #tpu.memory_space<vmem_shared>>)
    %dma_wait3A_237 = arith.constant 0 : i32
    %dma_wait3A_238 = arith.constant 0 : i32
    %dma_wait3A_239 = tpu.memref_slice %arg6[%dma_wait3A_237, %dma_wait3A_238] : memref<80x128xi32, #tpu.memory_space<vmem>> -> memref<1x128xi32, #tpu.memory_space<vmem>>
    %dma_wait3A_240 = tpu.memref_squeeze %dma_wait3A_239 : memref<1x128xi32, #tpu.memory_space<vmem>> -> memref<128xi32, #tpu.memory_space<vmem>>
    %dma_wait3A_241 = arith.constant 0 : i32
    %dma_wait3A_242 = arith.constant 0 : i32
    %dma_wait3A_243 = tpu.memref_slice %arg11[%dma_wait3A_241, %dma_wait3A_242] : memref<5120x16xf32, #tpu.memory_space<vmem_shared>> -> memref<5120x16xf32, #tpu.memory_space<vmem_shared>>
    tpu.wait_indirect_dma semaphore(%arg12 : memref<!tpu.dma_semaphore, #tpu.memory_space<semaphore_mem>>) src(%arg7 : memref<128x16xf32, #tpu.memory_space<vmem>>) dst(%dma_wait3A_243 : memref<5120x16xf32, #tpu.memory_space<vmem_shared>>)
    %barrier3A_244 = arith.constant 0 : index
    tpu.barrier barrier_id(%barrier3A_244)
    %eq3A = arith.constant 0 : i32
    %eq3A_245 = arith.cmpi eq, %arg0, %eq3A : i32
    %convert_element_type3A = arith.extui %eq3A_245 : i1 to i32
    %cond3A = arith.constant 0 : i32
    %cond3A_246 = arith.cmpi ne, %convert_element_type3A, %cond3A : i32
    scf.if %cond3A_246 {
      %run_scoped3A_262 = arith.constant 0 : i32
      "tpu.region"() ({
        %run_scoped3A_263 = tpu.sem_alloc : memref<!tpu.dma_semaphore, #tpu.memory_space<semaphore_mem>>
        %dma_start3A = arith.constant 0 : i32
        %dma_start3A_264 = tpu.memref_slice %arg4[%run_scoped3A_262, %mul3A_9, %dma_start3A] : memref<2x20480x128xf32, #tpu.memory_space<hbm>> -> memref<1x1280x16xf32, #tpu.memory_space<hbm>>
        %dma_start3A_265 = tpu.memref_squeeze %dma_start3A_264 : memref<1x1280x16xf32, #tpu.memory_space<hbm>> -> memref<1280x16xf32, #tpu.memory_space<hbm>>
        %dma_start3A_266 = arith.constant 0 : i32
        %dma_start3A_267 = tpu.memref_slice %arg9[%mul3A_9, %dma_start3A_266] : memref<20480x16xf32, #tpu.memory_space<vmem_shared>> -> memref<1280x16xf32, #tpu.memory_space<vmem_shared>>
        tpu.enqueue_dma source(%dma_start3A_267 : memref<1280x16xf32, #tpu.memory_space<vmem_shared>>) target(%dma_start3A_265 : memref<1280x16xf32, #tpu.memory_space<hbm>>) target_semaphore(%run_scoped3A_263 : memref<!tpu.dma_semaphore, #tpu.memory_space<semaphore_mem>>)
        %dma_wait3A_268 = arith.constant 0 : i32
        %dma_wait3A_269 = tpu.memref_slice %arg4[%run_scoped3A_262, %mul3A_9, %dma_wait3A_268] : memref<2x20480x128xf32, #tpu.memory_space<hbm>> -> memref<1x1280x16xf32, #tpu.memory_space<hbm>>
        %dma_wait3A_270 = tpu.memref_squeeze %dma_wait3A_269 : memref<1x1280x16xf32, #tpu.memory_space<hbm>> -> memref<1280x16xf32, #tpu.memory_space<hbm>>
        %dma_wait3A_271 = arith.constant 0 : i32
        %dma_wait3A_272 = tpu.memref_slice %arg9[%mul3A_9, %dma_wait3A_271] : memref<20480x16xf32, #tpu.memory_space<vmem_shared>> -> memref<1280x16xf32, #tpu.memory_space<vmem_shared>>
        tpu.wait_dma2 semaphore(%run_scoped3A_263 : memref<!tpu.dma_semaphore, #tpu.memory_space<semaphore_mem>>) src(%dma_wait3A_272 : memref<1280x16xf32, #tpu.memory_space<vmem_shared>>) dst(%dma_wait3A_270 : memref<1280x16xf32, #tpu.memory_space<hbm>>)
        tpu.yield
      }) : () -> ()
    } else {
    }
    %eq3A_247 = arith.constant 1 : i32
    %eq3A_248 = arith.cmpi eq, %arg0, %eq3A_247 : i32
    %convert_element_type3A_249 = arith.extui %eq3A_248 : i1 to i32
    %cond3A_250 = arith.constant 0 : i32
    %cond3A_251 = arith.cmpi ne, %convert_element_type3A_249, %cond3A_250 : i32
    scf.if %cond3A_251 {
      %run_scoped3A_262 = arith.constant 0 : i32
      "tpu.region"() ({
        %run_scoped3A_263 = tpu.sem_alloc : memref<!tpu.dma_semaphore, #tpu.memory_space<semaphore_mem>>
        %dma_start3A = arith.constant 16 : i32
        %dma_start3A_264 = tpu.memref_slice %arg4[%run_scoped3A_262, %mul3A_9, %dma_start3A] : memref<2x20480x128xf32, #tpu.memory_space<hbm>> -> memref<1x1280x16xf32, #tpu.memory_space<hbm>>
        %dma_start3A_265 = tpu.memref_squeeze %dma_start3A_264 : memref<1x1280x16xf32, #tpu.memory_space<hbm>> -> memref<1280x16xf32, #tpu.memory_space<hbm>>
        %dma_start3A_266 = arith.constant 0 : i32
        %dma_start3A_267 = tpu.memref_slice %arg9[%mul3A_9, %dma_start3A_266] : memref<20480x16xf32, #tpu.memory_space<vmem_shared>> -> memref<1280x16xf32, #tpu.memory_space<vmem_shared>>
        tpu.enqueue_dma source(%dma_start3A_267 : memref<1280x16xf32, #tpu.memory_space<vmem_shared>>) target(%dma_start3A_265 : memref<1280x16xf32, #tpu.memory_space<hbm>>) target_semaphore(%run_scoped3A_263 : memref<!tpu.dma_semaphore, #tpu.memory_space<semaphore_mem>>)
        %dma_wait3A_268 = arith.constant 16 : i32
        %dma_wait3A_269 = tpu.memref_slice %arg4[%run_scoped3A_262, %mul3A_9, %dma_wait3A_268] : memref<2x20480x128xf32, #tpu.memory_space<hbm>> -> memref<1x1280x16xf32, #tpu.memory_space<hbm>>
        %dma_wait3A_270 = tpu.memref_squeeze %dma_wait3A_269 : memref<1x1280x16xf32, #tpu.memory_space<hbm>> -> memref<1280x16xf32, #tpu.memory_space<hbm>>
        %dma_wait3A_271 = arith.constant 0 : i32
        %dma_wait3A_272 = tpu.memref_slice %arg9[%mul3A_9, %dma_wait3A_271] : memref<20480x16xf32, #tpu.memory_space<vmem_shared>> -> memref<1280x16xf32, #tpu.memory_space<vmem_shared>>
        tpu.wait_dma2 semaphore(%run_scoped3A_263 : memref<!tpu.dma_semaphore, #tpu.memory_space<semaphore_mem>>) src(%dma_wait3A_272 : memref<1280x16xf32, #tpu.memory_space<vmem_shared>>) dst(%dma_wait3A_270 : memref<1280x16xf32, #tpu.memory_space<hbm>>)
        tpu.yield
      }) : () -> ()
    } else {
    }
    %eq3A_252 = arith.constant 0 : i32
    %eq3A_253 = arith.cmpi eq, %arg0, %eq3A_252 : i32
    %convert_element_type3A_254 = arith.extui %eq3A_253 : i1 to i32
    %cond3A_255 = arith.constant 0 : i32
    %cond3A_256 = arith.cmpi ne, %convert_element_type3A_254, %cond3A_255 : i32
    scf.if %cond3A_256 {
      %run_scoped3A_262 = arith.constant 1 : i32
      "tpu.region"() ({
        %run_scoped3A_263 = tpu.sem_alloc : memref<!tpu.dma_semaphore, #tpu.memory_space<semaphore_mem>>
        %dma_start3A = arith.constant 0 : i32
        %dma_start3A_264 = tpu.memref_slice %arg4[%run_scoped3A_262, %mul3A_9, %dma_start3A] : memref<2x20480x128xf32, #tpu.memory_space<hbm>> -> memref<1x1280x16xf32, #tpu.memory_space<hbm>>
        %dma_start3A_265 = tpu.memref_squeeze %dma_start3A_264 : memref<1x1280x16xf32, #tpu.memory_space<hbm>> -> memref<1280x16xf32, #tpu.memory_space<hbm>>
        %dma_start3A_266 = arith.constant 0 : i32
        %dma_start3A_267 = tpu.memref_slice %arg10[%mul3A_9, %dma_start3A_266] : memref<20480x16xf32, #tpu.memory_space<vmem_shared>> -> memref<1280x16xf32, #tpu.memory_space<vmem_shared>>
        tpu.enqueue_dma source(%dma_start3A_267 : memref<1280x16xf32, #tpu.memory_space<vmem_shared>>) target(%dma_start3A_265 : memref<1280x16xf32, #tpu.memory_space<hbm>>) target_semaphore(%run_scoped3A_263 : memref<!tpu.dma_semaphore, #tpu.memory_space<semaphore_mem>>)
        %dma_wait3A_268 = arith.constant 0 : i32
        %dma_wait3A_269 = tpu.memref_slice %arg4[%run_scoped3A_262, %mul3A_9, %dma_wait3A_268] : memref<2x20480x128xf32, #tpu.memory_space<hbm>> -> memref<1x1280x16xf32, #tpu.memory_space<hbm>>
        %dma_wait3A_270 = tpu.memref_squeeze %dma_wait3A_269 : memref<1x1280x16xf32, #tpu.memory_space<hbm>> -> memref<1280x16xf32, #tpu.memory_space<hbm>>
        %dma_wait3A_271 = arith.constant 0 : i32
        %dma_wait3A_272 = tpu.memref_slice %arg10[%mul3A_9, %dma_wait3A_271] : memref<20480x16xf32, #tpu.memory_space<vmem_shared>> -> memref<1280x16xf32, #tpu.memory_space<vmem_shared>>
        tpu.wait_dma2 semaphore(%run_scoped3A_263 : memref<!tpu.dma_semaphore, #tpu.memory_space<semaphore_mem>>) src(%dma_wait3A_272 : memref<1280x16xf32, #tpu.memory_space<vmem_shared>>) dst(%dma_wait3A_270 : memref<1280x16xf32, #tpu.memory_space<hbm>>)
        tpu.yield
      }) : () -> ()
    } else {
    }
    %eq3A_257 = arith.constant 1 : i32
    %eq3A_258 = arith.cmpi eq, %arg0, %eq3A_257 : i32
    %convert_element_type3A_259 = arith.extui %eq3A_258 : i1 to i32
    %cond3A_260 = arith.constant 0 : i32
    %cond3A_261 = arith.cmpi ne, %convert_element_type3A_259, %cond3A_260 : i32
    scf.if %cond3A_261 {
      %run_scoped3A_262 = arith.constant 1 : i32
      "tpu.region"() ({
        %run_scoped3A_263 = tpu.sem_alloc : memref<!tpu.dma_semaphore, #tpu.memory_space<semaphore_mem>>
        %dma_start3A = arith.constant 16 : i32
        %dma_start3A_264 = tpu.memref_slice %arg4[%run_scoped3A_262, %mul3A_9, %dma_start3A] : memref<2x20480x128xf32, #tpu.memory_space<hbm>> -> memref<1x1280x16xf32, #tpu.memory_space<hbm>>
        %dma_start3A_265 = tpu.memref_squeeze %dma_start3A_264 : memref<1x1280x16xf32, #tpu.memory_space<hbm>> -> memref<1280x16xf32, #tpu.memory_space<hbm>>
        %dma_start3A_266 = arith.constant 0 : i32
        %dma_start3A_267 = tpu.memref_slice %arg10[%mul3A_9, %dma_start3A_266] : memref<20480x16xf32, #tpu.memory_space<vmem_shared>> -> memref<1280x16xf32, #tpu.memory_space<vmem_shared>>
        tpu.enqueue_dma source(%dma_start3A_267 : memref<1280x16xf32, #tpu.memory_space<vmem_shared>>) target(%dma_start3A_265 : memref<1280x16xf32, #tpu.memory_space<hbm>>) target_semaphore(%run_scoped3A_263 : memref<!tpu.dma_semaphore, #tpu.memory_space<semaphore_mem>>)
        %dma_wait3A_268 = arith.constant 16 : i32
        %dma_wait3A_269 = tpu.memref_slice %arg4[%run_scoped3A_262, %mul3A_9, %dma_wait3A_268] : memref<2x20480x128xf32, #tpu.memory_space<hbm>> -> memref<1x1280x16xf32, #tpu.memory_space<hbm>>
        %dma_wait3A_270 = tpu.memref_squeeze %dma_wait3A_269 : memref<1x1280x16xf32, #tpu.memory_space<hbm>> -> memref<1280x16xf32, #tpu.memory_space<hbm>>
        %dma_wait3A_271 = arith.constant 0 : i32
        %dma_wait3A_272 = tpu.memref_slice %arg10[%mul3A_9, %dma_wait3A_271] : memref<20480x16xf32, #tpu.memory_space<vmem_shared>> -> memref<1280x16xf32, #tpu.memory_space<vmem_shared>>
        tpu.wait_dma2 semaphore(%run_scoped3A_263 : memref<!tpu.dma_semaphore, #tpu.memory_space<semaphore_mem>>) src(%dma_wait3A_272 : memref<1280x16xf32, #tpu.memory_space<vmem_shared>>) dst(%dma_wait3A_270 : memref<1280x16xf32, #tpu.memory_space<hbm>>)
        tpu.yield
      }) : () -> ()
    } else {
    }
    "tpu.region"() ({
      %run_scoped3A_262 = tpu.sem_alloc : memref<!tpu.dma_semaphore, #tpu.memory_space<semaphore_mem>>
      %dma_start3A = arith.constant 0 : i32
      %dma_start3A_263 = tpu.memref_slice %arg5[%arg0, %mul3A_11, %dma_start3A] : memref<2x5120x128xf32, #tpu.memory_space<hbm>> -> memref<1x320x16xf32, #tpu.memory_space<hbm>>
      %dma_start3A_264 = tpu.memref_squeeze %dma_start3A_263 : memref<1x320x16xf32, #tpu.memory_space<hbm>> -> memref<320x16xf32, #tpu.memory_space<hbm>>
      %dma_start3A_265 = arith.constant 0 : i32
      %dma_start3A_266 = tpu.memref_slice %arg11[%mul3A_11, %dma_start3A_265] : memref<5120x16xf32, #tpu.memory_space<vmem_shared>> -> memref<320x16xf32, #tpu.memory_space<vmem_shared>>
      tpu.enqueue_dma source(%dma_start3A_266 : memref<320x16xf32, #tpu.memory_space<vmem_shared>>) target(%dma_start3A_264 : memref<320x16xf32, #tpu.memory_space<hbm>>) target_semaphore(%run_scoped3A_262 : memref<!tpu.dma_semaphore, #tpu.memory_space<semaphore_mem>>)
      %dma_wait3A_267 = arith.constant 0 : i32
      %dma_wait3A_268 = tpu.memref_slice %arg5[%arg0, %mul3A_11, %dma_wait3A_267] : memref<2x5120x128xf32, #tpu.memory_space<hbm>> -> memref<1x320x16xf32, #tpu.memory_space<hbm>>
      %dma_wait3A_269 = tpu.memref_squeeze %dma_wait3A_268 : memref<1x320x16xf32, #tpu.memory_space<hbm>> -> memref<320x16xf32, #tpu.memory_space<hbm>>
      %dma_wait3A_270 = arith.constant 0 : i32
      %dma_wait3A_271 = tpu.memref_slice %arg11[%mul3A_11, %dma_wait3A_270] : memref<5120x16xf32, #tpu.memory_space<vmem_shared>> -> memref<320x16xf32, #tpu.memory_space<vmem_shared>>
      tpu.wait_dma2 semaphore(%run_scoped3A_262 : memref<!tpu.dma_semaphore, #tpu.memory_space<semaphore_mem>>) src(%dma_wait3A_271 : memref<320x16xf32, #tpu.memory_space<vmem_shared>>) dst(%dma_wait3A_269 : memref<320x16xf32, #tpu.memory_space<hbm>>)
      tpu.yield
    }) : () -> ()
    return
  }
}

#map = affine_map<(d0, d1) -> (0, 0)>
#map1 = affine_map<(d0, d1) -> (0, 0, 0, 0, 0)>
#map2 = affine_map<(d0, d1) -> (0, 0, 0, 0)>
module attributes {stable_mosaic.version = 14 : i64} {
  func.func @_sc_layer0_body(%arg0: i32, %arg1: i32, %arg2: memref<50000x128xbf16, #tpu.memory_space<hbm>>, %arg3: memref<2x2x16x80x128xi32, #tpu.memory_space<hbm>>, %arg4: memref<2x2x16x80x128xi32, #tpu.memory_space<hbm>>, %arg5: memref<2x2x20480x128xbf16, #tpu.memory_space<hbm>>, %arg6: memref<40x128xi32, #tpu.memory_space<vmem>>, %arg7: memref<40x128xi32, #tpu.memory_space<vmem>>, %arg8: memref<128x128xbf16, #tpu.memory_space<vmem>>, %arg9: memref<128x128xbf16, #tpu.memory_space<vmem>>, %arg10: memref<128x128xbf16, #tpu.memory_space<vmem>>, %arg11: memref<128x128xbf16, #tpu.memory_space<vmem>>, %arg12: memref<20480x128xbf16, #tpu.memory_space<vmem_shared>>, %arg13: memref<!tpu.dma_semaphore, #tpu.memory_space<semaphore_mem>>, %arg14: memref<!tpu.dma_semaphore, #tpu.memory_space<semaphore_mem>>, %arg15: memref<!tpu.dma_semaphore, #tpu.memory_space<semaphore_mem>>, %arg16: memref<!tpu.dma_semaphore, #tpu.memory_space<semaphore_mem>>, %arg17: memref<!tpu.dma_semaphore, #tpu.memory_space<semaphore_mem>>, %arg18: memref<!tpu.dma_semaphore, #tpu.memory_space<semaphore_mem>>, %arg19: memref<!tpu.dma_semaphore, #tpu.memory_space<semaphore_mem>>, %arg20: memref<!tpu.dma_semaphore, #tpu.memory_space<semaphore_mem>>) attributes {dimension_semantics = [#tpu.dimension_semantics<core_parallel>, #tpu.dimension_semantics<subcore_parallel>], iteration_bounds = array<i64: 2, 16>, scalar_prefetch = 0 : i64, scratch_operands = 15 : i64, tpu.core_type = #tpu.core_type<sc_vector_subcore>, window_params = [{transform_indices = #map}, {transform_indices = #map1}, {transform_indices = #map1}, {transform_indices = #map2}]} {
    %broadcast_in_dim3A = arith.constant 0.000000e+00 : bf16
    %broadcast_in_dim3A_0 = vector.broadcast %broadcast_in_dim3A : bf16 to vector<32xbf16>
    %mul3A = arith.constant 1280 : i32
    %mul3A_1 = arith.muli %arg1, %mul3A : i32
    %scan3A = arith.constant 0 : i32
    %scan3A_2 = arith.constant 0 : i32
    %scan3A_3 = arith.constant 512 : i32
    %scan3A_4 = arith.addi %scan3A_2, %scan3A_3 : i32
    %scan3A_5 = arith.constant 1 : i32
    %scan3A_6 = scf.for %scan3A_331 = %scan3A_2 to %scan3A_4 step %scan3A_5 iter_args(%scan3A_332 = %scan3A) -> (i32)  : i32 {
      %jit3A = arith.constant 4 : i32
      %div3A = arith.divsi %scan3A_331, %jit3A : i32
      %sign3A = arith.constant 0 : i32
      %sign3A_333 = arith.cmpi sgt, %scan3A_331, %sign3A : i32
      %sign3A_334 = arith.extui %sign3A_333 : i1 to i32
      %sign3A_335 = arith.constant 0 : i32
      %sign3A_336 = arith.cmpi slt, %scan3A_331, %sign3A_335 : i32
      %sign3A_337 = arith.extui %sign3A_336 : i1 to i32
      %sign3A_338 = arith.subi %sign3A_334, %sign3A_337 : i32
      %sign3A_339 = arith.constant 0 : i32
      %sign3A_340 = arith.cmpi sgt, %jit3A, %sign3A_339 : i32
      %sign3A_341 = arith.extui %sign3A_340 : i1 to i32
      %sign3A_342 = arith.constant 0 : i32
      %sign3A_343 = arith.cmpi slt, %jit3A, %sign3A_342 : i32
      %sign3A_344 = arith.extui %sign3A_343 : i1 to i32
      %sign3A_345 = arith.subi %sign3A_341, %sign3A_344 : i32
      %ne3A = arith.cmpi ne, %sign3A_338, %sign3A_345 : i32
      %rem3A = arith.remsi %scan3A_331, %jit3A : i32
      %ne3A_346 = arith.constant 0 : i32
      %ne3A_347 = arith.cmpi ne, %rem3A, %ne3A_346 : i32
      %and3A = arith.andi %ne3A, %ne3A_347 : i1
      %sub3A = arith.constant 1 : i32
      %sub3A_348 = arith.subi %div3A, %sub3A : i32
      %select_n3A = arith.select %and3A, %sub3A_348, %div3A : i32
      %jit3A_349 = arith.constant 4 : i32
      %eq3A_350 = arith.constant 0 : i32
      %eq3A_351 = arith.cmpi eq, %jit3A_349, %eq3A_350 : i32
      %jit3A_352 = arith.constant 1 : i32
      %select_n3A_353 = arith.select %eq3A_351, %jit3A_352, %jit3A_349 : i32
      %rem3A_354 = arith.remsi %scan3A_331, %select_n3A_353 : i32
      %ne3A_355 = arith.constant 0 : i32
      %ne3A_356 = arith.cmpi ne, %rem3A_354, %ne3A_355 : i32
      %lt3A = arith.constant 0 : i32
      %lt3A_357 = arith.cmpi slt, %rem3A_354, %lt3A : i32
      %lt3A_358 = arith.constant 0 : i32
      %lt3A_359 = arith.cmpi slt, %select_n3A_353, %lt3A_358 : i32
      %ne3A_360 = arith.xori %lt3A_357, %lt3A_359 : i1
      %and3A_361 = arith.andi %ne3A_360, %ne3A_356 : i1
      %add3A_362 = arith.addi %rem3A_354, %select_n3A_353 : i32
      %select_n3A_363 = arith.select %and3A_361, %add3A_362, %rem3A_354 : i32
      %mul3A_364 = arith.constant 2 : i32
      %mul3A_365 = arith.muli %select_n3A_363, %mul3A_364 : i32
      %mul3A_366 = arith.constant 16 : i32
      %mul3A_367 = arith.muli %mul3A_365, %mul3A_366 : i32
      %swap3A = arith.index_cast %select_n3A : i32 to index
      %swap3A_368 = arith.index_cast %mul3A_367 : i32 to index
      %swap3A_369 = tpu.vector_load %arg8[%swap3A, %swap3A_368] {strides = array<i32>} : memref<128x128xbf16, #tpu.memory_space<vmem>>, vector<1x32xbf16>,
      %swap3A_370 = vector.shape_cast %swap3A_369 : vector<1x32xbf16> to vector<32xbf16>
      %swap3A_371 = vector.shape_cast %broadcast_in_dim3A_0 : vector<32xbf16> to vector<1x32xbf16>
      tpu.vector_store %arg8[%swap3A, %swap3A_368], %swap3A_371 {strides = array<i32>} : memref<128x128xbf16, #tpu.memory_space<vmem>>, vector<1x32xbf16>,
      %scan3A_372 = arith.constant 0 : i32
      scf.yield %scan3A_372 : i32
    }
    %scan3A_7 = arith.constant 512 : i32
    %add3A = arith.constant 0 : i32
    %add3A_8 = arith.addi %mul3A_1, %add3A : i32
    "tpu.region"() ({
      %run_scoped3A_331 = tpu.sem_alloc : memref<!tpu.dma_semaphore, #tpu.memory_space<semaphore_mem>>
      %dma_start3A_332 = arith.constant 0 : i32
      %dma_start3A_333 = tpu.memref_slice %arg12[%add3A_8, %dma_start3A_332] : memref<20480x128xbf16, #tpu.memory_space<vmem_shared>> -> memref<128x128xbf16, #tpu.memory_space<vmem_shared>>
      %dma_start3A_334 = arith.constant 0 : i32
      %dma_start3A_335 = tpu.memref_slice %arg12[%add3A_8, %dma_start3A_334] : memref<20480x128xbf16, #tpu.memory_space<vmem_shared>> -> memref<128x128xbf16, #tpu.memory_space<vmem_shared>>
      tpu.enqueue_dma source(%arg8 : memref<128x128xbf16, #tpu.memory_space<vmem>>) target(%dma_start3A_335 : memref<128x128xbf16, #tpu.memory_space<vmem_shared>>) target_semaphore(%run_scoped3A_331 : memref<!tpu.dma_semaphore, #tpu.memory_space<semaphore_mem>>)
      %dma_wait3A_336 = arith.constant 0 : i32
      %dma_wait3A_337 = tpu.memref_slice %arg12[%add3A_8, %dma_wait3A_336] : memref<20480x128xbf16, #tpu.memory_space<vmem_shared>> -> memref<128x128xbf16, #tpu.memory_space<vmem_shared>>
      %dma_wait3A_338 = arith.constant 0 : i32
      %dma_wait3A_339 = tpu.memref_slice %arg12[%add3A_8, %dma_wait3A_338] : memref<20480x128xbf16, #tpu.memory_space<vmem_shared>> -> memref<128x128xbf16, #tpu.memory_space<vmem_shared>>
      tpu.wait_dma2 semaphore(%run_scoped3A_331 : memref<!tpu.dma_semaphore, #tpu.memory_space<semaphore_mem>>) src(%arg8 : memref<128x128xbf16, #tpu.memory_space<vmem>>) dst(%dma_wait3A_339 : memref<128x128xbf16, #tpu.memory_space<vmem_shared>>)
      tpu.yield
    }) : () -> ()
    %add3A_9 = arith.constant 128 : i32
    %add3A_10 = arith.addi %mul3A_1, %add3A_9 : i32
    "tpu.region"() ({
      %run_scoped3A_331 = tpu.sem_alloc : memref<!tpu.dma_semaphore, #tpu.memory_space<semaphore_mem>>
      %dma_start3A_332 = arith.constant 0 : i32
      %dma_start3A_333 = tpu.memref_slice %arg12[%add3A_10, %dma_start3A_332] : memref<20480x128xbf16, #tpu.memory_space<vmem_shared>> -> memref<128x128xbf16, #tpu.memory_space<vmem_shared>>
      %dma_start3A_334 = arith.constant 0 : i32
      %dma_start3A_335 = tpu.memref_slice %arg12[%add3A_10, %dma_start3A_334] : memref<20480x128xbf16, #tpu.memory_space<vmem_shared>> -> memref<128x128xbf16, #tpu.memory_space<vmem_shared>>
      tpu.enqueue_dma source(%arg8 : memref<128x128xbf16, #tpu.memory_space<vmem>>) target(%dma_start3A_335 : memref<128x128xbf16, #tpu.memory_space<vmem_shared>>) target_semaphore(%run_scoped3A_331 : memref<!tpu.dma_semaphore, #tpu.memory_space<semaphore_mem>>)
      %dma_wait3A_336 = arith.constant 0 : i32
      %dma_wait3A_337 = tpu.memref_slice %arg12[%add3A_10, %dma_wait3A_336] : memref<20480x128xbf16, #tpu.memory_space<vmem_shared>> -> memref<128x128xbf16, #tpu.memory_space<vmem_shared>>
      %dma_wait3A_338 = arith.constant 0 : i32
      %dma_wait3A_339 = tpu.memref_slice %arg12[%add3A_10, %dma_wait3A_338] : memref<20480x128xbf16, #tpu.memory_space<vmem_shared>> -> memref<128x128xbf16, #tpu.memory_space<vmem_shared>>
      tpu.wait_dma2 semaphore(%run_scoped3A_331 : memref<!tpu.dma_semaphore, #tpu.memory_space<semaphore_mem>>) src(%arg8 : memref<128x128xbf16, #tpu.memory_space<vmem>>) dst(%dma_wait3A_339 : memref<128x128xbf16, #tpu.memory_space<vmem_shared>>)
      tpu.yield
    }) : () -> ()
    %add3A_11 = arith.constant 256 : i32
    %add3A_12 = arith.addi %mul3A_1, %add3A_11 : i32
    "tpu.region"() ({
      %run_scoped3A_331 = tpu.sem_alloc : memref<!tpu.dma_semaphore, #tpu.memory_space<semaphore_mem>>
      %dma_start3A_332 = arith.constant 0 : i32
      %dma_start3A_333 = tpu.memref_slice %arg12[%add3A_12, %dma_start3A_332] : memref<20480x128xbf16, #tpu.memory_space<vmem_shared>> -> memref<128x128xbf16, #tpu.memory_space<vmem_shared>>
      %dma_start3A_334 = arith.constant 0 : i32
      %dma_start3A_335 = tpu.memref_slice %arg12[%add3A_12, %dma_start3A_334] : memref<20480x128xbf16, #tpu.memory_space<vmem_shared>> -> memref<128x128xbf16, #tpu.memory_space<vmem_shared>>
      tpu.enqueue_dma source(%arg8 : memref<128x128xbf16, #tpu.memory_space<vmem>>) target(%dma_start3A_335 : memref<128x128xbf16, #tpu.memory_space<vmem_shared>>) target_semaphore(%run_scoped3A_331 : memref<!tpu.dma_semaphore, #tpu.memory_space<semaphore_mem>>)
      %dma_wait3A_336 = arith.constant 0 : i32
      %dma_wait3A_337 = tpu.memref_slice %arg12[%add3A_12, %dma_wait3A_336] : memref<20480x128xbf16, #tpu.memory_space<vmem_shared>> -> memref<128x128xbf16, #tpu.memory_space<vmem_shared>>
      %dma_wait3A_338 = arith.constant 0 : i32
      %dma_wait3A_339 = tpu.memref_slice %arg12[%add3A_12, %dma_wait3A_338] : memref<20480x128xbf16, #tpu.memory_space<vmem_shared>> -> memref<128x128xbf16, #tpu.memory_space<vmem_shared>>
      tpu.wait_dma2 semaphore(%run_scoped3A_331 : memref<!tpu.dma_semaphore, #tpu.memory_space<semaphore_mem>>) src(%arg8 : memref<128x128xbf16, #tpu.memory_space<vmem>>) dst(%dma_wait3A_339 : memref<128x128xbf16, #tpu.memory_space<vmem_shared>>)
      tpu.yield
    }) : () -> ()
    %add3A_13 = arith.constant 384 : i32
    %add3A_14 = arith.addi %mul3A_1, %add3A_13 : i32
    "tpu.region"() ({
      %run_scoped3A_331 = tpu.sem_alloc : memref<!tpu.dma_semaphore, #tpu.memory_space<semaphore_mem>>
      %dma_start3A_332 = arith.constant 0 : i32
      %dma_start3A_333 = tpu.memref_slice %arg12[%add3A_14, %dma_start3A_332] : memref<20480x128xbf16, #tpu.memory_space<vmem_shared>> -> memref<128x128xbf16, #tpu.memory_space<vmem_shared>>
      %dma_start3A_334 = arith.constant 0 : i32
      %dma_start3A_335 = tpu.memref_slice %arg12[%add3A_14, %dma_start3A_334] : memref<20480x128xbf16, #tpu.memory_space<vmem_shared>> -> memref<128x128xbf16, #tpu.memory_space<vmem_shared>>
      tpu.enqueue_dma source(%arg8 : memref<128x128xbf16, #tpu.memory_space<vmem>>) target(%dma_start3A_335 : memref<128x128xbf16, #tpu.memory_space<vmem_shared>>) target_semaphore(%run_scoped3A_331 : memref<!tpu.dma_semaphore, #tpu.memory_space<semaphore_mem>>)
      %dma_wait3A_336 = arith.constant 0 : i32
      %dma_wait3A_337 = tpu.memref_slice %arg12[%add3A_14, %dma_wait3A_336] : memref<20480x128xbf16, #tpu.memory_space<vmem_shared>> -> memref<128x128xbf16, #tpu.memory_space<vmem_shared>>
      %dma_wait3A_338 = arith.constant 0 : i32
      %dma_wait3A_339 = tpu.memref_slice %arg12[%add3A_14, %dma_wait3A_338] : memref<20480x128xbf16, #tpu.memory_space<vmem_shared>> -> memref<128x128xbf16, #tpu.memory_space<vmem_shared>>
      tpu.wait_dma2 semaphore(%run_scoped3A_331 : memref<!tpu.dma_semaphore, #tpu.memory_space<semaphore_mem>>) src(%arg8 : memref<128x128xbf16, #tpu.memory_space<vmem>>) dst(%dma_wait3A_339 : memref<128x128xbf16, #tpu.memory_space<vmem_shared>>)
      tpu.yield
    }) : () -> ()
    %add3A_15 = arith.constant 512 : i32
    %add3A_16 = arith.addi %mul3A_1, %add3A_15 : i32
    "tpu.region"() ({
      %run_scoped3A_331 = tpu.sem_alloc : memref<!tpu.dma_semaphore, #tpu.memory_space<semaphore_mem>>
      %dma_start3A_332 = arith.constant 0 : i32
      %dma_start3A_333 = tpu.memref_slice %arg12[%add3A_16, %dma_start3A_332] : memref<20480x128xbf16, #tpu.memory_space<vmem_shared>> -> memref<128x128xbf16, #tpu.memory_space<vmem_shared>>
      %dma_start3A_334 = arith.constant 0 : i32
      %dma_start3A_335 = tpu.memref_slice %arg12[%add3A_16, %dma_start3A_334] : memref<20480x128xbf16, #tpu.memory_space<vmem_shared>> -> memref<128x128xbf16, #tpu.memory_space<vmem_shared>>
      tpu.enqueue_dma source(%arg8 : memref<128x128xbf16, #tpu.memory_space<vmem>>) target(%dma_start3A_335 : memref<128x128xbf16, #tpu.memory_space<vmem_shared>>) target_semaphore(%run_scoped3A_331 : memref<!tpu.dma_semaphore, #tpu.memory_space<semaphore_mem>>)
      %dma_wait3A_336 = arith.constant 0 : i32
      %dma_wait3A_337 = tpu.memref_slice %arg12[%add3A_16, %dma_wait3A_336] : memref<20480x128xbf16, #tpu.memory_space<vmem_shared>> -> memref<128x128xbf16, #tpu.memory_space<vmem_shared>>
      %dma_wait3A_338 = arith.constant 0 : i32
      %dma_wait3A_339 = tpu.memref_slice %arg12[%add3A_16, %dma_wait3A_338] : memref<20480x128xbf16, #tpu.memory_space<vmem_shared>> -> memref<128x128xbf16, #tpu.memory_space<vmem_shared>>
      tpu.wait_dma2 semaphore(%run_scoped3A_331 : memref<!tpu.dma_semaphore, #tpu.memory_space<semaphore_mem>>) src(%arg8 : memref<128x128xbf16, #tpu.memory_space<vmem>>) dst(%dma_wait3A_339 : memref<128x128xbf16, #tpu.memory_space<vmem_shared>>)
      tpu.yield
    }) : () -> ()
    %add3A_17 = arith.constant 640 : i32
    %add3A_18 = arith.addi %mul3A_1, %add3A_17 : i32
    "tpu.region"() ({
      %run_scoped3A_331 = tpu.sem_alloc : memref<!tpu.dma_semaphore, #tpu.memory_space<semaphore_mem>>
      %dma_start3A_332 = arith.constant 0 : i32
      %dma_start3A_333 = tpu.memref_slice %arg12[%add3A_18, %dma_start3A_332] : memref<20480x128xbf16, #tpu.memory_space<vmem_shared>> -> memref<128x128xbf16, #tpu.memory_space<vmem_shared>>
      %dma_start3A_334 = arith.constant 0 : i32
      %dma_start3A_335 = tpu.memref_slice %arg12[%add3A_18, %dma_start3A_334] : memref<20480x128xbf16, #tpu.memory_space<vmem_shared>> -> memref<128x128xbf16, #tpu.memory_space<vmem_shared>>
      tpu.enqueue_dma source(%arg8 : memref<128x128xbf16, #tpu.memory_space<vmem>>) target(%dma_start3A_335 : memref<128x128xbf16, #tpu.memory_space<vmem_shared>>) target_semaphore(%run_scoped3A_331 : memref<!tpu.dma_semaphore, #tpu.memory_space<semaphore_mem>>)
      %dma_wait3A_336 = arith.constant 0 : i32
      %dma_wait3A_337 = tpu.memref_slice %arg12[%add3A_18, %dma_wait3A_336] : memref<20480x128xbf16, #tpu.memory_space<vmem_shared>> -> memref<128x128xbf16, #tpu.memory_space<vmem_shared>>
      %dma_wait3A_338 = arith.constant 0 : i32
      %dma_wait3A_339 = tpu.memref_slice %arg12[%add3A_18, %dma_wait3A_338] : memref<20480x128xbf16, #tpu.memory_space<vmem_shared>> -> memref<128x128xbf16, #tpu.memory_space<vmem_shared>>
      tpu.wait_dma2 semaphore(%run_scoped3A_331 : memref<!tpu.dma_semaphore, #tpu.memory_space<semaphore_mem>>) src(%arg8 : memref<128x128xbf16, #tpu.memory_space<vmem>>) dst(%dma_wait3A_339 : memref<128x128xbf16, #tpu.memory_space<vmem_shared>>)
      tpu.yield
    }) : () -> ()
    %add3A_19 = arith.constant 768 : i32
    %add3A_20 = arith.addi %mul3A_1, %add3A_19 : i32
    "tpu.region"() ({
      %run_scoped3A_331 = tpu.sem_alloc : memref<!tpu.dma_semaphore, #tpu.memory_space<semaphore_mem>>
      %dma_start3A_332 = arith.constant 0 : i32
      %dma_start3A_333 = tpu.memref_slice %arg12[%add3A_20, %dma_start3A_332] : memref<20480x128xbf16, #tpu.memory_space<vmem_shared>> -> memref<128x128xbf16, #tpu.memory_space<vmem_shared>>
      %dma_start3A_334 = arith.constant 0 : i32
      %dma_start3A_335 = tpu.memref_slice %arg12[%add3A_20, %dma_start3A_334] : memref<20480x128xbf16, #tpu.memory_space<vmem_shared>> -> memref<128x128xbf16, #tpu.memory_space<vmem_shared>>
      tpu.enqueue_dma source(%arg8 : memref<128x128xbf16, #tpu.memory_space<vmem>>) target(%dma_start3A_335 : memref<128x128xbf16, #tpu.memory_space<vmem_shared>>) target_semaphore(%run_scoped3A_331 : memref<!tpu.dma_semaphore, #tpu.memory_space<semaphore_mem>>)
      %dma_wait3A_336 = arith.constant 0 : i32
      %dma_wait3A_337 = tpu.memref_slice %arg12[%add3A_20, %dma_wait3A_336] : memref<20480x128xbf16, #tpu.memory_space<vmem_shared>> -> memref<128x128xbf16, #tpu.memory_space<vmem_shared>>
      %dma_wait3A_338 = arith.constant 0 : i32
      %dma_wait3A_339 = tpu.memref_slice %arg12[%add3A_20, %dma_wait3A_338] : memref<20480x128xbf16, #tpu.memory_space<vmem_shared>> -> memref<128x128xbf16, #tpu.memory_space<vmem_shared>>
      tpu.wait_dma2 semaphore(%run_scoped3A_331 : memref<!tpu.dma_semaphore, #tpu.memory_space<semaphore_mem>>) src(%arg8 : memref<128x128xbf16, #tpu.memory_space<vmem>>) dst(%dma_wait3A_339 : memref<128x128xbf16, #tpu.memory_space<vmem_shared>>)
      tpu.yield
    }) : () -> ()
    %add3A_21 = arith.constant 896 : i32
    %add3A_22 = arith.addi %mul3A_1, %add3A_21 : i32
    "tpu.region"() ({
      %run_scoped3A_331 = tpu.sem_alloc : memref<!tpu.dma_semaphore, #tpu.memory_space<semaphore_mem>>
      %dma_start3A_332 = arith.constant 0 : i32
      %dma_start3A_333 = tpu.memref_slice %arg12[%add3A_22, %dma_start3A_332] : memref<20480x128xbf16, #tpu.memory_space<vmem_shared>> -> memref<128x128xbf16, #tpu.memory_space<vmem_shared>>
      %dma_start3A_334 = arith.constant 0 : i32
      %dma_start3A_335 = tpu.memref_slice %arg12[%add3A_22, %dma_start3A_334] : memref<20480x128xbf16, #tpu.memory_space<vmem_shared>> -> memref<128x128xbf16, #tpu.memory_space<vmem_shared>>
      tpu.enqueue_dma source(%arg8 : memref<128x128xbf16, #tpu.memory_space<vmem>>) target(%dma_start3A_335 : memref<128x128xbf16, #tpu.memory_space<vmem_shared>>) target_semaphore(%run_scoped3A_331 : memref<!tpu.dma_semaphore, #tpu.memory_space<semaphore_mem>>)
      %dma_wait3A_336 = arith.constant 0 : i32
      %dma_wait3A_337 = tpu.memref_slice %arg12[%add3A_22, %dma_wait3A_336] : memref<20480x128xbf16, #tpu.memory_space<vmem_shared>> -> memref<128x128xbf16, #tpu.memory_space<vmem_shared>>
      %dma_wait3A_338 = arith.constant 0 : i32
      %dma_wait3A_339 = tpu.memref_slice %arg12[%add3A_22, %dma_wait3A_338] : memref<20480x128xbf16, #tpu.memory_space<vmem_shared>> -> memref<128x128xbf16, #tpu.memory_space<vmem_shared>>
      tpu.wait_dma2 semaphore(%run_scoped3A_331 : memref<!tpu.dma_semaphore, #tpu.memory_space<semaphore_mem>>) src(%arg8 : memref<128x128xbf16, #tpu.memory_space<vmem>>) dst(%dma_wait3A_339 : memref<128x128xbf16, #tpu.memory_space<vmem_shared>>)
      tpu.yield
    }) : () -> ()
    %add3A_23 = arith.constant 1024 : i32
    %add3A_24 = arith.addi %mul3A_1, %add3A_23 : i32
    "tpu.region"() ({
      %run_scoped3A_331 = tpu.sem_alloc : memref<!tpu.dma_semaphore, #tpu.memory_space<semaphore_mem>>
      %dma_start3A_332 = arith.constant 0 : i32
      %dma_start3A_333 = tpu.memref_slice %arg12[%add3A_24, %dma_start3A_332] : memref<20480x128xbf16, #tpu.memory_space<vmem_shared>> -> memref<128x128xbf16, #tpu.memory_space<vmem_shared>>
      %dma_start3A_334 = arith.constant 0 : i32
      %dma_start3A_335 = tpu.memref_slice %arg12[%add3A_24, %dma_start3A_334] : memref<20480x128xbf16, #tpu.memory_space<vmem_shared>> -> memref<128x128xbf16, #tpu.memory_space<vmem_shared>>
      tpu.enqueue_dma source(%arg8 : memref<128x128xbf16, #tpu.memory_space<vmem>>) target(%dma_start3A_335 : memref<128x128xbf16, #tpu.memory_space<vmem_shared>>) target_semaphore(%run_scoped3A_331 : memref<!tpu.dma_semaphore, #tpu.memory_space<semaphore_mem>>)
      %dma_wait3A_336 = arith.constant 0 : i32
      %dma_wait3A_337 = tpu.memref_slice %arg12[%add3A_24, %dma_wait3A_336] : memref<20480x128xbf16, #tpu.memory_space<vmem_shared>> -> memref<128x128xbf16, #tpu.memory_space<vmem_shared>>
      %dma_wait3A_338 = arith.constant 0 : i32
      %dma_wait3A_339 = tpu.memref_slice %arg12[%add3A_24, %dma_wait3A_338] : memref<20480x128xbf16, #tpu.memory_space<vmem_shared>> -> memref<128x128xbf16, #tpu.memory_space<vmem_shared>>
      tpu.wait_dma2 semaphore(%run_scoped3A_331 : memref<!tpu.dma_semaphore, #tpu.memory_space<semaphore_mem>>) src(%arg8 : memref<128x128xbf16, #tpu.memory_space<vmem>>) dst(%dma_wait3A_339 : memref<128x128xbf16, #tpu.memory_space<vmem_shared>>)
      tpu.yield
    }) : () -> ()
    %add3A_25 = arith.constant 1152 : i32
    %add3A_26 = arith.addi %mul3A_1, %add3A_25 : i32
    "tpu.region"() ({
      %run_scoped3A_331 = tpu.sem_alloc : memref<!tpu.dma_semaphore, #tpu.memory_space<semaphore_mem>>
      %dma_start3A_332 = arith.constant 0 : i32
      %dma_start3A_333 = tpu.memref_slice %arg12[%add3A_26, %dma_start3A_332] : memref<20480x128xbf16, #tpu.memory_space<vmem_shared>> -> memref<128x128xbf16, #tpu.memory_space<vmem_shared>>
      %dma_start3A_334 = arith.constant 0 : i32
      %dma_start3A_335 = tpu.memref_slice %arg12[%add3A_26, %dma_start3A_334] : memref<20480x128xbf16, #tpu.memory_space<vmem_shared>> -> memref<128x128xbf16, #tpu.memory_space<vmem_shared>>
      tpu.enqueue_dma source(%arg8 : memref<128x128xbf16, #tpu.memory_space<vmem>>) target(%dma_start3A_335 : memref<128x128xbf16, #tpu.memory_space<vmem_shared>>) target_semaphore(%run_scoped3A_331 : memref<!tpu.dma_semaphore, #tpu.memory_space<semaphore_mem>>)
      %dma_wait3A_336 = arith.constant 0 : i32
      %dma_wait3A_337 = tpu.memref_slice %arg12[%add3A_26, %dma_wait3A_336] : memref<20480x128xbf16, #tpu.memory_space<vmem_shared>> -> memref<128x128xbf16, #tpu.memory_space<vmem_shared>>
      %dma_wait3A_338 = arith.constant 0 : i32
      %dma_wait3A_339 = tpu.memref_slice %arg12[%add3A_26, %dma_wait3A_338] : memref<20480x128xbf16, #tpu.memory_space<vmem_shared>> -> memref<128x128xbf16, #tpu.memory_space<vmem_shared>>
      tpu.wait_dma2 semaphore(%run_scoped3A_331 : memref<!tpu.dma_semaphore, #tpu.memory_space<semaphore_mem>>) src(%arg8 : memref<128x128xbf16, #tpu.memory_space<vmem>>) dst(%dma_wait3A_339 : memref<128x128xbf16, #tpu.memory_space<vmem_shared>>)
      tpu.yield
    }) : () -> ()
    %barrier3A = arith.constant 0 : index
    tpu.barrier barrier_id(%barrier3A)
    %run_scoped3A = arith.constant 0 : i32
    "tpu.region"() ({
      %run_scoped3A_331 = tpu.sem_alloc : memref<!tpu.dma_semaphore, #tpu.memory_space<semaphore_mem>>
      %dma_start3A_332 = arith.constant 0 : i32
      %dma_start3A_333 = arith.constant 0 : i32
      %dma_start3A_334 = tpu.memref_slice %arg3[%arg0, %run_scoped3A, %arg1, %dma_start3A_332, %dma_start3A_333] : memref<2x2x16x80x128xi32, #tpu.memory_space<hbm>> -> memref<1x1x1x40x128xi32, #tpu.memory_space<hbm>>
      %dma_start3A_335 = tpu.memref_squeeze %dma_start3A_334 : memref<1x1x1x40x128xi32, #tpu.memory_space<hbm>> -> memref<40x128xi32, #tpu.memory_space<hbm>>
      %dma_start3A_336 = arith.constant 0 : i32
      %dma_start3A_337 = arith.constant 0 : i32
      %dma_start3A_338 = tpu.memref_slice %arg3[%arg0, %run_scoped3A, %arg1, %dma_start3A_336, %dma_start3A_337] : memref<2x2x16x80x128xi32, #tpu.memory_space<hbm>> -> memref<1x1x1x40x128xi32, #tpu.memory_space<hbm>>
      %dma_start3A_339 = tpu.memref_squeeze %dma_start3A_338 : memref<1x1x1x40x128xi32, #tpu.memory_space<hbm>> -> memref<40x128xi32, #tpu.memory_space<hbm>>
      tpu.enqueue_dma source(%dma_start3A_339 : memref<40x128xi32, #tpu.memory_space<hbm>>) target(%arg6 : memref<40x128xi32, #tpu.memory_space<vmem>>) target_semaphore(%run_scoped3A_331 : memref<!tpu.dma_semaphore, #tpu.memory_space<semaphore_mem>>)
      %dma_wait3A_340 = arith.constant 0 : i32
      %dma_wait3A_341 = arith.constant 0 : i32
      %dma_wait3A_342 = tpu.memref_slice %arg3[%arg0, %run_scoped3A, %arg1, %dma_wait3A_340, %dma_wait3A_341] : memref<2x2x16x80x128xi32, #tpu.memory_space<hbm>> -> memref<1x1x1x40x128xi32, #tpu.memory_space<hbm>>
      %dma_wait3A_343 = tpu.memref_squeeze %dma_wait3A_342 : memref<1x1x1x40x128xi32, #tpu.memory_space<hbm>> -> memref<40x128xi32, #tpu.memory_space<hbm>>
      %dma_wait3A_344 = arith.constant 0 : i32
      %dma_wait3A_345 = arith.constant 0 : i32
      %dma_wait3A_346 = tpu.memref_slice %arg3[%arg0, %run_scoped3A, %arg1, %dma_wait3A_344, %dma_wait3A_345] : memref<2x2x16x80x128xi32, #tpu.memory_space<hbm>> -> memref<1x1x1x40x128xi32, #tpu.memory_space<hbm>>
      %dma_wait3A_347 = tpu.memref_squeeze %dma_wait3A_346 : memref<1x1x1x40x128xi32, #tpu.memory_space<hbm>> -> memref<40x128xi32, #tpu.memory_space<hbm>>
      tpu.wait_dma2 semaphore(%run_scoped3A_331 : memref<!tpu.dma_semaphore, #tpu.memory_space<semaphore_mem>>) src(%dma_wait3A_347 : memref<40x128xi32, #tpu.memory_space<hbm>>) dst(%arg6 : memref<40x128xi32, #tpu.memory_space<vmem>>)
      tpu.yield
    }) : () -> ()
    %run_scoped3A_27 = arith.constant 0 : i32
    "tpu.region"() ({
      %run_scoped3A_331 = tpu.sem_alloc : memref<!tpu.dma_semaphore, #tpu.memory_space<semaphore_mem>>
      %dma_start3A_332 = arith.constant 0 : i32
      %dma_start3A_333 = arith.constant 0 : i32
      %dma_start3A_334 = tpu.memref_slice %arg4[%arg0, %run_scoped3A_27, %arg1, %dma_start3A_332, %dma_start3A_333] : memref<2x2x16x80x128xi32, #tpu.memory_space<hbm>> -> memref<1x1x1x40x128xi32, #tpu.memory_space<hbm>>
      %dma_start3A_335 = tpu.memref_squeeze %dma_start3A_334 : memref<1x1x1x40x128xi32, #tpu.memory_space<hbm>> -> memref<40x128xi32, #tpu.memory_space<hbm>>
      %dma_start3A_336 = arith.constant 0 : i32
      %dma_start3A_337 = arith.constant 0 : i32
      %dma_start3A_338 = tpu.memref_slice %arg4[%arg0, %run_scoped3A_27, %arg1, %dma_start3A_336, %dma_start3A_337] : memref<2x2x16x80x128xi32, #tpu.memory_space<hbm>> -> memref<1x1x1x40x128xi32, #tpu.memory_space<hbm>>
      %dma_start3A_339 = tpu.memref_squeeze %dma_start3A_338 : memref<1x1x1x40x128xi32, #tpu.memory_space<hbm>> -> memref<40x128xi32, #tpu.memory_space<hbm>>
      tpu.enqueue_dma source(%dma_start3A_339 : memref<40x128xi32, #tpu.memory_space<hbm>>) target(%arg7 : memref<40x128xi32, #tpu.memory_space<vmem>>) target_semaphore(%run_scoped3A_331 : memref<!tpu.dma_semaphore, #tpu.memory_space<semaphore_mem>>)
      %dma_wait3A_340 = arith.constant 0 : i32
      %dma_wait3A_341 = arith.constant 0 : i32
      %dma_wait3A_342 = tpu.memref_slice %arg4[%arg0, %run_scoped3A_27, %arg1, %dma_wait3A_340, %dma_wait3A_341] : memref<2x2x16x80x128xi32, #tpu.memory_space<hbm>> -> memref<1x1x1x40x128xi32, #tpu.memory_space<hbm>>
      %dma_wait3A_343 = tpu.memref_squeeze %dma_wait3A_342 : memref<1x1x1x40x128xi32, #tpu.memory_space<hbm>> -> memref<40x128xi32, #tpu.memory_space<hbm>>
      %dma_wait3A_344 = arith.constant 0 : i32
      %dma_wait3A_345 = arith.constant 0 : i32
      %dma_wait3A_346 = tpu.memref_slice %arg4[%arg0, %run_scoped3A_27, %arg1, %dma_wait3A_344, %dma_wait3A_345] : memref<2x2x16x80x128xi32, #tpu.memory_space<hbm>> -> memref<1x1x1x40x128xi32, #tpu.memory_space<hbm>>
      %dma_wait3A_347 = tpu.memref_squeeze %dma_wait3A_346 : memref<1x1x1x40x128xi32, #tpu.memory_space<hbm>> -> memref<40x128xi32, #tpu.memory_space<hbm>>
      tpu.wait_dma2 semaphore(%run_scoped3A_331 : memref<!tpu.dma_semaphore, #tpu.memory_space<semaphore_mem>>) src(%dma_wait3A_347 : memref<40x128xi32, #tpu.memory_space<hbm>>) dst(%arg7 : memref<40x128xi32, #tpu.memory_space<vmem>>)
      tpu.yield
    }) : () -> ()
    %dma_start3A = arith.constant 0 : i32
    %dma_start3A_28 = arith.constant 0 : i32
    %dma_start3A_29 = tpu.memref_slice %arg6[%dma_start3A, %dma_start3A_28] : memref<40x128xi32, #tpu.memory_space<vmem>> -> memref<1x128xi32, #tpu.memory_space<vmem>>
    %dma_start3A_30 = tpu.memref_squeeze %dma_start3A_29 : memref<1x128xi32, #tpu.memory_space<vmem>> -> memref<128xi32, #tpu.memory_space<vmem>>
    %dma_start3A_31 = arith.constant 0 : i32
    %dma_start3A_32 = arith.constant 0 : i32
    %dma_start3A_33 = tpu.memref_slice %arg2[%dma_start3A_31, %dma_start3A_32] : memref<50000x128xbf16, #tpu.memory_space<hbm>> -> memref<50000x128xbf16, #tpu.memory_space<hbm>>
    tpu.enqueue_indirect_dma source(%dma_start3A_33 : memref<50000x128xbf16, #tpu.memory_space<hbm>>) target(%arg8 : memref<128x128xbf16, #tpu.memory_space<vmem>>) offsets(%dma_start3A_30 : memref<128xi32, #tpu.memory_space<vmem>>) semaphore(%arg13 : memref<!tpu.dma_semaphore, #tpu.memory_space<semaphore_mem>>)
    %dma_start3A_34 = arith.constant 1 : i32
    %dma_start3A_35 = arith.constant 0 : i32
    %dma_start3A_36 = tpu.memref_slice %arg6[%dma_start3A_34, %dma_start3A_35] : memref<40x128xi32, #tpu.memory_space<vmem>> -> memref<1x128xi32, #tpu.memory_space<vmem>>
    %dma_start3A_37 = tpu.memref_squeeze %dma_start3A_36 : memref<1x128xi32, #tpu.memory_space<vmem>> -> memref<128xi32, #tpu.memory_space<vmem>>
    %dma_start3A_38 = arith.constant 0 : i32
    %dma_start3A_39 = arith.constant 0 : i32
    %dma_start3A_40 = tpu.memref_slice %arg2[%dma_start3A_38, %dma_start3A_39] : memref<50000x128xbf16, #tpu.memory_space<hbm>> -> memref<50000x128xbf16, #tpu.memory_space<hbm>>
    tpu.enqueue_indirect_dma source(%dma_start3A_40 : memref<50000x128xbf16, #tpu.memory_space<hbm>>) target(%arg9 : memref<128x128xbf16, #tpu.memory_space<vmem>>) offsets(%dma_start3A_37 : memref<128xi32, #tpu.memory_space<vmem>>) semaphore(%arg14 : memref<!tpu.dma_semaphore, #tpu.memory_space<semaphore_mem>>)
    %dma_start3A_41 = arith.constant 2 : i32
    %dma_start3A_42 = arith.constant 0 : i32
    %dma_start3A_43 = tpu.memref_slice %arg6[%dma_start3A_41, %dma_start3A_42] : memref<40x128xi32, #tpu.memory_space<vmem>> -> memref<1x128xi32, #tpu.memory_space<vmem>>
    %dma_start3A_44 = tpu.memref_squeeze %dma_start3A_43 : memref<1x128xi32, #tpu.memory_space<vmem>> -> memref<128xi32, #tpu.memory_space<vmem>>
    %dma_start3A_45 = arith.constant 0 : i32
    %dma_start3A_46 = arith.constant 0 : i32
    %dma_start3A_47 = tpu.memref_slice %arg2[%dma_start3A_45, %dma_start3A_46] : memref<50000x128xbf16, #tpu.memory_space<hbm>> -> memref<50000x128xbf16, #tpu.memory_space<hbm>>
    tpu.enqueue_indirect_dma source(%dma_start3A_47 : memref<50000x128xbf16, #tpu.memory_space<hbm>>) target(%arg10 : memref<128x128xbf16, #tpu.memory_space<vmem>>) offsets(%dma_start3A_44 : memref<128xi32, #tpu.memory_space<vmem>>) semaphore(%arg15 : memref<!tpu.dma_semaphore, #tpu.memory_space<semaphore_mem>>)
    %dma_start3A_48 = arith.constant 3 : i32
    %dma_start3A_49 = arith.constant 0 : i32
    %dma_start3A_50 = tpu.memref_slice %arg6[%dma_start3A_48, %dma_start3A_49] : memref<40x128xi32, #tpu.memory_space<vmem>> -> memref<1x128xi32, #tpu.memory_space<vmem>>
    %dma_start3A_51 = tpu.memref_squeeze %dma_start3A_50 : memref<1x128xi32, #tpu.memory_space<vmem>> -> memref<128xi32, #tpu.memory_space<vmem>>
    %dma_start3A_52 = arith.constant 0 : i32
    %dma_start3A_53 = arith.constant 0 : i32
    %dma_start3A_54 = tpu.memref_slice %arg2[%dma_start3A_52, %dma_start3A_53] : memref<50000x128xbf16, #tpu.memory_space<hbm>> -> memref<50000x128xbf16, #tpu.memory_space<hbm>>
    tpu.enqueue_indirect_dma source(%dma_start3A_54 : memref<50000x128xbf16, #tpu.memory_space<hbm>>) target(%arg11 : memref<128x128xbf16, #tpu.memory_space<vmem>>) offsets(%dma_start3A_51 : memref<128xi32, #tpu.memory_space<vmem>>) semaphore(%arg16 : memref<!tpu.dma_semaphore, #tpu.memory_space<semaphore_mem>>)
    %scan3A_55 = arith.constant 0 : i32
    %scan3A_56 = arith.constant 0 : i32
    %scan3A_57 = arith.constant 10 : i32
    %scan3A_58 = arith.addi %scan3A_56, %scan3A_57 : i32
    %scan3A_59 = arith.constant 1 : i32
    %scan3A_60 = scf.for %scan3A_331 = %scan3A_56 to %scan3A_58 step %scan3A_59 iter_args(%scan3A_332 = %scan3A_55) -> (i32)  : i32 {
      %mul3A_333 = arith.constant 4 : i32
      %mul3A_334 = arith.muli %mul3A_333, %scan3A_331 : i32
      %add3A_335 = arith.constant 0 : i32
      %add3A_336 = arith.addi %mul3A_334, %add3A_335 : i32
      %dma_wait3A_337 = arith.constant 0 : i32
      %dma_wait3A_338 = tpu.memref_slice %arg6[%add3A_336, %dma_wait3A_337] : memref<40x128xi32, #tpu.memory_space<vmem>> -> memref<1x128xi32, #tpu.memory_space<vmem>>
      %dma_wait3A_339 = tpu.memref_squeeze %dma_wait3A_338 : memref<1x128xi32, #tpu.memory_space<vmem>> -> memref<128xi32, #tpu.memory_space<vmem>>
      %dma_wait3A_340 = arith.constant 0 : i32
      %dma_wait3A_341 = arith.constant 0 : i32
      %dma_wait3A_342 = tpu.memref_slice %arg2[%dma_wait3A_340, %dma_wait3A_341] : memref<50000x128xbf16, #tpu.memory_space<hbm>> -> memref<50000x128xbf16, #tpu.memory_space<hbm>>
      tpu.wait_indirect_dma semaphore(%arg13 : memref<!tpu.dma_semaphore, #tpu.memory_space<semaphore_mem>>) src(%dma_wait3A_342 : memref<50000x128xbf16, #tpu.memory_space<hbm>>) dst(%arg8 : memref<128x128xbf16, #tpu.memory_space<vmem>>)
      %add3A_343 = arith.constant 0 : i32
      %add3A_344 = arith.addi %mul3A_334, %add3A_343 : i32
      %dma_start3A_345 = arith.constant 0 : i32
      %dma_start3A_346 = tpu.memref_slice %arg7[%add3A_344, %dma_start3A_345] : memref<40x128xi32, #tpu.memory_space<vmem>> -> memref<1x128xi32, #tpu.memory_space<vmem>>
      %dma_start3A_347 = tpu.memref_squeeze %dma_start3A_346 : memref<1x128xi32, #tpu.memory_space<vmem>> -> memref<128xi32, #tpu.memory_space<vmem>>
      %dma_start3A_348 = arith.constant 0 : i32
      %dma_start3A_349 = arith.constant 0 : i32
      %dma_start3A_350 = tpu.memref_slice %arg12[%dma_start3A_348, %dma_start3A_349] : memref<20480x128xbf16, #tpu.memory_space<vmem_shared>> -> memref<20480x128xbf16, #tpu.memory_space<vmem_shared>>
      tpu.enqueue_indirect_dma source(%arg8 : memref<128x128xbf16, #tpu.memory_space<vmem>>) target(%dma_start3A_350 : memref<20480x128xbf16, #tpu.memory_space<vmem_shared>>) offsets(%dma_start3A_347 : memref<128xi32, #tpu.memory_space<vmem>>) semaphore(%arg17 : memref<!tpu.dma_semaphore, #tpu.memory_space<semaphore_mem>>) {add = true}
      %add3A_351 = arith.constant 1 : i32
      %add3A_352 = arith.addi %mul3A_334, %add3A_351 : i32
      %dma_wait3A_353 = arith.constant 0 : i32
      %dma_wait3A_354 = tpu.memref_slice %arg6[%add3A_352, %dma_wait3A_353] : memref<40x128xi32, #tpu.memory_space<vmem>> -> memref<1x128xi32, #tpu.memory_space<vmem>>
      %dma_wait3A_355 = tpu.memref_squeeze %dma_wait3A_354 : memref<1x128xi32, #tpu.memory_space<vmem>> -> memref<128xi32, #tpu.memory_space<vmem>>
      %dma_wait3A_356 = arith.constant 0 : i32
      %dma_wait3A_357 = arith.constant 0 : i32
      %dma_wait3A_358 = tpu.memref_slice %arg2[%dma_wait3A_356, %dma_wait3A_357] : memref<50000x128xbf16, #tpu.memory_space<hbm>> -> memref<50000x128xbf16, #tpu.memory_space<hbm>>
      tpu.wait_indirect_dma semaphore(%arg14 : memref<!tpu.dma_semaphore, #tpu.memory_space<semaphore_mem>>) src(%dma_wait3A_358 : memref<50000x128xbf16, #tpu.memory_space<hbm>>) dst(%arg9 : memref<128x128xbf16, #tpu.memory_space<vmem>>)
      %add3A_359 = arith.constant 1 : i32
      %add3A_360 = arith.addi %mul3A_334, %add3A_359 : i32
      %dma_start3A_361 = arith.constant 0 : i32
      %dma_start3A_362 = tpu.memref_slice %arg7[%add3A_360, %dma_start3A_361] : memref<40x128xi32, #tpu.memory_space<vmem>> -> memref<1x128xi32, #tpu.memory_space<vmem>>
      %dma_start3A_363 = tpu.memref_squeeze %dma_start3A_362 : memref<1x128xi32, #tpu.memory_space<vmem>> -> memref<128xi32, #tpu.memory_space<vmem>>
      %dma_start3A_364 = arith.constant 0 : i32
      %dma_start3A_365 = arith.constant 0 : i32
      %dma_start3A_366 = tpu.memref_slice %arg12[%dma_start3A_364, %dma_start3A_365] : memref<20480x128xbf16, #tpu.memory_space<vmem_shared>> -> memref<20480x128xbf16, #tpu.memory_space<vmem_shared>>
      tpu.enqueue_indirect_dma source(%arg9 : memref<128x128xbf16, #tpu.memory_space<vmem>>) target(%dma_start3A_366 : memref<20480x128xbf16, #tpu.memory_space<vmem_shared>>) offsets(%dma_start3A_363 : memref<128xi32, #tpu.memory_space<vmem>>) semaphore(%arg18 : memref<!tpu.dma_semaphore, #tpu.memory_space<semaphore_mem>>) {add = true}
      %add3A_367 = arith.constant 2 : i32
      %add3A_368 = arith.addi %mul3A_334, %add3A_367 : i32
      %dma_wait3A_369 = arith.constant 0 : i32
      %dma_wait3A_370 = tpu.memref_slice %arg6[%add3A_368, %dma_wait3A_369] : memref<40x128xi32, #tpu.memory_space<vmem>> -> memref<1x128xi32, #tpu.memory_space<vmem>>
      %dma_wait3A_371 = tpu.memref_squeeze %dma_wait3A_370 : memref<1x128xi32, #tpu.memory_space<vmem>> -> memref<128xi32, #tpu.memory_space<vmem>>
      %dma_wait3A_372 = arith.constant 0 : i32
      %dma_wait3A_373 = arith.constant 0 : i32
      %dma_wait3A_374 = tpu.memref_slice %arg2[%dma_wait3A_372, %dma_wait3A_373] : memref<50000x128xbf16, #tpu.memory_space<hbm>> -> memref<50000x128xbf16, #tpu.memory_space<hbm>>
      tpu.wait_indirect_dma semaphore(%arg15 : memref<!tpu.dma_semaphore, #tpu.memory_space<semaphore_mem>>) src(%dma_wait3A_374 : memref<50000x128xbf16, #tpu.memory_space<hbm>>) dst(%arg10 : memref<128x128xbf16, #tpu.memory_space<vmem>>)
      %add3A_375 = arith.constant 2 : i32
      %add3A_376 = arith.addi %mul3A_334, %add3A_375 : i32
      %dma_start3A_377 = arith.constant 0 : i32
      %dma_start3A_378 = tpu.memref_slice %arg7[%add3A_376, %dma_start3A_377] : memref<40x128xi32, #tpu.memory_space<vmem>> -> memref<1x128xi32, #tpu.memory_space<vmem>>
      %dma_start3A_379 = tpu.memref_squeeze %dma_start3A_378 : memref<1x128xi32, #tpu.memory_space<vmem>> -> memref<128xi32, #tpu.memory_space<vmem>>
      %dma_start3A_380 = arith.constant 0 : i32
      %dma_start3A_381 = arith.constant 0 : i32
      %dma_start3A_382 = tpu.memref_slice %arg12[%dma_start3A_380, %dma_start3A_381] : memref<20480x128xbf16, #tpu.memory_space<vmem_shared>> -> memref<20480x128xbf16, #tpu.memory_space<vmem_shared>>
      tpu.enqueue_indirect_dma source(%arg10 : memref<128x128xbf16, #tpu.memory_space<vmem>>) target(%dma_start3A_382 : memref<20480x128xbf16, #tpu.memory_space<vmem_shared>>) offsets(%dma_start3A_379 : memref<128xi32, #tpu.memory_space<vmem>>) semaphore(%arg19 : memref<!tpu.dma_semaphore, #tpu.memory_space<semaphore_mem>>) {add = true}
      %add3A_383 = arith.constant 3 : i32
      %add3A_384 = arith.addi %mul3A_334, %add3A_383 : i32
      %dma_wait3A_385 = arith.constant 0 : i32
      %dma_wait3A_386 = tpu.memref_slice %arg6[%add3A_384, %dma_wait3A_385] : memref<40x128xi32, #tpu.memory_space<vmem>> -> memref<1x128xi32, #tpu.memory_space<vmem>>
      %dma_wait3A_387 = tpu.memref_squeeze %dma_wait3A_386 : memref<1x128xi32, #tpu.memory_space<vmem>> -> memref<128xi32, #tpu.memory_space<vmem>>
      %dma_wait3A_388 = arith.constant 0 : i32
      %dma_wait3A_389 = arith.constant 0 : i32
      %dma_wait3A_390 = tpu.memref_slice %arg2[%dma_wait3A_388, %dma_wait3A_389] : memref<50000x128xbf16, #tpu.memory_space<hbm>> -> memref<50000x128xbf16, #tpu.memory_space<hbm>>
      tpu.wait_indirect_dma semaphore(%arg16 : memref<!tpu.dma_semaphore, #tpu.memory_space<semaphore_mem>>) src(%dma_wait3A_390 : memref<50000x128xbf16, #tpu.memory_space<hbm>>) dst(%arg11 : memref<128x128xbf16, #tpu.memory_space<vmem>>)
      %add3A_391 = arith.constant 3 : i32
      %add3A_392 = arith.addi %mul3A_334, %add3A_391 : i32
      %dma_start3A_393 = arith.constant 0 : i32
      %dma_start3A_394 = tpu.memref_slice %arg7[%add3A_392, %dma_start3A_393] : memref<40x128xi32, #tpu.memory_space<vmem>> -> memref<1x128xi32, #tpu.memory_space<vmem>>
      %dma_start3A_395 = tpu.memref_squeeze %dma_start3A_394 : memref<1x128xi32, #tpu.memory_space<vmem>> -> memref<128xi32, #tpu.memory_space<vmem>>
      %dma_start3A_396 = arith.constant 0 : i32
      %dma_start3A_397 = arith.constant 0 : i32
      %dma_start3A_398 = tpu.memref_slice %arg12[%dma_start3A_396, %dma_start3A_397] : memref<20480x128xbf16, #tpu.memory_space<vmem_shared>> -> memref<20480x128xbf16, #tpu.memory_space<vmem_shared>>
      tpu.enqueue_indirect_dma source(%arg11 : memref<128x128xbf16, #tpu.memory_space<vmem>>) target(%dma_start3A_398 : memref<20480x128xbf16, #tpu.memory_space<vmem_shared>>) offsets(%dma_start3A_395 : memref<128xi32, #tpu.memory_space<vmem>>) semaphore(%arg20 : memref<!tpu.dma_semaphore, #tpu.memory_space<semaphore_mem>>) {add = true}
      %lt3A = arith.constant 9 : i32
      %lt3A_399 = arith.cmpi slt, %scan3A_331, %lt3A : i32
      %convert_element_type3A_400 = arith.extui %lt3A_399 : i1 to i32
      %cond3A_401 = arith.constant 0 : i32
      %cond3A_402 = arith.cmpi ne, %convert_element_type3A_400, %cond3A_401 : i32
      scf.if %cond3A_402 {
        %add3A_404 = arith.constant 0 : i32
        %add3A_405 = arith.addi %mul3A_334, %add3A_404 : i32
        %dma_wait3A_406 = arith.constant 0 : i32
        %dma_wait3A_407 = tpu.memref_slice %arg7[%add3A_405, %dma_wait3A_406] : memref<40x128xi32, #tpu.memory_space<vmem>> -> memref<1x128xi32, #tpu.memory_space<vmem>>
        %dma_wait3A_408 = tpu.memref_squeeze %dma_wait3A_407 : memref<1x128xi32, #tpu.memory_space<vmem>> -> memref<128xi32, #tpu.memory_space<vmem>>
        %dma_wait3A_409 = arith.constant 0 : i32
        %dma_wait3A_410 = arith.constant 0 : i32
        %dma_wait3A_411 = tpu.memref_slice %arg12[%dma_wait3A_409, %dma_wait3A_410] : memref<20480x128xbf16, #tpu.memory_space<vmem_shared>> -> memref<20480x128xbf16, #tpu.memory_space<vmem_shared>>
        tpu.wait_indirect_dma semaphore(%arg17 : memref<!tpu.dma_semaphore, #tpu.memory_space<semaphore_mem>>) src(%arg8 : memref<128x128xbf16, #tpu.memory_space<vmem>>) dst(%dma_wait3A_411 : memref<20480x128xbf16, #tpu.memory_space<vmem_shared>>)
        %add3A_412 = arith.constant 4 : i32
        %add3A_413 = arith.addi %mul3A_334, %add3A_412 : i32
        %add3A_414 = arith.constant 0 : i32
        %add3A_415 = arith.addi %add3A_413, %add3A_414 : i32
        %dma_start3A_416 = arith.constant 0 : i32
        %dma_start3A_417 = tpu.memref_slice %arg6[%add3A_415, %dma_start3A_416] : memref<40x128xi32, #tpu.memory_space<vmem>> -> memref<1x128xi32, #tpu.memory_space<vmem>>
        %dma_start3A_418 = tpu.memref_squeeze %dma_start3A_417 : memref<1x128xi32, #tpu.memory_space<vmem>> -> memref<128xi32, #tpu.memory_space<vmem>>
        %dma_start3A_419 = arith.constant 0 : i32
        %dma_start3A_420 = arith.constant 0 : i32
        %dma_start3A_421 = tpu.memref_slice %arg2[%dma_start3A_419, %dma_start3A_420] : memref<50000x128xbf16, #tpu.memory_space<hbm>> -> memref<50000x128xbf16, #tpu.memory_space<hbm>>
        tpu.enqueue_indirect_dma source(%dma_start3A_421 : memref<50000x128xbf16, #tpu.memory_space<hbm>>) target(%arg8 : memref<128x128xbf16, #tpu.memory_space<vmem>>) offsets(%dma_start3A_418 : memref<128xi32, #tpu.memory_space<vmem>>) semaphore(%arg13 : memref<!tpu.dma_semaphore, #tpu.memory_space<semaphore_mem>>)
        %add3A_422 = arith.constant 1 : i32
        %add3A_423 = arith.addi %mul3A_334, %add3A_422 : i32
        %dma_wait3A_424 = arith.constant 0 : i32
        %dma_wait3A_425 = tpu.memref_slice %arg7[%add3A_423, %dma_wait3A_424] : memref<40x128xi32, #tpu.memory_space<vmem>> -> memref<1x128xi32, #tpu.memory_space<vmem>>
        %dma_wait3A_426 = tpu.memref_squeeze %dma_wait3A_425 : memref<1x128xi32, #tpu.memory_space<vmem>> -> memref<128xi32, #tpu.memory_space<vmem>>
        %dma_wait3A_427 = arith.constant 0 : i32
        %dma_wait3A_428 = arith.constant 0 : i32
        %dma_wait3A_429 = tpu.memref_slice %arg12[%dma_wait3A_427, %dma_wait3A_428] : memref<20480x128xbf16, #tpu.memory_space<vmem_shared>> -> memref<20480x128xbf16, #tpu.memory_space<vmem_shared>>
        tpu.wait_indirect_dma semaphore(%arg18 : memref<!tpu.dma_semaphore, #tpu.memory_space<semaphore_mem>>) src(%arg9 : memref<128x128xbf16, #tpu.memory_space<vmem>>) dst(%dma_wait3A_429 : memref<20480x128xbf16, #tpu.memory_space<vmem_shared>>)
        %add3A_430 = arith.constant 4 : i32
        %add3A_431 = arith.addi %mul3A_334, %add3A_430 : i32
        %add3A_432 = arith.constant 1 : i32
        %add3A_433 = arith.addi %add3A_431, %add3A_432 : i32
        %dma_start3A_434 = arith.constant 0 : i32
        %dma_start3A_435 = tpu.memref_slice %arg6[%add3A_433, %dma_start3A_434] : memref<40x128xi32, #tpu.memory_space<vmem>> -> memref<1x128xi32, #tpu.memory_space<vmem>>
        %dma_start3A_436 = tpu.memref_squeeze %dma_start3A_435 : memref<1x128xi32, #tpu.memory_space<vmem>> -> memref<128xi32, #tpu.memory_space<vmem>>
        %dma_start3A_437 = arith.constant 0 : i32
        %dma_start3A_438 = arith.constant 0 : i32
        %dma_start3A_439 = tpu.memref_slice %arg2[%dma_start3A_437, %dma_start3A_438] : memref<50000x128xbf16, #tpu.memory_space<hbm>> -> memref<50000x128xbf16, #tpu.memory_space<hbm>>
        tpu.enqueue_indirect_dma source(%dma_start3A_439 : memref<50000x128xbf16, #tpu.memory_space<hbm>>) target(%arg9 : memref<128x128xbf16, #tpu.memory_space<vmem>>) offsets(%dma_start3A_436 : memref<128xi32, #tpu.memory_space<vmem>>) semaphore(%arg14 : memref<!tpu.dma_semaphore, #tpu.memory_space<semaphore_mem>>)
        %add3A_440 = arith.constant 2 : i32
        %add3A_441 = arith.addi %mul3A_334, %add3A_440 : i32
        %dma_wait3A_442 = arith.constant 0 : i32
        %dma_wait3A_443 = tpu.memref_slice %arg7[%add3A_441, %dma_wait3A_442] : memref<40x128xi32, #tpu.memory_space<vmem>> -> memref<1x128xi32, #tpu.memory_space<vmem>>
        %dma_wait3A_444 = tpu.memref_squeeze %dma_wait3A_443 : memref<1x128xi32, #tpu.memory_space<vmem>> -> memref<128xi32, #tpu.memory_space<vmem>>
        %dma_wait3A_445 = arith.constant 0 : i32
        %dma_wait3A_446 = arith.constant 0 : i32
        %dma_wait3A_447 = tpu.memref_slice %arg12[%dma_wait3A_445, %dma_wait3A_446] : memref<20480x128xbf16, #tpu.memory_space<vmem_shared>> -> memref<20480x128xbf16, #tpu.memory_space<vmem_shared>>
        tpu.wait_indirect_dma semaphore(%arg19 : memref<!tpu.dma_semaphore, #tpu.memory_space<semaphore_mem>>) src(%arg10 : memref<128x128xbf16, #tpu.memory_space<vmem>>) dst(%dma_wait3A_447 : memref<20480x128xbf16, #tpu.memory_space<vmem_shared>>)
        %add3A_448 = arith.constant 4 : i32
        %add3A_449 = arith.addi %mul3A_334, %add3A_448 : i32
        %add3A_450 = arith.constant 2 : i32
        %add3A_451 = arith.addi %add3A_449, %add3A_450 : i32
        %dma_start3A_452 = arith.constant 0 : i32
        %dma_start3A_453 = tpu.memref_slice %arg6[%add3A_451, %dma_start3A_452] : memref<40x128xi32, #tpu.memory_space<vmem>> -> memref<1x128xi32, #tpu.memory_space<vmem>>
        %dma_start3A_454 = tpu.memref_squeeze %dma_start3A_453 : memref<1x128xi32, #tpu.memory_space<vmem>> -> memref<128xi32, #tpu.memory_space<vmem>>
        %dma_start3A_455 = arith.constant 0 : i32
        %dma_start3A_456 = arith.constant 0 : i32
        %dma_start3A_457 = tpu.memref_slice %arg2[%dma_start3A_455, %dma_start3A_456] : memref<50000x128xbf16, #tpu.memory_space<hbm>> -> memref<50000x128xbf16, #tpu.memory_space<hbm>>
        tpu.enqueue_indirect_dma source(%dma_start3A_457 : memref<50000x128xbf16, #tpu.memory_space<hbm>>) target(%arg10 : memref<128x128xbf16, #tpu.memory_space<vmem>>) offsets(%dma_start3A_454 : memref<128xi32, #tpu.memory_space<vmem>>) semaphore(%arg15 : memref<!tpu.dma_semaphore, #tpu.memory_space<semaphore_mem>>)
        %add3A_458 = arith.constant 3 : i32
        %add3A_459 = arith.addi %mul3A_334, %add3A_458 : i32
        %dma_wait3A_460 = arith.constant 0 : i32
        %dma_wait3A_461 = tpu.memref_slice %arg7[%add3A_459, %dma_wait3A_460] : memref<40x128xi32, #tpu.memory_space<vmem>> -> memref<1x128xi32, #tpu.memory_space<vmem>>
        %dma_wait3A_462 = tpu.memref_squeeze %dma_wait3A_461 : memref<1x128xi32, #tpu.memory_space<vmem>> -> memref<128xi32, #tpu.memory_space<vmem>>
        %dma_wait3A_463 = arith.constant 0 : i32
        %dma_wait3A_464 = arith.constant 0 : i32
        %dma_wait3A_465 = tpu.memref_slice %arg12[%dma_wait3A_463, %dma_wait3A_464] : memref<20480x128xbf16, #tpu.memory_space<vmem_shared>> -> memref<20480x128xbf16, #tpu.memory_space<vmem_shared>>
        tpu.wait_indirect_dma semaphore(%arg20 : memref<!tpu.dma_semaphore, #tpu.memory_space<semaphore_mem>>) src(%arg11 : memref<128x128xbf16, #tpu.memory_space<vmem>>) dst(%dma_wait3A_465 : memref<20480x128xbf16, #tpu.memory_space<vmem_shared>>)
        %add3A_466 = arith.constant 4 : i32
        %add3A_467 = arith.addi %mul3A_334, %add3A_466 : i32
        %add3A_468 = arith.constant 3 : i32
        %add3A_469 = arith.addi %add3A_467, %add3A_468 : i32
        %dma_start3A_470 = arith.constant 0 : i32
        %dma_start3A_471 = tpu.memref_slice %arg6[%add3A_469, %dma_start3A_470] : memref<40x128xi32, #tpu.memory_space<vmem>> -> memref<1x128xi32, #tpu.memory_space<vmem>>
        %dma_start3A_472 = tpu.memref_squeeze %dma_start3A_471 : memref<1x128xi32, #tpu.memory_space<vmem>> -> memref<128xi32, #tpu.memory_space<vmem>>
        %dma_start3A_473 = arith.constant 0 : i32
        %dma_start3A_474 = arith.constant 0 : i32
        %dma_start3A_475 = tpu.memref_slice %arg2[%dma_start3A_473, %dma_start3A_474] : memref<50000x128xbf16, #tpu.memory_space<hbm>> -> memref<50000x128xbf16, #tpu.memory_space<hbm>>
        tpu.enqueue_indirect_dma source(%dma_start3A_475 : memref<50000x128xbf16, #tpu.memory_space<hbm>>) target(%arg11 : memref<128x128xbf16, #tpu.memory_space<vmem>>) offsets(%dma_start3A_472 : memref<128xi32, #tpu.memory_space<vmem>>) semaphore(%arg16 : memref<!tpu.dma_semaphore, #tpu.memory_space<semaphore_mem>>)
      } else {
      }
      %scan3A_403 = arith.constant 0 : i32
      scf.yield %scan3A_403 : i32
    }
    %scan3A_61 = arith.constant 10 : i32
    %dma_wait3A = arith.constant 0 : i32
    %dma_wait3A_62 = arith.constant 0 : i32
    %dma_wait3A_63 = tpu.memref_slice %arg7[%dma_wait3A, %dma_wait3A_62] : memref<40x128xi32, #tpu.memory_space<vmem>> -> memref<1x128xi32, #tpu.memory_space<vmem>>
    %dma_wait3A_64 = tpu.memref_squeeze %dma_wait3A_63 : memref<1x128xi32, #tpu.memory_space<vmem>> -> memref<128xi32, #tpu.memory_space<vmem>>
    %dma_wait3A_65 = arith.constant 0 : i32
    %dma_wait3A_66 = arith.constant 0 : i32
    %dma_wait3A_67 = tpu.memref_slice %arg12[%dma_wait3A_65, %dma_wait3A_66] : memref<20480x128xbf16, #tpu.memory_space<vmem_shared>> -> memref<20480x128xbf16, #tpu.memory_space<vmem_shared>>
    tpu.wait_indirect_dma semaphore(%arg17 : memref<!tpu.dma_semaphore, #tpu.memory_space<semaphore_mem>>) src(%arg8 : memref<128x128xbf16, #tpu.memory_space<vmem>>) dst(%dma_wait3A_67 : memref<20480x128xbf16, #tpu.memory_space<vmem_shared>>)
    %dma_wait3A_68 = arith.constant 1 : i32
    %dma_wait3A_69 = arith.constant 0 : i32
    %dma_wait3A_70 = tpu.memref_slice %arg7[%dma_wait3A_68, %dma_wait3A_69] : memref<40x128xi32, #tpu.memory_space<vmem>> -> memref<1x128xi32, #tpu.memory_space<vmem>>
    %dma_wait3A_71 = tpu.memref_squeeze %dma_wait3A_70 : memref<1x128xi32, #tpu.memory_space<vmem>> -> memref<128xi32, #tpu.memory_space<vmem>>
    %dma_wait3A_72 = arith.constant 0 : i32
    %dma_wait3A_73 = arith.constant 0 : i32
    %dma_wait3A_74 = tpu.memref_slice %arg12[%dma_wait3A_72, %dma_wait3A_73] : memref<20480x128xbf16, #tpu.memory_space<vmem_shared>> -> memref<20480x128xbf16, #tpu.memory_space<vmem_shared>>
    tpu.wait_indirect_dma semaphore(%arg18 : memref<!tpu.dma_semaphore, #tpu.memory_space<semaphore_mem>>) src(%arg9 : memref<128x128xbf16, #tpu.memory_space<vmem>>) dst(%dma_wait3A_74 : memref<20480x128xbf16, #tpu.memory_space<vmem_shared>>)
    %dma_wait3A_75 = arith.constant 2 : i32
    %dma_wait3A_76 = arith.constant 0 : i32
    %dma_wait3A_77 = tpu.memref_slice %arg7[%dma_wait3A_75, %dma_wait3A_76] : memref<40x128xi32, #tpu.memory_space<vmem>> -> memref<1x128xi32, #tpu.memory_space<vmem>>
    %dma_wait3A_78 = tpu.memref_squeeze %dma_wait3A_77 : memref<1x128xi32, #tpu.memory_space<vmem>> -> memref<128xi32, #tpu.memory_space<vmem>>
    %dma_wait3A_79 = arith.constant 0 : i32
    %dma_wait3A_80 = arith.constant 0 : i32
    %dma_wait3A_81 = tpu.memref_slice %arg12[%dma_wait3A_79, %dma_wait3A_80] : memref<20480x128xbf16, #tpu.memory_space<vmem_shared>> -> memref<20480x128xbf16, #tpu.memory_space<vmem_shared>>
    tpu.wait_indirect_dma semaphore(%arg19 : memref<!tpu.dma_semaphore, #tpu.memory_space<semaphore_mem>>) src(%arg10 : memref<128x128xbf16, #tpu.memory_space<vmem>>) dst(%dma_wait3A_81 : memref<20480x128xbf16, #tpu.memory_space<vmem_shared>>)
    %dma_wait3A_82 = arith.constant 3 : i32
    %dma_wait3A_83 = arith.constant 0 : i32
    %dma_wait3A_84 = tpu.memref_slice %arg7[%dma_wait3A_82, %dma_wait3A_83] : memref<40x128xi32, #tpu.memory_space<vmem>> -> memref<1x128xi32, #tpu.memory_space<vmem>>
    %dma_wait3A_85 = tpu.memref_squeeze %dma_wait3A_84 : memref<1x128xi32, #tpu.memory_space<vmem>> -> memref<128xi32, #tpu.memory_space<vmem>>
    %dma_wait3A_86 = arith.constant 0 : i32
    %dma_wait3A_87 = arith.constant 0 : i32
    %dma_wait3A_88 = tpu.memref_slice %arg12[%dma_wait3A_86, %dma_wait3A_87] : memref<20480x128xbf16, #tpu.memory_space<vmem_shared>> -> memref<20480x128xbf16, #tpu.memory_space<vmem_shared>>
    tpu.wait_indirect_dma semaphore(%arg20 : memref<!tpu.dma_semaphore, #tpu.memory_space<semaphore_mem>>) src(%arg11 : memref<128x128xbf16, #tpu.memory_space<vmem>>) dst(%dma_wait3A_88 : memref<20480x128xbf16, #tpu.memory_space<vmem_shared>>)
    %run_scoped3A_89 = arith.constant 0 : i32
    "tpu.region"() ({
      %run_scoped3A_331 = tpu.sem_alloc : memref<!tpu.dma_semaphore, #tpu.memory_space<semaphore_mem>>
      %dma_start3A_332 = arith.constant 40 : i32
      %dma_start3A_333 = arith.constant 0 : i32
      %dma_start3A_334 = tpu.memref_slice %arg3[%arg0, %run_scoped3A_89, %arg1, %dma_start3A_332, %dma_start3A_333] : memref<2x2x16x80x128xi32, #tpu.memory_space<hbm>> -> memref<1x1x1x40x128xi32, #tpu.memory_space<hbm>>
      %dma_start3A_335 = tpu.memref_squeeze %dma_start3A_334 : memref<1x1x1x40x128xi32, #tpu.memory_space<hbm>> -> memref<40x128xi32, #tpu.memory_space<hbm>>
      %dma_start3A_336 = arith.constant 40 : i32
      %dma_start3A_337 = arith.constant 0 : i32
      %dma_start3A_338 = tpu.memref_slice %arg3[%arg0, %run_scoped3A_89, %arg1, %dma_start3A_336, %dma_start3A_337] : memref<2x2x16x80x128xi32, #tpu.memory_space<hbm>> -> memref<1x1x1x40x128xi32, #tpu.memory_space<hbm>>
      %dma_start3A_339 = tpu.memref_squeeze %dma_start3A_338 : memref<1x1x1x40x128xi32, #tpu.memory_space<hbm>> -> memref<40x128xi32, #tpu.memory_space<hbm>>
      tpu.enqueue_dma source(%dma_start3A_339 : memref<40x128xi32, #tpu.memory_space<hbm>>) target(%arg6 : memref<40x128xi32, #tpu.memory_space<vmem>>) target_semaphore(%run_scoped3A_331 : memref<!tpu.dma_semaphore, #tpu.memory_space<semaphore_mem>>)
      %dma_wait3A_340 = arith.constant 40 : i32
      %dma_wait3A_341 = arith.constant 0 : i32
      %dma_wait3A_342 = tpu.memref_slice %arg3[%arg0, %run_scoped3A_89, %arg1, %dma_wait3A_340, %dma_wait3A_341] : memref<2x2x16x80x128xi32, #tpu.memory_space<hbm>> -> memref<1x1x1x40x128xi32, #tpu.memory_space<hbm>>
      %dma_wait3A_343 = tpu.memref_squeeze %dma_wait3A_342 : memref<1x1x1x40x128xi32, #tpu.memory_space<hbm>> -> memref<40x128xi32, #tpu.memory_space<hbm>>
      %dma_wait3A_344 = arith.constant 40 : i32
      %dma_wait3A_345 = arith.constant 0 : i32
      %dma_wait3A_346 = tpu.memref_slice %arg3[%arg0, %run_scoped3A_89, %arg1, %dma_wait3A_344, %dma_wait3A_345] : memref<2x2x16x80x128xi32, #tpu.memory_space<hbm>> -> memref<1x1x1x40x128xi32, #tpu.memory_space<hbm>>
      %dma_wait3A_347 = tpu.memref_squeeze %dma_wait3A_346 : memref<1x1x1x40x128xi32, #tpu.memory_space<hbm>> -> memref<40x128xi32, #tpu.memory_space<hbm>>
      tpu.wait_dma2 semaphore(%run_scoped3A_331 : memref<!tpu.dma_semaphore, #tpu.memory_space<semaphore_mem>>) src(%dma_wait3A_347 : memref<40x128xi32, #tpu.memory_space<hbm>>) dst(%arg6 : memref<40x128xi32, #tpu.memory_space<vmem>>)
      tpu.yield
    }) : () -> ()
    %run_scoped3A_90 = arith.constant 0 : i32
    "tpu.region"() ({
      %run_scoped3A_331 = tpu.sem_alloc : memref<!tpu.dma_semaphore, #tpu.memory_space<semaphore_mem>>
      %dma_start3A_332 = arith.constant 40 : i32
      %dma_start3A_333 = arith.constant 0 : i32
      %dma_start3A_334 = tpu.memref_slice %arg4[%arg0, %run_scoped3A_90, %arg1, %dma_start3A_332, %dma_start3A_333] : memref<2x2x16x80x128xi32, #tpu.memory_space<hbm>> -> memref<1x1x1x40x128xi32, #tpu.memory_space<hbm>>
      %dma_start3A_335 = tpu.memref_squeeze %dma_start3A_334 : memref<1x1x1x40x128xi32, #tpu.memory_space<hbm>> -> memref<40x128xi32, #tpu.memory_space<hbm>>
      %dma_start3A_336 = arith.constant 40 : i32
      %dma_start3A_337 = arith.constant 0 : i32
      %dma_start3A_338 = tpu.memref_slice %arg4[%arg0, %run_scoped3A_90, %arg1, %dma_start3A_336, %dma_start3A_337] : memref<2x2x16x80x128xi32, #tpu.memory_space<hbm>> -> memref<1x1x1x40x128xi32, #tpu.memory_space<hbm>>
      %dma_start3A_339 = tpu.memref_squeeze %dma_start3A_338 : memref<1x1x1x40x128xi32, #tpu.memory_space<hbm>> -> memref<40x128xi32, #tpu.memory_space<hbm>>
      tpu.enqueue_dma source(%dma_start3A_339 : memref<40x128xi32, #tpu.memory_space<hbm>>) target(%arg7 : memref<40x128xi32, #tpu.memory_space<vmem>>) target_semaphore(%run_scoped3A_331 : memref<!tpu.dma_semaphore, #tpu.memory_space<semaphore_mem>>)
      %dma_wait3A_340 = arith.constant 40 : i32
      %dma_wait3A_341 = arith.constant 0 : i32
      %dma_wait3A_342 = tpu.memref_slice %arg4[%arg0, %run_scoped3A_90, %arg1, %dma_wait3A_340, %dma_wait3A_341] : memref<2x2x16x80x128xi32, #tpu.memory_space<hbm>> -> memref<1x1x1x40x128xi32, #tpu.memory_space<hbm>>
      %dma_wait3A_343 = tpu.memref_squeeze %dma_wait3A_342 : memref<1x1x1x40x128xi32, #tpu.memory_space<hbm>> -> memref<40x128xi32, #tpu.memory_space<hbm>>
      %dma_wait3A_344 = arith.constant 40 : i32
      %dma_wait3A_345 = arith.constant 0 : i32
      %dma_wait3A_346 = tpu.memref_slice %arg4[%arg0, %run_scoped3A_90, %arg1, %dma_wait3A_344, %dma_wait3A_345] : memref<2x2x16x80x128xi32, #tpu.memory_space<hbm>> -> memref<1x1x1x40x128xi32, #tpu.memory_space<hbm>>
      %dma_wait3A_347 = tpu.memref_squeeze %dma_wait3A_346 : memref<1x1x1x40x128xi32, #tpu.memory_space<hbm>> -> memref<40x128xi32, #tpu.memory_space<hbm>>
      tpu.wait_dma2 semaphore(%run_scoped3A_331 : memref<!tpu.dma_semaphore, #tpu.memory_space<semaphore_mem>>) src(%dma_wait3A_347 : memref<40x128xi32, #tpu.memory_space<hbm>>) dst(%arg7 : memref<40x128xi32, #tpu.memory_space<vmem>>)
      tpu.yield
    }) : () -> ()
    %dma_start3A_91 = arith.constant 0 : i32
    %dma_start3A_92 = arith.constant 0 : i32
    %dma_start3A_93 = tpu.memref_slice %arg6[%dma_start3A_91, %dma_start3A_92] : memref<40x128xi32, #tpu.memory_space<vmem>> -> memref<1x128xi32, #tpu.memory_space<vmem>>
    %dma_start3A_94 = tpu.memref_squeeze %dma_start3A_93 : memref<1x128xi32, #tpu.memory_space<vmem>> -> memref<128xi32, #tpu.memory_space<vmem>>
    %dma_start3A_95 = arith.constant 0 : i32
    %dma_start3A_96 = arith.constant 0 : i32
    %dma_start3A_97 = tpu.memref_slice %arg2[%dma_start3A_95, %dma_start3A_96] : memref<50000x128xbf16, #tpu.memory_space<hbm>> -> memref<50000x128xbf16, #tpu.memory_space<hbm>>
    tpu.enqueue_indirect_dma source(%dma_start3A_97 : memref<50000x128xbf16, #tpu.memory_space<hbm>>) target(%arg8 : memref<128x128xbf16, #tpu.memory_space<vmem>>) offsets(%dma_start3A_94 : memref<128xi32, #tpu.memory_space<vmem>>) semaphore(%arg13 : memref<!tpu.dma_semaphore, #tpu.memory_space<semaphore_mem>>)
    %dma_start3A_98 = arith.constant 1 : i32
    %dma_start3A_99 = arith.constant 0 : i32
    %dma_start3A_100 = tpu.memref_slice %arg6[%dma_start3A_98, %dma_start3A_99] : memref<40x128xi32, #tpu.memory_space<vmem>> -> memref<1x128xi32, #tpu.memory_space<vmem>>
    %dma_start3A_101 = tpu.memref_squeeze %dma_start3A_100 : memref<1x128xi32, #tpu.memory_space<vmem>> -> memref<128xi32, #tpu.memory_space<vmem>>
    %dma_start3A_102 = arith.constant 0 : i32
    %dma_start3A_103 = arith.constant 0 : i32
    %dma_start3A_104 = tpu.memref_slice %arg2[%dma_start3A_102, %dma_start3A_103] : memref<50000x128xbf16, #tpu.memory_space<hbm>> -> memref<50000x128xbf16, #tpu.memory_space<hbm>>
    tpu.enqueue_indirect_dma source(%dma_start3A_104 : memref<50000x128xbf16, #tpu.memory_space<hbm>>) target(%arg9 : memref<128x128xbf16, #tpu.memory_space<vmem>>) offsets(%dma_start3A_101 : memref<128xi32, #tpu.memory_space<vmem>>) semaphore(%arg14 : memref<!tpu.dma_semaphore, #tpu.memory_space<semaphore_mem>>)
    %dma_start3A_105 = arith.constant 2 : i32
    %dma_start3A_106 = arith.constant 0 : i32
    %dma_start3A_107 = tpu.memref_slice %arg6[%dma_start3A_105, %dma_start3A_106] : memref<40x128xi32, #tpu.memory_space<vmem>> -> memref<1x128xi32, #tpu.memory_space<vmem>>
    %dma_start3A_108 = tpu.memref_squeeze %dma_start3A_107 : memref<1x128xi32, #tpu.memory_space<vmem>> -> memref<128xi32, #tpu.memory_space<vmem>>
    %dma_start3A_109 = arith.constant 0 : i32
    %dma_start3A_110 = arith.constant 0 : i32
    %dma_start3A_111 = tpu.memref_slice %arg2[%dma_start3A_109, %dma_start3A_110] : memref<50000x128xbf16, #tpu.memory_space<hbm>> -> memref<50000x128xbf16, #tpu.memory_space<hbm>>
    tpu.enqueue_indirect_dma source(%dma_start3A_111 : memref<50000x128xbf16, #tpu.memory_space<hbm>>) target(%arg10 : memref<128x128xbf16, #tpu.memory_space<vmem>>) offsets(%dma_start3A_108 : memref<128xi32, #tpu.memory_space<vmem>>) semaphore(%arg15 : memref<!tpu.dma_semaphore, #tpu.memory_space<semaphore_mem>>)
    %dma_start3A_112 = arith.constant 3 : i32
    %dma_start3A_113 = arith.constant 0 : i32
    %dma_start3A_114 = tpu.memref_slice %arg6[%dma_start3A_112, %dma_start3A_113] : memref<40x128xi32, #tpu.memory_space<vmem>> -> memref<1x128xi32, #tpu.memory_space<vmem>>
    %dma_start3A_115 = tpu.memref_squeeze %dma_start3A_114 : memref<1x128xi32, #tpu.memory_space<vmem>> -> memref<128xi32, #tpu.memory_space<vmem>>
    %dma_start3A_116 = arith.constant 0 : i32
    %dma_start3A_117 = arith.constant 0 : i32
    %dma_start3A_118 = tpu.memref_slice %arg2[%dma_start3A_116, %dma_start3A_117] : memref<50000x128xbf16, #tpu.memory_space<hbm>> -> memref<50000x128xbf16, #tpu.memory_space<hbm>>
    tpu.enqueue_indirect_dma source(%dma_start3A_118 : memref<50000x128xbf16, #tpu.memory_space<hbm>>) target(%arg11 : memref<128x128xbf16, #tpu.memory_space<vmem>>) offsets(%dma_start3A_115 : memref<128xi32, #tpu.memory_space<vmem>>) semaphore(%arg16 : memref<!tpu.dma_semaphore, #tpu.memory_space<semaphore_mem>>)
    %scan3A_119 = arith.constant 0 : i32
    %scan3A_120 = arith.constant 0 : i32
    %scan3A_121 = arith.constant 10 : i32
    %scan3A_122 = arith.addi %scan3A_120, %scan3A_121 : i32
    %scan3A_123 = arith.constant 1 : i32
    %scan3A_124 = scf.for %scan3A_331 = %scan3A_120 to %scan3A_122 step %scan3A_123 iter_args(%scan3A_332 = %scan3A_119) -> (i32)  : i32 {
      %mul3A_333 = arith.constant 4 : i32
      %mul3A_334 = arith.muli %mul3A_333, %scan3A_331 : i32
      %add3A_335 = arith.constant 0 : i32
      %add3A_336 = arith.addi %mul3A_334, %add3A_335 : i32
      %dma_wait3A_337 = arith.constant 0 : i32
      %dma_wait3A_338 = tpu.memref_slice %arg6[%add3A_336, %dma_wait3A_337] : memref<40x128xi32, #tpu.memory_space<vmem>> -> memref<1x128xi32, #tpu.memory_space<vmem>>
      %dma_wait3A_339 = tpu.memref_squeeze %dma_wait3A_338 : memref<1x128xi32, #tpu.memory_space<vmem>> -> memref<128xi32, #tpu.memory_space<vmem>>
      %dma_wait3A_340 = arith.constant 0 : i32
      %dma_wait3A_341 = arith.constant 0 : i32
      %dma_wait3A_342 = tpu.memref_slice %arg2[%dma_wait3A_340, %dma_wait3A_341] : memref<50000x128xbf16, #tpu.memory_space<hbm>> -> memref<50000x128xbf16, #tpu.memory_space<hbm>>
      tpu.wait_indirect_dma semaphore(%arg13 : memref<!tpu.dma_semaphore, #tpu.memory_space<semaphore_mem>>) src(%dma_wait3A_342 : memref<50000x128xbf16, #tpu.memory_space<hbm>>) dst(%arg8 : memref<128x128xbf16, #tpu.memory_space<vmem>>)
      %add3A_343 = arith.constant 0 : i32
      %add3A_344 = arith.addi %mul3A_334, %add3A_343 : i32
      %dma_start3A_345 = arith.constant 0 : i32
      %dma_start3A_346 = tpu.memref_slice %arg7[%add3A_344, %dma_start3A_345] : memref<40x128xi32, #tpu.memory_space<vmem>> -> memref<1x128xi32, #tpu.memory_space<vmem>>
      %dma_start3A_347 = tpu.memref_squeeze %dma_start3A_346 : memref<1x128xi32, #tpu.memory_space<vmem>> -> memref<128xi32, #tpu.memory_space<vmem>>
      %dma_start3A_348 = arith.constant 0 : i32
      %dma_start3A_349 = arith.constant 0 : i32
      %dma_start3A_350 = tpu.memref_slice %arg12[%dma_start3A_348, %dma_start3A_349] : memref<20480x128xbf16, #tpu.memory_space<vmem_shared>> -> memref<20480x128xbf16, #tpu.memory_space<vmem_shared>>
      tpu.enqueue_indirect_dma source(%arg8 : memref<128x128xbf16, #tpu.memory_space<vmem>>) target(%dma_start3A_350 : memref<20480x128xbf16, #tpu.memory_space<vmem_shared>>) offsets(%dma_start3A_347 : memref<128xi32, #tpu.memory_space<vmem>>) semaphore(%arg17 : memref<!tpu.dma_semaphore, #tpu.memory_space<semaphore_mem>>) {add = true}
      %add3A_351 = arith.constant 1 : i32
      %add3A_352 = arith.addi %mul3A_334, %add3A_351 : i32
      %dma_wait3A_353 = arith.constant 0 : i32
      %dma_wait3A_354 = tpu.memref_slice %arg6[%add3A_352, %dma_wait3A_353] : memref<40x128xi32, #tpu.memory_space<vmem>> -> memref<1x128xi32, #tpu.memory_space<vmem>>
      %dma_wait3A_355 = tpu.memref_squeeze %dma_wait3A_354 : memref<1x128xi32, #tpu.memory_space<vmem>> -> memref<128xi32, #tpu.memory_space<vmem>>
      %dma_wait3A_356 = arith.constant 0 : i32
      %dma_wait3A_357 = arith.constant 0 : i32
      %dma_wait3A_358 = tpu.memref_slice %arg2[%dma_wait3A_356, %dma_wait3A_357] : memref<50000x128xbf16, #tpu.memory_space<hbm>> -> memref<50000x128xbf16, #tpu.memory_space<hbm>>
      tpu.wait_indirect_dma semaphore(%arg14 : memref<!tpu.dma_semaphore, #tpu.memory_space<semaphore_mem>>) src(%dma_wait3A_358 : memref<50000x128xbf16, #tpu.memory_space<hbm>>) dst(%arg9 : memref<128x128xbf16, #tpu.memory_space<vmem>>)
      %add3A_359 = arith.constant 1 : i32
      %add3A_360 = arith.addi %mul3A_334, %add3A_359 : i32
      %dma_start3A_361 = arith.constant 0 : i32
      %dma_start3A_362 = tpu.memref_slice %arg7[%add3A_360, %dma_start3A_361] : memref<40x128xi32, #tpu.memory_space<vmem>> -> memref<1x128xi32, #tpu.memory_space<vmem>>
      %dma_start3A_363 = tpu.memref_squeeze %dma_start3A_362 : memref<1x128xi32, #tpu.memory_space<vmem>> -> memref<128xi32, #tpu.memory_space<vmem>>
      %dma_start3A_364 = arith.constant 0 : i32
      %dma_start3A_365 = arith.constant 0 : i32
      %dma_start3A_366 = tpu.memref_slice %arg12[%dma_start3A_364, %dma_start3A_365] : memref<20480x128xbf16, #tpu.memory_space<vmem_shared>> -> memref<20480x128xbf16, #tpu.memory_space<vmem_shared>>
      tpu.enqueue_indirect_dma source(%arg9 : memref<128x128xbf16, #tpu.memory_space<vmem>>) target(%dma_start3A_366 : memref<20480x128xbf16, #tpu.memory_space<vmem_shared>>) offsets(%dma_start3A_363 : memref<128xi32, #tpu.memory_space<vmem>>) semaphore(%arg18 : memref<!tpu.dma_semaphore, #tpu.memory_space<semaphore_mem>>) {add = true}
      %add3A_367 = arith.constant 2 : i32
      %add3A_368 = arith.addi %mul3A_334, %add3A_367 : i32
      %dma_wait3A_369 = arith.constant 0 : i32
      %dma_wait3A_370 = tpu.memref_slice %arg6[%add3A_368, %dma_wait3A_369] : memref<40x128xi32, #tpu.memory_space<vmem>> -> memref<1x128xi32, #tpu.memory_space<vmem>>
      %dma_wait3A_371 = tpu.memref_squeeze %dma_wait3A_370 : memref<1x128xi32, #tpu.memory_space<vmem>> -> memref<128xi32, #tpu.memory_space<vmem>>
      %dma_wait3A_372 = arith.constant 0 : i32
      %dma_wait3A_373 = arith.constant 0 : i32
      %dma_wait3A_374 = tpu.memref_slice %arg2[%dma_wait3A_372, %dma_wait3A_373] : memref<50000x128xbf16, #tpu.memory_space<hbm>> -> memref<50000x128xbf16, #tpu.memory_space<hbm>>
      tpu.wait_indirect_dma semaphore(%arg15 : memref<!tpu.dma_semaphore, #tpu.memory_space<semaphore_mem>>) src(%dma_wait3A_374 : memref<50000x128xbf16, #tpu.memory_space<hbm>>) dst(%arg10 : memref<128x128xbf16, #tpu.memory_space<vmem>>)
      %add3A_375 = arith.constant 2 : i32
      %add3A_376 = arith.addi %mul3A_334, %add3A_375 : i32
      %dma_start3A_377 = arith.constant 0 : i32
      %dma_start3A_378 = tpu.memref_slice %arg7[%add3A_376, %dma_start3A_377] : memref<40x128xi32, #tpu.memory_space<vmem>> -> memref<1x128xi32, #tpu.memory_space<vmem>>
      %dma_start3A_379 = tpu.memref_squeeze %dma_start3A_378 : memref<1x128xi32, #tpu.memory_space<vmem>> -> memref<128xi32, #tpu.memory_space<vmem>>
      %dma_start3A_380 = arith.constant 0 : i32
      %dma_start3A_381 = arith.constant 0 : i32
      %dma_start3A_382 = tpu.memref_slice %arg12[%dma_start3A_380, %dma_start3A_381] : memref<20480x128xbf16, #tpu.memory_space<vmem_shared>> -> memref<20480x128xbf16, #tpu.memory_space<vmem_shared>>
      tpu.enqueue_indirect_dma source(%arg10 : memref<128x128xbf16, #tpu.memory_space<vmem>>) target(%dma_start3A_382 : memref<20480x128xbf16, #tpu.memory_space<vmem_shared>>) offsets(%dma_start3A_379 : memref<128xi32, #tpu.memory_space<vmem>>) semaphore(%arg19 : memref<!tpu.dma_semaphore, #tpu.memory_space<semaphore_mem>>) {add = true}
      %add3A_383 = arith.constant 3 : i32
      %add3A_384 = arith.addi %mul3A_334, %add3A_383 : i32
      %dma_wait3A_385 = arith.constant 0 : i32
      %dma_wait3A_386 = tpu.memref_slice %arg6[%add3A_384, %dma_wait3A_385] : memref<40x128xi32, #tpu.memory_space<vmem>> -> memref<1x128xi32, #tpu.memory_space<vmem>>
      %dma_wait3A_387 = tpu.memref_squeeze %dma_wait3A_386 : memref<1x128xi32, #tpu.memory_space<vmem>> -> memref<128xi32, #tpu.memory_space<vmem>>
      %dma_wait3A_388 = arith.constant 0 : i32
      %dma_wait3A_389 = arith.constant 0 : i32
      %dma_wait3A_390 = tpu.memref_slice %arg2[%dma_wait3A_388, %dma_wait3A_389] : memref<50000x128xbf16, #tpu.memory_space<hbm>> -> memref<50000x128xbf16, #tpu.memory_space<hbm>>
      tpu.wait_indirect_dma semaphore(%arg16 : memref<!tpu.dma_semaphore, #tpu.memory_space<semaphore_mem>>) src(%dma_wait3A_390 : memref<50000x128xbf16, #tpu.memory_space<hbm>>) dst(%arg11 : memref<128x128xbf16, #tpu.memory_space<vmem>>)
      %add3A_391 = arith.constant 3 : i32
      %add3A_392 = arith.addi %mul3A_334, %add3A_391 : i32
      %dma_start3A_393 = arith.constant 0 : i32
      %dma_start3A_394 = tpu.memref_slice %arg7[%add3A_392, %dma_start3A_393] : memref<40x128xi32, #tpu.memory_space<vmem>> -> memref<1x128xi32, #tpu.memory_space<vmem>>
      %dma_start3A_395 = tpu.memref_squeeze %dma_start3A_394 : memref<1x128xi32, #tpu.memory_space<vmem>> -> memref<128xi32, #tpu.memory_space<vmem>>
      %dma_start3A_396 = arith.constant 0 : i32
      %dma_start3A_397 = arith.constant 0 : i32
      %dma_start3A_398 = tpu.memref_slice %arg12[%dma_start3A_396, %dma_start3A_397] : memref<20480x128xbf16, #tpu.memory_space<vmem_shared>> -> memref<20480x128xbf16, #tpu.memory_space<vmem_shared>>
      tpu.enqueue_indirect_dma source(%arg11 : memref<128x128xbf16, #tpu.memory_space<vmem>>) target(%dma_start3A_398 : memref<20480x128xbf16, #tpu.memory_space<vmem_shared>>) offsets(%dma_start3A_395 : memref<128xi32, #tpu.memory_space<vmem>>) semaphore(%arg20 : memref<!tpu.dma_semaphore, #tpu.memory_space<semaphore_mem>>) {add = true}
      %lt3A = arith.constant 9 : i32
      %lt3A_399 = arith.cmpi slt, %scan3A_331, %lt3A : i32
      %convert_element_type3A_400 = arith.extui %lt3A_399 : i1 to i32
      %cond3A_401 = arith.constant 0 : i32
      %cond3A_402 = arith.cmpi ne, %convert_element_type3A_400, %cond3A_401 : i32
      scf.if %cond3A_402 {
        %add3A_404 = arith.constant 0 : i32
        %add3A_405 = arith.addi %mul3A_334, %add3A_404 : i32
        %dma_wait3A_406 = arith.constant 0 : i32
        %dma_wait3A_407 = tpu.memref_slice %arg7[%add3A_405, %dma_wait3A_406] : memref<40x128xi32, #tpu.memory_space<vmem>> -> memref<1x128xi32, #tpu.memory_space<vmem>>
        %dma_wait3A_408 = tpu.memref_squeeze %dma_wait3A_407 : memref<1x128xi32, #tpu.memory_space<vmem>> -> memref<128xi32, #tpu.memory_space<vmem>>
        %dma_wait3A_409 = arith.constant 0 : i32
        %dma_wait3A_410 = arith.constant 0 : i32
        %dma_wait3A_411 = tpu.memref_slice %arg12[%dma_wait3A_409, %dma_wait3A_410] : memref<20480x128xbf16, #tpu.memory_space<vmem_shared>> -> memref<20480x128xbf16, #tpu.memory_space<vmem_shared>>
        tpu.wait_indirect_dma semaphore(%arg17 : memref<!tpu.dma_semaphore, #tpu.memory_space<semaphore_mem>>) src(%arg8 : memref<128x128xbf16, #tpu.memory_space<vmem>>) dst(%dma_wait3A_411 : memref<20480x128xbf16, #tpu.memory_space<vmem_shared>>)
        %add3A_412 = arith.constant 4 : i32
        %add3A_413 = arith.addi %mul3A_334, %add3A_412 : i32
        %add3A_414 = arith.constant 0 : i32
        %add3A_415 = arith.addi %add3A_413, %add3A_414 : i32
        %dma_start3A_416 = arith.constant 0 : i32
        %dma_start3A_417 = tpu.memref_slice %arg6[%add3A_415, %dma_start3A_416] : memref<40x128xi32, #tpu.memory_space<vmem>> -> memref<1x128xi32, #tpu.memory_space<vmem>>
        %dma_start3A_418 = tpu.memref_squeeze %dma_start3A_417 : memref<1x128xi32, #tpu.memory_space<vmem>> -> memref<128xi32, #tpu.memory_space<vmem>>
        %dma_start3A_419 = arith.constant 0 : i32
        %dma_start3A_420 = arith.constant 0 : i32
        %dma_start3A_421 = tpu.memref_slice %arg2[%dma_start3A_419, %dma_start3A_420] : memref<50000x128xbf16, #tpu.memory_space<hbm>> -> memref<50000x128xbf16, #tpu.memory_space<hbm>>
        tpu.enqueue_indirect_dma source(%dma_start3A_421 : memref<50000x128xbf16, #tpu.memory_space<hbm>>) target(%arg8 : memref<128x128xbf16, #tpu.memory_space<vmem>>) offsets(%dma_start3A_418 : memref<128xi32, #tpu.memory_space<vmem>>) semaphore(%arg13 : memref<!tpu.dma_semaphore, #tpu.memory_space<semaphore_mem>>)
        %add3A_422 = arith.constant 1 : i32
        %add3A_423 = arith.addi %mul3A_334, %add3A_422 : i32
        %dma_wait3A_424 = arith.constant 0 : i32
        %dma_wait3A_425 = tpu.memref_slice %arg7[%add3A_423, %dma_wait3A_424] : memref<40x128xi32, #tpu.memory_space<vmem>> -> memref<1x128xi32, #tpu.memory_space<vmem>>
        %dma_wait3A_426 = tpu.memref_squeeze %dma_wait3A_425 : memref<1x128xi32, #tpu.memory_space<vmem>> -> memref<128xi32, #tpu.memory_space<vmem>>
        %dma_wait3A_427 = arith.constant 0 : i32
        %dma_wait3A_428 = arith.constant 0 : i32
        %dma_wait3A_429 = tpu.memref_slice %arg12[%dma_wait3A_427, %dma_wait3A_428] : memref<20480x128xbf16, #tpu.memory_space<vmem_shared>> -> memref<20480x128xbf16, #tpu.memory_space<vmem_shared>>
        tpu.wait_indirect_dma semaphore(%arg18 : memref<!tpu.dma_semaphore, #tpu.memory_space<semaphore_mem>>) src(%arg9 : memref<128x128xbf16, #tpu.memory_space<vmem>>) dst(%dma_wait3A_429 : memref<20480x128xbf16, #tpu.memory_space<vmem_shared>>)
        %add3A_430 = arith.constant 4 : i32
        %add3A_431 = arith.addi %mul3A_334, %add3A_430 : i32
        %add3A_432 = arith.constant 1 : i32
        %add3A_433 = arith.addi %add3A_431, %add3A_432 : i32
        %dma_start3A_434 = arith.constant 0 : i32
        %dma_start3A_435 = tpu.memref_slice %arg6[%add3A_433, %dma_start3A_434] : memref<40x128xi32, #tpu.memory_space<vmem>> -> memref<1x128xi32, #tpu.memory_space<vmem>>
        %dma_start3A_436 = tpu.memref_squeeze %dma_start3A_435 : memref<1x128xi32, #tpu.memory_space<vmem>> -> memref<128xi32, #tpu.memory_space<vmem>>
        %dma_start3A_437 = arith.constant 0 : i32
        %dma_start3A_438 = arith.constant 0 : i32
        %dma_start3A_439 = tpu.memref_slice %arg2[%dma_start3A_437, %dma_start3A_438] : memref<50000x128xbf16, #tpu.memory_space<hbm>> -> memref<50000x128xbf16, #tpu.memory_space<hbm>>
        tpu.enqueue_indirect_dma source(%dma_start3A_439 : memref<50000x128xbf16, #tpu.memory_space<hbm>>) target(%arg9 : memref<128x128xbf16, #tpu.memory_space<vmem>>) offsets(%dma_start3A_436 : memref<128xi32, #tpu.memory_space<vmem>>) semaphore(%arg14 : memref<!tpu.dma_semaphore, #tpu.memory_space<semaphore_mem>>)
        %add3A_440 = arith.constant 2 : i32
        %add3A_441 = arith.addi %mul3A_334, %add3A_440 : i32
        %dma_wait3A_442 = arith.constant 0 : i32
        %dma_wait3A_443 = tpu.memref_slice %arg7[%add3A_441, %dma_wait3A_442] : memref<40x128xi32, #tpu.memory_space<vmem>> -> memref<1x128xi32, #tpu.memory_space<vmem>>
        %dma_wait3A_444 = tpu.memref_squeeze %dma_wait3A_443 : memref<1x128xi32, #tpu.memory_space<vmem>> -> memref<128xi32, #tpu.memory_space<vmem>>
        %dma_wait3A_445 = arith.constant 0 : i32
        %dma_wait3A_446 = arith.constant 0 : i32
        %dma_wait3A_447 = tpu.memref_slice %arg12[%dma_wait3A_445, %dma_wait3A_446] : memref<20480x128xbf16, #tpu.memory_space<vmem_shared>> -> memref<20480x128xbf16, #tpu.memory_space<vmem_shared>>
        tpu.wait_indirect_dma semaphore(%arg19 : memref<!tpu.dma_semaphore, #tpu.memory_space<semaphore_mem>>) src(%arg10 : memref<128x128xbf16, #tpu.memory_space<vmem>>) dst(%dma_wait3A_447 : memref<20480x128xbf16, #tpu.memory_space<vmem_shared>>)
        %add3A_448 = arith.constant 4 : i32
        %add3A_449 = arith.addi %mul3A_334, %add3A_448 : i32
        %add3A_450 = arith.constant 2 : i32
        %add3A_451 = arith.addi %add3A_449, %add3A_450 : i32
        %dma_start3A_452 = arith.constant 0 : i32
        %dma_start3A_453 = tpu.memref_slice %arg6[%add3A_451, %dma_start3A_452] : memref<40x128xi32, #tpu.memory_space<vmem>> -> memref<1x128xi32, #tpu.memory_space<vmem>>
        %dma_start3A_454 = tpu.memref_squeeze %dma_start3A_453 : memref<1x128xi32, #tpu.memory_space<vmem>> -> memref<128xi32, #tpu.memory_space<vmem>>
        %dma_start3A_455 = arith.constant 0 : i32
        %dma_start3A_456 = arith.constant 0 : i32
        %dma_start3A_457 = tpu.memref_slice %arg2[%dma_start3A_455, %dma_start3A_456] : memref<50000x128xbf16, #tpu.memory_space<hbm>> -> memref<50000x128xbf16, #tpu.memory_space<hbm>>
        tpu.enqueue_indirect_dma source(%dma_start3A_457 : memref<50000x128xbf16, #tpu.memory_space<hbm>>) target(%arg10 : memref<128x128xbf16, #tpu.memory_space<vmem>>) offsets(%dma_start3A_454 : memref<128xi32, #tpu.memory_space<vmem>>) semaphore(%arg15 : memref<!tpu.dma_semaphore, #tpu.memory_space<semaphore_mem>>)
        %add3A_458 = arith.constant 3 : i32
        %add3A_459 = arith.addi %mul3A_334, %add3A_458 : i32
        %dma_wait3A_460 = arith.constant 0 : i32
        %dma_wait3A_461 = tpu.memref_slice %arg7[%add3A_459, %dma_wait3A_460] : memref<40x128xi32, #tpu.memory_space<vmem>> -> memref<1x128xi32, #tpu.memory_space<vmem>>
        %dma_wait3A_462 = tpu.memref_squeeze %dma_wait3A_461 : memref<1x128xi32, #tpu.memory_space<vmem>> -> memref<128xi32, #tpu.memory_space<vmem>>
        %dma_wait3A_463 = arith.constant 0 : i32
        %dma_wait3A_464 = arith.constant 0 : i32
        %dma_wait3A_465 = tpu.memref_slice %arg12[%dma_wait3A_463, %dma_wait3A_464] : memref<20480x128xbf16, #tpu.memory_space<vmem_shared>> -> memref<20480x128xbf16, #tpu.memory_space<vmem_shared>>
        tpu.wait_indirect_dma semaphore(%arg20 : memref<!tpu.dma_semaphore, #tpu.memory_space<semaphore_mem>>) src(%arg11 : memref<128x128xbf16, #tpu.memory_space<vmem>>) dst(%dma_wait3A_465 : memref<20480x128xbf16, #tpu.memory_space<vmem_shared>>)
        %add3A_466 = arith.constant 4 : i32
        %add3A_467 = arith.addi %mul3A_334, %add3A_466 : i32
        %add3A_468 = arith.constant 3 : i32
        %add3A_469 = arith.addi %add3A_467, %add3A_468 : i32
        %dma_start3A_470 = arith.constant 0 : i32
        %dma_start3A_471 = tpu.memref_slice %arg6[%add3A_469, %dma_start3A_470] : memref<40x128xi32, #tpu.memory_space<vmem>> -> memref<1x128xi32, #tpu.memory_space<vmem>>
        %dma_start3A_472 = tpu.memref_squeeze %dma_start3A_471 : memref<1x128xi32, #tpu.memory_space<vmem>> -> memref<128xi32, #tpu.memory_space<vmem>>
        %dma_start3A_473 = arith.constant 0 : i32
        %dma_start3A_474 = arith.constant 0 : i32
        %dma_start3A_475 = tpu.memref_slice %arg2[%dma_start3A_473, %dma_start3A_474] : memref<50000x128xbf16, #tpu.memory_space<hbm>> -> memref<50000x128xbf16, #tpu.memory_space<hbm>>
        tpu.enqueue_indirect_dma source(%dma_start3A_475 : memref<50000x128xbf16, #tpu.memory_space<hbm>>) target(%arg11 : memref<128x128xbf16, #tpu.memory_space<vmem>>) offsets(%dma_start3A_472 : memref<128xi32, #tpu.memory_space<vmem>>) semaphore(%arg16 : memref<!tpu.dma_semaphore, #tpu.memory_space<semaphore_mem>>)
      } else {
      }
      %scan3A_403 = arith.constant 0 : i32
      scf.yield %scan3A_403 : i32
    }
    %scan3A_125 = arith.constant 10 : i32
    %dma_wait3A_126 = arith.constant 0 : i32
    %dma_wait3A_127 = arith.constant 0 : i32
    %dma_wait3A_128 = tpu.memref_slice %arg7[%dma_wait3A_126, %dma_wait3A_127] : memref<40x128xi32, #tpu.memory_space<vmem>> -> memref<1x128xi32, #tpu.memory_space<vmem>>
    %dma_wait3A_129 = tpu.memref_squeeze %dma_wait3A_128 : memref<1x128xi32, #tpu.memory_space<vmem>> -> memref<128xi32, #tpu.memory_space<vmem>>
    %dma_wait3A_130 = arith.constant 0 : i32
    %dma_wait3A_131 = arith.constant 0 : i32
    %dma_wait3A_132 = tpu.memref_slice %arg12[%dma_wait3A_130, %dma_wait3A_131] : memref<20480x128xbf16, #tpu.memory_space<vmem_shared>> -> memref<20480x128xbf16, #tpu.memory_space<vmem_shared>>
    tpu.wait_indirect_dma semaphore(%arg17 : memref<!tpu.dma_semaphore, #tpu.memory_space<semaphore_mem>>) src(%arg8 : memref<128x128xbf16, #tpu.memory_space<vmem>>) dst(%dma_wait3A_132 : memref<20480x128xbf16, #tpu.memory_space<vmem_shared>>)
    %dma_wait3A_133 = arith.constant 1 : i32
    %dma_wait3A_134 = arith.constant 0 : i32
    %dma_wait3A_135 = tpu.memref_slice %arg7[%dma_wait3A_133, %dma_wait3A_134] : memref<40x128xi32, #tpu.memory_space<vmem>> -> memref<1x128xi32, #tpu.memory_space<vmem>>
    %dma_wait3A_136 = tpu.memref_squeeze %dma_wait3A_135 : memref<1x128xi32, #tpu.memory_space<vmem>> -> memref<128xi32, #tpu.memory_space<vmem>>
    %dma_wait3A_137 = arith.constant 0 : i32
    %dma_wait3A_138 = arith.constant 0 : i32
    %dma_wait3A_139 = tpu.memref_slice %arg12[%dma_wait3A_137, %dma_wait3A_138] : memref<20480x128xbf16, #tpu.memory_space<vmem_shared>> -> memref<20480x128xbf16, #tpu.memory_space<vmem_shared>>
    tpu.wait_indirect_dma semaphore(%arg18 : memref<!tpu.dma_semaphore, #tpu.memory_space<semaphore_mem>>) src(%arg9 : memref<128x128xbf16, #tpu.memory_space<vmem>>) dst(%dma_wait3A_139 : memref<20480x128xbf16, #tpu.memory_space<vmem_shared>>)
    %dma_wait3A_140 = arith.constant 2 : i32
    %dma_wait3A_141 = arith.constant 0 : i32
    %dma_wait3A_142 = tpu.memref_slice %arg7[%dma_wait3A_140, %dma_wait3A_141] : memref<40x128xi32, #tpu.memory_space<vmem>> -> memref<1x128xi32, #tpu.memory_space<vmem>>
    %dma_wait3A_143 = tpu.memref_squeeze %dma_wait3A_142 : memref<1x128xi32, #tpu.memory_space<vmem>> -> memref<128xi32, #tpu.memory_space<vmem>>
    %dma_wait3A_144 = arith.constant 0 : i32
    %dma_wait3A_145 = arith.constant 0 : i32
    %dma_wait3A_146 = tpu.memref_slice %arg12[%dma_wait3A_144, %dma_wait3A_145] : memref<20480x128xbf16, #tpu.memory_space<vmem_shared>> -> memref<20480x128xbf16, #tpu.memory_space<vmem_shared>>
    tpu.wait_indirect_dma semaphore(%arg19 : memref<!tpu.dma_semaphore, #tpu.memory_space<semaphore_mem>>) src(%arg10 : memref<128x128xbf16, #tpu.memory_space<vmem>>) dst(%dma_wait3A_146 : memref<20480x128xbf16, #tpu.memory_space<vmem_shared>>)
    %dma_wait3A_147 = arith.constant 3 : i32
    %dma_wait3A_148 = arith.constant 0 : i32
    %dma_wait3A_149 = tpu.memref_slice %arg7[%dma_wait3A_147, %dma_wait3A_148] : memref<40x128xi32, #tpu.memory_space<vmem>> -> memref<1x128xi32, #tpu.memory_space<vmem>>
    %dma_wait3A_150 = tpu.memref_squeeze %dma_wait3A_149 : memref<1x128xi32, #tpu.memory_space<vmem>> -> memref<128xi32, #tpu.memory_space<vmem>>
    %dma_wait3A_151 = arith.constant 0 : i32
    %dma_wait3A_152 = arith.constant 0 : i32
    %dma_wait3A_153 = tpu.memref_slice %arg12[%dma_wait3A_151, %dma_wait3A_152] : memref<20480x128xbf16, #tpu.memory_space<vmem_shared>> -> memref<20480x128xbf16, #tpu.memory_space<vmem_shared>>
    tpu.wait_indirect_dma semaphore(%arg20 : memref<!tpu.dma_semaphore, #tpu.memory_space<semaphore_mem>>) src(%arg11 : memref<128x128xbf16, #tpu.memory_space<vmem>>) dst(%dma_wait3A_153 : memref<20480x128xbf16, #tpu.memory_space<vmem_shared>>)
    %barrier3A_154 = arith.constant 0 : index
    tpu.barrier barrier_id(%barrier3A_154)
    %eq3A = arith.constant 0 : i32
    %eq3A_155 = arith.cmpi eq, %arg0, %eq3A : i32
    %convert_element_type3A = arith.extui %eq3A_155 : i1 to i32
    %cond3A = arith.constant 0 : i32
    %cond3A_156 = arith.cmpi ne, %convert_element_type3A, %cond3A : i32
    scf.if %cond3A_156 {
      %run_scoped3A_331 = arith.constant 0 : i32
      %run_scoped3A_332 = arith.constant 0 : i32
      "tpu.region"() ({
        %run_scoped3A_333 = tpu.sem_alloc : memref<!tpu.dma_semaphore, #tpu.memory_space<semaphore_mem>>
        %dma_start3A_334 = arith.constant 0 : i32
        %dma_start3A_335 = tpu.memref_slice %arg5[%run_scoped3A_331, %run_scoped3A_332, %mul3A_1, %dma_start3A_334] : memref<2x2x20480x128xbf16, #tpu.memory_space<hbm>> -> memref<1x1x1280x128xbf16, #tpu.memory_space<hbm>>
        %dma_start3A_336 = tpu.memref_squeeze %dma_start3A_335 : memref<1x1x1280x128xbf16, #tpu.memory_space<hbm>> -> memref<1280x128xbf16, #tpu.memory_space<hbm>>
        %dma_start3A_337 = arith.constant 0 : i32
        %dma_start3A_338 = tpu.memref_slice %arg12[%mul3A_1, %dma_start3A_337] : memref<20480x128xbf16, #tpu.memory_space<vmem_shared>> -> memref<1280x128xbf16, #tpu.memory_space<vmem_shared>>
        tpu.enqueue_dma source(%dma_start3A_338 : memref<1280x128xbf16, #tpu.memory_space<vmem_shared>>) target(%dma_start3A_336 : memref<1280x128xbf16, #tpu.memory_space<hbm>>) target_semaphore(%run_scoped3A_333 : memref<!tpu.dma_semaphore, #tpu.memory_space<semaphore_mem>>)
        %dma_wait3A_339 = arith.constant 0 : i32
        %dma_wait3A_340 = tpu.memref_slice %arg5[%run_scoped3A_331, %run_scoped3A_332, %mul3A_1, %dma_wait3A_339] : memref<2x2x20480x128xbf16, #tpu.memory_space<hbm>> -> memref<1x1x1280x128xbf16, #tpu.memory_space<hbm>>
        %dma_wait3A_341 = tpu.memref_squeeze %dma_wait3A_340 : memref<1x1x1280x128xbf16, #tpu.memory_space<hbm>> -> memref<1280x128xbf16, #tpu.memory_space<hbm>>
        %dma_wait3A_342 = arith.constant 0 : i32
        %dma_wait3A_343 = tpu.memref_slice %arg12[%mul3A_1, %dma_wait3A_342] : memref<20480x128xbf16, #tpu.memory_space<vmem_shared>> -> memref<1280x128xbf16, #tpu.memory_space<vmem_shared>>
        tpu.wait_dma2 semaphore(%run_scoped3A_333 : memref<!tpu.dma_semaphore, #tpu.memory_space<semaphore_mem>>) src(%dma_wait3A_343 : memref<1280x128xbf16, #tpu.memory_space<vmem_shared>>) dst(%dma_wait3A_341 : memref<1280x128xbf16, #tpu.memory_space<hbm>>)
        tpu.yield
      }) : () -> ()
    } else {
    }
    %eq3A_157 = arith.constant 1 : i32
    %eq3A_158 = arith.cmpi eq, %arg0, %eq3A_157 : i32
    %convert_element_type3A_159 = arith.extui %eq3A_158 : i1 to i32
    %cond3A_160 = arith.constant 0 : i32
    %cond3A_161 = arith.cmpi ne, %convert_element_type3A_159, %cond3A_160 : i32
    scf.if %cond3A_161 {
      %run_scoped3A_331 = arith.constant 1 : i32
      %run_scoped3A_332 = arith.constant 0 : i32
      "tpu.region"() ({
        %run_scoped3A_333 = tpu.sem_alloc : memref<!tpu.dma_semaphore, #tpu.memory_space<semaphore_mem>>
        %dma_start3A_334 = arith.constant 0 : i32
        %dma_start3A_335 = tpu.memref_slice %arg5[%run_scoped3A_331, %run_scoped3A_332, %mul3A_1, %dma_start3A_334] : memref<2x2x20480x128xbf16, #tpu.memory_space<hbm>> -> memref<1x1x1280x128xbf16, #tpu.memory_space<hbm>>
        %dma_start3A_336 = tpu.memref_squeeze %dma_start3A_335 : memref<1x1x1280x128xbf16, #tpu.memory_space<hbm>> -> memref<1280x128xbf16, #tpu.memory_space<hbm>>
        %dma_start3A_337 = arith.constant 0 : i32
        %dma_start3A_338 = tpu.memref_slice %arg12[%mul3A_1, %dma_start3A_337] : memref<20480x128xbf16, #tpu.memory_space<vmem_shared>> -> memref<1280x128xbf16, #tpu.memory_space<vmem_shared>>
        tpu.enqueue_dma source(%dma_start3A_338 : memref<1280x128xbf16, #tpu.memory_space<vmem_shared>>) target(%dma_start3A_336 : memref<1280x128xbf16, #tpu.memory_space<hbm>>) target_semaphore(%run_scoped3A_333 : memref<!tpu.dma_semaphore, #tpu.memory_space<semaphore_mem>>)
        %dma_wait3A_339 = arith.constant 0 : i32
        %dma_wait3A_340 = tpu.memref_slice %arg5[%run_scoped3A_331, %run_scoped3A_332, %mul3A_1, %dma_wait3A_339] : memref<2x2x20480x128xbf16, #tpu.memory_space<hbm>> -> memref<1x1x1280x128xbf16, #tpu.memory_space<hbm>>
        %dma_wait3A_341 = tpu.memref_squeeze %dma_wait3A_340 : memref<1x1x1280x128xbf16, #tpu.memory_space<hbm>> -> memref<1280x128xbf16, #tpu.memory_space<hbm>>
        %dma_wait3A_342 = arith.constant 0 : i32
        %dma_wait3A_343 = tpu.memref_slice %arg12[%mul3A_1, %dma_wait3A_342] : memref<20480x128xbf16, #tpu.memory_space<vmem_shared>> -> memref<1280x128xbf16, #tpu.memory_space<vmem_shared>>
        tpu.wait_dma2 semaphore(%run_scoped3A_333 : memref<!tpu.dma_semaphore, #tpu.memory_space<semaphore_mem>>) src(%dma_wait3A_343 : memref<1280x128xbf16, #tpu.memory_space<vmem_shared>>) dst(%dma_wait3A_341 : memref<1280x128xbf16, #tpu.memory_space<hbm>>)
        tpu.yield
      }) : () -> ()
    } else {
    }
    %scan3A_162 = arith.constant 0 : i32
    %scan3A_163 = arith.constant 0 : i32
    %scan3A_164 = arith.constant 512 : i32
    %scan3A_165 = arith.addi %scan3A_163, %scan3A_164 : i32
    %scan3A_166 = arith.constant 1 : i32
    %scan3A_167 = scf.for %scan3A_331 = %scan3A_163 to %scan3A_165 step %scan3A_166 iter_args(%scan3A_332 = %scan3A_162) -> (i32)  : i32 {
      %jit3A = arith.constant 4 : i32
      %div3A = arith.divsi %scan3A_331, %jit3A : i32
      %sign3A = arith.constant 0 : i32
      %sign3A_333 = arith.cmpi sgt, %scan3A_331, %sign3A : i32
      %sign3A_334 = arith.extui %sign3A_333 : i1 to i32
      %sign3A_335 = arith.constant 0 : i32
      %sign3A_336 = arith.cmpi slt, %scan3A_331, %sign3A_335 : i32
      %sign3A_337 = arith.extui %sign3A_336 : i1 to i32
      %sign3A_338 = arith.subi %sign3A_334, %sign3A_337 : i32
      %sign3A_339 = arith.constant 0 : i32
      %sign3A_340 = arith.cmpi sgt, %jit3A, %sign3A_339 : i32
      %sign3A_341 = arith.extui %sign3A_340 : i1 to i32
      %sign3A_342 = arith.constant 0 : i32
      %sign3A_343 = arith.cmpi slt, %jit3A, %sign3A_342 : i32
      %sign3A_344 = arith.extui %sign3A_343 : i1 to i32
      %sign3A_345 = arith.subi %sign3A_341, %sign3A_344 : i32
      %ne3A = arith.cmpi ne, %sign3A_338, %sign3A_345 : i32
      %rem3A = arith.remsi %scan3A_331, %jit3A : i32
      %ne3A_346 = arith.constant 0 : i32
      %ne3A_347 = arith.cmpi ne, %rem3A, %ne3A_346 : i32
      %and3A = arith.andi %ne3A, %ne3A_347 : i1
      %sub3A = arith.constant 1 : i32
      %sub3A_348 = arith.subi %div3A, %sub3A : i32
      %select_n3A = arith.select %and3A, %sub3A_348, %div3A : i32
      %jit3A_349 = arith.constant 4 : i32
      %eq3A_350 = arith.constant 0 : i32
      %eq3A_351 = arith.cmpi eq, %jit3A_349, %eq3A_350 : i32
      %jit3A_352 = arith.constant 1 : i32
      %select_n3A_353 = arith.select %eq3A_351, %jit3A_352, %jit3A_349 : i32
      %rem3A_354 = arith.remsi %scan3A_331, %select_n3A_353 : i32
      %ne3A_355 = arith.constant 0 : i32
      %ne3A_356 = arith.cmpi ne, %rem3A_354, %ne3A_355 : i32
      %lt3A = arith.constant 0 : i32
      %lt3A_357 = arith.cmpi slt, %rem3A_354, %lt3A : i32
      %lt3A_358 = arith.constant 0 : i32
      %lt3A_359 = arith.cmpi slt, %select_n3A_353, %lt3A_358 : i32
      %ne3A_360 = arith.xori %lt3A_357, %lt3A_359 : i1
      %and3A_361 = arith.andi %ne3A_360, %ne3A_356 : i1
      %add3A_362 = arith.addi %rem3A_354, %select_n3A_353 : i32
      %select_n3A_363 = arith.select %and3A_361, %add3A_362, %rem3A_354 : i32
      %mul3A_364 = arith.constant 2 : i32
      %mul3A_365 = arith.muli %select_n3A_363, %mul3A_364 : i32
      %mul3A_366 = arith.constant 16 : i32
      %mul3A_367 = arith.muli %mul3A_365, %mul3A_366 : i32
      %swap3A = arith.index_cast %select_n3A : i32 to index
      %swap3A_368 = arith.index_cast %mul3A_367 : i32 to index
      %swap3A_369 = tpu.vector_load %arg8[%swap3A, %swap3A_368] {strides = array<i32>} : memref<128x128xbf16, #tpu.memory_space<vmem>>, vector<1x32xbf16>,
      %swap3A_370 = vector.shape_cast %swap3A_369 : vector<1x32xbf16> to vector<32xbf16>
      %swap3A_371 = vector.shape_cast %broadcast_in_dim3A_0 : vector<32xbf16> to vector<1x32xbf16>
      tpu.vector_store %arg8[%swap3A, %swap3A_368], %swap3A_371 {strides = array<i32>} : memref<128x128xbf16, #tpu.memory_space<vmem>>, vector<1x32xbf16>,
      %scan3A_372 = arith.constant 0 : i32
      scf.yield %scan3A_372 : i32
    }
    %scan3A_168 = arith.constant 512 : i32
    %add3A_169 = arith.constant 0 : i32
    %add3A_170 = arith.addi %mul3A_1, %add3A_169 : i32
    "tpu.region"() ({
      %run_scoped3A_331 = tpu.sem_alloc : memref<!tpu.dma_semaphore, #tpu.memory_space<semaphore_mem>>
      %dma_start3A_332 = arith.constant 0 : i32
      %dma_start3A_333 = tpu.memref_slice %arg12[%add3A_170, %dma_start3A_332] : memref<20480x128xbf16, #tpu.memory_space<vmem_shared>> -> memref<128x128xbf16, #tpu.memory_space<vmem_shared>>
      %dma_start3A_334 = arith.constant 0 : i32
      %dma_start3A_335 = tpu.memref_slice %arg12[%add3A_170, %dma_start3A_334] : memref<20480x128xbf16, #tpu.memory_space<vmem_shared>> -> memref<128x128xbf16, #tpu.memory_space<vmem_shared>>
      tpu.enqueue_dma source(%arg8 : memref<128x128xbf16, #tpu.memory_space<vmem>>) target(%dma_start3A_335 : memref<128x128xbf16, #tpu.memory_space<vmem_shared>>) target_semaphore(%run_scoped3A_331 : memref<!tpu.dma_semaphore, #tpu.memory_space<semaphore_mem>>)
      %dma_wait3A_336 = arith.constant 0 : i32
      %dma_wait3A_337 = tpu.memref_slice %arg12[%add3A_170, %dma_wait3A_336] : memref<20480x128xbf16, #tpu.memory_space<vmem_shared>> -> memref<128x128xbf16, #tpu.memory_space<vmem_shared>>
      %dma_wait3A_338 = arith.constant 0 : i32
      %dma_wait3A_339 = tpu.memref_slice %arg12[%add3A_170, %dma_wait3A_338] : memref<20480x128xbf16, #tpu.memory_space<vmem_shared>> -> memref<128x128xbf16, #tpu.memory_space<vmem_shared>>
      tpu.wait_dma2 semaphore(%run_scoped3A_331 : memref<!tpu.dma_semaphore, #tpu.memory_space<semaphore_mem>>) src(%arg8 : memref<128x128xbf16, #tpu.memory_space<vmem>>) dst(%dma_wait3A_339 : memref<128x128xbf16, #tpu.memory_space<vmem_shared>>)
      tpu.yield
    }) : () -> ()
    %add3A_171 = arith.constant 128 : i32
    %add3A_172 = arith.addi %mul3A_1, %add3A_171 : i32
    "tpu.region"() ({
      %run_scoped3A_331 = tpu.sem_alloc : memref<!tpu.dma_semaphore, #tpu.memory_space<semaphore_mem>>
      %dma_start3A_332 = arith.constant 0 : i32
      %dma_start3A_333 = tpu.memref_slice %arg12[%add3A_172, %dma_start3A_332] : memref<20480x128xbf16, #tpu.memory_space<vmem_shared>> -> memref<128x128xbf16, #tpu.memory_space<vmem_shared>>
      %dma_start3A_334 = arith.constant 0 : i32
      %dma_start3A_335 = tpu.memref_slice %arg12[%add3A_172, %dma_start3A_334] : memref<20480x128xbf16, #tpu.memory_space<vmem_shared>> -> memref<128x128xbf16, #tpu.memory_space<vmem_shared>>
      tpu.enqueue_dma source(%arg8 : memref<128x128xbf16, #tpu.memory_space<vmem>>) target(%dma_start3A_335 : memref<128x128xbf16, #tpu.memory_space<vmem_shared>>) target_semaphore(%run_scoped3A_331 : memref<!tpu.dma_semaphore, #tpu.memory_space<semaphore_mem>>)
      %dma_wait3A_336 = arith.constant 0 : i32
      %dma_wait3A_337 = tpu.memref_slice %arg12[%add3A_172, %dma_wait3A_336] : memref<20480x128xbf16, #tpu.memory_space<vmem_shared>> -> memref<128x128xbf16, #tpu.memory_space<vmem_shared>>
      %dma_wait3A_338 = arith.constant 0 : i32
      %dma_wait3A_339 = tpu.memref_slice %arg12[%add3A_172, %dma_wait3A_338] : memref<20480x128xbf16, #tpu.memory_space<vmem_shared>> -> memref<128x128xbf16, #tpu.memory_space<vmem_shared>>
      tpu.wait_dma2 semaphore(%run_scoped3A_331 : memref<!tpu.dma_semaphore, #tpu.memory_space<semaphore_mem>>) src(%arg8 : memref<128x128xbf16, #tpu.memory_space<vmem>>) dst(%dma_wait3A_339 : memref<128x128xbf16, #tpu.memory_space<vmem_shared>>)
      tpu.yield
    }) : () -> ()
    %add3A_173 = arith.constant 256 : i32
    %add3A_174 = arith.addi %mul3A_1, %add3A_173 : i32
    "tpu.region"() ({
      %run_scoped3A_331 = tpu.sem_alloc : memref<!tpu.dma_semaphore, #tpu.memory_space<semaphore_mem>>
      %dma_start3A_332 = arith.constant 0 : i32
      %dma_start3A_333 = tpu.memref_slice %arg12[%add3A_174, %dma_start3A_332] : memref<20480x128xbf16, #tpu.memory_space<vmem_shared>> -> memref<128x128xbf16, #tpu.memory_space<vmem_shared>>
      %dma_start3A_334 = arith.constant 0 : i32
      %dma_start3A_335 = tpu.memref_slice %arg12[%add3A_174, %dma_start3A_334] : memref<20480x128xbf16, #tpu.memory_space<vmem_shared>> -> memref<128x128xbf16, #tpu.memory_space<vmem_shared>>
      tpu.enqueue_dma source(%arg8 : memref<128x128xbf16, #tpu.memory_space<vmem>>) target(%dma_start3A_335 : memref<128x128xbf16, #tpu.memory_space<vmem_shared>>) target_semaphore(%run_scoped3A_331 : memref<!tpu.dma_semaphore, #tpu.memory_space<semaphore_mem>>)
      %dma_wait3A_336 = arith.constant 0 : i32
      %dma_wait3A_337 = tpu.memref_slice %arg12[%add3A_174, %dma_wait3A_336] : memref<20480x128xbf16, #tpu.memory_space<vmem_shared>> -> memref<128x128xbf16, #tpu.memory_space<vmem_shared>>
      %dma_wait3A_338 = arith.constant 0 : i32
      %dma_wait3A_339 = tpu.memref_slice %arg12[%add3A_174, %dma_wait3A_338] : memref<20480x128xbf16, #tpu.memory_space<vmem_shared>> -> memref<128x128xbf16, #tpu.memory_space<vmem_shared>>
      tpu.wait_dma2 semaphore(%run_scoped3A_331 : memref<!tpu.dma_semaphore, #tpu.memory_space<semaphore_mem>>) src(%arg8 : memref<128x128xbf16, #tpu.memory_space<vmem>>) dst(%dma_wait3A_339 : memref<128x128xbf16, #tpu.memory_space<vmem_shared>>)
      tpu.yield
    }) : () -> ()
    %add3A_175 = arith.constant 384 : i32
    %add3A_176 = arith.addi %mul3A_1, %add3A_175 : i32
    "tpu.region"() ({
      %run_scoped3A_331 = tpu.sem_alloc : memref<!tpu.dma_semaphore, #tpu.memory_space<semaphore_mem>>
      %dma_start3A_332 = arith.constant 0 : i32
      %dma_start3A_333 = tpu.memref_slice %arg12[%add3A_176, %dma_start3A_332] : memref<20480x128xbf16, #tpu.memory_space<vmem_shared>> -> memref<128x128xbf16, #tpu.memory_space<vmem_shared>>
      %dma_start3A_334 = arith.constant 0 : i32
      %dma_start3A_335 = tpu.memref_slice %arg12[%add3A_176, %dma_start3A_334] : memref<20480x128xbf16, #tpu.memory_space<vmem_shared>> -> memref<128x128xbf16, #tpu.memory_space<vmem_shared>>
      tpu.enqueue_dma source(%arg8 : memref<128x128xbf16, #tpu.memory_space<vmem>>) target(%dma_start3A_335 : memref<128x128xbf16, #tpu.memory_space<vmem_shared>>) target_semaphore(%run_scoped3A_331 : memref<!tpu.dma_semaphore, #tpu.memory_space<semaphore_mem>>)
      %dma_wait3A_336 = arith.constant 0 : i32
      %dma_wait3A_337 = tpu.memref_slice %arg12[%add3A_176, %dma_wait3A_336] : memref<20480x128xbf16, #tpu.memory_space<vmem_shared>> -> memref<128x128xbf16, #tpu.memory_space<vmem_shared>>
      %dma_wait3A_338 = arith.constant 0 : i32
      %dma_wait3A_339 = tpu.memref_slice %arg12[%add3A_176, %dma_wait3A_338] : memref<20480x128xbf16, #tpu.memory_space<vmem_shared>> -> memref<128x128xbf16, #tpu.memory_space<vmem_shared>>
      tpu.wait_dma2 semaphore(%run_scoped3A_331 : memref<!tpu.dma_semaphore, #tpu.memory_space<semaphore_mem>>) src(%arg8 : memref<128x128xbf16, #tpu.memory_space<vmem>>) dst(%dma_wait3A_339 : memref<128x128xbf16, #tpu.memory_space<vmem_shared>>)
      tpu.yield
    }) : () -> ()
    %add3A_177 = arith.constant 512 : i32
    %add3A_178 = arith.addi %mul3A_1, %add3A_177 : i32
    "tpu.region"() ({
      %run_scoped3A_331 = tpu.sem_alloc : memref<!tpu.dma_semaphore, #tpu.memory_space<semaphore_mem>>
      %dma_start3A_332 = arith.constant 0 : i32
      %dma_start3A_333 = tpu.memref_slice %arg12[%add3A_178, %dma_start3A_332] : memref<20480x128xbf16, #tpu.memory_space<vmem_shared>> -> memref<128x128xbf16, #tpu.memory_space<vmem_shared>>
      %dma_start3A_334 = arith.constant 0 : i32
      %dma_start3A_335 = tpu.memref_slice %arg12[%add3A_178, %dma_start3A_334] : memref<20480x128xbf16, #tpu.memory_space<vmem_shared>> -> memref<128x128xbf16, #tpu.memory_space<vmem_shared>>
      tpu.enqueue_dma source(%arg8 : memref<128x128xbf16, #tpu.memory_space<vmem>>) target(%dma_start3A_335 : memref<128x128xbf16, #tpu.memory_space<vmem_shared>>) target_semaphore(%run_scoped3A_331 : memref<!tpu.dma_semaphore, #tpu.memory_space<semaphore_mem>>)
      %dma_wait3A_336 = arith.constant 0 : i32
      %dma_wait3A_337 = tpu.memref_slice %arg12[%add3A_178, %dma_wait3A_336] : memref<20480x128xbf16, #tpu.memory_space<vmem_shared>> -> memref<128x128xbf16, #tpu.memory_space<vmem_shared>>
      %dma_wait3A_338 = arith.constant 0 : i32
      %dma_wait3A_339 = tpu.memref_slice %arg12[%add3A_178, %dma_wait3A_338] : memref<20480x128xbf16, #tpu.memory_space<vmem_shared>> -> memref<128x128xbf16, #tpu.memory_space<vmem_shared>>
      tpu.wait_dma2 semaphore(%run_scoped3A_331 : memref<!tpu.dma_semaphore, #tpu.memory_space<semaphore_mem>>) src(%arg8 : memref<128x128xbf16, #tpu.memory_space<vmem>>) dst(%dma_wait3A_339 : memref<128x128xbf16, #tpu.memory_space<vmem_shared>>)
      tpu.yield
    }) : () -> ()
    %add3A_179 = arith.constant 640 : i32
    %add3A_180 = arith.addi %mul3A_1, %add3A_179 : i32
    "tpu.region"() ({
      %run_scoped3A_331 = tpu.sem_alloc : memref<!tpu.dma_semaphore, #tpu.memory_space<semaphore_mem>>
      %dma_start3A_332 = arith.constant 0 : i32
      %dma_start3A_333 = tpu.memref_slice %arg12[%add3A_180, %dma_start3A_332] : memref<20480x128xbf16, #tpu.memory_space<vmem_shared>> -> memref<128x128xbf16, #tpu.memory_space<vmem_shared>>
      %dma_start3A_334 = arith.constant 0 : i32
      %dma_start3A_335 = tpu.memref_slice %arg12[%add3A_180, %dma_start3A_334] : memref<20480x128xbf16, #tpu.memory_space<vmem_shared>> -> memref<128x128xbf16, #tpu.memory_space<vmem_shared>>
      tpu.enqueue_dma source(%arg8 : memref<128x128xbf16, #tpu.memory_space<vmem>>) target(%dma_start3A_335 : memref<128x128xbf16, #tpu.memory_space<vmem_shared>>) target_semaphore(%run_scoped3A_331 : memref<!tpu.dma_semaphore, #tpu.memory_space<semaphore_mem>>)
      %dma_wait3A_336 = arith.constant 0 : i32
      %dma_wait3A_337 = tpu.memref_slice %arg12[%add3A_180, %dma_wait3A_336] : memref<20480x128xbf16, #tpu.memory_space<vmem_shared>> -> memref<128x128xbf16, #tpu.memory_space<vmem_shared>>
      %dma_wait3A_338 = arith.constant 0 : i32
      %dma_wait3A_339 = tpu.memref_slice %arg12[%add3A_180, %dma_wait3A_338] : memref<20480x128xbf16, #tpu.memory_space<vmem_shared>> -> memref<128x128xbf16, #tpu.memory_space<vmem_shared>>
      tpu.wait_dma2 semaphore(%run_scoped3A_331 : memref<!tpu.dma_semaphore, #tpu.memory_space<semaphore_mem>>) src(%arg8 : memref<128x128xbf16, #tpu.memory_space<vmem>>) dst(%dma_wait3A_339 : memref<128x128xbf16, #tpu.memory_space<vmem_shared>>)
      tpu.yield
    }) : () -> ()
    %add3A_181 = arith.constant 768 : i32
    %add3A_182 = arith.addi %mul3A_1, %add3A_181 : i32
    "tpu.region"() ({
      %run_scoped3A_331 = tpu.sem_alloc : memref<!tpu.dma_semaphore, #tpu.memory_space<semaphore_mem>>
      %dma_start3A_332 = arith.constant 0 : i32
      %dma_start3A_333 = tpu.memref_slice %arg12[%add3A_182, %dma_start3A_332] : memref<20480x128xbf16, #tpu.memory_space<vmem_shared>> -> memref<128x128xbf16, #tpu.memory_space<vmem_shared>>
      %dma_start3A_334 = arith.constant 0 : i32
      %dma_start3A_335 = tpu.memref_slice %arg12[%add3A_182, %dma_start3A_334] : memref<20480x128xbf16, #tpu.memory_space<vmem_shared>> -> memref<128x128xbf16, #tpu.memory_space<vmem_shared>>
      tpu.enqueue_dma source(%arg8 : memref<128x128xbf16, #tpu.memory_space<vmem>>) target(%dma_start3A_335 : memref<128x128xbf16, #tpu.memory_space<vmem_shared>>) target_semaphore(%run_scoped3A_331 : memref<!tpu.dma_semaphore, #tpu.memory_space<semaphore_mem>>)
      %dma_wait3A_336 = arith.constant 0 : i32
      %dma_wait3A_337 = tpu.memref_slice %arg12[%add3A_182, %dma_wait3A_336] : memref<20480x128xbf16, #tpu.memory_space<vmem_shared>> -> memref<128x128xbf16, #tpu.memory_space<vmem_shared>>
      %dma_wait3A_338 = arith.constant 0 : i32
      %dma_wait3A_339 = tpu.memref_slice %arg12[%add3A_182, %dma_wait3A_338] : memref<20480x128xbf16, #tpu.memory_space<vmem_shared>> -> memref<128x128xbf16, #tpu.memory_space<vmem_shared>>
      tpu.wait_dma2 semaphore(%run_scoped3A_331 : memref<!tpu.dma_semaphore, #tpu.memory_space<semaphore_mem>>) src(%arg8 : memref<128x128xbf16, #tpu.memory_space<vmem>>) dst(%dma_wait3A_339 : memref<128x128xbf16, #tpu.memory_space<vmem_shared>>)
      tpu.yield
    }) : () -> ()
    %add3A_183 = arith.constant 896 : i32
    %add3A_184 = arith.addi %mul3A_1, %add3A_183 : i32
    "tpu.region"() ({
      %run_scoped3A_331 = tpu.sem_alloc : memref<!tpu.dma_semaphore, #tpu.memory_space<semaphore_mem>>
      %dma_start3A_332 = arith.constant 0 : i32
      %dma_start3A_333 = tpu.memref_slice %arg12[%add3A_184, %dma_start3A_332] : memref<20480x128xbf16, #tpu.memory_space<vmem_shared>> -> memref<128x128xbf16, #tpu.memory_space<vmem_shared>>
      %dma_start3A_334 = arith.constant 0 : i32
      %dma_start3A_335 = tpu.memref_slice %arg12[%add3A_184, %dma_start3A_334] : memref<20480x128xbf16, #tpu.memory_space<vmem_shared>> -> memref<128x128xbf16, #tpu.memory_space<vmem_shared>>
      tpu.enqueue_dma source(%arg8 : memref<128x128xbf16, #tpu.memory_space<vmem>>) target(%dma_start3A_335 : memref<128x128xbf16, #tpu.memory_space<vmem_shared>>) target_semaphore(%run_scoped3A_331 : memref<!tpu.dma_semaphore, #tpu.memory_space<semaphore_mem>>)
      %dma_wait3A_336 = arith.constant 0 : i32
      %dma_wait3A_337 = tpu.memref_slice %arg12[%add3A_184, %dma_wait3A_336] : memref<20480x128xbf16, #tpu.memory_space<vmem_shared>> -> memref<128x128xbf16, #tpu.memory_space<vmem_shared>>
      %dma_wait3A_338 = arith.constant 0 : i32
      %dma_wait3A_339 = tpu.memref_slice %arg12[%add3A_184, %dma_wait3A_338] : memref<20480x128xbf16, #tpu.memory_space<vmem_shared>> -> memref<128x128xbf16, #tpu.memory_space<vmem_shared>>
      tpu.wait_dma2 semaphore(%run_scoped3A_331 : memref<!tpu.dma_semaphore, #tpu.memory_space<semaphore_mem>>) src(%arg8 : memref<128x128xbf16, #tpu.memory_space<vmem>>) dst(%dma_wait3A_339 : memref<128x128xbf16, #tpu.memory_space<vmem_shared>>)
      tpu.yield
    }) : () -> ()
    %add3A_185 = arith.constant 1024 : i32
    %add3A_186 = arith.addi %mul3A_1, %add3A_185 : i32
    "tpu.region"() ({
      %run_scoped3A_331 = tpu.sem_alloc : memref<!tpu.dma_semaphore, #tpu.memory_space<semaphore_mem>>
      %dma_start3A_332 = arith.constant 0 : i32
      %dma_start3A_333 = tpu.memref_slice %arg12[%add3A_186, %dma_start3A_332] : memref<20480x128xbf16, #tpu.memory_space<vmem_shared>> -> memref<128x128xbf16, #tpu.memory_space<vmem_shared>>
      %dma_start3A_334 = arith.constant 0 : i32
      %dma_start3A_335 = tpu.memref_slice %arg12[%add3A_186, %dma_start3A_334] : memref<20480x128xbf16, #tpu.memory_space<vmem_shared>> -> memref<128x128xbf16, #tpu.memory_space<vmem_shared>>
      tpu.enqueue_dma source(%arg8 : memref<128x128xbf16, #tpu.memory_space<vmem>>) target(%dma_start3A_335 : memref<128x128xbf16, #tpu.memory_space<vmem_shared>>) target_semaphore(%run_scoped3A_331 : memref<!tpu.dma_semaphore, #tpu.memory_space<semaphore_mem>>)
      %dma_wait3A_336 = arith.constant 0 : i32
      %dma_wait3A_337 = tpu.memref_slice %arg12[%add3A_186, %dma_wait3A_336] : memref<20480x128xbf16, #tpu.memory_space<vmem_shared>> -> memref<128x128xbf16, #tpu.memory_space<vmem_shared>>
      %dma_wait3A_338 = arith.constant 0 : i32
      %dma_wait3A_339 = tpu.memref_slice %arg12[%add3A_186, %dma_wait3A_338] : memref<20480x128xbf16, #tpu.memory_space<vmem_shared>> -> memref<128x128xbf16, #tpu.memory_space<vmem_shared>>
      tpu.wait_dma2 semaphore(%run_scoped3A_331 : memref<!tpu.dma_semaphore, #tpu.memory_space<semaphore_mem>>) src(%arg8 : memref<128x128xbf16, #tpu.memory_space<vmem>>) dst(%dma_wait3A_339 : memref<128x128xbf16, #tpu.memory_space<vmem_shared>>)
      tpu.yield
    }) : () -> ()
    %add3A_187 = arith.constant 1152 : i32
    %add3A_188 = arith.addi %mul3A_1, %add3A_187 : i32
    "tpu.region"() ({
      %run_scoped3A_331 = tpu.sem_alloc : memref<!tpu.dma_semaphore, #tpu.memory_space<semaphore_mem>>
      %dma_start3A_332 = arith.constant 0 : i32
      %dma_start3A_333 = tpu.memref_slice %arg12[%add3A_188, %dma_start3A_332] : memref<20480x128xbf16, #tpu.memory_space<vmem_shared>> -> memref<128x128xbf16, #tpu.memory_space<vmem_shared>>
      %dma_start3A_334 = arith.constant 0 : i32
      %dma_start3A_335 = tpu.memref_slice %arg12[%add3A_188, %dma_start3A_334] : memref<20480x128xbf16, #tpu.memory_space<vmem_shared>> -> memref<128x128xbf16, #tpu.memory_space<vmem_shared>>
      tpu.enqueue_dma source(%arg8 : memref<128x128xbf16, #tpu.memory_space<vmem>>) target(%dma_start3A_335 : memref<128x128xbf16, #tpu.memory_space<vmem_shared>>) target_semaphore(%run_scoped3A_331 : memref<!tpu.dma_semaphore, #tpu.memory_space<semaphore_mem>>)
      %dma_wait3A_336 = arith.constant 0 : i32
      %dma_wait3A_337 = tpu.memref_slice %arg12[%add3A_188, %dma_wait3A_336] : memref<20480x128xbf16, #tpu.memory_space<vmem_shared>> -> memref<128x128xbf16, #tpu.memory_space<vmem_shared>>
      %dma_wait3A_338 = arith.constant 0 : i32
      %dma_wait3A_339 = tpu.memref_slice %arg12[%add3A_188, %dma_wait3A_338] : memref<20480x128xbf16, #tpu.memory_space<vmem_shared>> -> memref<128x128xbf16, #tpu.memory_space<vmem_shared>>
      tpu.wait_dma2 semaphore(%run_scoped3A_331 : memref<!tpu.dma_semaphore, #tpu.memory_space<semaphore_mem>>) src(%arg8 : memref<128x128xbf16, #tpu.memory_space<vmem>>) dst(%dma_wait3A_339 : memref<128x128xbf16, #tpu.memory_space<vmem_shared>>)
      tpu.yield
    }) : () -> ()
    %barrier3A_189 = arith.constant 0 : index
    tpu.barrier barrier_id(%barrier3A_189)
    %run_scoped3A_190 = arith.constant 1 : i32
    "tpu.region"() ({
      %run_scoped3A_331 = tpu.sem_alloc : memref<!tpu.dma_semaphore, #tpu.memory_space<semaphore_mem>>
      %dma_start3A_332 = arith.constant 0 : i32
      %dma_start3A_333 = arith.constant 0 : i32
      %dma_start3A_334 = tpu.memref_slice %arg3[%arg0, %run_scoped3A_190, %arg1, %dma_start3A_332, %dma_start3A_333] : memref<2x2x16x80x128xi32, #tpu.memory_space<hbm>> -> memref<1x1x1x40x128xi32, #tpu.memory_space<hbm>>
      %dma_start3A_335 = tpu.memref_squeeze %dma_start3A_334 : memref<1x1x1x40x128xi32, #tpu.memory_space<hbm>> -> memref<40x128xi32, #tpu.memory_space<hbm>>
      %dma_start3A_336 = arith.constant 0 : i32
      %dma_start3A_337 = arith.constant 0 : i32
      %dma_start3A_338 = tpu.memref_slice %arg3[%arg0, %run_scoped3A_190, %arg1, %dma_start3A_336, %dma_start3A_337] : memref<2x2x16x80x128xi32, #tpu.memory_space<hbm>> -> memref<1x1x1x40x128xi32, #tpu.memory_space<hbm>>
      %dma_start3A_339 = tpu.memref_squeeze %dma_start3A_338 : memref<1x1x1x40x128xi32, #tpu.memory_space<hbm>> -> memref<40x128xi32, #tpu.memory_space<hbm>>
      tpu.enqueue_dma source(%dma_start3A_339 : memref<40x128xi32, #tpu.memory_space<hbm>>) target(%arg6 : memref<40x128xi32, #tpu.memory_space<vmem>>) target_semaphore(%run_scoped3A_331 : memref<!tpu.dma_semaphore, #tpu.memory_space<semaphore_mem>>)
      %dma_wait3A_340 = arith.constant 0 : i32
      %dma_wait3A_341 = arith.constant 0 : i32
      %dma_wait3A_342 = tpu.memref_slice %arg3[%arg0, %run_scoped3A_190, %arg1, %dma_wait3A_340, %dma_wait3A_341] : memref<2x2x16x80x128xi32, #tpu.memory_space<hbm>> -> memref<1x1x1x40x128xi32, #tpu.memory_space<hbm>>
      %dma_wait3A_343 = tpu.memref_squeeze %dma_wait3A_342 : memref<1x1x1x40x128xi32, #tpu.memory_space<hbm>> -> memref<40x128xi32, #tpu.memory_space<hbm>>
      %dma_wait3A_344 = arith.constant 0 : i32
      %dma_wait3A_345 = arith.constant 0 : i32
      %dma_wait3A_346 = tpu.memref_slice %arg3[%arg0, %run_scoped3A_190, %arg1, %dma_wait3A_344, %dma_wait3A_345] : memref<2x2x16x80x128xi32, #tpu.memory_space<hbm>> -> memref<1x1x1x40x128xi32, #tpu.memory_space<hbm>>
      %dma_wait3A_347 = tpu.memref_squeeze %dma_wait3A_346 : memref<1x1x1x40x128xi32, #tpu.memory_space<hbm>> -> memref<40x128xi32, #tpu.memory_space<hbm>>
      tpu.wait_dma2 semaphore(%run_scoped3A_331 : memref<!tpu.dma_semaphore, #tpu.memory_space<semaphore_mem>>) src(%dma_wait3A_347 : memref<40x128xi32, #tpu.memory_space<hbm>>) dst(%arg6 : memref<40x128xi32, #tpu.memory_space<vmem>>)
      tpu.yield
    }) : () -> ()
    %run_scoped3A_191 = arith.constant 1 : i32
    "tpu.region"() ({
      %run_scoped3A_331 = tpu.sem_alloc : memref<!tpu.dma_semaphore, #tpu.memory_space<semaphore_mem>>
      %dma_start3A_332 = arith.constant 0 : i32
      %dma_start3A_333 = arith.constant 0 : i32
      %dma_start3A_334 = tpu.memref_slice %arg4[%arg0, %run_scoped3A_191, %arg1, %dma_start3A_332, %dma_start3A_333] : memref<2x2x16x80x128xi32, #tpu.memory_space<hbm>> -> memref<1x1x1x40x128xi32, #tpu.memory_space<hbm>>
      %dma_start3A_335 = tpu.memref_squeeze %dma_start3A_334 : memref<1x1x1x40x128xi32, #tpu.memory_space<hbm>> -> memref<40x128xi32, #tpu.memory_space<hbm>>
      %dma_start3A_336 = arith.constant 0 : i32
      %dma_start3A_337 = arith.constant 0 : i32
      %dma_start3A_338 = tpu.memref_slice %arg4[%arg0, %run_scoped3A_191, %arg1, %dma_start3A_336, %dma_start3A_337] : memref<2x2x16x80x128xi32, #tpu.memory_space<hbm>> -> memref<1x1x1x40x128xi32, #tpu.memory_space<hbm>>
      %dma_start3A_339 = tpu.memref_squeeze %dma_start3A_338 : memref<1x1x1x40x128xi32, #tpu.memory_space<hbm>> -> memref<40x128xi32, #tpu.memory_space<hbm>>
      tpu.enqueue_dma source(%dma_start3A_339 : memref<40x128xi32, #tpu.memory_space<hbm>>) target(%arg7 : memref<40x128xi32, #tpu.memory_space<vmem>>) target_semaphore(%run_scoped3A_331 : memref<!tpu.dma_semaphore, #tpu.memory_space<semaphore_mem>>)
      %dma_wait3A_340 = arith.constant 0 : i32
      %dma_wait3A_341 = arith.constant 0 : i32
      %dma_wait3A_342 = tpu.memref_slice %arg4[%arg0, %run_scoped3A_191, %arg1, %dma_wait3A_340, %dma_wait3A_341] : memref<2x2x16x80x128xi32, #tpu.memory_space<hbm>> -> memref<1x1x1x40x128xi32, #tpu.memory_space<hbm>>
      %dma_wait3A_343 = tpu.memref_squeeze %dma_wait3A_342 : memref<1x1x1x40x128xi32, #tpu.memory_space<hbm>> -> memref<40x128xi32, #tpu.memory_space<hbm>>
      %dma_wait3A_344 = arith.constant 0 : i32
      %dma_wait3A_345 = arith.constant 0 : i32
      %dma_wait3A_346 = tpu.memref_slice %arg4[%arg0, %run_scoped3A_191, %arg1, %dma_wait3A_344, %dma_wait3A_345] : memref<2x2x16x80x128xi32, #tpu.memory_space<hbm>> -> memref<1x1x1x40x128xi32, #tpu.memory_space<hbm>>
      %dma_wait3A_347 = tpu.memref_squeeze %dma_wait3A_346 : memref<1x1x1x40x128xi32, #tpu.memory_space<hbm>> -> memref<40x128xi32, #tpu.memory_space<hbm>>
      tpu.wait_dma2 semaphore(%run_scoped3A_331 : memref<!tpu.dma_semaphore, #tpu.memory_space<semaphore_mem>>) src(%dma_wait3A_347 : memref<40x128xi32, #tpu.memory_space<hbm>>) dst(%arg7 : memref<40x128xi32, #tpu.memory_space<vmem>>)
      tpu.yield
    }) : () -> ()
    %dma_start3A_192 = arith.constant 0 : i32
    %dma_start3A_193 = arith.constant 0 : i32
    %dma_start3A_194 = tpu.memref_slice %arg6[%dma_start3A_192, %dma_start3A_193] : memref<40x128xi32, #tpu.memory_space<vmem>> -> memref<1x128xi32, #tpu.memory_space<vmem>>
    %dma_start3A_195 = tpu.memref_squeeze %dma_start3A_194 : memref<1x128xi32, #tpu.memory_space<vmem>> -> memref<128xi32, #tpu.memory_space<vmem>>
    %dma_start3A_196 = arith.constant 0 : i32
    %dma_start3A_197 = arith.constant 0 : i32
    %dma_start3A_198 = tpu.memref_slice %arg2[%dma_start3A_196, %dma_start3A_197] : memref<50000x128xbf16, #tpu.memory_space<hbm>> -> memref<50000x128xbf16, #tpu.memory_space<hbm>>
    tpu.enqueue_indirect_dma source(%dma_start3A_198 : memref<50000x128xbf16, #tpu.memory_space<hbm>>) target(%arg8 : memref<128x128xbf16, #tpu.memory_space<vmem>>) offsets(%dma_start3A_195 : memref<128xi32, #tpu.memory_space<vmem>>) semaphore(%arg13 : memref<!tpu.dma_semaphore, #tpu.memory_space<semaphore_mem>>)
    %dma_start3A_199 = arith.constant 1 : i32
    %dma_start3A_200 = arith.constant 0 : i32
    %dma_start3A_201 = tpu.memref_slice %arg6[%dma_start3A_199, %dma_start3A_200] : memref<40x128xi32, #tpu.memory_space<vmem>> -> memref<1x128xi32, #tpu.memory_space<vmem>>
    %dma_start3A_202 = tpu.memref_squeeze %dma_start3A_201 : memref<1x128xi32, #tpu.memory_space<vmem>> -> memref<128xi32, #tpu.memory_space<vmem>>
    %dma_start3A_203 = arith.constant 0 : i32
    %dma_start3A_204 = arith.constant 0 : i32
    %dma_start3A_205 = tpu.memref_slice %arg2[%dma_start3A_203, %dma_start3A_204] : memref<50000x128xbf16, #tpu.memory_space<hbm>> -> memref<50000x128xbf16, #tpu.memory_space<hbm>>
    tpu.enqueue_indirect_dma source(%dma_start3A_205 : memref<50000x128xbf16, #tpu.memory_space<hbm>>) target(%arg9 : memref<128x128xbf16, #tpu.memory_space<vmem>>) offsets(%dma_start3A_202 : memref<128xi32, #tpu.memory_space<vmem>>) semaphore(%arg14 : memref<!tpu.dma_semaphore, #tpu.memory_space<semaphore_mem>>)
    %dma_start3A_206 = arith.constant 2 : i32
    %dma_start3A_207 = arith.constant 0 : i32
    %dma_start3A_208 = tpu.memref_slice %arg6[%dma_start3A_206, %dma_start3A_207] : memref<40x128xi32, #tpu.memory_space<vmem>> -> memref<1x128xi32, #tpu.memory_space<vmem>>
    %dma_start3A_209 = tpu.memref_squeeze %dma_start3A_208 : memref<1x128xi32, #tpu.memory_space<vmem>> -> memref<128xi32, #tpu.memory_space<vmem>>
    %dma_start3A_210 = arith.constant 0 : i32
    %dma_start3A_211 = arith.constant 0 : i32
    %dma_start3A_212 = tpu.memref_slice %arg2[%dma_start3A_210, %dma_start3A_211] : memref<50000x128xbf16, #tpu.memory_space<hbm>> -> memref<50000x128xbf16, #tpu.memory_space<hbm>>
    tpu.enqueue_indirect_dma source(%dma_start3A_212 : memref<50000x128xbf16, #tpu.memory_space<hbm>>) target(%arg10 : memref<128x128xbf16, #tpu.memory_space<vmem>>) offsets(%dma_start3A_209 : memref<128xi32, #tpu.memory_space<vmem>>) semaphore(%arg15 : memref<!tpu.dma_semaphore, #tpu.memory_space<semaphore_mem>>)
    %dma_start3A_213 = arith.constant 3 : i32
    %dma_start3A_214 = arith.constant 0 : i32
    %dma_start3A_215 = tpu.memref_slice %arg6[%dma_start3A_213, %dma_start3A_214] : memref<40x128xi32, #tpu.memory_space<vmem>> -> memref<1x128xi32, #tpu.memory_space<vmem>>
    %dma_start3A_216 = tpu.memref_squeeze %dma_start3A_215 : memref<1x128xi32, #tpu.memory_space<vmem>> -> memref<128xi32, #tpu.memory_space<vmem>>
    %dma_start3A_217 = arith.constant 0 : i32
    %dma_start3A_218 = arith.constant 0 : i32
    %dma_start3A_219 = tpu.memref_slice %arg2[%dma_start3A_217, %dma_start3A_218] : memref<50000x128xbf16, #tpu.memory_space<hbm>> -> memref<50000x128xbf16, #tpu.memory_space<hbm>>
    tpu.enqueue_indirect_dma source(%dma_start3A_219 : memref<50000x128xbf16, #tpu.memory_space<hbm>>) target(%arg11 : memref<128x128xbf16, #tpu.memory_space<vmem>>) offsets(%dma_start3A_216 : memref<128xi32, #tpu.memory_space<vmem>>) semaphore(%arg16 : memref<!tpu.dma_semaphore, #tpu.memory_space<semaphore_mem>>)
    %scan3A_220 = arith.constant 0 : i32
    %scan3A_221 = arith.constant 0 : i32
    %scan3A_222 = arith.constant 10 : i32
    %scan3A_223 = arith.addi %scan3A_221, %scan3A_222 : i32
    %scan3A_224 = arith.constant 1 : i32
    %scan3A_225 = scf.for %scan3A_331 = %scan3A_221 to %scan3A_223 step %scan3A_224 iter_args(%scan3A_332 = %scan3A_220) -> (i32)  : i32 {
      %mul3A_333 = arith.constant 4 : i32
      %mul3A_334 = arith.muli %mul3A_333, %scan3A_331 : i32
      %add3A_335 = arith.constant 0 : i32
      %add3A_336 = arith.addi %mul3A_334, %add3A_335 : i32
      %dma_wait3A_337 = arith.constant 0 : i32
      %dma_wait3A_338 = tpu.memref_slice %arg6[%add3A_336, %dma_wait3A_337] : memref<40x128xi32, #tpu.memory_space<vmem>> -> memref<1x128xi32, #tpu.memory_space<vmem>>
      %dma_wait3A_339 = tpu.memref_squeeze %dma_wait3A_338 : memref<1x128xi32, #tpu.memory_space<vmem>> -> memref<128xi32, #tpu.memory_space<vmem>>
      %dma_wait3A_340 = arith.constant 0 : i32
      %dma_wait3A_341 = arith.constant 0 : i32
      %dma_wait3A_342 = tpu.memref_slice %arg2[%dma_wait3A_340, %dma_wait3A_341] : memref<50000x128xbf16, #tpu.memory_space<hbm>> -> memref<50000x128xbf16, #tpu.memory_space<hbm>>
      tpu.wait_indirect_dma semaphore(%arg13 : memref<!tpu.dma_semaphore, #tpu.memory_space<semaphore_mem>>) src(%dma_wait3A_342 : memref<50000x128xbf16, #tpu.memory_space<hbm>>) dst(%arg8 : memref<128x128xbf16, #tpu.memory_space<vmem>>)
      %add3A_343 = arith.constant 0 : i32
      %add3A_344 = arith.addi %mul3A_334, %add3A_343 : i32
      %dma_start3A_345 = arith.constant 0 : i32
      %dma_start3A_346 = tpu.memref_slice %arg7[%add3A_344, %dma_start3A_345] : memref<40x128xi32, #tpu.memory_space<vmem>> -> memref<1x128xi32, #tpu.memory_space<vmem>>
      %dma_start3A_347 = tpu.memref_squeeze %dma_start3A_346 : memref<1x128xi32, #tpu.memory_space<vmem>> -> memref<128xi32, #tpu.memory_space<vmem>>
      %dma_start3A_348 = arith.constant 0 : i32
      %dma_start3A_349 = arith.constant 0 : i32
      %dma_start3A_350 = tpu.memref_slice %arg12[%dma_start3A_348, %dma_start3A_349] : memref<20480x128xbf16, #tpu.memory_space<vmem_shared>> -> memref<20480x128xbf16, #tpu.memory_space<vmem_shared>>
      tpu.enqueue_indirect_dma source(%arg8 : memref<128x128xbf16, #tpu.memory_space<vmem>>) target(%dma_start3A_350 : memref<20480x128xbf16, #tpu.memory_space<vmem_shared>>) offsets(%dma_start3A_347 : memref<128xi32, #tpu.memory_space<vmem>>) semaphore(%arg17 : memref<!tpu.dma_semaphore, #tpu.memory_space<semaphore_mem>>) {add = true}
      %add3A_351 = arith.constant 1 : i32
      %add3A_352 = arith.addi %mul3A_334, %add3A_351 : i32
      %dma_wait3A_353 = arith.constant 0 : i32
      %dma_wait3A_354 = tpu.memref_slice %arg6[%add3A_352, %dma_wait3A_353] : memref<40x128xi32, #tpu.memory_space<vmem>> -> memref<1x128xi32, #tpu.memory_space<vmem>>
      %dma_wait3A_355 = tpu.memref_squeeze %dma_wait3A_354 : memref<1x128xi32, #tpu.memory_space<vmem>> -> memref<128xi32, #tpu.memory_space<vmem>>
      %dma_wait3A_356 = arith.constant 0 : i32
      %dma_wait3A_357 = arith.constant 0 : i32
      %dma_wait3A_358 = tpu.memref_slice %arg2[%dma_wait3A_356, %dma_wait3A_357] : memref<50000x128xbf16, #tpu.memory_space<hbm>> -> memref<50000x128xbf16, #tpu.memory_space<hbm>>
      tpu.wait_indirect_dma semaphore(%arg14 : memref<!tpu.dma_semaphore, #tpu.memory_space<semaphore_mem>>) src(%dma_wait3A_358 : memref<50000x128xbf16, #tpu.memory_space<hbm>>) dst(%arg9 : memref<128x128xbf16, #tpu.memory_space<vmem>>)
      %add3A_359 = arith.constant 1 : i32
      %add3A_360 = arith.addi %mul3A_334, %add3A_359 : i32
      %dma_start3A_361 = arith.constant 0 : i32
      %dma_start3A_362 = tpu.memref_slice %arg7[%add3A_360, %dma_start3A_361] : memref<40x128xi32, #tpu.memory_space<vmem>> -> memref<1x128xi32, #tpu.memory_space<vmem>>
      %dma_start3A_363 = tpu.memref_squeeze %dma_start3A_362 : memref<1x128xi32, #tpu.memory_space<vmem>> -> memref<128xi32, #tpu.memory_space<vmem>>
      %dma_start3A_364 = arith.constant 0 : i32
      %dma_start3A_365 = arith.constant 0 : i32
      %dma_start3A_366 = tpu.memref_slice %arg12[%dma_start3A_364, %dma_start3A_365] : memref<20480x128xbf16, #tpu.memory_space<vmem_shared>> -> memref<20480x128xbf16, #tpu.memory_space<vmem_shared>>
      tpu.enqueue_indirect_dma source(%arg9 : memref<128x128xbf16, #tpu.memory_space<vmem>>) target(%dma_start3A_366 : memref<20480x128xbf16, #tpu.memory_space<vmem_shared>>) offsets(%dma_start3A_363 : memref<128xi32, #tpu.memory_space<vmem>>) semaphore(%arg18 : memref<!tpu.dma_semaphore, #tpu.memory_space<semaphore_mem>>) {add = true}
      %add3A_367 = arith.constant 2 : i32
      %add3A_368 = arith.addi %mul3A_334, %add3A_367 : i32
      %dma_wait3A_369 = arith.constant 0 : i32
      %dma_wait3A_370 = tpu.memref_slice %arg6[%add3A_368, %dma_wait3A_369] : memref<40x128xi32, #tpu.memory_space<vmem>> -> memref<1x128xi32, #tpu.memory_space<vmem>>
      %dma_wait3A_371 = tpu.memref_squeeze %dma_wait3A_370 : memref<1x128xi32, #tpu.memory_space<vmem>> -> memref<128xi32, #tpu.memory_space<vmem>>
      %dma_wait3A_372 = arith.constant 0 : i32
      %dma_wait3A_373 = arith.constant 0 : i32
      %dma_wait3A_374 = tpu.memref_slice %arg2[%dma_wait3A_372, %dma_wait3A_373] : memref<50000x128xbf16, #tpu.memory_space<hbm>> -> memref<50000x128xbf16, #tpu.memory_space<hbm>>
      tpu.wait_indirect_dma semaphore(%arg15 : memref<!tpu.dma_semaphore, #tpu.memory_space<semaphore_mem>>) src(%dma_wait3A_374 : memref<50000x128xbf16, #tpu.memory_space<hbm>>) dst(%arg10 : memref<128x128xbf16, #tpu.memory_space<vmem>>)
      %add3A_375 = arith.constant 2 : i32
      %add3A_376 = arith.addi %mul3A_334, %add3A_375 : i32
      %dma_start3A_377 = arith.constant 0 : i32
      %dma_start3A_378 = tpu.memref_slice %arg7[%add3A_376, %dma_start3A_377] : memref<40x128xi32, #tpu.memory_space<vmem>> -> memref<1x128xi32, #tpu.memory_space<vmem>>
      %dma_start3A_379 = tpu.memref_squeeze %dma_start3A_378 : memref<1x128xi32, #tpu.memory_space<vmem>> -> memref<128xi32, #tpu.memory_space<vmem>>
      %dma_start3A_380 = arith.constant 0 : i32
      %dma_start3A_381 = arith.constant 0 : i32
      %dma_start3A_382 = tpu.memref_slice %arg12[%dma_start3A_380, %dma_start3A_381] : memref<20480x128xbf16, #tpu.memory_space<vmem_shared>> -> memref<20480x128xbf16, #tpu.memory_space<vmem_shared>>
      tpu.enqueue_indirect_dma source(%arg10 : memref<128x128xbf16, #tpu.memory_space<vmem>>) target(%dma_start3A_382 : memref<20480x128xbf16, #tpu.memory_space<vmem_shared>>) offsets(%dma_start3A_379 : memref<128xi32, #tpu.memory_space<vmem>>) semaphore(%arg19 : memref<!tpu.dma_semaphore, #tpu.memory_space<semaphore_mem>>) {add = true}
      %add3A_383 = arith.constant 3 : i32
      %add3A_384 = arith.addi %mul3A_334, %add3A_383 : i32
      %dma_wait3A_385 = arith.constant 0 : i32
      %dma_wait3A_386 = tpu.memref_slice %arg6[%add3A_384, %dma_wait3A_385] : memref<40x128xi32, #tpu.memory_space<vmem>> -> memref<1x128xi32, #tpu.memory_space<vmem>>
      %dma_wait3A_387 = tpu.memref_squeeze %dma_wait3A_386 : memref<1x128xi32, #tpu.memory_space<vmem>> -> memref<128xi32, #tpu.memory_space<vmem>>
      %dma_wait3A_388 = arith.constant 0 : i32
      %dma_wait3A_389 = arith.constant 0 : i32
      %dma_wait3A_390 = tpu.memref_slice %arg2[%dma_wait3A_388, %dma_wait3A_389] : memref<50000x128xbf16, #tpu.memory_space<hbm>> -> memref<50000x128xbf16, #tpu.memory_space<hbm>>
      tpu.wait_indirect_dma semaphore(%arg16 : memref<!tpu.dma_semaphore, #tpu.memory_space<semaphore_mem>>) src(%dma_wait3A_390 : memref<50000x128xbf16, #tpu.memory_space<hbm>>) dst(%arg11 : memref<128x128xbf16, #tpu.memory_space<vmem>>)
      %add3A_391 = arith.constant 3 : i32
      %add3A_392 = arith.addi %mul3A_334, %add3A_391 : i32
      %dma_start3A_393 = arith.constant 0 : i32
      %dma_start3A_394 = tpu.memref_slice %arg7[%add3A_392, %dma_start3A_393] : memref<40x128xi32, #tpu.memory_space<vmem>> -> memref<1x128xi32, #tpu.memory_space<vmem>>
      %dma_start3A_395 = tpu.memref_squeeze %dma_start3A_394 : memref<1x128xi32, #tpu.memory_space<vmem>> -> memref<128xi32, #tpu.memory_space<vmem>>
      %dma_start3A_396 = arith.constant 0 : i32
      %dma_start3A_397 = arith.constant 0 : i32
      %dma_start3A_398 = tpu.memref_slice %arg12[%dma_start3A_396, %dma_start3A_397] : memref<20480x128xbf16, #tpu.memory_space<vmem_shared>> -> memref<20480x128xbf16, #tpu.memory_space<vmem_shared>>
      tpu.enqueue_indirect_dma source(%arg11 : memref<128x128xbf16, #tpu.memory_space<vmem>>) target(%dma_start3A_398 : memref<20480x128xbf16, #tpu.memory_space<vmem_shared>>) offsets(%dma_start3A_395 : memref<128xi32, #tpu.memory_space<vmem>>) semaphore(%arg20 : memref<!tpu.dma_semaphore, #tpu.memory_space<semaphore_mem>>) {add = true}
      %lt3A = arith.constant 9 : i32
      %lt3A_399 = arith.cmpi slt, %scan3A_331, %lt3A : i32
      %convert_element_type3A_400 = arith.extui %lt3A_399 : i1 to i32
      %cond3A_401 = arith.constant 0 : i32
      %cond3A_402 = arith.cmpi ne, %convert_element_type3A_400, %cond3A_401 : i32
      scf.if %cond3A_402 {
        %add3A_404 = arith.constant 0 : i32
        %add3A_405 = arith.addi %mul3A_334, %add3A_404 : i32
        %dma_wait3A_406 = arith.constant 0 : i32
        %dma_wait3A_407 = tpu.memref_slice %arg7[%add3A_405, %dma_wait3A_406] : memref<40x128xi32, #tpu.memory_space<vmem>> -> memref<1x128xi32, #tpu.memory_space<vmem>>
        %dma_wait3A_408 = tpu.memref_squeeze %dma_wait3A_407 : memref<1x128xi32, #tpu.memory_space<vmem>> -> memref<128xi32, #tpu.memory_space<vmem>>
        %dma_wait3A_409 = arith.constant 0 : i32
        %dma_wait3A_410 = arith.constant 0 : i32
        %dma_wait3A_411 = tpu.memref_slice %arg12[%dma_wait3A_409, %dma_wait3A_410] : memref<20480x128xbf16, #tpu.memory_space<vmem_shared>> -> memref<20480x128xbf16, #tpu.memory_space<vmem_shared>>
        tpu.wait_indirect_dma semaphore(%arg17 : memref<!tpu.dma_semaphore, #tpu.memory_space<semaphore_mem>>) src(%arg8 : memref<128x128xbf16, #tpu.memory_space<vmem>>) dst(%dma_wait3A_411 : memref<20480x128xbf16, #tpu.memory_space<vmem_shared>>)
        %add3A_412 = arith.constant 4 : i32
        %add3A_413 = arith.addi %mul3A_334, %add3A_412 : i32
        %add3A_414 = arith.constant 0 : i32
        %add3A_415 = arith.addi %add3A_413, %add3A_414 : i32
        %dma_start3A_416 = arith.constant 0 : i32
        %dma_start3A_417 = tpu.memref_slice %arg6[%add3A_415, %dma_start3A_416] : memref<40x128xi32, #tpu.memory_space<vmem>> -> memref<1x128xi32, #tpu.memory_space<vmem>>
        %dma_start3A_418 = tpu.memref_squeeze %dma_start3A_417 : memref<1x128xi32, #tpu.memory_space<vmem>> -> memref<128xi32, #tpu.memory_space<vmem>>
        %dma_start3A_419 = arith.constant 0 : i32
        %dma_start3A_420 = arith.constant 0 : i32
        %dma_start3A_421 = tpu.memref_slice %arg2[%dma_start3A_419, %dma_start3A_420] : memref<50000x128xbf16, #tpu.memory_space<hbm>> -> memref<50000x128xbf16, #tpu.memory_space<hbm>>
        tpu.enqueue_indirect_dma source(%dma_start3A_421 : memref<50000x128xbf16, #tpu.memory_space<hbm>>) target(%arg8 : memref<128x128xbf16, #tpu.memory_space<vmem>>) offsets(%dma_start3A_418 : memref<128xi32, #tpu.memory_space<vmem>>) semaphore(%arg13 : memref<!tpu.dma_semaphore, #tpu.memory_space<semaphore_mem>>)
        %add3A_422 = arith.constant 1 : i32
        %add3A_423 = arith.addi %mul3A_334, %add3A_422 : i32
        %dma_wait3A_424 = arith.constant 0 : i32
        %dma_wait3A_425 = tpu.memref_slice %arg7[%add3A_423, %dma_wait3A_424] : memref<40x128xi32, #tpu.memory_space<vmem>> -> memref<1x128xi32, #tpu.memory_space<vmem>>
        %dma_wait3A_426 = tpu.memref_squeeze %dma_wait3A_425 : memref<1x128xi32, #tpu.memory_space<vmem>> -> memref<128xi32, #tpu.memory_space<vmem>>
        %dma_wait3A_427 = arith.constant 0 : i32
        %dma_wait3A_428 = arith.constant 0 : i32
        %dma_wait3A_429 = tpu.memref_slice %arg12[%dma_wait3A_427, %dma_wait3A_428] : memref<20480x128xbf16, #tpu.memory_space<vmem_shared>> -> memref<20480x128xbf16, #tpu.memory_space<vmem_shared>>
        tpu.wait_indirect_dma semaphore(%arg18 : memref<!tpu.dma_semaphore, #tpu.memory_space<semaphore_mem>>) src(%arg9 : memref<128x128xbf16, #tpu.memory_space<vmem>>) dst(%dma_wait3A_429 : memref<20480x128xbf16, #tpu.memory_space<vmem_shared>>)
        %add3A_430 = arith.constant 4 : i32
        %add3A_431 = arith.addi %mul3A_334, %add3A_430 : i32
        %add3A_432 = arith.constant 1 : i32
        %add3A_433 = arith.addi %add3A_431, %add3A_432 : i32
        %dma_start3A_434 = arith.constant 0 : i32
        %dma_start3A_435 = tpu.memref_slice %arg6[%add3A_433, %dma_start3A_434] : memref<40x128xi32, #tpu.memory_space<vmem>> -> memref<1x128xi32, #tpu.memory_space<vmem>>
        %dma_start3A_436 = tpu.memref_squeeze %dma_start3A_435 : memref<1x128xi32, #tpu.memory_space<vmem>> -> memref<128xi32, #tpu.memory_space<vmem>>
        %dma_start3A_437 = arith.constant 0 : i32
        %dma_start3A_438 = arith.constant 0 : i32
        %dma_start3A_439 = tpu.memref_slice %arg2[%dma_start3A_437, %dma_start3A_438] : memref<50000x128xbf16, #tpu.memory_space<hbm>> -> memref<50000x128xbf16, #tpu.memory_space<hbm>>
        tpu.enqueue_indirect_dma source(%dma_start3A_439 : memref<50000x128xbf16, #tpu.memory_space<hbm>>) target(%arg9 : memref<128x128xbf16, #tpu.memory_space<vmem>>) offsets(%dma_start3A_436 : memref<128xi32, #tpu.memory_space<vmem>>) semaphore(%arg14 : memref<!tpu.dma_semaphore, #tpu.memory_space<semaphore_mem>>)
        %add3A_440 = arith.constant 2 : i32
        %add3A_441 = arith.addi %mul3A_334, %add3A_440 : i32
        %dma_wait3A_442 = arith.constant 0 : i32
        %dma_wait3A_443 = tpu.memref_slice %arg7[%add3A_441, %dma_wait3A_442] : memref<40x128xi32, #tpu.memory_space<vmem>> -> memref<1x128xi32, #tpu.memory_space<vmem>>
        %dma_wait3A_444 = tpu.memref_squeeze %dma_wait3A_443 : memref<1x128xi32, #tpu.memory_space<vmem>> -> memref<128xi32, #tpu.memory_space<vmem>>
        %dma_wait3A_445 = arith.constant 0 : i32
        %dma_wait3A_446 = arith.constant 0 : i32
        %dma_wait3A_447 = tpu.memref_slice %arg12[%dma_wait3A_445, %dma_wait3A_446] : memref<20480x128xbf16, #tpu.memory_space<vmem_shared>> -> memref<20480x128xbf16, #tpu.memory_space<vmem_shared>>
        tpu.wait_indirect_dma semaphore(%arg19 : memref<!tpu.dma_semaphore, #tpu.memory_space<semaphore_mem>>) src(%arg10 : memref<128x128xbf16, #tpu.memory_space<vmem>>) dst(%dma_wait3A_447 : memref<20480x128xbf16, #tpu.memory_space<vmem_shared>>)
        %add3A_448 = arith.constant 4 : i32
        %add3A_449 = arith.addi %mul3A_334, %add3A_448 : i32
        %add3A_450 = arith.constant 2 : i32
        %add3A_451 = arith.addi %add3A_449, %add3A_450 : i32
        %dma_start3A_452 = arith.constant 0 : i32
        %dma_start3A_453 = tpu.memref_slice %arg6[%add3A_451, %dma_start3A_452] : memref<40x128xi32, #tpu.memory_space<vmem>> -> memref<1x128xi32, #tpu.memory_space<vmem>>
        %dma_start3A_454 = tpu.memref_squeeze %dma_start3A_453 : memref<1x128xi32, #tpu.memory_space<vmem>> -> memref<128xi32, #tpu.memory_space<vmem>>
        %dma_start3A_455 = arith.constant 0 : i32
        %dma_start3A_456 = arith.constant 0 : i32
        %dma_start3A_457 = tpu.memref_slice %arg2[%dma_start3A_455, %dma_start3A_456] : memref<50000x128xbf16, #tpu.memory_space<hbm>> -> memref<50000x128xbf16, #tpu.memory_space<hbm>>
        tpu.enqueue_indirect_dma source(%dma_start3A_457 : memref<50000x128xbf16, #tpu.memory_space<hbm>>) target(%arg10 : memref<128x128xbf16, #tpu.memory_space<vmem>>) offsets(%dma_start3A_454 : memref<128xi32, #tpu.memory_space<vmem>>) semaphore(%arg15 : memref<!tpu.dma_semaphore, #tpu.memory_space<semaphore_mem>>)
        %add3A_458 = arith.constant 3 : i32
        %add3A_459 = arith.addi %mul3A_334, %add3A_458 : i32
        %dma_wait3A_460 = arith.constant 0 : i32
        %dma_wait3A_461 = tpu.memref_slice %arg7[%add3A_459, %dma_wait3A_460] : memref<40x128xi32, #tpu.memory_space<vmem>> -> memref<1x128xi32, #tpu.memory_space<vmem>>
        %dma_wait3A_462 = tpu.memref_squeeze %dma_wait3A_461 : memref<1x128xi32, #tpu.memory_space<vmem>> -> memref<128xi32, #tpu.memory_space<vmem>>
        %dma_wait3A_463 = arith.constant 0 : i32
        %dma_wait3A_464 = arith.constant 0 : i32
        %dma_wait3A_465 = tpu.memref_slice %arg12[%dma_wait3A_463, %dma_wait3A_464] : memref<20480x128xbf16, #tpu.memory_space<vmem_shared>> -> memref<20480x128xbf16, #tpu.memory_space<vmem_shared>>
        tpu.wait_indirect_dma semaphore(%arg20 : memref<!tpu.dma_semaphore, #tpu.memory_space<semaphore_mem>>) src(%arg11 : memref<128x128xbf16, #tpu.memory_space<vmem>>) dst(%dma_wait3A_465 : memref<20480x128xbf16, #tpu.memory_space<vmem_shared>>)
        %add3A_466 = arith.constant 4 : i32
        %add3A_467 = arith.addi %mul3A_334, %add3A_466 : i32
        %add3A_468 = arith.constant 3 : i32
        %add3A_469 = arith.addi %add3A_467, %add3A_468 : i32
        %dma_start3A_470 = arith.constant 0 : i32
        %dma_start3A_471 = tpu.memref_slice %arg6[%add3A_469, %dma_start3A_470] : memref<40x128xi32, #tpu.memory_space<vmem>> -> memref<1x128xi32, #tpu.memory_space<vmem>>
        %dma_start3A_472 = tpu.memref_squeeze %dma_start3A_471 : memref<1x128xi32, #tpu.memory_space<vmem>> -> memref<128xi32, #tpu.memory_space<vmem>>
        %dma_start3A_473 = arith.constant 0 : i32
        %dma_start3A_474 = arith.constant 0 : i32
        %dma_start3A_475 = tpu.memref_slice %arg2[%dma_start3A_473, %dma_start3A_474] : memref<50000x128xbf16, #tpu.memory_space<hbm>> -> memref<50000x128xbf16, #tpu.memory_space<hbm>>
        tpu.enqueue_indirect_dma source(%dma_start3A_475 : memref<50000x128xbf16, #tpu.memory_space<hbm>>) target(%arg11 : memref<128x128xbf16, #tpu.memory_space<vmem>>) offsets(%dma_start3A_472 : memref<128xi32, #tpu.memory_space<vmem>>) semaphore(%arg16 : memref<!tpu.dma_semaphore, #tpu.memory_space<semaphore_mem>>)
      } else {
      }
      %scan3A_403 = arith.constant 0 : i32
      scf.yield %scan3A_403 : i32
    }
    %scan3A_226 = arith.constant 10 : i32
    %dma_wait3A_227 = arith.constant 0 : i32
    %dma_wait3A_228 = arith.constant 0 : i32
    %dma_wait3A_229 = tpu.memref_slice %arg7[%dma_wait3A_227, %dma_wait3A_228] : memref<40x128xi32, #tpu.memory_space<vmem>> -> memref<1x128xi32, #tpu.memory_space<vmem>>
    %dma_wait3A_230 = tpu.memref_squeeze %dma_wait3A_229 : memref<1x128xi32, #tpu.memory_space<vmem>> -> memref<128xi32, #tpu.memory_space<vmem>>
    %dma_wait3A_231 = arith.constant 0 : i32
    %dma_wait3A_232 = arith.constant 0 : i32
    %dma_wait3A_233 = tpu.memref_slice %arg12[%dma_wait3A_231, %dma_wait3A_232] : memref<20480x128xbf16, #tpu.memory_space<vmem_shared>> -> memref<20480x128xbf16, #tpu.memory_space<vmem_shared>>
    tpu.wait_indirect_dma semaphore(%arg17 : memref<!tpu.dma_semaphore, #tpu.memory_space<semaphore_mem>>) src(%arg8 : memref<128x128xbf16, #tpu.memory_space<vmem>>) dst(%dma_wait3A_233 : memref<20480x128xbf16, #tpu.memory_space<vmem_shared>>)
    %dma_wait3A_234 = arith.constant 1 : i32
    %dma_wait3A_235 = arith.constant 0 : i32
    %dma_wait3A_236 = tpu.memref_slice %arg7[%dma_wait3A_234, %dma_wait3A_235] : memref<40x128xi32, #tpu.memory_space<vmem>> -> memref<1x128xi32, #tpu.memory_space<vmem>>
    %dma_wait3A_237 = tpu.memref_squeeze %dma_wait3A_236 : memref<1x128xi32, #tpu.memory_space<vmem>> -> memref<128xi32, #tpu.memory_space<vmem>>
    %dma_wait3A_238 = arith.constant 0 : i32
    %dma_wait3A_239 = arith.constant 0 : i32
    %dma_wait3A_240 = tpu.memref_slice %arg12[%dma_wait3A_238, %dma_wait3A_239] : memref<20480x128xbf16, #tpu.memory_space<vmem_shared>> -> memref<20480x128xbf16, #tpu.memory_space<vmem_shared>>
    tpu.wait_indirect_dma semaphore(%arg18 : memref<!tpu.dma_semaphore, #tpu.memory_space<semaphore_mem>>) src(%arg9 : memref<128x128xbf16, #tpu.memory_space<vmem>>) dst(%dma_wait3A_240 : memref<20480x128xbf16, #tpu.memory_space<vmem_shared>>)
    %dma_wait3A_241 = arith.constant 2 : i32
    %dma_wait3A_242 = arith.constant 0 : i32
    %dma_wait3A_243 = tpu.memref_slice %arg7[%dma_wait3A_241, %dma_wait3A_242] : memref<40x128xi32, #tpu.memory_space<vmem>> -> memref<1x128xi32, #tpu.memory_space<vmem>>
    %dma_wait3A_244 = tpu.memref_squeeze %dma_wait3A_243 : memref<1x128xi32, #tpu.memory_space<vmem>> -> memref<128xi32, #tpu.memory_space<vmem>>
    %dma_wait3A_245 = arith.constant 0 : i32
    %dma_wait3A_246 = arith.constant 0 : i32
    %dma_wait3A_247 = tpu.memref_slice %arg12[%dma_wait3A_245, %dma_wait3A_246] : memref<20480x128xbf16, #tpu.memory_space<vmem_shared>> -> memref<20480x128xbf16, #tpu.memory_space<vmem_shared>>
    tpu.wait_indirect_dma semaphore(%arg19 : memref<!tpu.dma_semaphore, #tpu.memory_space<semaphore_mem>>) src(%arg10 : memref<128x128xbf16, #tpu.memory_space<vmem>>) dst(%dma_wait3A_247 : memref<20480x128xbf16, #tpu.memory_space<vmem_shared>>)
    %dma_wait3A_248 = arith.constant 3 : i32
    %dma_wait3A_249 = arith.constant 0 : i32
    %dma_wait3A_250 = tpu.memref_slice %arg7[%dma_wait3A_248, %dma_wait3A_249] : memref<40x128xi32, #tpu.memory_space<vmem>> -> memref<1x128xi32, #tpu.memory_space<vmem>>
    %dma_wait3A_251 = tpu.memref_squeeze %dma_wait3A_250 : memref<1x128xi32, #tpu.memory_space<vmem>> -> memref<128xi32, #tpu.memory_space<vmem>>
    %dma_wait3A_252 = arith.constant 0 : i32
    %dma_wait3A_253 = arith.constant 0 : i32
    %dma_wait3A_254 = tpu.memref_slice %arg12[%dma_wait3A_252, %dma_wait3A_253] : memref<20480x128xbf16, #tpu.memory_space<vmem_shared>> -> memref<20480x128xbf16, #tpu.memory_space<vmem_shared>>
    tpu.wait_indirect_dma semaphore(%arg20 : memref<!tpu.dma_semaphore, #tpu.memory_space<semaphore_mem>>) src(%arg11 : memref<128x128xbf16, #tpu.memory_space<vmem>>) dst(%dma_wait3A_254 : memref<20480x128xbf16, #tpu.memory_space<vmem_shared>>)
    %run_scoped3A_255 = arith.constant 1 : i32
    "tpu.region"() ({
      %run_scoped3A_331 = tpu.sem_alloc : memref<!tpu.dma_semaphore, #tpu.memory_space<semaphore_mem>>
      %dma_start3A_332 = arith.constant 40 : i32
      %dma_start3A_333 = arith.constant 0 : i32
      %dma_start3A_334 = tpu.memref_slice %arg3[%arg0, %run_scoped3A_255, %arg1, %dma_start3A_332, %dma_start3A_333] : memref<2x2x16x80x128xi32, #tpu.memory_space<hbm>> -> memref<1x1x1x40x128xi32, #tpu.memory_space<hbm>>
      %dma_start3A_335 = tpu.memref_squeeze %dma_start3A_334 : memref<1x1x1x40x128xi32, #tpu.memory_space<hbm>> -> memref<40x128xi32, #tpu.memory_space<hbm>>
      %dma_start3A_336 = arith.constant 40 : i32
      %dma_start3A_337 = arith.constant 0 : i32
      %dma_start3A_338 = tpu.memref_slice %arg3[%arg0, %run_scoped3A_255, %arg1, %dma_start3A_336, %dma_start3A_337] : memref<2x2x16x80x128xi32, #tpu.memory_space<hbm>> -> memref<1x1x1x40x128xi32, #tpu.memory_space<hbm>>
      %dma_start3A_339 = tpu.memref_squeeze %dma_start3A_338 : memref<1x1x1x40x128xi32, #tpu.memory_space<hbm>> -> memref<40x128xi32, #tpu.memory_space<hbm>>
      tpu.enqueue_dma source(%dma_start3A_339 : memref<40x128xi32, #tpu.memory_space<hbm>>) target(%arg6 : memref<40x128xi32, #tpu.memory_space<vmem>>) target_semaphore(%run_scoped3A_331 : memref<!tpu.dma_semaphore, #tpu.memory_space<semaphore_mem>>)
      %dma_wait3A_340 = arith.constant 40 : i32
      %dma_wait3A_341 = arith.constant 0 : i32
      %dma_wait3A_342 = tpu.memref_slice %arg3[%arg0, %run_scoped3A_255, %arg1, %dma_wait3A_340, %dma_wait3A_341] : memref<2x2x16x80x128xi32, #tpu.memory_space<hbm>> -> memref<1x1x1x40x128xi32, #tpu.memory_space<hbm>>
      %dma_wait3A_343 = tpu.memref_squeeze %dma_wait3A_342 : memref<1x1x1x40x128xi32, #tpu.memory_space<hbm>> -> memref<40x128xi32, #tpu.memory_space<hbm>>
      %dma_wait3A_344 = arith.constant 40 : i32
      %dma_wait3A_345 = arith.constant 0 : i32
      %dma_wait3A_346 = tpu.memref_slice %arg3[%arg0, %run_scoped3A_255, %arg1, %dma_wait3A_344, %dma_wait3A_345] : memref<2x2x16x80x128xi32, #tpu.memory_space<hbm>> -> memref<1x1x1x40x128xi32, #tpu.memory_space<hbm>>
      %dma_wait3A_347 = tpu.memref_squeeze %dma_wait3A_346 : memref<1x1x1x40x128xi32, #tpu.memory_space<hbm>> -> memref<40x128xi32, #tpu.memory_space<hbm>>
      tpu.wait_dma2 semaphore(%run_scoped3A_331 : memref<!tpu.dma_semaphore, #tpu.memory_space<semaphore_mem>>) src(%dma_wait3A_347 : memref<40x128xi32, #tpu.memory_space<hbm>>) dst(%arg6 : memref<40x128xi32, #tpu.memory_space<vmem>>)
      tpu.yield
    }) : () -> ()
    %run_scoped3A_256 = arith.constant 1 : i32
    "tpu.region"() ({
      %run_scoped3A_331 = tpu.sem_alloc : memref<!tpu.dma_semaphore, #tpu.memory_space<semaphore_mem>>
      %dma_start3A_332 = arith.constant 40 : i32
      %dma_start3A_333 = arith.constant 0 : i32
      %dma_start3A_334 = tpu.memref_slice %arg4[%arg0, %run_scoped3A_256, %arg1, %dma_start3A_332, %dma_start3A_333] : memref<2x2x16x80x128xi32, #tpu.memory_space<hbm>> -> memref<1x1x1x40x128xi32, #tpu.memory_space<hbm>>
      %dma_start3A_335 = tpu.memref_squeeze %dma_start3A_334 : memref<1x1x1x40x128xi32, #tpu.memory_space<hbm>> -> memref<40x128xi32, #tpu.memory_space<hbm>>
      %dma_start3A_336 = arith.constant 40 : i32
      %dma_start3A_337 = arith.constant 0 : i32
      %dma_start3A_338 = tpu.memref_slice %arg4[%arg0, %run_scoped3A_256, %arg1, %dma_start3A_336, %dma_start3A_337] : memref<2x2x16x80x128xi32, #tpu.memory_space<hbm>> -> memref<1x1x1x40x128xi32, #tpu.memory_space<hbm>>
      %dma_start3A_339 = tpu.memref_squeeze %dma_start3A_338 : memref<1x1x1x40x128xi32, #tpu.memory_space<hbm>> -> memref<40x128xi32, #tpu.memory_space<hbm>>
      tpu.enqueue_dma source(%dma_start3A_339 : memref<40x128xi32, #tpu.memory_space<hbm>>) target(%arg7 : memref<40x128xi32, #tpu.memory_space<vmem>>) target_semaphore(%run_scoped3A_331 : memref<!tpu.dma_semaphore, #tpu.memory_space<semaphore_mem>>)
      %dma_wait3A_340 = arith.constant 40 : i32
      %dma_wait3A_341 = arith.constant 0 : i32
      %dma_wait3A_342 = tpu.memref_slice %arg4[%arg0, %run_scoped3A_256, %arg1, %dma_wait3A_340, %dma_wait3A_341] : memref<2x2x16x80x128xi32, #tpu.memory_space<hbm>> -> memref<1x1x1x40x128xi32, #tpu.memory_space<hbm>>
      %dma_wait3A_343 = tpu.memref_squeeze %dma_wait3A_342 : memref<1x1x1x40x128xi32, #tpu.memory_space<hbm>> -> memref<40x128xi32, #tpu.memory_space<hbm>>
      %dma_wait3A_344 = arith.constant 40 : i32
      %dma_wait3A_345 = arith.constant 0 : i32
      %dma_wait3A_346 = tpu.memref_slice %arg4[%arg0, %run_scoped3A_256, %arg1, %dma_wait3A_344, %dma_wait3A_345] : memref<2x2x16x80x128xi32, #tpu.memory_space<hbm>> -> memref<1x1x1x40x128xi32, #tpu.memory_space<hbm>>
      %dma_wait3A_347 = tpu.memref_squeeze %dma_wait3A_346 : memref<1x1x1x40x128xi32, #tpu.memory_space<hbm>> -> memref<40x128xi32, #tpu.memory_space<hbm>>
      tpu.wait_dma2 semaphore(%run_scoped3A_331 : memref<!tpu.dma_semaphore, #tpu.memory_space<semaphore_mem>>) src(%dma_wait3A_347 : memref<40x128xi32, #tpu.memory_space<hbm>>) dst(%arg7 : memref<40x128xi32, #tpu.memory_space<vmem>>)
      tpu.yield
    }) : () -> ()
    %dma_start3A_257 = arith.constant 0 : i32
    %dma_start3A_258 = arith.constant 0 : i32
    %dma_start3A_259 = tpu.memref_slice %arg6[%dma_start3A_257, %dma_start3A_258] : memref<40x128xi32, #tpu.memory_space<vmem>> -> memref<1x128xi32, #tpu.memory_space<vmem>>
    %dma_start3A_260 = tpu.memref_squeeze %dma_start3A_259 : memref<1x128xi32, #tpu.memory_space<vmem>> -> memref<128xi32, #tpu.memory_space<vmem>>
    %dma_start3A_261 = arith.constant 0 : i32
    %dma_start3A_262 = arith.constant 0 : i32
    %dma_start3A_263 = tpu.memref_slice %arg2[%dma_start3A_261, %dma_start3A_262] : memref<50000x128xbf16, #tpu.memory_space<hbm>> -> memref<50000x128xbf16, #tpu.memory_space<hbm>>
    tpu.enqueue_indirect_dma source(%dma_start3A_263 : memref<50000x128xbf16, #tpu.memory_space<hbm>>) target(%arg8 : memref<128x128xbf16, #tpu.memory_space<vmem>>) offsets(%dma_start3A_260 : memref<128xi32, #tpu.memory_space<vmem>>) semaphore(%arg13 : memref<!tpu.dma_semaphore, #tpu.memory_space<semaphore_mem>>)
    %dma_start3A_264 = arith.constant 1 : i32
    %dma_start3A_265 = arith.constant 0 : i32
    %dma_start3A_266 = tpu.memref_slice %arg6[%dma_start3A_264, %dma_start3A_265] : memref<40x128xi32, #tpu.memory_space<vmem>> -> memref<1x128xi32, #tpu.memory_space<vmem>>
    %dma_start3A_267 = tpu.memref_squeeze %dma_start3A_266 : memref<1x128xi32, #tpu.memory_space<vmem>> -> memref<128xi32, #tpu.memory_space<vmem>>
    %dma_start3A_268 = arith.constant 0 : i32
    %dma_start3A_269 = arith.constant 0 : i32
    %dma_start3A_270 = tpu.memref_slice %arg2[%dma_start3A_268, %dma_start3A_269] : memref<50000x128xbf16, #tpu.memory_space<hbm>> -> memref<50000x128xbf16, #tpu.memory_space<hbm>>
    tpu.enqueue_indirect_dma source(%dma_start3A_270 : memref<50000x128xbf16, #tpu.memory_space<hbm>>) target(%arg9 : memref<128x128xbf16, #tpu.memory_space<vmem>>) offsets(%dma_start3A_267 : memref<128xi32, #tpu.memory_space<vmem>>) semaphore(%arg14 : memref<!tpu.dma_semaphore, #tpu.memory_space<semaphore_mem>>)
    %dma_start3A_271 = arith.constant 2 : i32
    %dma_start3A_272 = arith.constant 0 : i32
    %dma_start3A_273 = tpu.memref_slice %arg6[%dma_start3A_271, %dma_start3A_272] : memref<40x128xi32, #tpu.memory_space<vmem>> -> memref<1x128xi32, #tpu.memory_space<vmem>>
    %dma_start3A_274 = tpu.memref_squeeze %dma_start3A_273 : memref<1x128xi32, #tpu.memory_space<vmem>> -> memref<128xi32, #tpu.memory_space<vmem>>
    %dma_start3A_275 = arith.constant 0 : i32
    %dma_start3A_276 = arith.constant 0 : i32
    %dma_start3A_277 = tpu.memref_slice %arg2[%dma_start3A_275, %dma_start3A_276] : memref<50000x128xbf16, #tpu.memory_space<hbm>> -> memref<50000x128xbf16, #tpu.memory_space<hbm>>
    tpu.enqueue_indirect_dma source(%dma_start3A_277 : memref<50000x128xbf16, #tpu.memory_space<hbm>>) target(%arg10 : memref<128x128xbf16, #tpu.memory_space<vmem>>) offsets(%dma_start3A_274 : memref<128xi32, #tpu.memory_space<vmem>>) semaphore(%arg15 : memref<!tpu.dma_semaphore, #tpu.memory_space<semaphore_mem>>)
    %dma_start3A_278 = arith.constant 3 : i32
    %dma_start3A_279 = arith.constant 0 : i32
    %dma_start3A_280 = tpu.memref_slice %arg6[%dma_start3A_278, %dma_start3A_279] : memref<40x128xi32, #tpu.memory_space<vmem>> -> memref<1x128xi32, #tpu.memory_space<vmem>>
    %dma_start3A_281 = tpu.memref_squeeze %dma_start3A_280 : memref<1x128xi32, #tpu.memory_space<vmem>> -> memref<128xi32, #tpu.memory_space<vmem>>
    %dma_start3A_282 = arith.constant 0 : i32
    %dma_start3A_283 = arith.constant 0 : i32
    %dma_start3A_284 = tpu.memref_slice %arg2[%dma_start3A_282, %dma_start3A_283] : memref<50000x128xbf16, #tpu.memory_space<hbm>> -> memref<50000x128xbf16, #tpu.memory_space<hbm>>
    tpu.enqueue_indirect_dma source(%dma_start3A_284 : memref<50000x128xbf16, #tpu.memory_space<hbm>>) target(%arg11 : memref<128x128xbf16, #tpu.memory_space<vmem>>) offsets(%dma_start3A_281 : memref<128xi32, #tpu.memory_space<vmem>>) semaphore(%arg16 : memref<!tpu.dma_semaphore, #tpu.memory_space<semaphore_mem>>)
    %scan3A_285 = arith.constant 0 : i32
    %scan3A_286 = arith.constant 0 : i32
    %scan3A_287 = arith.constant 10 : i32
    %scan3A_288 = arith.addi %scan3A_286, %scan3A_287 : i32
    %scan3A_289 = arith.constant 1 : i32
    %scan3A_290 = scf.for %scan3A_331 = %scan3A_286 to %scan3A_288 step %scan3A_289 iter_args(%scan3A_332 = %scan3A_285) -> (i32)  : i32 {
      %mul3A_333 = arith.constant 4 : i32
      %mul3A_334 = arith.muli %mul3A_333, %scan3A_331 : i32
      %add3A_335 = arith.constant 0 : i32
      %add3A_336 = arith.addi %mul3A_334, %add3A_335 : i32
      %dma_wait3A_337 = arith.constant 0 : i32
      %dma_wait3A_338 = tpu.memref_slice %arg6[%add3A_336, %dma_wait3A_337] : memref<40x128xi32, #tpu.memory_space<vmem>> -> memref<1x128xi32, #tpu.memory_space<vmem>>
      %dma_wait3A_339 = tpu.memref_squeeze %dma_wait3A_338 : memref<1x128xi32, #tpu.memory_space<vmem>> -> memref<128xi32, #tpu.memory_space<vmem>>
      %dma_wait3A_340 = arith.constant 0 : i32
      %dma_wait3A_341 = arith.constant 0 : i32
      %dma_wait3A_342 = tpu.memref_slice %arg2[%dma_wait3A_340, %dma_wait3A_341] : memref<50000x128xbf16, #tpu.memory_space<hbm>> -> memref<50000x128xbf16, #tpu.memory_space<hbm>>
      tpu.wait_indirect_dma semaphore(%arg13 : memref<!tpu.dma_semaphore, #tpu.memory_space<semaphore_mem>>) src(%dma_wait3A_342 : memref<50000x128xbf16, #tpu.memory_space<hbm>>) dst(%arg8 : memref<128x128xbf16, #tpu.memory_space<vmem>>)
      %add3A_343 = arith.constant 0 : i32
      %add3A_344 = arith.addi %mul3A_334, %add3A_343 : i32
      %dma_start3A_345 = arith.constant 0 : i32
      %dma_start3A_346 = tpu.memref_slice %arg7[%add3A_344, %dma_start3A_345] : memref<40x128xi32, #tpu.memory_space<vmem>> -> memref<1x128xi32, #tpu.memory_space<vmem>>
      %dma_start3A_347 = tpu.memref_squeeze %dma_start3A_346 : memref<1x128xi32, #tpu.memory_space<vmem>> -> memref<128xi32, #tpu.memory_space<vmem>>
      %dma_start3A_348 = arith.constant 0 : i32
      %dma_start3A_349 = arith.constant 0 : i32
      %dma_start3A_350 = tpu.memref_slice %arg12[%dma_start3A_348, %dma_start3A_349] : memref<20480x128xbf16, #tpu.memory_space<vmem_shared>> -> memref<20480x128xbf16, #tpu.memory_space<vmem_shared>>
      tpu.enqueue_indirect_dma source(%arg8 : memref<128x128xbf16, #tpu.memory_space<vmem>>) target(%dma_start3A_350 : memref<20480x128xbf16, #tpu.memory_space<vmem_shared>>) offsets(%dma_start3A_347 : memref<128xi32, #tpu.memory_space<vmem>>) semaphore(%arg17 : memref<!tpu.dma_semaphore, #tpu.memory_space<semaphore_mem>>) {add = true}
      %add3A_351 = arith.constant 1 : i32
      %add3A_352 = arith.addi %mul3A_334, %add3A_351 : i32
      %dma_wait3A_353 = arith.constant 0 : i32
      %dma_wait3A_354 = tpu.memref_slice %arg6[%add3A_352, %dma_wait3A_353] : memref<40x128xi32, #tpu.memory_space<vmem>> -> memref<1x128xi32, #tpu.memory_space<vmem>>
      %dma_wait3A_355 = tpu.memref_squeeze %dma_wait3A_354 : memref<1x128xi32, #tpu.memory_space<vmem>> -> memref<128xi32, #tpu.memory_space<vmem>>
      %dma_wait3A_356 = arith.constant 0 : i32
      %dma_wait3A_357 = arith.constant 0 : i32
      %dma_wait3A_358 = tpu.memref_slice %arg2[%dma_wait3A_356, %dma_wait3A_357] : memref<50000x128xbf16, #tpu.memory_space<hbm>> -> memref<50000x128xbf16, #tpu.memory_space<hbm>>
      tpu.wait_indirect_dma semaphore(%arg14 : memref<!tpu.dma_semaphore, #tpu.memory_space<semaphore_mem>>) src(%dma_wait3A_358 : memref<50000x128xbf16, #tpu.memory_space<hbm>>) dst(%arg9 : memref<128x128xbf16, #tpu.memory_space<vmem>>)
      %add3A_359 = arith.constant 1 : i32
      %add3A_360 = arith.addi %mul3A_334, %add3A_359 : i32
      %dma_start3A_361 = arith.constant 0 : i32
      %dma_start3A_362 = tpu.memref_slice %arg7[%add3A_360, %dma_start3A_361] : memref<40x128xi32, #tpu.memory_space<vmem>> -> memref<1x128xi32, #tpu.memory_space<vmem>>
      %dma_start3A_363 = tpu.memref_squeeze %dma_start3A_362 : memref<1x128xi32, #tpu.memory_space<vmem>> -> memref<128xi32, #tpu.memory_space<vmem>>
      %dma_start3A_364 = arith.constant 0 : i32
      %dma_start3A_365 = arith.constant 0 : i32
      %dma_start3A_366 = tpu.memref_slice %arg12[%dma_start3A_364, %dma_start3A_365] : memref<20480x128xbf16, #tpu.memory_space<vmem_shared>> -> memref<20480x128xbf16, #tpu.memory_space<vmem_shared>>
      tpu.enqueue_indirect_dma source(%arg9 : memref<128x128xbf16, #tpu.memory_space<vmem>>) target(%dma_start3A_366 : memref<20480x128xbf16, #tpu.memory_space<vmem_shared>>) offsets(%dma_start3A_363 : memref<128xi32, #tpu.memory_space<vmem>>) semaphore(%arg18 : memref<!tpu.dma_semaphore, #tpu.memory_space<semaphore_mem>>) {add = true}
      %add3A_367 = arith.constant 2 : i32
      %add3A_368 = arith.addi %mul3A_334, %add3A_367 : i32
      %dma_wait3A_369 = arith.constant 0 : i32
      %dma_wait3A_370 = tpu.memref_slice %arg6[%add3A_368, %dma_wait3A_369] : memref<40x128xi32, #tpu.memory_space<vmem>> -> memref<1x128xi32, #tpu.memory_space<vmem>>
      %dma_wait3A_371 = tpu.memref_squeeze %dma_wait3A_370 : memref<1x128xi32, #tpu.memory_space<vmem>> -> memref<128xi32, #tpu.memory_space<vmem>>
      %dma_wait3A_372 = arith.constant 0 : i32
      %dma_wait3A_373 = arith.constant 0 : i32
      %dma_wait3A_374 = tpu.memref_slice %arg2[%dma_wait3A_372, %dma_wait3A_373] : memref<50000x128xbf16, #tpu.memory_space<hbm>> -> memref<50000x128xbf16, #tpu.memory_space<hbm>>
      tpu.wait_indirect_dma semaphore(%arg15 : memref<!tpu.dma_semaphore, #tpu.memory_space<semaphore_mem>>) src(%dma_wait3A_374 : memref<50000x128xbf16, #tpu.memory_space<hbm>>) dst(%arg10 : memref<128x128xbf16, #tpu.memory_space<vmem>>)
      %add3A_375 = arith.constant 2 : i32
      %add3A_376 = arith.addi %mul3A_334, %add3A_375 : i32
      %dma_start3A_377 = arith.constant 0 : i32
      %dma_start3A_378 = tpu.memref_slice %arg7[%add3A_376, %dma_start3A_377] : memref<40x128xi32, #tpu.memory_space<vmem>> -> memref<1x128xi32, #tpu.memory_space<vmem>>
      %dma_start3A_379 = tpu.memref_squeeze %dma_start3A_378 : memref<1x128xi32, #tpu.memory_space<vmem>> -> memref<128xi32, #tpu.memory_space<vmem>>
      %dma_start3A_380 = arith.constant 0 : i32
      %dma_start3A_381 = arith.constant 0 : i32
      %dma_start3A_382 = tpu.memref_slice %arg12[%dma_start3A_380, %dma_start3A_381] : memref<20480x128xbf16, #tpu.memory_space<vmem_shared>> -> memref<20480x128xbf16, #tpu.memory_space<vmem_shared>>
      tpu.enqueue_indirect_dma source(%arg10 : memref<128x128xbf16, #tpu.memory_space<vmem>>) target(%dma_start3A_382 : memref<20480x128xbf16, #tpu.memory_space<vmem_shared>>) offsets(%dma_start3A_379 : memref<128xi32, #tpu.memory_space<vmem>>) semaphore(%arg19 : memref<!tpu.dma_semaphore, #tpu.memory_space<semaphore_mem>>) {add = true}
      %add3A_383 = arith.constant 3 : i32
      %add3A_384 = arith.addi %mul3A_334, %add3A_383 : i32
      %dma_wait3A_385 = arith.constant 0 : i32
      %dma_wait3A_386 = tpu.memref_slice %arg6[%add3A_384, %dma_wait3A_385] : memref<40x128xi32, #tpu.memory_space<vmem>> -> memref<1x128xi32, #tpu.memory_space<vmem>>
      %dma_wait3A_387 = tpu.memref_squeeze %dma_wait3A_386 : memref<1x128xi32, #tpu.memory_space<vmem>> -> memref<128xi32, #tpu.memory_space<vmem>>
      %dma_wait3A_388 = arith.constant 0 : i32
      %dma_wait3A_389 = arith.constant 0 : i32
      %dma_wait3A_390 = tpu.memref_slice %arg2[%dma_wait3A_388, %dma_wait3A_389] : memref<50000x128xbf16, #tpu.memory_space<hbm>> -> memref<50000x128xbf16, #tpu.memory_space<hbm>>
      tpu.wait_indirect_dma semaphore(%arg16 : memref<!tpu.dma_semaphore, #tpu.memory_space<semaphore_mem>>) src(%dma_wait3A_390 : memref<50000x128xbf16, #tpu.memory_space<hbm>>) dst(%arg11 : memref<128x128xbf16, #tpu.memory_space<vmem>>)
      %add3A_391 = arith.constant 3 : i32
      %add3A_392 = arith.addi %mul3A_334, %add3A_391 : i32
      %dma_start3A_393 = arith.constant 0 : i32
      %dma_start3A_394 = tpu.memref_slice %arg7[%add3A_392, %dma_start3A_393] : memref<40x128xi32, #tpu.memory_space<vmem>> -> memref<1x128xi32, #tpu.memory_space<vmem>>
      %dma_start3A_395 = tpu.memref_squeeze %dma_start3A_394 : memref<1x128xi32, #tpu.memory_space<vmem>> -> memref<128xi32, #tpu.memory_space<vmem>>
      %dma_start3A_396 = arith.constant 0 : i32
      %dma_start3A_397 = arith.constant 0 : i32
      %dma_start3A_398 = tpu.memref_slice %arg12[%dma_start3A_396, %dma_start3A_397] : memref<20480x128xbf16, #tpu.memory_space<vmem_shared>> -> memref<20480x128xbf16, #tpu.memory_space<vmem_shared>>
      tpu.enqueue_indirect_dma source(%arg11 : memref<128x128xbf16, #tpu.memory_space<vmem>>) target(%dma_start3A_398 : memref<20480x128xbf16, #tpu.memory_space<vmem_shared>>) offsets(%dma_start3A_395 : memref<128xi32, #tpu.memory_space<vmem>>) semaphore(%arg20 : memref<!tpu.dma_semaphore, #tpu.memory_space<semaphore_mem>>) {add = true}
      %lt3A = arith.constant 9 : i32
      %lt3A_399 = arith.cmpi slt, %scan3A_331, %lt3A : i32
      %convert_element_type3A_400 = arith.extui %lt3A_399 : i1 to i32
      %cond3A_401 = arith.constant 0 : i32
      %cond3A_402 = arith.cmpi ne, %convert_element_type3A_400, %cond3A_401 : i32
      scf.if %cond3A_402 {
        %add3A_404 = arith.constant 0 : i32
        %add3A_405 = arith.addi %mul3A_334, %add3A_404 : i32
        %dma_wait3A_406 = arith.constant 0 : i32
        %dma_wait3A_407 = tpu.memref_slice %arg7[%add3A_405, %dma_wait3A_406] : memref<40x128xi32, #tpu.memory_space<vmem>> -> memref<1x128xi32, #tpu.memory_space<vmem>>
        %dma_wait3A_408 = tpu.memref_squeeze %dma_wait3A_407 : memref<1x128xi32, #tpu.memory_space<vmem>> -> memref<128xi32, #tpu.memory_space<vmem>>
        %dma_wait3A_409 = arith.constant 0 : i32
        %dma_wait3A_410 = arith.constant 0 : i32
        %dma_wait3A_411 = tpu.memref_slice %arg12[%dma_wait3A_409, %dma_wait3A_410] : memref<20480x128xbf16, #tpu.memory_space<vmem_shared>> -> memref<20480x128xbf16, #tpu.memory_space<vmem_shared>>
        tpu.wait_indirect_dma semaphore(%arg17 : memref<!tpu.dma_semaphore, #tpu.memory_space<semaphore_mem>>) src(%arg8 : memref<128x128xbf16, #tpu.memory_space<vmem>>) dst(%dma_wait3A_411 : memref<20480x128xbf16, #tpu.memory_space<vmem_shared>>)
        %add3A_412 = arith.constant 4 : i32
        %add3A_413 = arith.addi %mul3A_334, %add3A_412 : i32
        %add3A_414 = arith.constant 0 : i32
        %add3A_415 = arith.addi %add3A_413, %add3A_414 : i32
        %dma_start3A_416 = arith.constant 0 : i32
        %dma_start3A_417 = tpu.memref_slice %arg6[%add3A_415, %dma_start3A_416] : memref<40x128xi32, #tpu.memory_space<vmem>> -> memref<1x128xi32, #tpu.memory_space<vmem>>
        %dma_start3A_418 = tpu.memref_squeeze %dma_start3A_417 : memref<1x128xi32, #tpu.memory_space<vmem>> -> memref<128xi32, #tpu.memory_space<vmem>>
        %dma_start3A_419 = arith.constant 0 : i32
        %dma_start3A_420 = arith.constant 0 : i32
        %dma_start3A_421 = tpu.memref_slice %arg2[%dma_start3A_419, %dma_start3A_420] : memref<50000x128xbf16, #tpu.memory_space<hbm>> -> memref<50000x128xbf16, #tpu.memory_space<hbm>>
        tpu.enqueue_indirect_dma source(%dma_start3A_421 : memref<50000x128xbf16, #tpu.memory_space<hbm>>) target(%arg8 : memref<128x128xbf16, #tpu.memory_space<vmem>>) offsets(%dma_start3A_418 : memref<128xi32, #tpu.memory_space<vmem>>) semaphore(%arg13 : memref<!tpu.dma_semaphore, #tpu.memory_space<semaphore_mem>>)
        %add3A_422 = arith.constant 1 : i32
        %add3A_423 = arith.addi %mul3A_334, %add3A_422 : i32
        %dma_wait3A_424 = arith.constant 0 : i32
        %dma_wait3A_425 = tpu.memref_slice %arg7[%add3A_423, %dma_wait3A_424] : memref<40x128xi32, #tpu.memory_space<vmem>> -> memref<1x128xi32, #tpu.memory_space<vmem>>
        %dma_wait3A_426 = tpu.memref_squeeze %dma_wait3A_425 : memref<1x128xi32, #tpu.memory_space<vmem>> -> memref<128xi32, #tpu.memory_space<vmem>>
        %dma_wait3A_427 = arith.constant 0 : i32
        %dma_wait3A_428 = arith.constant 0 : i32
        %dma_wait3A_429 = tpu.memref_slice %arg12[%dma_wait3A_427, %dma_wait3A_428] : memref<20480x128xbf16, #tpu.memory_space<vmem_shared>> -> memref<20480x128xbf16, #tpu.memory_space<vmem_shared>>
        tpu.wait_indirect_dma semaphore(%arg18 : memref<!tpu.dma_semaphore, #tpu.memory_space<semaphore_mem>>) src(%arg9 : memref<128x128xbf16, #tpu.memory_space<vmem>>) dst(%dma_wait3A_429 : memref<20480x128xbf16, #tpu.memory_space<vmem_shared>>)
        %add3A_430 = arith.constant 4 : i32
        %add3A_431 = arith.addi %mul3A_334, %add3A_430 : i32
        %add3A_432 = arith.constant 1 : i32
        %add3A_433 = arith.addi %add3A_431, %add3A_432 : i32
        %dma_start3A_434 = arith.constant 0 : i32
        %dma_start3A_435 = tpu.memref_slice %arg6[%add3A_433, %dma_start3A_434] : memref<40x128xi32, #tpu.memory_space<vmem>> -> memref<1x128xi32, #tpu.memory_space<vmem>>
        %dma_start3A_436 = tpu.memref_squeeze %dma_start3A_435 : memref<1x128xi32, #tpu.memory_space<vmem>> -> memref<128xi32, #tpu.memory_space<vmem>>
        %dma_start3A_437 = arith.constant 0 : i32
        %dma_start3A_438 = arith.constant 0 : i32
        %dma_start3A_439 = tpu.memref_slice %arg2[%dma_start3A_437, %dma_start3A_438] : memref<50000x128xbf16, #tpu.memory_space<hbm>> -> memref<50000x128xbf16, #tpu.memory_space<hbm>>
        tpu.enqueue_indirect_dma source(%dma_start3A_439 : memref<50000x128xbf16, #tpu.memory_space<hbm>>) target(%arg9 : memref<128x128xbf16, #tpu.memory_space<vmem>>) offsets(%dma_start3A_436 : memref<128xi32, #tpu.memory_space<vmem>>) semaphore(%arg14 : memref<!tpu.dma_semaphore, #tpu.memory_space<semaphore_mem>>)
        %add3A_440 = arith.constant 2 : i32
        %add3A_441 = arith.addi %mul3A_334, %add3A_440 : i32
        %dma_wait3A_442 = arith.constant 0 : i32
        %dma_wait3A_443 = tpu.memref_slice %arg7[%add3A_441, %dma_wait3A_442] : memref<40x128xi32, #tpu.memory_space<vmem>> -> memref<1x128xi32, #tpu.memory_space<vmem>>
        %dma_wait3A_444 = tpu.memref_squeeze %dma_wait3A_443 : memref<1x128xi32, #tpu.memory_space<vmem>> -> memref<128xi32, #tpu.memory_space<vmem>>
        %dma_wait3A_445 = arith.constant 0 : i32
        %dma_wait3A_446 = arith.constant 0 : i32
        %dma_wait3A_447 = tpu.memref_slice %arg12[%dma_wait3A_445, %dma_wait3A_446] : memref<20480x128xbf16, #tpu.memory_space<vmem_shared>> -> memref<20480x128xbf16, #tpu.memory_space<vmem_shared>>
        tpu.wait_indirect_dma semaphore(%arg19 : memref<!tpu.dma_semaphore, #tpu.memory_space<semaphore_mem>>) src(%arg10 : memref<128x128xbf16, #tpu.memory_space<vmem>>) dst(%dma_wait3A_447 : memref<20480x128xbf16, #tpu.memory_space<vmem_shared>>)
        %add3A_448 = arith.constant 4 : i32
        %add3A_449 = arith.addi %mul3A_334, %add3A_448 : i32
        %add3A_450 = arith.constant 2 : i32
        %add3A_451 = arith.addi %add3A_449, %add3A_450 : i32
        %dma_start3A_452 = arith.constant 0 : i32
        %dma_start3A_453 = tpu.memref_slice %arg6[%add3A_451, %dma_start3A_452] : memref<40x128xi32, #tpu.memory_space<vmem>> -> memref<1x128xi32, #tpu.memory_space<vmem>>
        %dma_start3A_454 = tpu.memref_squeeze %dma_start3A_453 : memref<1x128xi32, #tpu.memory_space<vmem>> -> memref<128xi32, #tpu.memory_space<vmem>>
        %dma_start3A_455 = arith.constant 0 : i32
        %dma_start3A_456 = arith.constant 0 : i32
        %dma_start3A_457 = tpu.memref_slice %arg2[%dma_start3A_455, %dma_start3A_456] : memref<50000x128xbf16, #tpu.memory_space<hbm>> -> memref<50000x128xbf16, #tpu.memory_space<hbm>>
        tpu.enqueue_indirect_dma source(%dma_start3A_457 : memref<50000x128xbf16, #tpu.memory_space<hbm>>) target(%arg10 : memref<128x128xbf16, #tpu.memory_space<vmem>>) offsets(%dma_start3A_454 : memref<128xi32, #tpu.memory_space<vmem>>) semaphore(%arg15 : memref<!tpu.dma_semaphore, #tpu.memory_space<semaphore_mem>>)
        %add3A_458 = arith.constant 3 : i32
        %add3A_459 = arith.addi %mul3A_334, %add3A_458 : i32
        %dma_wait3A_460 = arith.constant 0 : i32
        %dma_wait3A_461 = tpu.memref_slice %arg7[%add3A_459, %dma_wait3A_460] : memref<40x128xi32, #tpu.memory_space<vmem>> -> memref<1x128xi32, #tpu.memory_space<vmem>>
        %dma_wait3A_462 = tpu.memref_squeeze %dma_wait3A_461 : memref<1x128xi32, #tpu.memory_space<vmem>> -> memref<128xi32, #tpu.memory_space<vmem>>
        %dma_wait3A_463 = arith.constant 0 : i32
        %dma_wait3A_464 = arith.constant 0 : i32
        %dma_wait3A_465 = tpu.memref_slice %arg12[%dma_wait3A_463, %dma_wait3A_464] : memref<20480x128xbf16, #tpu.memory_space<vmem_shared>> -> memref<20480x128xbf16, #tpu.memory_space<vmem_shared>>
        tpu.wait_indirect_dma semaphore(%arg20 : memref<!tpu.dma_semaphore, #tpu.memory_space<semaphore_mem>>) src(%arg11 : memref<128x128xbf16, #tpu.memory_space<vmem>>) dst(%dma_wait3A_465 : memref<20480x128xbf16, #tpu.memory_space<vmem_shared>>)
        %add3A_466 = arith.constant 4 : i32
        %add3A_467 = arith.addi %mul3A_334, %add3A_466 : i32
        %add3A_468 = arith.constant 3 : i32
        %add3A_469 = arith.addi %add3A_467, %add3A_468 : i32
        %dma_start3A_470 = arith.constant 0 : i32
        %dma_start3A_471 = tpu.memref_slice %arg6[%add3A_469, %dma_start3A_470] : memref<40x128xi32, #tpu.memory_space<vmem>> -> memref<1x128xi32, #tpu.memory_space<vmem>>
        %dma_start3A_472 = tpu.memref_squeeze %dma_start3A_471 : memref<1x128xi32, #tpu.memory_space<vmem>> -> memref<128xi32, #tpu.memory_space<vmem>>
        %dma_start3A_473 = arith.constant 0 : i32
        %dma_start3A_474 = arith.constant 0 : i32
        %dma_start3A_475 = tpu.memref_slice %arg2[%dma_start3A_473, %dma_start3A_474] : memref<50000x128xbf16, #tpu.memory_space<hbm>> -> memref<50000x128xbf16, #tpu.memory_space<hbm>>
        tpu.enqueue_indirect_dma source(%dma_start3A_475 : memref<50000x128xbf16, #tpu.memory_space<hbm>>) target(%arg11 : memref<128x128xbf16, #tpu.memory_space<vmem>>) offsets(%dma_start3A_472 : memref<128xi32, #tpu.memory_space<vmem>>) semaphore(%arg16 : memref<!tpu.dma_semaphore, #tpu.memory_space<semaphore_mem>>)
      } else {
      }
      %scan3A_403 = arith.constant 0 : i32
      scf.yield %scan3A_403 : i32
    }
    %scan3A_291 = arith.constant 10 : i32
    %dma_wait3A_292 = arith.constant 0 : i32
    %dma_wait3A_293 = arith.constant 0 : i32
    %dma_wait3A_294 = tpu.memref_slice %arg7[%dma_wait3A_292, %dma_wait3A_293] : memref<40x128xi32, #tpu.memory_space<vmem>> -> memref<1x128xi32, #tpu.memory_space<vmem>>
    %dma_wait3A_295 = tpu.memref_squeeze %dma_wait3A_294 : memref<1x128xi32, #tpu.memory_space<vmem>> -> memref<128xi32, #tpu.memory_space<vmem>>
    %dma_wait3A_296 = arith.constant 0 : i32
    %dma_wait3A_297 = arith.constant 0 : i32
    %dma_wait3A_298 = tpu.memref_slice %arg12[%dma_wait3A_296, %dma_wait3A_297] : memref<20480x128xbf16, #tpu.memory_space<vmem_shared>> -> memref<20480x128xbf16, #tpu.memory_space<vmem_shared>>
    tpu.wait_indirect_dma semaphore(%arg17 : memref<!tpu.dma_semaphore, #tpu.memory_space<semaphore_mem>>) src(%arg8 : memref<128x128xbf16, #tpu.memory_space<vmem>>) dst(%dma_wait3A_298 : memref<20480x128xbf16, #tpu.memory_space<vmem_shared>>)
    %dma_wait3A_299 = arith.constant 1 : i32
    %dma_wait3A_300 = arith.constant 0 : i32
    %dma_wait3A_301 = tpu.memref_slice %arg7[%dma_wait3A_299, %dma_wait3A_300] : memref<40x128xi32, #tpu.memory_space<vmem>> -> memref<1x128xi32, #tpu.memory_space<vmem>>
    %dma_wait3A_302 = tpu.memref_squeeze %dma_wait3A_301 : memref<1x128xi32, #tpu.memory_space<vmem>> -> memref<128xi32, #tpu.memory_space<vmem>>
    %dma_wait3A_303 = arith.constant 0 : i32
    %dma_wait3A_304 = arith.constant 0 : i32
    %dma_wait3A_305 = tpu.memref_slice %arg12[%dma_wait3A_303, %dma_wait3A_304] : memref<20480x128xbf16, #tpu.memory_space<vmem_shared>> -> memref<20480x128xbf16, #tpu.memory_space<vmem_shared>>
    tpu.wait_indirect_dma semaphore(%arg18 : memref<!tpu.dma_semaphore, #tpu.memory_space<semaphore_mem>>) src(%arg9 : memref<128x128xbf16, #tpu.memory_space<vmem>>) dst(%dma_wait3A_305 : memref<20480x128xbf16, #tpu.memory_space<vmem_shared>>)
    %dma_wait3A_306 = arith.constant 2 : i32
    %dma_wait3A_307 = arith.constant 0 : i32
    %dma_wait3A_308 = tpu.memref_slice %arg7[%dma_wait3A_306, %dma_wait3A_307] : memref<40x128xi32, #tpu.memory_space<vmem>> -> memref<1x128xi32, #tpu.memory_space<vmem>>
    %dma_wait3A_309 = tpu.memref_squeeze %dma_wait3A_308 : memref<1x128xi32, #tpu.memory_space<vmem>> -> memref<128xi32, #tpu.memory_space<vmem>>
    %dma_wait3A_310 = arith.constant 0 : i32
    %dma_wait3A_311 = arith.constant 0 : i32
    %dma_wait3A_312 = tpu.memref_slice %arg12[%dma_wait3A_310, %dma_wait3A_311] : memref<20480x128xbf16, #tpu.memory_space<vmem_shared>> -> memref<20480x128xbf16, #tpu.memory_space<vmem_shared>>
    tpu.wait_indirect_dma semaphore(%arg19 : memref<!tpu.dma_semaphore, #tpu.memory_space<semaphore_mem>>) src(%arg10 : memref<128x128xbf16, #tpu.memory_space<vmem>>) dst(%dma_wait3A_312 : memref<20480x128xbf16, #tpu.memory_space<vmem_shared>>)
    %dma_wait3A_313 = arith.constant 3 : i32
    %dma_wait3A_314 = arith.constant 0 : i32
    %dma_wait3A_315 = tpu.memref_slice %arg7[%dma_wait3A_313, %dma_wait3A_314] : memref<40x128xi32, #tpu.memory_space<vmem>> -> memref<1x128xi32, #tpu.memory_space<vmem>>
    %dma_wait3A_316 = tpu.memref_squeeze %dma_wait3A_315 : memref<1x128xi32, #tpu.memory_space<vmem>> -> memref<128xi32, #tpu.memory_space<vmem>>
    %dma_wait3A_317 = arith.constant 0 : i32
    %dma_wait3A_318 = arith.constant 0 : i32
    %dma_wait3A_319 = tpu.memref_slice %arg12[%dma_wait3A_317, %dma_wait3A_318] : memref<20480x128xbf16, #tpu.memory_space<vmem_shared>> -> memref<20480x128xbf16, #tpu.memory_space<vmem_shared>>
    tpu.wait_indirect_dma semaphore(%arg20 : memref<!tpu.dma_semaphore, #tpu.memory_space<semaphore_mem>>) src(%arg11 : memref<128x128xbf16, #tpu.memory_space<vmem>>) dst(%dma_wait3A_319 : memref<20480x128xbf16, #tpu.memory_space<vmem_shared>>)
    %barrier3A_320 = arith.constant 0 : index
    tpu.barrier barrier_id(%barrier3A_320)
    %eq3A_321 = arith.constant 0 : i32
    %eq3A_322 = arith.cmpi eq, %arg0, %eq3A_321 : i32
    %convert_element_type3A_323 = arith.extui %eq3A_322 : i1 to i32
    %cond3A_324 = arith.constant 0 : i32
    %cond3A_325 = arith.cmpi ne, %convert_element_type3A_323, %cond3A_324 : i32
    scf.if %cond3A_325 {
      %run_scoped3A_331 = arith.constant 0 : i32
      %run_scoped3A_332 = arith.constant 1 : i32
      "tpu.region"() ({
        %run_scoped3A_333 = tpu.sem_alloc : memref<!tpu.dma_semaphore, #tpu.memory_space<semaphore_mem>>
        %dma_start3A_334 = arith.constant 0 : i32
        %dma_start3A_335 = tpu.memref_slice %arg5[%run_scoped3A_331, %run_scoped3A_332, %mul3A_1, %dma_start3A_334] : memref<2x2x20480x128xbf16, #tpu.memory_space<hbm>> -> memref<1x1x1280x128xbf16, #tpu.memory_space<hbm>>
        %dma_start3A_336 = tpu.memref_squeeze %dma_start3A_335 : memref<1x1x1280x128xbf16, #tpu.memory_space<hbm>> -> memref<1280x128xbf16, #tpu.memory_space<hbm>>
        %dma_start3A_337 = arith.constant 0 : i32
        %dma_start3A_338 = tpu.memref_slice %arg12[%mul3A_1, %dma_start3A_337] : memref<20480x128xbf16, #tpu.memory_space<vmem_shared>> -> memref<1280x128xbf16, #tpu.memory_space<vmem_shared>>
        tpu.enqueue_dma source(%dma_start3A_338 : memref<1280x128xbf16, #tpu.memory_space<vmem_shared>>) target(%dma_start3A_336 : memref<1280x128xbf16, #tpu.memory_space<hbm>>) target_semaphore(%run_scoped3A_333 : memref<!tpu.dma_semaphore, #tpu.memory_space<semaphore_mem>>)
        %dma_wait3A_339 = arith.constant 0 : i32
        %dma_wait3A_340 = tpu.memref_slice %arg5[%run_scoped3A_331, %run_scoped3A_332, %mul3A_1, %dma_wait3A_339] : memref<2x2x20480x128xbf16, #tpu.memory_space<hbm>> -> memref<1x1x1280x128xbf16, #tpu.memory_space<hbm>>
        %dma_wait3A_341 = tpu.memref_squeeze %dma_wait3A_340 : memref<1x1x1280x128xbf16, #tpu.memory_space<hbm>> -> memref<1280x128xbf16, #tpu.memory_space<hbm>>
        %dma_wait3A_342 = arith.constant 0 : i32
        %dma_wait3A_343 = tpu.memref_slice %arg12[%mul3A_1, %dma_wait3A_342] : memref<20480x128xbf16, #tpu.memory_space<vmem_shared>> -> memref<1280x128xbf16, #tpu.memory_space<vmem_shared>>
        tpu.wait_dma2 semaphore(%run_scoped3A_333 : memref<!tpu.dma_semaphore, #tpu.memory_space<semaphore_mem>>) src(%dma_wait3A_343 : memref<1280x128xbf16, #tpu.memory_space<vmem_shared>>) dst(%dma_wait3A_341 : memref<1280x128xbf16, #tpu.memory_space<hbm>>)
        tpu.yield
      }) : () -> ()
    } else {
    }
    %eq3A_326 = arith.constant 1 : i32
    %eq3A_327 = arith.cmpi eq, %arg0, %eq3A_326 : i32
    %convert_element_type3A_328 = arith.extui %eq3A_327 : i1 to i32
    %cond3A_329 = arith.constant 0 : i32
    %cond3A_330 = arith.cmpi ne, %convert_element_type3A_328, %cond3A_329 : i32
    scf.if %cond3A_330 {
      %run_scoped3A_331 = arith.constant 1 : i32
      %run_scoped3A_332 = arith.constant 1 : i32
      "tpu.region"() ({
        %run_scoped3A_333 = tpu.sem_alloc : memref<!tpu.dma_semaphore, #tpu.memory_space<semaphore_mem>>
        %dma_start3A_334 = arith.constant 0 : i32
        %dma_start3A_335 = tpu.memref_slice %arg5[%run_scoped3A_331, %run_scoped3A_332, %mul3A_1, %dma_start3A_334] : memref<2x2x20480x128xbf16, #tpu.memory_space<hbm>> -> memref<1x1x1280x128xbf16, #tpu.memory_space<hbm>>
        %dma_start3A_336 = tpu.memref_squeeze %dma_start3A_335 : memref<1x1x1280x128xbf16, #tpu.memory_space<hbm>> -> memref<1280x128xbf16, #tpu.memory_space<hbm>>
        %dma_start3A_337 = arith.constant 0 : i32
        %dma_start3A_338 = tpu.memref_slice %arg12[%mul3A_1, %dma_start3A_337] : memref<20480x128xbf16, #tpu.memory_space<vmem_shared>> -> memref<1280x128xbf16, #tpu.memory_space<vmem_shared>>
        tpu.enqueue_dma source(%dma_start3A_338 : memref<1280x128xbf16, #tpu.memory_space<vmem_shared>>) target(%dma_start3A_336 : memref<1280x128xbf16, #tpu.memory_space<hbm>>) target_semaphore(%run_scoped3A_333 : memref<!tpu.dma_semaphore, #tpu.memory_space<semaphore_mem>>)
        %dma_wait3A_339 = arith.constant 0 : i32
        %dma_wait3A_340 = tpu.memref_slice %arg5[%run_scoped3A_331, %run_scoped3A_332, %mul3A_1, %dma_wait3A_339] : memref<2x2x20480x128xbf16, #tpu.memory_space<hbm>> -> memref<1x1x1280x128xbf16, #tpu.memory_space<hbm>>
        %dma_wait3A_341 = tpu.memref_squeeze %dma_wait3A_340 : memref<1x1x1280x128xbf16, #tpu.memory_space<hbm>> -> memref<1280x128xbf16, #tpu.memory_space<hbm>>
        %dma_wait3A_342 = arith.constant 0 : i32
        %dma_wait3A_343 = tpu.memref_slice %arg12[%mul3A_1, %dma_wait3A_342] : memref<20480x128xbf16, #tpu.memory_space<vmem_shared>> -> memref<1280x128xbf16, #tpu.memory_space<vmem_shared>>
        tpu.wait_dma2 semaphore(%run_scoped3A_333 : memref<!tpu.dma_semaphore, #tpu.memory_space<semaphore_mem>>) src(%dma_wait3A_343 : memref<1280x128xbf16, #tpu.memory_space<vmem_shared>>) dst(%dma_wait3A_341 : memref<1280x128xbf16, #tpu.memory_space<hbm>>)
        tpu.yield
      }) : () -> ()
    } else {
    }
    return
  }
}

module attributes {stable_mosaic.version = 14 : i64} {
  func.func @_tc_dense_body(%arg0: i32, %arg1: memref<4096x128xf32, #tpu.memory_space<vmem>>, %arg2: memref<2x2x4096x128xbf16, #tpu.memory_space<vmem>>, %arg3: memref<2x4096x128xf32, #tpu.memory_space<vmem>>, %arg4: memref<2x128x128xf32, #tpu.memory_space<vmem>>, %arg5: memref<2x128x128xf32, #tpu.memory_space<vmem>>, %arg6: memref<2x1x128xf32, #tpu.memory_space<vmem>>, %arg7: memref<128x128xf32, #tpu.memory_space<vmem>>, %arg8: memref<2x4096x16xf32, #tpu.memory_space<vmem>>, %arg9: memref<4096x16xf32, #tpu.memory_space<vmem>>) attributes {dimension_semantics = [#tpu.dimension_semantics<arbitrary>], iteration_bounds = array<i64: 5>, scalar_prefetch = 0 : i64, scratch_operands = 0 : i64, tpu.core_type = #tpu.core_type<tc>, window_params = [{transform_indices = @transform_0, window_bounds = array<i64: 4096, 128>}, {transform_indices = @transform_1, window_bounds = array<i64: 2, 2, 4096, 128>}, {transform_indices = @transform_2, window_bounds = array<i64: 2, 4096, 128>}, {pipeline_mode = #tpu.pipeline_mode<synchronous>, transform_indices = @transform_3, window_bounds = array<i64: 2, 128, 128>}, {pipeline_mode = #tpu.pipeline_mode<synchronous>, transform_indices = @transform_4, window_bounds = array<i64: 2, 128, 128>}, {pipeline_mode = #tpu.pipeline_mode<synchronous>, transform_indices = @transform_5, window_bounds = array<i64: 2, 1, 128>}, {pipeline_mode = #tpu.pipeline_mode<synchronous>, transform_indices = @transform_6, window_bounds = array<i64: 128, 128>}, {transform_indices = @transform_7, window_bounds = array<i64: 2, 4096, 16>}, {transform_indices = @transform_8, window_bounds = array<i64: 4096, 16>}]} {
    %get3A = arith.constant 0 : index
    %get3A_0 = arith.constant 0 : index
    %get3A_1 = vector.load %arg1[%get3A, %get3A_0] : memref<4096x128xf32, #tpu.memory_space<vmem>>, vector<4096x128xf32>
    %get3A_2 = arith.constant 0 : index
    %get3A_3 = arith.constant 0 : index
    %get3A_4 = arith.constant 0 : index
    %get3A_5 = arith.constant 0 : index
    %get3A_6 = vector.load %arg2[%get3A_2, %get3A_3, %get3A_4, %get3A_5] : memref<2x2x4096x128xbf16, #tpu.memory_space<vmem>>, vector<2x2x4096x128xbf16>
    %get3A_7 = arith.constant 0 : index
    %get3A_8 = arith.constant 0 : index
    %get3A_9 = arith.constant 0 : index
    %get3A_10 = vector.load %arg3[%get3A_7, %get3A_8, %get3A_9] : memref<2x4096x128xf32, #tpu.memory_space<vmem>>, vector<2x4096x128xf32>
    %slice3A = vector.extract_strided_slice %get3A_10 {offsets = [0, 0, 0], sizes = [1, 4096, 1], strides = [1, 1, 1]} : vector<2x4096x128xf32> to vector<1x4096x1xf32>
    %squeeze3A = vector.shape_cast %slice3A : vector<1x4096x1xf32> to vector<4096x1xf32>
    %slice3A_11 = vector.extract_strided_slice %get3A_10 {offsets = [0, 0, 16], sizes = [1, 4096, 1], strides = [1, 1, 1]} : vector<2x4096x128xf32> to vector<1x4096x1xf32>
    %squeeze3A_12 = vector.shape_cast %slice3A_11 : vector<1x4096x1xf32> to vector<4096x1xf32>
    %add3A = arith.addf %squeeze3A, %squeeze3A_12 : vector<4096x1xf32>
    %max3A = arith.constant 1.000000e+00 : f32
    %max3A_13 = vector.broadcast %max3A : f32 to vector<4096x1xf32>
    %max3A_14 = arith.maximumf %add3A, %max3A_13 : vector<4096x1xf32>
    %slice3A_15 = vector.extract_strided_slice %get3A_10 {offsets = [1, 0, 0], sizes = [1, 4096, 1], strides = [1, 1, 1]} : vector<2x4096x128xf32> to vector<1x4096x1xf32>
    %squeeze3A_16 = vector.shape_cast %slice3A_15 : vector<1x4096x1xf32> to vector<4096x1xf32>
    %slice3A_17 = vector.extract_strided_slice %get3A_10 {offsets = [1, 0, 16], sizes = [1, 4096, 1], strides = [1, 1, 1]} : vector<2x4096x128xf32> to vector<1x4096x1xf32>
    %squeeze3A_18 = vector.shape_cast %slice3A_17 : vector<1x4096x1xf32> to vector<4096x1xf32>
    %add3A_19 = arith.addf %squeeze3A_16, %squeeze3A_18 : vector<4096x1xf32>
    %max3A_20 = arith.constant 1.000000e+00 : f32
    %max3A_21 = vector.broadcast %max3A_20 : f32 to vector<4096x1xf32>
    %max3A_22 = arith.maximumf %add3A_19, %max3A_21 : vector<4096x1xf32>
    %slice3A_23 = vector.extract_strided_slice %get3A_6 {offsets = [0, 0, 0, 0], sizes = [1, 1, 4096, 128], strides = [1, 1, 1, 1]} : vector<2x2x4096x128xbf16> to vector<1x1x4096x128xbf16>
    %squeeze3A_24 = vector.shape_cast %slice3A_23 : vector<1x1x4096x128xbf16> to vector<4096x128xbf16>
    %convert_element_type3A = arith.extf %squeeze3A_24 : vector<4096x128xbf16> to vector<4096x128xf32>
    %slice3A_25 = vector.extract_strided_slice %get3A_6 {offsets = [1, 0, 0, 0], sizes = [1, 1, 4096, 128], strides = [1, 1, 1, 1]} : vector<2x2x4096x128xbf16> to vector<1x1x4096x128xbf16>
    %squeeze3A_26 = vector.shape_cast %slice3A_25 : vector<1x1x4096x128xbf16> to vector<4096x128xbf16>
    %convert_element_type3A_27 = arith.extf %squeeze3A_26 : vector<4096x128xbf16> to vector<4096x128xf32>
    %add3A_28 = arith.addf %convert_element_type3A, %convert_element_type3A_27 : vector<4096x128xf32>
    %div3A = vector.broadcast %max3A_14 : vector<4096x1xf32> to vector<4096x128xf32>
    %div3A_29 = arith.divf %add3A_28, %div3A : vector<4096x128xf32>
    %slice3A_30 = vector.extract_strided_slice %get3A_6 {offsets = [0, 1, 0, 0], sizes = [1, 1, 4096, 128], strides = [1, 1, 1, 1]} : vector<2x2x4096x128xbf16> to vector<1x1x4096x128xbf16>
    %squeeze3A_31 = vector.shape_cast %slice3A_30 : vector<1x1x4096x128xbf16> to vector<4096x128xbf16>
    %convert_element_type3A_32 = arith.extf %squeeze3A_31 : vector<4096x128xbf16> to vector<4096x128xf32>
    %slice3A_33 = vector.extract_strided_slice %get3A_6 {offsets = [1, 1, 0, 0], sizes = [1, 1, 4096, 128], strides = [1, 1, 1, 1]} : vector<2x2x4096x128xbf16> to vector<1x1x4096x128xbf16>
    %squeeze3A_34 = vector.shape_cast %slice3A_33 : vector<1x1x4096x128xbf16> to vector<4096x128xbf16>
    %convert_element_type3A_35 = arith.extf %squeeze3A_34 : vector<4096x128xbf16> to vector<4096x128xf32>
    %add3A_36 = arith.addf %convert_element_type3A_32, %convert_element_type3A_35 : vector<4096x128xf32>
    %div3A_37 = vector.broadcast %max3A_22 : vector<4096x1xf32> to vector<4096x128xf32>
    %div3A_38 = arith.divf %add3A_36, %div3A_37 : vector<4096x128xf32>
    %get3A_39 = arith.constant 0 : index
    %get3A_40 = arith.constant 0 : index
    %get3A_41 = arith.constant 0 : index
    %get3A_42 = vector.load %arg4[%get3A_39, %get3A_40, %get3A_41] : memref<2x128x128xf32, #tpu.memory_space<vmem>>, vector<1x128x128xf32>
    %get3A_43 = vector.shape_cast %get3A_42 : vector<1x128x128xf32> to vector<128x128xf32>
    %dot_general3A = arith.constant dense<0.000000e+00> : vector<4096x128xf32>
    %dot_general3A_44 = tpu.matmul %get3A_1, %get3A_43, %dot_general3A {dimension_numbers = #tpu.dot_dimension_numbers<[1], [0], [0], [1], [0, 0, 1, 1], [], []>, transpose_lhs_hint = false} : vector<4096x128xf32>, vector<128x128xf32>, vector<4096x128xf32> -> vector<4096x128xf32>
    %get3A_45 = arith.constant 0 : index
    %get3A_46 = arith.constant 0 : index
    %get3A_47 = arith.constant 0 : index
    %get3A_48 = vector.load %arg5[%get3A_45, %get3A_46, %get3A_47] : memref<2x128x128xf32, #tpu.memory_space<vmem>>, vector<1x128x128xf32>
    %get3A_49 = vector.shape_cast %get3A_48 : vector<1x128x128xf32> to vector<128x128xf32>
    %dot_general3A_50 = arith.constant dense<0.000000e+00> : vector<4096x128xf32>
    %dot_general3A_51 = tpu.matmul %div3A_29, %get3A_49, %dot_general3A_50 {dimension_numbers = #tpu.dot_dimension_numbers<[1], [0], [0], [1], [0, 0, 1, 1], [], []>, transpose_lhs_hint = false} : vector<4096x128xf32>, vector<128x128xf32>, vector<4096x128xf32> -> vector<4096x128xf32>
    %add3A_52 = arith.addf %dot_general3A_44, %dot_general3A_51 : vector<4096x128xf32>
    %get3A_53 = arith.constant 0 : index
    %get3A_54 = arith.constant 0 : index
    %get3A_55 = arith.constant 0 : index
    %get3A_56 = vector.load %arg6[%get3A_53, %get3A_54, %get3A_55] : memref<2x1x128xf32, #tpu.memory_space<vmem>>, vector<1x1x128xf32>
    %get3A_57 = vector.shape_cast %get3A_56 : vector<1x1x128xf32> to vector<1x128xf32>
    %add3A_58 = vector.broadcast %get3A_57 : vector<1x128xf32> to vector<4096x128xf32>
    %add3A_59 = arith.addf %add3A_52, %add3A_58 : vector<4096x128xf32>
    %max3A_60 = arith.constant 0.000000e+00 : f32
    %max3A_61 = vector.broadcast %max3A_60 : f32 to vector<4096x128xf32>
    %max3A_62 = arith.maximumf %add3A_59, %max3A_61 : vector<4096x128xf32>
    %get3A_63 = arith.constant 1 : index
    %get3A_64 = arith.constant 0 : index
    %get3A_65 = arith.constant 0 : index
    %get3A_66 = vector.load %arg4[%get3A_63, %get3A_64, %get3A_65] : memref<2x128x128xf32, #tpu.memory_space<vmem>>, vector<1x128x128xf32>
    %get3A_67 = vector.shape_cast %get3A_66 : vector<1x128x128xf32> to vector<128x128xf32>
    %dot_general3A_68 = arith.constant dense<0.000000e+00> : vector<4096x128xf32>
    %dot_general3A_69 = tpu.matmul %get3A_1, %get3A_67, %dot_general3A_68 {dimension_numbers = #tpu.dot_dimension_numbers<[1], [0], [0], [1], [0, 0, 1, 1], [], []>, transpose_lhs_hint = false} : vector<4096x128xf32>, vector<128x128xf32>, vector<4096x128xf32> -> vector<4096x128xf32>
    %get3A_70 = arith.constant 1 : index
    %get3A_71 = arith.constant 0 : index
    %get3A_72 = arith.constant 0 : index
    %get3A_73 = vector.load %arg5[%get3A_70, %get3A_71, %get3A_72] : memref<2x128x128xf32, #tpu.memory_space<vmem>>, vector<1x128x128xf32>
    %get3A_74 = vector.shape_cast %get3A_73 : vector<1x128x128xf32> to vector<128x128xf32>
    %dot_general3A_75 = arith.constant dense<0.000000e+00> : vector<4096x128xf32>
    %dot_general3A_76 = tpu.matmul %div3A_38, %get3A_74, %dot_general3A_75 {dimension_numbers = #tpu.dot_dimension_numbers<[1], [0], [0], [1], [0, 0, 1, 1], [], []>, transpose_lhs_hint = false} : vector<4096x128xf32>, vector<128x128xf32>, vector<4096x128xf32> -> vector<4096x128xf32>
    %add3A_77 = arith.addf %dot_general3A_69, %dot_general3A_76 : vector<4096x128xf32>
    %get3A_78 = arith.constant 1 : index
    %get3A_79 = arith.constant 0 : index
    %get3A_80 = arith.constant 0 : index
    %get3A_81 = vector.load %arg6[%get3A_78, %get3A_79, %get3A_80] : memref<2x1x128xf32, #tpu.memory_space<vmem>>, vector<1x1x128xf32>
    %get3A_82 = vector.shape_cast %get3A_81 : vector<1x1x128xf32> to vector<1x128xf32>
    %add3A_83 = vector.broadcast %get3A_82 : vector<1x128xf32> to vector<4096x128xf32>
    %add3A_84 = arith.addf %add3A_77, %add3A_83 : vector<4096x128xf32>
    %max3A_85 = arith.constant 0.000000e+00 : f32
    %max3A_86 = vector.broadcast %max3A_85 : f32 to vector<4096x128xf32>
    %max3A_87 = arith.maximumf %add3A_84, %max3A_86 : vector<4096x128xf32>
    %add3A_88 = arith.addf %max3A_62, %max3A_87 : vector<4096x128xf32>
    %get3A_89 = arith.constant 0 : index
    %get3A_90 = arith.constant 0 : index
    %get3A_91 = vector.load %arg7[%get3A_89, %get3A_90] : memref<128x128xf32, #tpu.memory_space<vmem>>, vector<128x128xf32>
    %dot_general3A_92 = arith.constant dense<0.000000e+00> : vector<4096x128xf32>
    %dot_general3A_93 = tpu.matmul %add3A_88, %get3A_91, %dot_general3A_92 {dimension_numbers = #tpu.dot_dimension_numbers<[1], [0], [0], [1], [0, 0, 1, 1], [], []>, transpose_lhs_hint = false} : vector<4096x128xf32>, vector<128x128xf32>, vector<4096x128xf32> -> vector<4096x128xf32>
    %slice3A_94 = vector.extract_strided_slice %dot_general3A_93 {offsets = [0, 0], sizes = [4096, 1], strides = [1, 1]} : vector<4096x128xf32> to vector<4096x1xf32>
    %broadcast_in_dim3A = vector.shape_cast %slice3A_94 : vector<4096x1xf32> to vector<4096x1xf32>
    %broadcast_in_dim3A_95 = vector.broadcast %broadcast_in_dim3A : vector<4096x1xf32> to vector<4096x16xf32>
    %swap3A = arith.constant 0 : index
    %swap3A_96 = arith.constant 0 : index
    %swap3A_97 = arith.constant 0 : index
    %swap3A_98 = vector.load %arg8[%swap3A, %swap3A_96, %swap3A_97] : memref<2x4096x16xf32, #tpu.memory_space<vmem>>, vector<1x4096x16xf32>
    %swap3A_99 = vector.shape_cast %swap3A_98 : vector<1x4096x16xf32> to vector<4096x16xf32>
    %swap3A_100 = vector.shape_cast %broadcast_in_dim3A_95 : vector<4096x16xf32> to vector<1x4096x16xf32>
    tpu.vector_store %arg8[%swap3A, %swap3A_96, %swap3A_97], %swap3A_100 {strides = array<i32>} : memref<2x4096x16xf32, #tpu.memory_space<vmem>>, vector<1x4096x16xf32>,
    %slice3A_101 = vector.extract_strided_slice %dot_general3A_93 {offsets = [0, 1], sizes = [4096, 1], strides = [1, 1]} : vector<4096x128xf32> to vector<4096x1xf32>
    %broadcast_in_dim3A_102 = vector.shape_cast %slice3A_101 : vector<4096x1xf32> to vector<4096x1xf32>
    %broadcast_in_dim3A_103 = vector.broadcast %broadcast_in_dim3A_102 : vector<4096x1xf32> to vector<4096x16xf32>
    %swap3A_104 = arith.constant 1 : index
    %swap3A_105 = arith.constant 0 : index
    %swap3A_106 = arith.constant 0 : index
    %swap3A_107 = vector.load %arg8[%swap3A_104, %swap3A_105, %swap3A_106] : memref<2x4096x16xf32, #tpu.memory_space<vmem>>, vector<1x4096x16xf32>
    %swap3A_108 = vector.shape_cast %swap3A_107 : vector<1x4096x16xf32> to vector<4096x16xf32>
    %swap3A_109 = vector.shape_cast %broadcast_in_dim3A_103 : vector<4096x16xf32> to vector<1x4096x16xf32>
    tpu.vector_store %arg8[%swap3A_104, %swap3A_105, %swap3A_106], %swap3A_109 {strides = array<i32>} : memref<2x4096x16xf32, #tpu.memory_space<vmem>>, vector<1x4096x16xf32>,
    %slice3A_110 = vector.extract_strided_slice %dot_general3A_93 {offsets = [0, 2], sizes = [4096, 1], strides = [1, 1]} : vector<4096x128xf32> to vector<4096x1xf32>
    %broadcast_in_dim3A_111 = vector.shape_cast %slice3A_110 : vector<4096x1xf32> to vector<4096x1xf32>
    %broadcast_in_dim3A_112 = vector.broadcast %broadcast_in_dim3A_111 : vector<4096x1xf32> to vector<4096x16xf32>
    %swap3A_113 = arith.constant 0 : index
    %swap3A_114 = arith.constant 0 : index
    %swap3A_115 = vector.load %arg9[%swap3A_113, %swap3A_114] : memref<4096x16xf32, #tpu.memory_space<vmem>>, vector<4096x16xf32>
    tpu.vector_store %arg9[%swap3A_113, %swap3A_114], %broadcast_in_dim3A_112 {strides = array<i32>} : memref<4096x16xf32, #tpu.memory_space<vmem>>, vector<4096x16xf32>,
    return
  }
  func.func @transform_0(%arg0: i32) -> (i32, i32) {
    %c0_i32 = arith.constant 0 : i32
    %c0_i32_0 = arith.constant 0 : i32
    return %arg0, %c0_i32 : i32, i32
  }
  func.func @transform_1(%arg0: i32) -> (i32, i32, i32, i32) {
    %c0_i32 = arith.constant 0 : i32
    %c0_i32_0 = arith.constant 0 : i32
    %c0_i32_1 = arith.constant 0 : i32
    %c0_i32_2 = arith.constant 0 : i32
    return %c0_i32, %c0_i32_0, %arg0, %c0_i32_1 : i32, i32, i32, i32
  }
  func.func @transform_2(%arg0: i32) -> (i32, i32, i32) {
    %c0_i32 = arith.constant 0 : i32
    %c0_i32_0 = arith.constant 0 : i32
    %c0_i32_1 = arith.constant 0 : i32
    return %c0_i32, %arg0, %c0_i32_0 : i32, i32, i32
  }
  func.func @transform_3(%arg0: i32) -> (i32, i32, i32) {
    %c0_i32 = arith.constant 0 : i32
    %c0_i32_0 = arith.constant 0 : i32
    %c0_i32_1 = arith.constant 0 : i32
    %c0_i32_2 = arith.constant 0 : i32
    return %c0_i32, %c0_i32_0, %c0_i32_1 : i32, i32, i32
  }
  func.func @transform_4(%arg0: i32) -> (i32, i32, i32) {
    %c0_i32 = arith.constant 0 : i32
    %c0_i32_0 = arith.constant 0 : i32
    %c0_i32_1 = arith.constant 0 : i32
    %c0_i32_2 = arith.constant 0 : i32
    return %c0_i32, %c0_i32_0, %c0_i32_1 : i32, i32, i32
  }
  func.func @transform_5(%arg0: i32) -> (i32, i32, i32) {
    %c0_i32 = arith.constant 0 : i32
    %c0_i32_0 = arith.constant 0 : i32
    %c0_i32_1 = arith.constant 0 : i32
    %c0_i32_2 = arith.constant 0 : i32
    return %c0_i32, %c0_i32_0, %c0_i32_1 : i32, i32, i32
  }
  func.func @transform_6(%arg0: i32) -> (i32, i32) {
    %c0_i32 = arith.constant 0 : i32
    %c0_i32_0 = arith.constant 0 : i32
    %c0_i32_1 = arith.constant 0 : i32
    return %c0_i32, %c0_i32_0 : i32, i32
  }
  func.func @transform_7(%arg0: i32) -> (i32, i32, i32) {
    %c0_i32 = arith.constant 0 : i32
    %c0_i32_0 = arith.constant 0 : i32
    %c0_i32_1 = arith.constant 0 : i32
    return %c0_i32, %arg0, %c0_i32_0 : i32, i32, i32
  }
  func.func @transform_8(%arg0: i32) -> (i32, i32) {
    %c0_i32 = arith.constant 0 : i32
    %c0_i32_0 = arith.constant 0 : i32
    return %arg0, %c0_i32 : i32, i32
  }
}

module attributes {stable_mosaic.version = 14 : i64} {
  func.func @_tc_final_body(%arg0: i32, %arg1: memref<5120x16xf32, #tpu.memory_space<vmem>>, %arg2: memref<5120x128xf32, #tpu.memory_space<vmem>>, %arg3: memref<2x5120x128xf32, #tpu.memory_space<vmem>>, %arg4: memref<1x16xf32, #tpu.memory_space<vmem>>, %arg5: memref<5120x16xf32, #tpu.memory_space<vmem>>) attributes {dimension_semantics = [#tpu.dimension_semantics<arbitrary>], iteration_bounds = array<i64: 1>, scalar_prefetch = 0 : i64, scratch_operands = 0 : i64, tpu.core_type = #tpu.core_type<tc>, window_params = [{transform_indices = @transform_0, window_bounds = array<i64: 5120, 16>}, {pipeline_mode = #tpu.pipeline_mode<synchronous>, transform_indices = @transform_1, window_bounds = array<i64: 5120, 128>}, {pipeline_mode = #tpu.pipeline_mode<synchronous>, transform_indices = @transform_2, window_bounds = array<i64: 2, 5120, 128>}, {pipeline_mode = #tpu.pipeline_mode<synchronous>, transform_indices = @transform_3, window_bounds = array<i64: 1, 16>}, {pipeline_mode = #tpu.pipeline_mode<synchronous>, transform_indices = @transform_4, window_bounds = array<i64: 5120, 16>}]} {
    %get3A = arith.constant 0 : index
    %get3A_0 = arith.constant 0 : index
    %get3A_1 = vector.load %arg1[%get3A, %get3A_0] : memref<5120x16xf32, #tpu.memory_space<vmem>>, vector<5120x1xf32>
    %get3A_2 = arith.constant 0 : index
    %get3A_3 = arith.constant 0 : index
    %get3A_4 = vector.load %arg2[%get3A_2, %get3A_3] : memref<5120x128xf32, #tpu.memory_space<vmem>>, vector<5120x128xf32>
    %get3A_5 = arith.constant 0 : index
    %get3A_6 = arith.constant 0 : index
    %get3A_7 = arith.constant 0 : index
    %get3A_8 = vector.load %arg3[%get3A_5, %get3A_6, %get3A_7] : memref<2x5120x128xf32, #tpu.memory_space<vmem>>, vector<2x5120x128xf32>
    %slice3A = vector.extract_strided_slice %get3A_4 {offsets = [0, 0], sizes = [5120, 1], strides = [1, 1]} : vector<5120x128xf32> to vector<5120x1xf32>
    %slice3A_9 = vector.extract_strided_slice %get3A_8 {offsets = [0, 0, 0], sizes = [1, 5120, 1], strides = [1, 1, 1]} : vector<2x5120x128xf32> to vector<1x5120x1xf32>
    %squeeze3A = vector.shape_cast %slice3A_9 : vector<1x5120x1xf32> to vector<5120x1xf32>
    %max3A = arith.constant 1.000000e+00 : f32
    %max3A_10 = vector.broadcast %max3A : f32 to vector<5120x1xf32>
    %max3A_11 = arith.maximumf %squeeze3A, %max3A_10 : vector<5120x1xf32>
    %div3A = arith.divf %slice3A, %max3A_11 : vector<5120x1xf32>
    %slice3A_12 = vector.extract_strided_slice %get3A_4 {offsets = [0, 16], sizes = [5120, 1], strides = [1, 1]} : vector<5120x128xf32> to vector<5120x1xf32>
    %slice3A_13 = vector.extract_strided_slice %get3A_8 {offsets = [1, 0, 0], sizes = [1, 5120, 1], strides = [1, 1, 1]} : vector<2x5120x128xf32> to vector<1x5120x1xf32>
    %squeeze3A_14 = vector.shape_cast %slice3A_13 : vector<1x5120x1xf32> to vector<5120x1xf32>
    %max3A_15 = arith.constant 1.000000e+00 : f32
    %max3A_16 = vector.broadcast %max3A_15 : f32 to vector<5120x1xf32>
    %max3A_17 = arith.maximumf %squeeze3A_14, %max3A_16 : vector<5120x1xf32>
    %div3A_18 = arith.divf %slice3A_12, %max3A_17 : vector<5120x1xf32>
    %add3A = arith.addf %get3A_1, %div3A : vector<5120x1xf32>
    %add3A_19 = arith.addf %add3A, %div3A_18 : vector<5120x1xf32>
    %get3A_20 = arith.constant 0 : index
    %get3A_21 = arith.constant 0 : index
    %get3A_22 = vector.load %arg4[%get3A_20, %get3A_21] : memref<1x16xf32, #tpu.memory_space<vmem>>, vector<1x1xf32>
    %get3A_23 = vector.shape_cast %get3A_22 : vector<1x1xf32> to vector<1xf32>
    %broadcast_in_dim3A = vector.shape_cast %get3A_23 : vector<1xf32> to vector<1x1xf32>
    %add3A_24 = vector.broadcast %broadcast_in_dim3A : vector<1x1xf32> to vector<5120x1xf32>
    %add3A_25 = arith.addf %add3A_19, %add3A_24 : vector<5120x1xf32>
    %logistic3A = arith.negf %add3A_25 : vector<5120x1xf32>
    %logistic3A_26 = math.exp %logistic3A : vector<5120x1xf32>
    %logistic3A_27 = arith.constant 1.000000e+00 : f32
    %logistic3A_28 = vector.broadcast %logistic3A_27 : f32 to vector<5120x1xf32>
    %logistic3A_29 = arith.addf %logistic3A_28, %logistic3A_26 : vector<5120x1xf32>
    %logistic3A_30 = arith.divf %logistic3A_28, %logistic3A_29 : vector<5120x1xf32>
    %broadcast_in_dim3A_31 = vector.shape_cast %logistic3A_30 : vector<5120x1xf32> to vector<5120x1xf32>
    %broadcast_in_dim3A_32 = vector.broadcast %broadcast_in_dim3A_31 : vector<5120x1xf32> to vector<5120x16xf32>
    %swap3A = arith.constant 0 : index
    %swap3A_33 = arith.constant 0 : index
    %swap3A_34 = vector.load %arg5[%swap3A, %swap3A_33] : memref<5120x16xf32, #tpu.memory_space<vmem>>, vector<5120x16xf32>
    tpu.vector_store %arg5[%swap3A, %swap3A_33], %broadcast_in_dim3A_32 {strides = array<i32>} : memref<5120x16xf32, #tpu.memory_space<vmem>>, vector<5120x16xf32>,
    return
  }
  func.func @transform_0(%arg0: i32) -> (i32, i32) {
    %c0_i32 = arith.constant 0 : i32
    %c0_i32_0 = arith.constant 0 : i32
    %c0_i32_1 = arith.constant 0 : i32
    return %c0_i32, %c0_i32_0 : i32, i32
  }
  func.func @transform_1(%arg0: i32) -> (i32, i32) {
    %c0_i32 = arith.constant 0 : i32
    %c0_i32_0 = arith.constant 0 : i32
    %c0_i32_1 = arith.constant 0 : i32
    return %c0_i32, %c0_i32_0 : i32, i32
  }
  func.func @transform_2(%arg0: i32) -> (i32, i32, i32) {
    %c0_i32 = arith.constant 0 : i32
    %c0_i32_0 = arith.constant 0 : i32
    %c0_i32_1 = arith.constant 0 : i32
    %c0_i32_2 = arith.constant 0 : i32
    return %c0_i32, %c0_i32_0, %c0_i32_1 : i32, i32, i32
  }
  func.func @transform_3(%arg0: i32) -> (i32, i32) {
    %c0_i32 = arith.constant 0 : i32
    %c0_i32_0 = arith.constant 0 : i32
    %c0_i32_1 = arith.constant 0 : i32
    return %c0_i32, %c0_i32_0 : i32, i32
  }
  func.func @transform_4(%arg0: i32) -> (i32, i32) {
    %c0_i32 = arith.constant 0 : i32
    %c0_i32_0 = arith.constant 0 : i32
    %c0_i32_1 = arith.constant 0 : i32
    return %c0_i32, %c0_i32_0 : i32, i32
  }
}

</mosaic_0001>

<sc_bundles>
// kernel: kernel.10.cloned.1.call-start
scs
__scs_entry_jumppad:
0x0: {  	(pc) =	sbr.rel $0x88, $3  }
0x1: {  	(tag) =	ssettag $0x0;
	lr =	simm.s32 $0x1  }
0x2: {  	[smem:$0x3F8C] =	sst lr;
	_ =	strace $0xD0000000  }
0x3: {  	_ = 	snop  }
0x4: {  	_ = 	snop  }
0x5: {  	_ = 	snop  }
0x6: {  	_ = 	snop  }
0x7: {  	_ = 	snop  }
__scs_overlays_trampoline_lowered:
0x8: {  	[smem:$0x3F9B] =	sst s0  }
0x9: {  	[smem:$0x3F9C] =	sst s1  }
0xa: {  	[smem:$0x3F9D] =	sst s2  }
0xb: {  	[smem:$0x3F9E] =	sst s3  }
0xc: {  	[smem:$0x3F9F] =	sst s4  }
0xd: {  	[smem:$0x3FA0] =	sst s5  }
0xe: {  	[smem:$0x3FA1] =	sst s6  }
0xf: {  	[smem:$0x3FA2] =	sst s7  }
0x10: {  	[smem:$0x3FA3] =	sst s8  }
0x11: {  	[smem:$0x3FA4] =	sst s9;
	s0 =	simm.s32 @!p0 $0x0  }
0x12: {  	s1 =	sld [smem:$0x3F8A];
	s0 =	simm.s32 @p0 $0x1  }
0x13: {  	[smem:$0x3FA5] =	sst s0;
	s0 =	simm.s32 @!p1 $0x0  }
0x14: {  	s2 =	sld [smem:$0x3F89];
	s0 =	simm.s32 @p1 $0x1  }
0x15: {  	[smem:$0x3FA6] =	sst s0;
	s0 =	simm.s32 @!p2 $0x0  }
0x16: {  	s3 =	sld [smem:$0x3FDB];
	s0 =	simm.s32 @p2 $0x1  }
0x17: {  	s4 =	simm.s32 $0x1BF5;
	[smem:$0x3FA8] =	sst s0  }
0x18: {  	s0 =	sld [smem:$0x3F8B];
	_ =	swait.ge [sflag:s4], $0x0  }
0x19: {  	s7 =	sld [smem:$0x3F8C]  }
0x1a: {  	s8 =	sadd.s32 $0xFFFFE003, lr  }
0x1b: {  	s9 =	sadd.s32 $0xFFFFFEF7, lr;
	s5 =	simm.s32 $0xFFFFFFFF;
	p2 =	slt.u32 s8, $0xFFFFF086  }
0x1c: {  	p1 =	slt.u32 s9, $0xF7A;
	s5 =	simm.s32 @!p2 $0x0  }
0x1d: {  	s5 =	simm.s32 @p1 $0x1;
	p0 =	seq.s32 s7, s2  }
0x1e: {  	s7 =	smul.u32 @!p0 $0xF7A, s2;
	p2 =	seq.s32 @!p0 s5, $0x0  }
0x1f: {  	s9 =	smul.u32 $0xF7A, s1;
	s8 =	simm.s32 @!p0 $0x1BF5;
	p2 =	por !p2, p0  }
0x20: {  	[sflag:s8] =	ssyncset.s32 @!p0 $0xFFFFF086;
	s6 =	sadd.s32 @!p0 s3, s7;
	s7 =	simm.s32 @!p0 $0x108  }
0x21: {  	s3 =	sadd.s32 s3, s9;
	s6 =	sadd.s32 @!p0 $0x88, s6;
	s7 =	simm.s32 @p2 $0x1082  }
0x22: {  	[simem:s7], [sflag:s8] =	dma.local @!p0 [hbm:s6], $0xF7A  }
0x23: {  	s9 =	sor.u32 $0xD0000000, s2;
	s6 =	simm.s32 $0x108;
	_ =	swait.ge @!p0 [sflag:s8], $0x0  }
0x24: {  	s3 =	sadd.s32 $0x88, s3;
	s6 =	simm.s32 @!p1 $0x1082;
	[sflag:s4] =	ssyncset.s32 $0xFFFFF086  }
0x25: {  	[simem:s6], [sflag:s4] =	dma.local [hbm:s3], $0xF7A  }
0x26: {  	[smem:$0x3F8C] =	sst s1;
	(tag) =	ssettag s2;
	_ =	strace s9  }
0x27: {  	s1 =	sld [smem:$0x3F9C]  }
0x28: {  	s2 =	sld [smem:$0x3F9D]  }
0x29: {  	s4 =	sld [smem:$0x3F9F]  }
0x2a: {  	p0 =	seq.s32 s5, $0x0;
	s5 =	sld [smem:$0x3FA0]  }
0x2b: {  	s6 =	sld [smem:$0x3FA1]  }
0x2c: {  	s7 =	sld [smem:$0x3FA2]  }
0x2d: {  	s3 =	simm.s32 $0x108;
	s8 =	sld [smem:$0x3FA3]  }
0x2e: {  	s3 =	simm.s32 @!p0 $0x1082;
	s9 =	sld [smem:$0x3FA4]  }
0x2f: {  	lr =	sadd.s32 s0, s3;
	s0 =	sld [smem:$0x3F9B]  }
0x30: {  	s3 =	sld [smem:$0x3F9E]  }
0x31: {  	[smem:$0x3FA7] =	sst s10  }
0x32: {  	s10 =	sld [smem:$0x3FA5];
	_ =	sdelay $0x3  }
0x33: {  	p0 =	seq.s32 s10, $0x1;
	s10 =	sld [smem:$0x3FA7];
	_ =	sdelay $0x3  }
0x34: {  	[smem:$0x3FA7] =	sst s10  }
0x35: {  	s10 =	sld [smem:$0x3FA6];
	_ =	sdelay $0x3  }
0x36: {  	p1 =	seq.s32 s10, $0x1;
	s10 =	sld [smem:$0x3FA7];
	_ =	sdelay $0x3  }
0x37: {  	[smem:$0x3FA7] =	sst s10  }
0x38: {  	s10 =	sld [smem:$0x3FA8]  }
0x39: {  	_ = 	snop;
	(pc) =	sbr.ind lr, $3  }
0x3a: {  	_ = 	snop  }
0x3b: {  	_ = 	snop  }
0x3c: {  	p2 =	seq.s32 s10, $0x1;
	s10 =	sld [smem:$0x3FA7]  }
0x3d: {  	_ =	shalt  }
0x3e: {  	_ =	shalt  }
0x3f: {  	_ =	shalt  }
0x40: {  	_ =	shalt  }
0x41: {  	_ =	shalt  }
0x42: {  	_ =	shalt  }
0x43: {  	_ =	shalt  }
0x44: {  	_ =	shalt  }
0x45: {  	_ =	shalt  }
0x46: {  	_ =	shalt  }
0x47: {  	_ =	shalt  }
0x48: {  	_ =	shalt  }
0x49: {  	_ =	shalt  }
0x4a: {  	_ =	shalt  }
0x4b: {  	_ =	shalt  }
0x4c: {  	_ =	shalt  }
0x4d: {  	_ =	shalt  }
0x4e: {  	_ =	shalt  }
0x4f: {  	_ =	shalt  }
0x50: {  	_ =	shalt  }
0x51: {  	_ =	shalt  }
0x52: {  	_ =	shalt  }
0x53: {  	_ =	shalt  }
0x54: {  	_ =	shalt  }
0x55: {  	_ =	shalt  }
0x56: {  	_ =	shalt  }
0x57: {  	_ =	shalt  }
0x58: {  	_ =	shalt  }
0x59: {  	_ =	shalt  }
0x5a: {  	_ =	shalt  }
0x5b: {  	_ =	shalt  }
0x5c: {  	_ =	shalt  }
0x5d: {  	_ =	shalt  }
0x5e: {  	_ =	shalt  }
0x5f: {  	_ =	shalt  }
0x60: {  	_ =	shalt  }
0x61: {  	_ =	shalt  }
0x62: {  	_ =	shalt  }
0x63: {  	_ =	shalt  }
0x64: {  	_ =	shalt  }
0x65: {  	_ =	shalt  }
0x66: {  	_ =	shalt  }
0x67: {  	_ =	shalt  }
0x68: {  	_ =	shalt  }
0x69: {  	_ =	shalt  }
0x6a: {  	_ =	shalt  }
0x6b: {  	_ =	shalt  }
0x6c: {  	_ =	shalt  }
0x6d: {  	_ =	shalt  }
0x6e: {  	_ =	shalt  }
0x6f: {  	_ =	shalt  }
0x70: {  	_ =	shalt  }
0x71: {  	_ =	shalt  }
0x72: {  	_ =	shalt  }
0x73: {  	_ =	shalt  }
0x74: {  	_ =	shalt  }
0x75: {  	_ =	shalt  }
0x76: {  	_ =	shalt  }
0x77: {  	_ =	shalt  }
0x78: {  	_ =	shalt  }
0x79: {  	_ =	shalt  }
0x7a: {  	_ =	shalt  }
0x7b: {  	_ =	shalt  }
0x7c: {  	_ =	shalt  }
0x7d: {  	_ =	shalt  }
0x7e: {  	_ =	shalt  }
0x7f: {  	_ =	shalt  }
0x80: {  	_ =	shalt  }
0x81: {  	_ =	shalt  }
0x82: {  	_ =	shalt  }
0x83: {  	_ =	shalt  }
0x84: {  	_ =	shalt  }
0x85: {  	_ =	shalt  }
0x86: {  	_ =	shalt  }
0x87: {  	_ =	shalt  }
.Lfunc_end0:
.L_simem_size_0:
called_computation.1_lowered:
.L_overlay_start_0:
0x88: {  	s2 =	sld [smem:$0x3FD9]  }
0x89: {  	s3 =	sld [smem:$0x3FFE];
	_ =	sdelay $0x1  }
0x8a: {  	s1 =	srdreg.scid  }
0x8b: {  	s0 =	sand.u32 $0x1, s1  }
0x8c: {  	s17 =	sshll.u32 s0, $0xA;
	s2 =	sadd.s32 s3, s2  }
0x8d: {  	s2 =	sadd.s32 s2, s17  }
0x8e: {  	[smem:$0x3FB3] =	sst s2  }
0x8f: {  	_ = 	snop  }
0x90: {  	(tm) =	ssettm $0x1  }
0x91: {  	s18 =	sld [smem:$0x3FFB];
	_ =	sdelay $0x3  }
0x92: {  	_ =	strace s18  }
0x93: {  	s2 =	sld [smem:$0x3FFC];
	_ =	sdelay $0x3  }
0x94: {  	_ =	strace s2  }
0x95: {  	s2 =	sld [smem:$0x3FFD];
	_ =	sdelay $0x3  }
0x96: {  	_ =	strace s2  }
0x97: {  	_ =	strace $0x8FFFFFFF  }
0x98: {  	s19 =	sld [smem:$0x3FDB];
	_ =	sdelay $0x1  }
0x99: {  	s20 =	simm.s32 $_scs_section_size  }
0x9a: {  	s4 =	simm.s32 $_size__tile_overlayer_lowered;
	s5 =	simm.s32 $_tile_overlayer_lowered  }
0x9b: {  	s6 =	simm.s32 $0x1BFF;
	s21 =	sshll.u32 s5, $0x1;
	s3 =	sadd.s32 s20, s19  }
0x9c: {  	s22 =	simm.s32 $0x0;
	s4 =	sshll.u32 s4, $0x1;
	s5 =	sadd.s32 s21, s3  }
0x9d: {  	[timem:s22], [sflag:s6] =	dma.local [hbm:s5], s4  }
0x9e: {  	_ =	swait.ge [sflag:s6], s4  }
0x9f: {  	s4 =	ssub.s32 $0x0, s4;
	[sflag:s6] =	ssyncset.done $0x0  }
0xa0: {  	[sflag:s6] =	ssyncadd.s32 s4;
	_ =	sdelay $0x1  }
0xa1: {  	s23 =	simm.s32 $0x1B8B  }
0xa2: {  	_ =	swait.ge [sflag:s23], $0x1  }
0xa3: {  	[sflag:s23] =	ssyncset.done $0x0  }
0xa4: {  	[sflag:s23] =	ssyncadd.s32 $0xFFFFFFFF  }
0xa5: {  	s4 =	sld [smem:$0x0]  }
0xa6: {  	s5 =	sand.u32 $0xFFFFFFFE, s1  }
0xa7: {  	p0 =	sne.s32 s1, s5  }
0xa8: {  	s5 =	sshll.u32 @p0 s5, $0xE  }
0xa9: {  	s5 =	sadd.s32 @p0 $0x11B8D, s5;
	s6 =	sshll.u32 @p0 s4, $0x11  }
0xaa: {  	s5 =	sor.u32 @p0 s6, s5  }
0xab: {  	[sflag:s5] =	ssyncadd.remote.s32 @p0 $0x1;
	_ =	sdelay $0x1  }
0xac: {  	s5 =	simm.s32 @p0 $0x1B8D  }
0xad: {  	_ =	swait.eq @p0 [sflag:s5], $0x1  }
0xae: {  	[sflag:s5] =	ssyncadd.s32 @p0 $0xFFFFFFFF  }
0xaf: {  	s6 =	sshll.u32 @!p0 s1, $0xE  }
0xb0: {  	s6 =	sor.u32 @!p0 $0x4000, s6;
	s5 =	simm.s32 @!p0 $0x1B8D  }
0xb1: {  	s4 =	sshll.u32 @!p0 s4, $0x11;
	s6 =	sadd.s32 @!p0 $0x11B8D, s6;
	_ =	swait.eq @!p0 [sflag:s5], $0x1  }
0xb2: {  	s4 =	sor.u32 @!p0 s4, s6;
	[sflag:s5] =	ssyncadd.s32 @!p0 $0xFFFFFFFF  }
0xb3: {  	s25 =	simm.s32 $0x1B8E;
	s24 =	sld [smem:$0x3FFE];
	[sflag:s4] =	ssyncadd.remote.s32 @!p0 $0x1  }
0xb4: {  	s26 =	simm.s32 $execute0_lowered;
	[smem:$0x3FD2] =	sst s25  }
0xb5: {  	s5 =	sshll.u32 s26, $0x1;
	_ =	strace $0x80000049;
	[dreg:$0x1] =	wrdreg $0xFFFFFFFF  }
0xb6: {  	s28 =	simm.s32 $_size_execute0_lowered;
	s3 =	sadd.s32 s3, s5;
	[dreg:$0x0] =	wrdreg $0x0  }
0xb7: {  	s5 =	sshll.u32 s28, $0x1;
	[dreg:$0x2] =	wrdreg s3  }
0xb8: {  	[dreg:$0x3] =	wrdreg s5  }
0xb9: {  	[dreg:$0x4] =	wrdreg $0xC0  }
0xba: {  	_ =	task [dreg:s22], $0x5FFFF  }
0xbb: {  	[dreg:$0x1] =	wrdreg $0xFFFFFFFF  }
0xbc: {  	[dreg:$0x0] =	wrdreg $0x60  }
0xbd: {  	[dreg:$0x2] =	wrdreg s24  }
0xbe: {  	[dreg:$0x3] =	wrdreg $0x38000  }
0xbf: {  	[dreg:$0x4] =	wrdreg $0x88000  }
0xc0: {  	[dreg:$0x5] =	wrdreg $0xD8000  }
0xc1: {  	[dreg:$0x6] =	wrdreg $0xA  }
0xc2: {  	_ =	task.clear_ibuf [dreg:s22], $0x7FFFF;
	_ =	strace $0x90000049  }
0xc3: {  	s29 =	simm.s32 $0xA;
	_ =	strace $0x8000004B  }
0xc4: {  	_ =	swait.ge [sflag:s29], $0x1  }
0xc5: {  	[sflag:s29] =	ssyncadd.s32 $0xFFFFFFFF  }
0xc6: {  	_ =	strace $0x9000004B  }
0xc7: {  	_ =	sfence  }
0xc8: {  	s30 =	sld [smem:$0x0];
	_ =	sdelay $0x2  }
0xc9: {  	s31 =	sshll.u32 s1, $0xD;
	s1 =	sshrl.u32 s1, $0x2  }
0xca: {  	s4 =	sand.u32 $0x4000, s31;
	s1 =	sadd.s32 s1, s30  }
0xcb: {  	s0 =	sor.u32 s4, s0;
	s1 =	sshll.u32 s1, $0x11  }
0xcc: {  	s0 =	sor.u32 s1, s0  }
0xcd: {  	s0 =	sadd.s32 $0x8F2B, s0  }
0xce: {  	[sflag:s0] =	ssyncadd.remote.s32 $0x1  }
0xcf: {  	_ =	sfence.sel $0xFFFF  }
0xd0: {  	[dreg:$0x0] =	wrdreg $0xFFFFFFFF;
	(pc) =	sbr.abs _section_cstart, $3  }
0xd1: {  	[dreg:$0x1] =	wrdreg $0xFFFFFFFF  }
0xd2: {  	_ =	task.clear_ibuf [dreg:s22], $0x2FFFF;
	_ =	strace $0x9FFFFFFF  }
0xd3: {  	(tm) =	ssettm $0x7FFFFFFF  }
tec
execute0_lowered:
.L_overlay_start_1:
0x0: {  	(tag) =	ssettag $0x1  }
0x1: {  	s14 =	stileid.u32  }
0x2: {  	s7 =	smul.u32 $0x2800, s14  }
0x3: {  	s0 =	rddreg [dreg:$0x0];
	s9 =	smul.u32 $0x1400, s14  }
0x4: {  	s2 =	srdreg.scid;
	s25 =	smul.u32 $0xA000, s14  }
0x5: {  	s1 =	rddreg [dreg:$0x1];
	s11 =	smul.u32 $0x5000, s14  }
0x6: {  	s3 =	rddreg [dreg:$0x2];
	s2 =	sand.u32 $0x1, s2;
	s14 =	smul.u32 $0x28000, s14  }
0x7: {  	s4 =	rddreg [dreg:$0x3];
	s5 =	simm.s32 $0x0;
	s6 =	smul.u32 $0x50000, s2  }
0x8: {  	[smem:$0x7FF] =	sst s5;
	s8 =	smul.u32 $0x14000, s2  }
0x9: {  	s12 =	sadd.s32 $0x133000, s0;
	s24 =	smul.u32 $0xA0000, s2;
	_ =	strace $0x8000004A  }
0xa: {  	s26 =	ssub.s32 $0x2, s2;
	p0 =	seq.s32 s2, $0x0;
	s2 =	sshll.u32 s2, $0x1  }
0xb: {  	s10 =	sshrl.u32 s26, $0x1;
	s19 =	sadd.s32 $0x1000, s11;
	s13 =	sadd.s32 $0x1800, s11  }
0xc: {  	s16 =	sadd.s32 $0x2000, s11;
	s17 =	sadd.s32 $0x2800, s11;
	s23 =	sadd.s32 $0x3000, s11  }
0xd: {  	s2 =	sadd.s32 s2, s12;
	s6 =	sadd.s32 s7, s6;
	s20 =	sadd.s32 s19, s1  }
0xe: {  	s8 =	sadd.s32 s9, s8;
	s21 =	sadd.s32 s13, s1;
	[dreg:$0x6] =	wrdreg s20  }
0xf: {  	s7 =	sadd.s32 s25, s24;
	s18 =	sadd.s32 s16, s1;
	[dreg:$0x7] =	wrdreg s21  }
0x10: {  	s22 =	sadd.s32 s17, s1;
	s24 =	sadd.s32 s23, s1;
	[dreg:$0x8] =	wrdreg s18  }
0x11: {  	s25 =	sadd.s32 $0x3800, s11;
	s6 =	sshrl.u32 s6, $0x3;
	[dreg:$0x9] =	wrdreg s22  }
0x12: {  	s8 =	sshrl.u32 s8, $0x3;
	s7 =	sshrl.u32 s7, $0x3;
	[dreg:$0xa] =	wrdreg s24  }
0x13: {  	s20 =	sadd.s32 s25, s3;
	s24 =	sadd.s32 s11, s1;
	s18 =	sshrl.u32 s11, $0x2  }
0x14: {  	s6 =	sadd.s32 s6, s0;
	s8 =	sadd.s32 s8, s0;
	s0 =	sadd.s32 s7, s0  }
0x15: {  	s7 =	ssub.s32 s26, s10;
	s10 =	sor.u32 $0x800, s11;
	s26 =	sadd.s32 s19, s3  }
0x16: {  	s19 =	sadd.s32 s25, s1;
	s25 =	sadd.s32 s11, s3;
	s29 =	sadd.s32 s18, s4  }
0x17: {  	s15 =	sadd.s32 s10, s1;
	s9 =	sadd.s32 s10, s3;
	[dreg:$0xd] =	wrdreg s26  }
0x18: {  	s10 =	sadd.s32 s13, s3;
	s13 =	sadd.s32 s16, s3;
	s16 =	sadd.s32 $0x4000, s11  }
0x19: {  	s30 =	sadd.s32 $0x66000, s6;
	s31 =	sadd.s32 $0x6B000, s6;
	[dreg:$0x5] =	wrdreg s15  }
0x1a: {  	s0 =	sadd.s32 $0x1D3000, s0;
	s6 =	smax.u32 s7, $0x1;
	[dreg:$0xc] =	wrdreg s9  }
0x1b: {  	s7 =	sadd.s32 $0x800, s29;
	s15 =	simm.s32 $0x280000;
	[dreg:$0xe] =	wrdreg s10  }
0x1c: {  	[dreg:$0xf] =	wrdreg s13;
	s21 =	sadd.s32 s16, s1;
	s22 =	sadd.s32 s16, s3  }
0x1d: {  	s9 =	simm.s32 $0x3000;
	s10 =	simm.s32 $0x2;
	s15 =	simm.s32 @!p0 $0x280010  }
0x1e: {  	s13 =	simm.s32 $0x1;
	s14 =	sadd.s32 s15, s14;
	s15 =	sadd.s32 s23, s3  }
0x1f: {  	s23 =	sadd.s32 s2, s11;
	s2 =	sadd.s32 $0x12E000, s8;
	s14 =	sshrl.u32 s14, $0x3  }
0x20: {  	s8 =	sadd.s32 $0x1000, s29;
	[dreg:$0x11] =	wrdreg s15;
	s12 =	sadd.s32 s12, s14  }
0x21: {  	s14 =	sadd.s32 s17, s3;
	s17 =	sadd.s32 $0x4800, s11;
	[dreg:$0xb] =	wrdreg s12  }
0x22: {  	s11 =	simm.s32 $0x80;
	[dreg:$0x10] =	wrdreg s14;
	s26 =	sadd.s32 s17, s1  }
0x23: {  	v0 =	vimm.f32 $1.000000000e+00;
	v1 =	vimm.f32 $0.0e+00;
	s28 =	sadd.s32 s17, s3;
	s12 =	simm.s32 $0x2800;
	s14 =	simm.s32 $0x10  }
.LBB2_1:
0x24: {  	s15 =	simm.s32 $0x40;
	s16 =	simm.s32 $0x0  }
.LBB2_2:
0x25: {  	p0 =	sne.s32 s15, $0x1FC0;
	[tilespmem:s16+$0x2800] =	vst v0;
	s17 =	smov.u32 s15;
	s15 =	sadd.s32 $0x40, s15  }
.Ltmp0:
0x26: {  	[tilespmem:s16+$0x3000] =	vst v1;
	(pc) =	sbr.rel @p0 .LBB2_2-.Ltmp0, $2  }
0x27: {  	_ =	sdelay $0x2  }
0x28: {  	s16 =	sshra.s32 s17, $0x2  }
0x29: {  	[tilespmem:s16+$0x2800] =	vst v0  }
0x2a: {  	[tilespmem:s16+$0x3000] =	vst v1  }
0x2b: {  	[spmem:s24] =	stream.linear.scatter [tilespmem:s9], [sflag:$0x2], $0x800, $0x38;
	[tilespmem:$0xEC00] =	vst v63  }
0x2c: {  	_ =	swait.ge [sflag:s10], $0x800  }
0x2d: {  	[sflag:s10] =	ssyncset.done $0x0  }
0x2e: {  	s15 =	rddreg [dreg:$0x5];
	[sflag:s10] =	ssyncadd.s32 $0xFFFFF800  }
0x2f: {  	[spmem:s15] =	stream.linear.scatter [tilespmem:s9], [sflag:$0x2], $0x800, $0x38;
	[tilespmem:$0xEC00] =	vst v63  }
0x30: {  	_ =	swait.ge [sflag:s10], $0x800  }
0x31: {  	[sflag:s10] =	ssyncset.done $0x0  }
0x32: {  	s17 =	rddreg [dreg:$0x6];
	[sflag:s10] =	ssyncadd.s32 $0xFFFFF800  }
0x33: {  	[spmem:s17] =	stream.linear.scatter [tilespmem:s9], [sflag:$0x2], $0x800, $0x38;
	[tilespmem:$0xEC00] =	vst v63  }
0x34: {  	_ =	swait.ge [sflag:s10], $0x800  }
0x35: {  	[sflag:s10] =	ssyncset.done $0x0  }
0x36: {  	s18 =	rddreg [dreg:$0x7];
	[sflag:s10] =	ssyncadd.s32 $0xFFFFF800  }
0x37: {  	[spmem:s18] =	stream.linear.scatter [tilespmem:s9], [sflag:$0x2], $0x800, $0x38;
	[tilespmem:$0xEC00] =	vst v63  }
0x38: {  	_ =	swait.ge [sflag:s10], $0x800  }
0x39: {  	[sflag:s10] =	ssyncset.done $0x0  }
0x3a: {  	s16 =	rddreg [dreg:$0x8];
	[sflag:s10] =	ssyncadd.s32 $0xFFFFF800  }
0x3b: {  	[spmem:s16] =	stream.linear.scatter [tilespmem:s9], [sflag:$0x2], $0x800, $0x38;
	[tilespmem:$0xEC00] =	vst v63  }
0x3c: {  	_ =	swait.ge [sflag:s10], $0x800  }
0x3d: {  	[sflag:s10] =	ssyncset.done $0x0  }
0x3e: {  	s17 =	rddreg [dreg:$0x9];
	[sflag:s10] =	ssyncadd.s32 $0xFFFFF800  }
0x3f: {  	[spmem:s17] =	stream.linear.scatter [tilespmem:s9], [sflag:$0x2], $0x800, $0x38;
	[tilespmem:$0xEC00] =	vst v63  }
0x40: {  	_ =	swait.ge [sflag:s10], $0x800  }
0x41: {  	[sflag:s10] =	ssyncset.done $0x0  }
0x42: {  	s18 =	rddreg [dreg:$0xa];
	[sflag:s10] =	ssyncadd.s32 $0xFFFFF800  }
0x43: {  	[spmem:s18] =	stream.linear.scatter [tilespmem:s9], [sflag:$0x2], $0x800, $0x38;
	[tilespmem:$0xEC00] =	vst v63  }
0x44: {  	_ =	swait.ge [sflag:s10], $0x800  }
0x45: {  	[sflag:s10] =	ssyncset.done $0x0  }
0x46: {  	[sflag:s10] =	ssyncadd.s32 $0xFFFFF800  }
0x47: {  	[spmem:s19] =	stream.linear.scatter [tilespmem:s9], [sflag:$0x2], $0x800, $0x38;
	[tilespmem:$0xEC00] =	vst v63  }
0x48: {  	_ =	swait.ge [sflag:s10], $0x800  }
0x49: {  	[sflag:s10] =	ssyncset.done $0x0  }
0x4a: {  	[sflag:s10] =	ssyncadd.s32 $0xFFFFF800  }
0x4b: {  	[spmem:s21] =	stream.linear.scatter [tilespmem:s9], [sflag:$0x2], $0x800, $0x38;
	[tilespmem:$0xEC00] =	vst v63  }
0x4c: {  	_ =	swait.ge [sflag:s10], $0x800  }
0x4d: {  	[sflag:s10] =	ssyncset.done $0x0  }
0x4e: {  	[sflag:s10] =	ssyncadd.s32 $0xFFFFF800  }
0x4f: {  	[spmem:s26] =	stream.linear.scatter [tilespmem:s9], [sflag:$0x2], $0x800, $0x38;
	[tilespmem:$0xEC00] =	vst v63  }
0x50: {  	_ =	swait.ge [sflag:s10], $0x800  }
0x51: {  	[sflag:s10] =	ssyncset.done $0x0  }
0x52: {  	[sflag:s10] =	ssyncadd.s32 $0xFFFFF800  }
0x53: {  	[spmem:s25] =	stream.linear.scatter [tilespmem:s9], [sflag:$0x2], $0x800, $0x38;
	[tilespmem:$0xEC00] =	vst v63  }
0x54: {  	_ =	swait.ge [sflag:s10], $0x800  }
0x55: {  	[sflag:s10] =	ssyncset.done $0x0  }
0x56: {  	s16 =	rddreg [dreg:$0xc];
	[sflag:s10] =	ssyncadd.s32 $0xFFFFF800  }
0x57: {  	[spmem:s16] =	stream.linear.scatter [tilespmem:s9], [sflag:$0x2], $0x800, $0x38;
	[tilespmem:$0xEC00] =	vst v63  }
0x58: {  	_ =	swait.ge [sflag:s10], $0x800  }
0x59: {  	[sflag:s10] =	ssyncset.done $0x0  }
0x5a: {  	s17 =	rddreg [dreg:$0xd];
	[sflag:s10] =	ssyncadd.s32 $0xFFFFF800  }
0x5b: {  	[spmem:s17] =	stream.linear.scatter [tilespmem:s9], [sflag:$0x2], $0x800, $0x38;
	[tilespmem:$0xEC00] =	vst v63  }
0x5c: {  	_ =	swait.ge [sflag:s10], $0x800  }
0x5d: {  	[sflag:s10] =	ssyncset.done $0x0  }
0x5e: {  	s18 =	rddreg [dreg:$0xe];
	[sflag:s10] =	ssyncadd.s32 $0xFFFFF800  }
0x5f: {  	[spmem:s18] =	stream.linear.scatter [tilespmem:s9], [sflag:$0x2], $0x800, $0x38;
	[tilespmem:$0xEC00] =	vst v63  }
0x60: {  	_ =	swait.ge [sflag:s10], $0x800  }
0x61: {  	[sflag:s10] =	ssyncset.done $0x0  }
0x62: {  	s16 =	rddreg [dreg:$0xf];
	[sflag:s10] =	ssyncadd.s32 $0xFFFFF800  }
0x63: {  	[spmem:s16] =	stream.linear.scatter [tilespmem:s9], [sflag:$0x2], $0x800, $0x38;
	[tilespmem:$0xEC00] =	vst v63  }
0x64: {  	_ =	swait.ge [sflag:s10], $0x800  }
0x65: {  	[sflag:s10] =	ssyncset.done $0x0  }
0x66: {  	s17 =	rddreg [dreg:$0x10];
	[sflag:s10] =	ssyncadd.s32 $0xFFFFF800  }
0x67: {  	[spmem:s17] =	stream.linear.scatter [tilespmem:s9], [sflag:$0x2], $0x800, $0x38;
	[tilespmem:$0xEC00] =	vst v63  }
0x68: {  	_ =	swait.ge [sflag:s10], $0x800  }
0x69: {  	[sflag:s10] =	ssyncset.done $0x0  }
0x6a: {  	s18 =	rddreg [dreg:$0x11];
	[sflag:s10] =	ssyncadd.s32 $0xFFFFF800  }
0x6b: {  	[spmem:s18] =	stream.linear.scatter [tilespmem:s9], [sflag:$0x2], $0x800, $0x38;
	[tilespmem:$0xEC00] =	vst v63  }
0x6c: {  	_ =	swait.ge [sflag:s10], $0x800  }
0x6d: {  	[sflag:s10] =	ssyncset.done $0x0  }
0x6e: {  	[sflag:s10] =	ssyncadd.s32 $0xFFFFF800  }
0x6f: {  	[spmem:s20] =	stream.linear.scatter [tilespmem:s9], [sflag:$0x2], $0x800, $0x38;
	[tilespmem:$0xEC00] =	vst v63  }
0x70: {  	_ =	swait.ge [sflag:s10], $0x800  }
0x71: {  	[sflag:s10] =	ssyncset.done $0x0  }
0x72: {  	[sflag:s10] =	ssyncadd.s32 $0xFFFFF800  }
0x73: {  	[spmem:s22] =	stream.linear.scatter [tilespmem:s9], [sflag:$0x2], $0x800, $0x38;
	[tilespmem:$0xEC00] =	vst v63  }
0x74: {  	_ =	swait.ge [sflag:s10], $0x800  }
0x75: {  	[sflag:s10] =	ssyncset.done $0x0  }
0x76: {  	[sflag:s10] =	ssyncadd.s32 $0xFFFFF800  }
0x77: {  	[spmem:s28] =	stream.linear.scatter [tilespmem:s9], [sflag:$0x2], $0x800, $0x38;
	[tilespmem:$0xEC00] =	vst v63  }
0x78: {  	_ =	swait.ge [sflag:s10], $0x800  }
0x79: {  	[sflag:s10] =	ssyncset.done $0x0  }
0x7a: {  	[sflag:s10] =	ssyncadd.s32 $0xFFFFF800  }
0x7b: {  	[spmem:s29] =	stream.linear.scatter [tilespmem:s9], [sflag:$0x2], $0x800, $0x38;
	[tilespmem:$0xEC00] =	vst v63  }
0x7c: {  	_ =	swait.ge [sflag:s10], $0x800  }
0x7d: {  	[sflag:s10] =	ssyncset.done $0x0  }
0x7e: {  	[sflag:s10] =	ssyncadd.s32 $0xFFFFF800  }
0x7f: {  	[spmem:s7] =	stream.linear.scatter [tilespmem:s9], [sflag:$0x2], $0x800, $0x38;
	[tilespmem:$0xEC00] =	vst v63  }
0x80: {  	_ =	swait.ge [sflag:s10], $0x800  }
0x81: {  	[sflag:s10] =	ssyncset.done $0x0  }
0x82: {  	[sflag:s10] =	ssyncadd.s32 $0xFFFFF800  }
0x83: {  	[spmem:s8] =	stream.linear.scatter [tilespmem:s9], [sflag:$0x2], $0x400, $0x38;
	[tilespmem:$0xEC00] =	vst v63  }
0x84: {  	_ =	swait.ge [sflag:s10], $0x400  }
0x85: {  	[sflag:s10] =	ssyncset.done $0x0  }
0x86: {  	[sflag:s10] =	ssyncadd.s32 $0xFFFFFC00  }
0x87: {  	s15 =	simm.s32 $0x0;
	[bflag:$0x0] =	sbarrier.arrive $0xFFFF  }
0x88: {  	[tilespmem:s15], [sflag:$0x2] =	stream.linear.gather [hbm4b:s30+s15], $0x2800, $0x38;
	[tilespmem:$0xEC00] =	vst v63  }
0x89: {  	_ =	swait.ge [sflag:s10], $0x2800  }
0x8a: {  	p0 =	por $0x1, $0x1;
	[sflag:s10] =	ssyncset.done $0x0  }
0x8b: {  	s17 =	simm.s32 @!p0 $0x1;
	[sflag:s10] =	ssyncadd.s32 $0xFFFFD800  }
0x8c: {  	_ =	swait.ge @!p0 [sflag:s17], $0x800  }
0x8d: {  	[sflag:s17] =	ssyncset.done @!p0 $0x0  }
0x8e: {  	s16 =	simm.s32 $0x1;
	[sflag:s17] =	ssyncadd.s32 @!p0 $0xFFFFF800;
	s17 =	simm.s32 $0x80  }
.LBB2_4:
0x8f: {  	[spmem:s1] =	stream.indirect.scatter.add.f32 [tilespmem:s12], [sflag:$0x1], $0x10, s15, s11, $0xb8;
	[tilespmem:$0xEC00] =	vst v63  }
0x90: {  	p0 =	slt.u32 s16, $0x8;
	s16 =	sadd.s32 $0x1, s16  }
0x91: {  	p1 =	sne.s32 s16, $0x50  }
.Ltmp1:
0x92: {  	(pc) =	sbr.rel @p1 .LBB2_4-.Ltmp1, $4  }
0x93: {  	s15 =	smov.u32 s17;
	s18 =	simm.s32 @!p0 $0x1  }
0x94: {  	_ =	swait.ge @!p0 [sflag:s18], $0x800  }
0x95: {  	[sflag:s18] =	ssyncset.done @!p0 $0x0  }
0x96: {  	s17 =	sadd.s32 $0x80, s17;
	[sflag:s18] =	ssyncadd.s32 @!p0 $0xFFFFF800  }
0x97: {  	[spmem:s1] =	stream.indirect.scatter.add.f32 [tilespmem:s12], [sflag:$0x1], $0x10, s15, s11, $0xb8;
	[tilespmem:$0xEC00] =	vst v63  }
0x98: {  	_ =	swait.ge [sflag:s13], $0x800  }
0x99: {  	[sflag:s13] =	ssyncset.done $0x0  }
0x9a: {  	[sflag:s13] =	ssyncadd.s32 $0xFFFFF800  }
0x9b: {  	_ =	swait.ge [sflag:s13], $0x800  }
0x9c: {  	[sflag:s13] =	ssyncset.done $0x0  }
0x9d: {  	[sflag:s13] =	ssyncadd.s32 $0xFFFFF800  }
0x9e: {  	_ =	swait.ge [sflag:s13], $0x800  }
0x9f: {  	[sflag:s13] =	ssyncset.done $0x0  }
0xa0: {  	[sflag:s13] =	ssyncadd.s32 $0xFFFFF800  }
0xa1: {  	_ =	swait.ge [sflag:s13], $0x800  }
0xa2: {  	[sflag:s13] =	ssyncset.done $0x0  }
0xa3: {  	[sflag:s13] =	ssyncadd.s32 $0xFFFFF800  }
0xa4: {  	_ =	swait.ge [sflag:s13], $0x800  }
0xa5: {  	[sflag:s13] =	ssyncset.done $0x0  }
0xa6: {  	[sflag:s13] =	ssyncadd.s32 $0xFFFFF800  }
0xa7: {  	_ =	swait.ge [sflag:s13], $0x800  }
0xa8: {  	[sflag:s13] =	ssyncset.done $0x0  }
0xa9: {  	[sflag:s13] =	ssyncadd.s32 $0xFFFFF800  }
0xaa: {  	_ =	swait.ge [sflag:s13], $0x800  }
0xab: {  	[sflag:s13] =	ssyncset.done $0x0  }
0xac: {  	[sflag:s13] =	ssyncadd.s32 $0xFFFFF800  }
0xad: {  	_ =	swait.ge [sflag:s13], $0x800  }
0xae: {  	[sflag:s13] =	ssyncset.done $0x0  }
0xaf: {  	s15 =	simm.s32 $0x0;
	[sflag:s13] =	ssyncadd.s32 $0xFFFFF800  }
0xb0: {  	[tilespmem:s15], [sflag:$0x2] =	stream.linear.gather [hbm4b:s31+s15], $0x2800, $0x38;
	[tilespmem:$0xEC00] =	vst v63  }
0xb1: {  	_ =	swait.ge [sflag:s10], $0x2800  }
0xb2: {  	p0 =	por $0x1, $0x1;
	[sflag:s10] =	ssyncset.done $0x0  }
0xb3: {  	s17 =	simm.s32 @!p0 $0x1;
	[sflag:s10] =	ssyncadd.s32 $0xFFFFD800  }
0xb4: {  	_ =	swait.ge @!p0 [sflag:s17], $0x800  }
0xb5: {  	[sflag:s17] =	ssyncset.done @!p0 $0x0  }
0xb6: {  	s16 =	simm.s32 $0x1;
	[sflag:s17] =	ssyncadd.s32 @!p0 $0xFFFFF800;
	s17 =	simm.s32 $0x80  }
.LBB2_6:
0xb7: {  	[spmem:s3] =	stream.indirect.scatter.add.f32 [tilespmem:s12], [sflag:$0x1], $0x10, s15, s11, $0xb8;
	[tilespmem:$0xEC00] =	vst v63  }
0xb8: {  	p0 =	slt.u32 s16, $0x8;
	s16 =	sadd.s32 $0x1, s16  }
0xb9: {  	p1 =	sne.s32 s16, $0x50  }
.Ltmp2:
0xba: {  	(pc) =	sbr.rel @p1 .LBB2_6-.Ltmp2, $4  }
0xbb: {  	s15 =	smov.u32 s17;
	s18 =	simm.s32 @!p0 $0x1  }
0xbc: {  	_ =	swait.ge @!p0 [sflag:s18], $0x800  }
0xbd: {  	[sflag:s18] =	ssyncset.done @!p0 $0x0  }
0xbe: {  	s17 =	sadd.s32 $0x80, s17;
	[sflag:s18] =	ssyncadd.s32 @!p0 $0xFFFFF800  }
0xbf: {  	[spmem:s3] =	stream.indirect.scatter.add.f32 [tilespmem:s12], [sflag:$0x1], $0x10, s15, s11, $0xb8;
	[tilespmem:$0xEC00] =	vst v63  }
0xc0: {  	_ =	swait.ge [sflag:s13], $0x800  }
0xc1: {  	[sflag:s13] =	ssyncset.done $0x0  }
0xc2: {  	[sflag:s13] =	ssyncadd.s32 $0xFFFFF800  }
0xc3: {  	_ =	swait.ge [sflag:s13], $0x800  }
0xc4: {  	[sflag:s13] =	ssyncset.done $0x0  }
0xc5: {  	[sflag:s13] =	ssyncadd.s32 $0xFFFFF800  }
0xc6: {  	_ =	swait.ge [sflag:s13], $0x800  }
0xc7: {  	[sflag:s13] =	ssyncset.done $0x0  }
0xc8: {  	[sflag:s13] =	ssyncadd.s32 $0xFFFFF800  }
0xc9: {  	_ =	swait.ge [sflag:s13], $0x800  }
0xca: {  	[sflag:s13] =	ssyncset.done $0x0  }
0xcb: {  	[sflag:s13] =	ssyncadd.s32 $0xFFFFF800  }
0xcc: {  	_ =	swait.ge [sflag:s13], $0x800  }
0xcd: {  	[sflag:s13] =	ssyncset.done $0x0  }
0xce: {  	[sflag:s13] =	ssyncadd.s32 $0xFFFFF800  }
0xcf: {  	_ =	swait.ge [sflag:s13], $0x800  }
0xd0: {  	[sflag:s13] =	ssyncset.done $0x0  }
0xd1: {  	[sflag:s13] =	ssyncadd.s32 $0xFFFFF800  }
0xd2: {  	_ =	swait.ge [sflag:s13], $0x800  }
0xd3: {  	[sflag:s13] =	ssyncset.done $0x0  }
0xd4: {  	[sflag:s13] =	ssyncadd.s32 $0xFFFFF800  }
0xd5: {  	_ =	swait.ge [sflag:s13], $0x800  }
0xd6: {  	[sflag:s13] =	ssyncset.done $0x0  }
0xd7: {  	s15 =	simm.s32 $0x0;
	[sflag:s13] =	ssyncadd.s32 $0xFFFFF800  }
0xd8: {  	[tilespmem:s15], [sflag:$0x2] =	stream.linear.gather [hbm4b:s2+s15], $0x1400, $0x38;
	[tilespmem:$0xEC00] =	vst v63  }
0xd9: {  	_ =	swait.ge [sflag:s10], $0x1400  }
0xda: {  	p0 =	por $0x1, $0x1;
	[sflag:s10] =	ssyncset.done $0x0  }
0xdb: {  	s17 =	simm.s32 @!p0 $0x1;
	[sflag:s10] =	ssyncadd.s32 $0xFFFFEC00  }
0xdc: {  	_ =	swait.ge @!p0 [sflag:s17], $0x800  }
0xdd: {  	[sflag:s17] =	ssyncset.done @!p0 $0x0  }
0xde: {  	s16 =	simm.s32 $0x1;
	[sflag:s17] =	ssyncadd.s32 @!p0 $0xFFFFF800;
	s17 =	simm.s32 $0x80  }
.LBB2_8:
0xdf: {  	[spmem:s4] =	stream.indirect.scatter.add.f32 [tilespmem:s12], [sflag:$0x1], $0x10, s15, s11, $0xb8;
	[tilespmem:$0xEC00] =	vst v63  }
0xe0: {  	p0 =	slt.u32 s16, $0x8;
	s16 =	sadd.s32 $0x1, s16  }
0xe1: {  	p1 =	sne.s32 s16, $0x28  }
.Ltmp3:
0xe2: {  	(pc) =	sbr.rel @p1 .LBB2_8-.Ltmp3, $4  }
0xe3: {  	s15 =	smov.u32 s17;
	s18 =	simm.s32 @!p0 $0x1  }
0xe4: {  	_ =	swait.ge @!p0 [sflag:s18], $0x800  }
0xe5: {  	[sflag:s18] =	ssyncset.done @!p0 $0x0  }
0xe6: {  	s17 =	sadd.s32 $0x80, s17;
	[sflag:s18] =	ssyncadd.s32 @!p0 $0xFFFFF800  }
0xe7: {  	[spmem:s4] =	stream.indirect.scatter.add.f32 [tilespmem:s12], [sflag:$0x1], $0x10, s15, s11, $0xb8;
	[tilespmem:$0xEC00] =	vst v63  }
0xe8: {  	_ =	swait.ge [sflag:s13], $0x800  }
0xe9: {  	[sflag:s13] =	ssyncset.done $0x0  }
0xea: {  	[sflag:s13] =	ssyncadd.s32 $0xFFFFF800  }
0xeb: {  	_ =	swait.ge [sflag:s13], $0x800  }
0xec: {  	[sflag:s13] =	ssyncset.done $0x0  }
0xed: {  	[sflag:s13] =	ssyncadd.s32 $0xFFFFF800  }
0xee: {  	_ =	swait.ge [sflag:s13], $0x800  }
0xef: {  	[sflag:s13] =	ssyncset.done $0x0  }
0xf0: {  	[sflag:s13] =	ssyncadd.s32 $0xFFFFF800  }
0xf1: {  	_ =	swait.ge [sflag:s13], $0x800  }
0xf2: {  	[sflag:s13] =	ssyncset.done $0x0  }
0xf3: {  	[sflag:s13] =	ssyncadd.s32 $0xFFFFF800  }
0xf4: {  	_ =	swait.ge [sflag:s13], $0x800  }
0xf5: {  	[sflag:s13] =	ssyncset.done $0x0  }
0xf6: {  	[sflag:s13] =	ssyncadd.s32 $0xFFFFF800  }
0xf7: {  	_ =	swait.ge [sflag:s13], $0x800  }
0xf8: {  	[sflag:s13] =	ssyncset.done $0x0  }
0xf9: {  	[sflag:s13] =	ssyncadd.s32 $0xFFFFF800  }
0xfa: {  	_ =	swait.ge [sflag:s13], $0x800  }
0xfb: {  	[sflag:s13] =	ssyncset.done $0x0  }
0xfc: {  	[sflag:s13] =	ssyncadd.s32 $0xFFFFF800  }
0xfd: {  	_ =	swait.ge [sflag:s13], $0x800  }
0xfe: {  	s17 =	stileid.u32;
	[sflag:s13] =	ssyncset.done $0x0  }
0xff: {  	s15 =	sshll.u32 s17, $0x6;
	[sflag:s13] =	ssyncadd.s32 $0xFFFFF800  }
0x100: {  	s16 =	sshrl.u32 s24, $0x3;
	s15 =	sor.u32 $0x1C02, s15;
	[bflag:$0x0] =	sbarrier.arrive $0xFFFF  }
0x101: {  	[hbm:s23@s14], [sflag:s15] =	dma.strided [spmem:s16@s10], $0xA00, s13, $0x2   }
0x102: {  	_ =	swait.ge [sflag:s10], $0xA00  }
0x103: {  	[sflag:s10] =	ssyncset.done $0x0  }
0x104: {  	s18 =	sshrl.u32 s25, $0x3;
	s17 =	rddreg [dreg:$0xb];
	[sflag:s10] =	ssyncadd.s32 $0xFFFFF600  }
0x105: {  	[hbm:s17@s14], [sflag:s15] =	dma.strided [spmem:s18@s10], $0xA00, s13, $0x2   }
0x106: {  	s5 =	sadd.s32 $0x1, s5;
	_ =	swait.ge [sflag:s10], $0xA00  }
0x107: {  	p0 =	sne.s32 s5, s6;
	[sflag:s10] =	ssyncset.done $0x0  }
.Ltmp4:
0x108: {  	s18 =	sshrl.u32 s29, $0x3;
	[sflag:s10] =	ssyncadd.s32 $0xFFFFF600;
	(pc) =	sbr.rel @p0 .LBB2_1-.Ltmp4, $4  }
0x109: {  	[hbm:s0@s14], [sflag:s15] =	dma.strided [spmem:s18@s10], $0x280, s13, $0x2   }
0x10a: {  	_ =	swait.ge [sflag:s10], $0x280  }
0x10b: {  	[sflag:s10] =	ssyncset.done $0x0  }
0x10c: {  	[sflag:s10] =	ssyncadd.s32 $0xFFFFFD80  }
0x10d: {  	_ =	sfence.sel $0x180000  }
0x10e: {  	[bflag:$0x0] =	sbarrier.arrive $0xFFFF  }
0x10f: {  	_ =	strace $0x9000004A  }
0x110: {  	s0 =	stileid.u32;
	[bflag:$0x2] =	sbarrier.arrive $0xFFFF  }
0x111: {  	p0 =	sne.s32 s0, $0x0;
	s0 =	rddreg [dreg:$0x4]  }
0x112: {  	s0 =	sadd.s32 @!p0 $0x100000, s0  }
0x113: {  	[sflag:s0] =	ssyncadd.tile.s32 @!p0 $0x1;
	_ =	shalt  }
.Lfunc_end2:
_tile_overlayer_lowered:
.L_overlay_start_2:
0x114: {  	(tag) =	ssettag $0x2  }
0x115: {  	s0 =	rddreg [dreg:$0x0];
	s2 =	stileid.u32  }
0x116: {  	s1 =	rddreg [dreg:$0x1];
	p0 =	sne.s32 s2, $0x0  }
0x117: {  	s3 =	rddreg [dreg:$0x2];
	[bflag:$0x3] =	sbarrier.arrive $0xFFFF;
	s2 =	simm.s32 @!p0 $0x1C02  }
0x118: {  	[timem:s3], [sflag:s2] =	dma.local @!p0 [hbm:s0], s1  }
0x119: {  	s0 =	simm.s32 @!p0 $0x2  }
0x11a: {  	_ =	swait.ge @!p0 [sflag:s0], s1  }
0x11b: {  	s1 =	ssub.s32 @!p0 $0x0, s1;
	[sflag:s0] =	ssyncset.done @!p0 $0x0  }
0x11c: {  	[sflag:s0] =	ssyncadd.s32 @!p0 s1  }
0x11d: {  	[bflag:$0x3] =	sbarrier.arrive $0xFFFF  }
0x11e: {  	_ =	shalt  }

// kernel: kernel.13.cloned.1.call-start
scs
__scs_entry_jumppad:
0x0: {  	(pc) =	sbr.rel $0x88, $3  }
0x1: {  	(tag) =	ssettag $0x0;
	lr =	simm.s32 $0x1  }
0x2: {  	[smem:$0x3F8C] =	sst lr;
	_ =	strace $0xD0000000  }
0x3: {  	_ = 	snop  }
0x4: {  	_ = 	snop  }
0x5: {  	_ = 	snop  }
0x6: {  	_ = 	snop  }
0x7: {  	_ = 	snop  }
__scs_overlays_trampoline_lowered:
0x8: {  	[smem:$0x3F9B] =	sst s0  }
0x9: {  	[smem:$0x3F9C] =	sst s1  }
0xa: {  	[smem:$0x3F9D] =	sst s2  }
0xb: {  	[smem:$0x3F9E] =	sst s3  }
0xc: {  	[smem:$0x3F9F] =	sst s4  }
0xd: {  	[smem:$0x3FA0] =	sst s5  }
0xe: {  	[smem:$0x3FA1] =	sst s6  }
0xf: {  	[smem:$0x3FA2] =	sst s7  }
0x10: {  	[smem:$0x3FA3] =	sst s8  }
0x11: {  	[smem:$0x3FA4] =	sst s9;
	s0 =	simm.s32 @!p0 $0x0  }
0x12: {  	s1 =	sld [smem:$0x3F8A];
	s0 =	simm.s32 @p0 $0x1  }
0x13: {  	[smem:$0x3FA5] =	sst s0;
	s0 =	simm.s32 @!p1 $0x0  }
0x14: {  	s2 =	sld [smem:$0x3F89];
	s0 =	simm.s32 @p1 $0x1  }
0x15: {  	[smem:$0x3FA6] =	sst s0;
	s0 =	simm.s32 @!p2 $0x0  }
0x16: {  	s3 =	sld [smem:$0x3FDB];
	s0 =	simm.s32 @p2 $0x1  }
0x17: {  	s4 =	simm.s32 $0x1BF5;
	[smem:$0x3FA8] =	sst s0  }
0x18: {  	s0 =	sld [smem:$0x3F8B];
	_ =	swait.ge [sflag:s4], $0x0  }
0x19: {  	s7 =	sld [smem:$0x3F8C]  }
0x1a: {  	s8 =	sadd.s32 $0xFFFFE003, lr  }
0x1b: {  	s9 =	sadd.s32 $0xFFFFFEF7, lr;
	s5 =	simm.s32 $0xFFFFFFFF;
	p2 =	slt.u32 s8, $0xFFFFF086  }
0x1c: {  	p1 =	slt.u32 s9, $0xF7A;
	s5 =	simm.s32 @!p2 $0x0  }
0x1d: {  	s5 =	simm.s32 @p1 $0x1;
	p0 =	seq.s32 s7, s2  }
0x1e: {  	s7 =	smul.u32 @!p0 $0xF7A, s2;
	p2 =	seq.s32 @!p0 s5, $0x0  }
0x1f: {  	s9 =	smul.u32 $0xF7A, s1;
	s8 =	simm.s32 @!p0 $0x1BF5;
	p2 =	por !p2, p0  }
0x20: {  	[sflag:s8] =	ssyncset.s32 @!p0 $0xFFFFF086;
	s6 =	sadd.s32 @!p0 s3, s7;
	s7 =	simm.s32 @!p0 $0x108  }
0x21: {  	s3 =	sadd.s32 s3, s9;
	s6 =	sadd.s32 @!p0 $0x88, s6;
	s7 =	simm.s32 @p2 $0x1082  }
0x22: {  	[simem:s7], [sflag:s8] =	dma.local @!p0 [hbm:s6], $0xF7A  }
0x23: {  	s9 =	sor.u32 $0xD0000000, s2;
	s6 =	simm.s32 $0x108;
	_ =	swait.ge @!p0 [sflag:s8], $0x0  }
0x24: {  	s3 =	sadd.s32 $0x88, s3;
	s6 =	simm.s32 @!p1 $0x1082;
	[sflag:s4] =	ssyncset.s32 $0xFFFFF086  }
0x25: {  	[simem:s6], [sflag:s4] =	dma.local [hbm:s3], $0xF7A  }
0x26: {  	[smem:$0x3F8C] =	sst s1;
	(tag) =	ssettag s2;
	_ =	strace s9  }
0x27: {  	s1 =	sld [smem:$0x3F9C]  }
0x28: {  	s2 =	sld [smem:$0x3F9D]  }
0x29: {  	s4 =	sld [smem:$0x3F9F]  }
0x2a: {  	p0 =	seq.s32 s5, $0x0;
	s5 =	sld [smem:$0x3FA0]  }
0x2b: {  	s6 =	sld [smem:$0x3FA1]  }
0x2c: {  	s7 =	sld [smem:$0x3FA2]  }
0x2d: {  	s3 =	simm.s32 $0x108;
	s8 =	sld [smem:$0x3FA3]  }
0x2e: {  	s3 =	simm.s32 @!p0 $0x1082;
	s9 =	sld [smem:$0x3FA4]  }
0x2f: {  	lr =	sadd.s32 s0, s3;
	s0 =	sld [smem:$0x3F9B]  }
0x30: {  	s3 =	sld [smem:$0x3F9E]  }
0x31: {  	[smem:$0x3FA7] =	sst s10  }
0x32: {  	s10 =	sld [smem:$0x3FA5];
	_ =	sdelay $0x3  }
0x33: {  	p0 =	seq.s32 s10, $0x1;
	s10 =	sld [smem:$0x3FA7];
	_ =	sdelay $0x3  }
0x34: {  	[smem:$0x3FA7] =	sst s10  }
0x35: {  	s10 =	sld [smem:$0x3FA6];
	_ =	sdelay $0x3  }
0x36: {  	p1 =	seq.s32 s10, $0x1;
	s10 =	sld [smem:$0x3FA7];
	_ =	sdelay $0x3  }
0x37: {  	[smem:$0x3FA7] =	sst s10  }
0x38: {  	s10 =	sld [smem:$0x3FA8]  }
0x39: {  	_ = 	snop;
	(pc) =	sbr.ind lr, $3  }
0x3a: {  	_ = 	snop  }
0x3b: {  	_ = 	snop  }
0x3c: {  	p2 =	seq.s32 s10, $0x1;
	s10 =	sld [smem:$0x3FA7]  }
0x3d: {  	_ =	shalt  }
0x3e: {  	_ =	shalt  }
0x3f: {  	_ =	shalt  }
0x40: {  	_ =	shalt  }
0x41: {  	_ =	shalt  }
0x42: {  	_ =	shalt  }
0x43: {  	_ =	shalt  }
0x44: {  	_ =	shalt  }
0x45: {  	_ =	shalt  }
0x46: {  	_ =	shalt  }
0x47: {  	_ =	shalt  }
0x48: {  	_ =	shalt  }
0x49: {  	_ =	shalt  }
0x4a: {  	_ =	shalt  }
0x4b: {  	_ =	shalt  }
0x4c: {  	_ =	shalt  }
0x4d: {  	_ =	shalt  }
0x4e: {  	_ =	shalt  }
0x4f: {  	_ =	shalt  }
0x50: {  	_ =	shalt  }
0x51: {  	_ =	shalt  }
0x52: {  	_ =	shalt  }
0x53: {  	_ =	shalt  }
0x54: {  	_ =	shalt  }
0x55: {  	_ =	shalt  }
0x56: {  	_ =	shalt  }
0x57: {  	_ =	shalt  }
0x58: {  	_ =	shalt  }
0x59: {  	_ =	shalt  }
0x5a: {  	_ =	shalt  }
0x5b: {  	_ =	shalt  }
0x5c: {  	_ =	shalt  }
0x5d: {  	_ =	shalt  }
0x5e: {  	_ =	shalt  }
0x5f: {  	_ =	shalt  }
0x60: {  	_ =	shalt  }
0x61: {  	_ =	shalt  }
0x62: {  	_ =	shalt  }
0x63: {  	_ =	shalt  }
0x64: {  	_ =	shalt  }
0x65: {  	_ =	shalt  }
0x66: {  	_ =	shalt  }
0x67: {  	_ =	shalt  }
0x68: {  	_ =	shalt  }
0x69: {  	_ =	shalt  }
0x6a: {  	_ =	shalt  }
0x6b: {  	_ =	shalt  }
0x6c: {  	_ =	shalt  }
0x6d: {  	_ =	shalt  }
0x6e: {  	_ =	shalt  }
0x6f: {  	_ =	shalt  }
0x70: {  	_ =	shalt  }
0x71: {  	_ =	shalt  }
0x72: {  	_ =	shalt  }
0x73: {  	_ =	shalt  }
0x74: {  	_ =	shalt  }
0x75: {  	_ =	shalt  }
0x76: {  	_ =	shalt  }
0x77: {  	_ =	shalt  }
0x78: {  	_ =	shalt  }
0x79: {  	_ =	shalt  }
0x7a: {  	_ =	shalt  }
0x7b: {  	_ =	shalt  }
0x7c: {  	_ =	shalt  }
0x7d: {  	_ =	shalt  }
0x7e: {  	_ =	shalt  }
0x7f: {  	_ =	shalt  }
0x80: {  	_ =	shalt  }
0x81: {  	_ =	shalt  }
0x82: {  	_ =	shalt  }
0x83: {  	_ =	shalt  }
0x84: {  	_ =	shalt  }
0x85: {  	_ =	shalt  }
0x86: {  	_ =	shalt  }
0x87: {  	_ =	shalt  }
.Lfunc_end0:
.L_simem_size_0:
called_computation.2_lowered:
.L_overlay_start_0:
0x88: {  	s2 =	sld [smem:$0x3FD9]  }
0x89: {  	s3 =	sld [smem:$0x3FFE];
	_ =	sdelay $0x1  }
0x8a: {  	s1 =	srdreg.scid  }
0x8b: {  	s0 =	sand.u32 $0x1, s1  }
0x8c: {  	s16 =	sshll.u32 s0, $0xA;
	s2 =	sadd.s32 s3, s2  }
0x8d: {  	s2 =	sadd.s32 s2, s16  }
0x8e: {  	[smem:$0x3FB3] =	sst s2  }
0x8f: {  	_ = 	snop  }
0x90: {  	(tm) =	ssettm $0x1  }
0x91: {  	s17 =	sld [smem:$0x3FFB];
	_ =	sdelay $0x3  }
0x92: {  	_ =	strace s17  }
0x93: {  	s2 =	sld [smem:$0x3FFC];
	_ =	sdelay $0x3  }
0x94: {  	_ =	strace s2  }
0x95: {  	s2 =	sld [smem:$0x3FFD];
	_ =	sdelay $0x3  }
0x96: {  	_ =	strace s2  }
0x97: {  	_ =	strace $0x8FFFFFFF  }
0x98: {  	s18 =	sld [smem:$0x3FDB];
	_ =	sdelay $0x1  }
0x99: {  	s19 =	simm.s32 $_scs_section_size  }
0x9a: {  	s4 =	simm.s32 $_size__tile_overlayer_lowered;
	s5 =	simm.s32 $_tile_overlayer_lowered  }
0x9b: {  	s22 =	simm.s32 $0x1BFF;
	s21 =	sshll.u32 s5, $0x1;
	s2 =	sadd.s32 s19, s18  }
0x9c: {  	s6 =	simm.s32 $0x0;
	s20 =	sshll.u32 s4, $0x1;
	s4 =	sadd.s32 s21, s2  }
0x9d: {  	[timem:s6], [sflag:s22] =	dma.local [hbm:s4], s20  }
0x9e: {  	_ =	swait.ge [sflag:s22], s20  }
0x9f: {  	s3 =	ssub.s32 $0x0, s20;
	[sflag:s22] =	ssyncset.done $0x0  }
0xa0: {  	[sflag:s22] =	ssyncadd.s32 s3;
	_ =	sdelay $0x1  }
0xa1: {  	s23 =	simm.s32 $0x1B8B  }
0xa2: {  	_ =	swait.ge [sflag:s23], $0x1  }
0xa3: {  	[sflag:s23] =	ssyncset.done $0x0  }
0xa4: {  	s25 =	simm.s32 $0x1B8E;
	s24 =	sld [smem:$0x3FFE];
	[sflag:s23] =	ssyncadd.s32 $0xFFFFFFFF  }
0xa5: {  	s26 =	simm.s32 $execute0_lowered;
	[smem:$0x3FD2] =	sst s25  }
0xa6: {  	s4 =	sshll.u32 s26, $0x1;
	_ =	strace $0x8000004C;
	[dreg:$0x1] =	wrdreg $0xFFFFFFFF  }
0xa7: {  	s28 =	simm.s32 $_size_execute0_lowered;
	s2 =	sadd.s32 s2, s4;
	[dreg:$0x0] =	wrdreg $0x0  }
0xa8: {  	s4 =	sshll.u32 s28, $0x1;
	[dreg:$0x2] =	wrdreg s2  }
0xa9: {  	[dreg:$0x3] =	wrdreg s4  }
0xaa: {  	[dreg:$0x4] =	wrdreg $0xC0  }
0xab: {  	_ =	task [dreg:s6], $0x5FFFF  }
0xac: {  	[dreg:$0x1] =	wrdreg $0xFFFFFFFF  }
0xad: {  	[dreg:$0x0] =	wrdreg $0x60  }
0xae: {  	[dreg:$0x2] =	wrdreg s24  }
0xaf: {  	[dreg:$0x3] =	wrdreg $0x40000  }
0xb0: {  	[dreg:$0x4] =	wrdreg $0x9  }
0xb1: {  	_ =	task.clear_ibuf [dreg:s6], $0x5FFFF;
	_ =	strace $0x9000004C  }
0xb2: {  	s29 =	simm.s32 $0x9;
	_ =	strace $0x8000004E  }
0xb3: {  	_ =	swait.ge [sflag:s29], $0x1  }
0xb4: {  	[sflag:s29] =	ssyncadd.s32 $0xFFFFFFFF  }
0xb5: {  	_ =	strace $0x9000004E  }
0xb6: {  	_ =	sfence  }
0xb7: {  	s30 =	sld [smem:$0x0];
	_ =	sdelay $0x2  }
0xb8: {  	s31 =	sshll.u32 s1, $0xD;
	s1 =	sshrl.u32 s1, $0x2  }
0xb9: {  	s3 =	sand.u32 $0x4000, s31;
	s1 =	sadd.s32 s1, s30  }
0xba: {  	s0 =	sor.u32 s3, s0;
	s1 =	sshll.u32 s1, $0x11  }
0xbb: {  	s0 =	sor.u32 s1, s0  }
0xbc: {  	s0 =	sadd.s32 $0x8F2B, s0  }
0xbd: {  	[sflag:s0] =	ssyncadd.remote.s32 $0x1  }
0xbe: {  	_ =	sfence.sel $0xFFFF  }
0xbf: {  	[dreg:$0x0] =	wrdreg $0xFFFFFFFF;
	(pc) =	sbr.abs _section_cstart, $3  }
0xc0: {  	[dreg:$0x1] =	wrdreg $0xFFFFFFFF  }
0xc1: {  	_ =	task.clear_ibuf [dreg:s6], $0x2FFFF;
	_ =	strace $0x9FFFFFFF  }
0xc2: {  	(tm) =	ssettm $0x7FFFFFFF  }
0xc3: {  	_ =	shalt  }
tec
execute0_lowered:
.L_overlay_start_1:
0x0: {  	(tag) =	ssettag $0x1  }
0x1: {  	s6 =	rddreg [dreg:$0x0]  }
0x2: {  	s5 =	srdreg.scid;
	s2 =	rddreg [dreg:$0x1]  }
0x3: {  	s0 =	stileid.u32;
	s1 =	rddreg [dreg:$0x2]  }
0x4: {  	s3 =	simm.s32 $0x0;
	s14 =	simm.s32 $0x1400;
	s15 =	simm.s32 $0x80  }
0x5: {  	s16 =	simm.s32 $0x2800;
	s17 =	simm.s32 $0x3000;
	s18 =	simm.s32 $0x1  }
0x6: {  	s19 =	simm.s32 $0x2;
	s20 =	simm.s32 $0x3;
	s21 =	simm.s32 $0x4  }
0x7: {  	s22 =	simm.s32 $0x2700;
	s23 =	simm.s32 $0x2780;
	s10 =	smul.u32 $0x1400, s0  }
0x8: {  	s24 =	simm.s32 $0x10;
	s7 =	sand.u32 $0x1, s5;
	s9 =	smul.u32 $0x5000, s0  }
0x9: {  	[smem:$0x7FF] =	sst s3;
	s5 =	sshll.u32 s5, $0x1;
	s4 =	smul.u32 $0x14000, s7  }
0xa: {  	_ =	strace $0x8000004D;
	s5 =	sand.u32 $0x2, s5;
	s7 =	ssub.s32 $0x2, s7  }
0xb: {  	s29 =	sshrl.u32 s9, $0x2;
	s12 =	sadd.s32 s5, s6;
	s30 =	sshrl.u32 s7, $0x1  }
0xc: {  	s4 =	sadd.s32 s10, s4;
	s5 =	sadd.s32 s29, s2;
	s13 =	ssub.s32 s7, s30  }
0xd: {  	s31 =	sadd.s32 s10, s12;
	s12 =	simm.s32 $0x3800;
	s8 =	sshrl.u32 s4, $0x3  }
0xe: {  	s4 =	sadd.s32 $0x133000, s6;
	s7 =	sadd.s32 $0x1000, s5;
	s10 =	smax.u32 s13, $0x1  }
0xf: {  	s13 =	simm.s32 $0x5;
	s11 =	sadd.s32 s8, s6;
	s6 =	sadd.s32 $0x800, s5  }
0x10: {  	v0 =	vimm.f32 $0.0e+00;
	s8 =	sadd.s32 $0x1FB000, s11;
	s9 =	sadd.s32 $0x12E000, s11;
	s11 =	sadd.s32 $0x147000, s31  }
.LBB2_1:
0x11: {  	s25 =	simm.s32 $0x40;
	s26 =	simm.s32 $0x0  }
.LBB2_2:
0x12: {  	p0 =	sne.s32 s25, $0x1FC0;
	[tilespmem:s26+$0x3800] =	vst v0;
	s26 =	smov.u32 s25;
	s25 =	sadd.s32 $0x40, s25  }
.Ltmp0:
0x13: {  	(pc) =	sbr.rel @p0 .LBB2_2-.Ltmp0, $2  }
0x14: {  	_ =	sdelay $0x2  }
0x15: {  	s26 =	sshra.s32 s26, $0x2  }
0x16: {  	[tilespmem:s26+$0x3800] =	vst v0  }
0x17: {  	[spmem:s5] =	stream.linear.scatter [tilespmem:s12], [sflag:$0x5], $0x800, $0x38;
	[tilespmem:$0x5400] =	vst v63  }
0x18: {  	_ =	swait.ge [sflag:s13], $0x800  }
0x19: {  	[sflag:s13] =	ssyncset.done $0x0  }
0x1a: {  	[sflag:s13] =	ssyncadd.s32 $0xFFFFF800  }
0x1b: {  	[spmem:s6] =	stream.linear.scatter [tilespmem:s12], [sflag:$0x5], $0x800, $0x38;
	[tilespmem:$0x5400] =	vst v63  }
0x1c: {  	_ =	swait.ge [sflag:s13], $0x800  }
0x1d: {  	[sflag:s13] =	ssyncset.done $0x0  }
0x1e: {  	[sflag:s13] =	ssyncadd.s32 $0xFFFFF800  }
0x1f: {  	[spmem:s7] =	stream.linear.scatter [tilespmem:s12], [sflag:$0x5], $0x400, $0x38;
	[tilespmem:$0x5400] =	vst v63  }
0x20: {  	_ =	swait.ge [sflag:s13], $0x400  }
0x21: {  	[sflag:s13] =	ssyncset.done $0x0  }
0x22: {  	[sflag:s13] =	ssyncadd.s32 $0xFFFFFC00  }
0x23: {  	s25 =	simm.s32 $0x0;
	[bflag:$0x0] =	sbarrier.arrive $0xFFFF  }
0x24: {  	[tilespmem:s25], [sflag:$0x5] =	stream.linear.gather [hbm4b:s8+s25], $0x1400, $0x38;
	[tilespmem:$0x5400] =	vst v63  }
0x25: {  	_ =	swait.ge [sflag:s13], $0x1400  }
0x26: {  	[sflag:s13] =	ssyncset.done $0x0  }
0x27: {  	[sflag:s13] =	ssyncadd.s32 $0xFFFFEC00  }
0x28: {  	[tilespmem:s14], [sflag:$0x5] =	stream.linear.gather [hbm4b:s9+s25], $0x1400, $0x38;
	[tilespmem:$0x5400] =	vst v63  }
0x29: {  	_ =	swait.ge [sflag:s13], $0x1400  }
0x2a: {  	[sflag:s13] =	ssyncset.done $0x0  }
0x2b: {  	[sflag:s13] =	ssyncadd.s32 $0xFFFFEC00  }
0x2c: {  	[tilespmem:s16], [sflag:$0x1] =	stream.indirect.gather [hbm4b:s4+s15], $0x10, s25, s15, $0xb8;
	[tilespmem:$0x5400] =	vst v63  }
0x2d: {  	_ = 	snop  }
0x2e: {  	[tilespmem:s17], [sflag:$0x2] =	stream.indirect.gather [hbm4b:s4+s15], $0x10, s15, s15, $0xb8;
	[tilespmem:$0x5400] =	vst v63  }
0x2f: {  	_ =	swait.ge [sflag:s18], $0x800  }
0x30: {  	[sflag:s18] =	ssyncset.done $0x0  }
0x31: {  	s29 =	simm.s32 $0x1400;
	[sflag:s18] =	ssyncadd.s32 $0xFFFFF800  }
0x32: {  	[spmem:s2] =	stream.indirect.scatter.add.f32 [tilespmem:s16], [sflag:$0x3], $0x10, s29, s15, $0xb8;
	[tilespmem:$0x5400] =	vst v63  }
0x33: {  	_ =	swait.ge [sflag:s19], $0x800  }
0x34: {  	[sflag:s19] =	ssyncset.done $0x0  }
0x35: {  	s30 =	simm.s32 $0x1480;
	[sflag:s19] =	ssyncadd.s32 $0xFFFFF800  }
0x36: {  	[spmem:s2] =	stream.indirect.scatter.add.f32 [tilespmem:s17], [sflag:$0x4], $0x10, s30, s15, $0xb8;
	[tilespmem:$0x5400] =	vst v63  }
0x37: {  	_ =	swait.ge [sflag:s20], $0x800  }
0x38: {  	[sflag:s20] =	ssyncset.done $0x0  }
0x39: {  	s31 =	simm.s32 $0x100;
	[sflag:s20] =	ssyncadd.s32 $0xFFFFF800  }
0x3a: {  	[tilespmem:s16], [sflag:$0x1] =	stream.indirect.gather [hbm4b:s4+s15], $0x10, s31, s15, $0xb8;
	[tilespmem:$0x5400] =	vst v63  }
0x3b: {  	_ =	swait.ge [sflag:s21], $0x800  }
0x3c: {  	[sflag:s21] =	ssyncset.done $0x0  }
0x3d: {  	s26 =	simm.s32 $0x180;
	s25 =	simm.s32 $0x400;
	[sflag:s21] =	ssyncadd.s32 $0xFFFFF800  }
.LBB2_4:
0x3e: {  	[tilespmem:s17], [sflag:$0x2] =	stream.indirect.gather [hbm4b:s4+s15], $0x10, s26, s15, $0xb8;
	[tilespmem:$0x5400] =	vst v63  }
0x3f: {  	s26 =	smov.u32 s25  }
0x40: {  	p0 =	sne.s32 s25, $0x4800;
	s25 =	sadd.s32 $0x400, s25;
	_ =	swait.ge [sflag:s18], $0x800  }
0x41: {  	s26 =	sshra.s32 s26, $0x2;
	[sflag:s18] =	ssyncset.done $0x0  }
0x42: {  	s28 =	sadd.s32 $0x1400, s26;
	[sflag:s18] =	ssyncadd.s32 $0xFFFFF800  }
0x43: {  	[spmem:s2] =	stream.indirect.scatter.add.f32 [tilespmem:s16], [sflag:$0x3], $0x10, s28, s15, $0xb8;
	[tilespmem:$0x5400] =	vst v63  }
0x44: {  	_ =	swait.ge [sflag:s19], $0x800  }
0x45: {  	[sflag:s19] =	ssyncset.done $0x0  }
0x46: {  	s28 =	sadd.s32 $0x1480, s26;
	[sflag:s19] =	ssyncadd.s32 $0xFFFFF800  }
0x47: {  	[spmem:s2] =	stream.indirect.scatter.add.f32 [tilespmem:s17], [sflag:$0x4], $0x10, s28, s15, $0xb8;
	[tilespmem:$0x5400] =	vst v63  }
0x48: {  	_ =	swait.ge [sflag:s20], $0x800  }
0x49: {  	[sflag:s20] =	ssyncset.done $0x0  }
.Ltmp1:
0x4a: {  	s28 =	sadd.s32 $0x100, s26;
	[sflag:s20] =	ssyncadd.s32 $0xFFFFF800;
	(pc) =	sbr.rel @p0 .LBB2_4-.Ltmp1, $4  }
0x4b: {  	[tilespmem:s16], [sflag:$0x1] =	stream.indirect.gather [hbm4b:s4+s15], $0x10, s28, s15, $0xb8;
	[tilespmem:$0x5400] =	vst v63  }
0x4c: {  	_ =	swait.ge [sflag:s21], $0x800  }
0x4d: {  	[sflag:s21] =	ssyncset.done $0x0  }
0x4e: {  	s26 =	sadd.s32 $0x180, s26;
	[sflag:s21] =	ssyncadd.s32 $0xFFFFF800  }
0x4f: {  	[tilespmem:s17], [sflag:$0x2] =	stream.indirect.gather [hbm4b:s4+s15], $0x10, s26, s15, $0xb8;
	[tilespmem:$0x5400] =	vst v63  }
0x50: {  	_ =	swait.ge [sflag:s18], $0x800  }
0x51: {  	[sflag:s18] =	ssyncset.done $0x0  }
0x52: {  	[sflag:s18] =	ssyncadd.s32 $0xFFFFF800  }
0x53: {  	[spmem:s2] =	stream.indirect.scatter.add.f32 [tilespmem:s16], [sflag:$0x3], $0x10, s22, s15, $0xb8;
	[tilespmem:$0x5400] =	vst v63  }
0x54: {  	_ =	swait.ge [sflag:s19], $0x800  }
0x55: {  	[sflag:s19] =	ssyncset.done $0x0  }
0x56: {  	[sflag:s19] =	ssyncadd.s32 $0xFFFFF800  }
0x57: {  	[spmem:s2] =	stream.indirect.scatter.add.f32 [tilespmem:s17], [sflag:$0x4], $0x10, s23, s15, $0xb8;
	[tilespmem:$0x5400] =	vst v63  }
0x58: {  	_ =	swait.ge [sflag:s20], $0x800  }
0x59: {  	[sflag:s20] =	ssyncset.done $0x0  }
0x5a: {  	[sflag:s20] =	ssyncadd.s32 $0xFFFFF800  }
0x5b: {  	_ =	swait.ge [sflag:s21], $0x800  }
0x5c: {  	s25 =	sshll.u32 s0, $0x6;
	s3 =	sadd.s32 $0x1, s3;
	[sflag:s21] =	ssyncset.done $0x0  }
0x5d: {  	s31 =	sshrl.u32 s5, $0x3;
	p0 =	sne.s32 s3, s10;
	[sflag:s21] =	ssyncadd.s32 $0xFFFFF800  }
.Ltmp2:
0x5e: {  	s25 =	sor.u32 $0x1C05, s25;
	[bflag:$0x0] =	sbarrier.arrive $0xFFFF;
	(pc) =	sbr.rel @p0 .LBB2_1-.Ltmp2, $4  }
0x5f: {  	[hbm:s11@s24], [sflag:s25] =	dma.strided [spmem:s31@s19], $0x280, s18, $0x2   }
0x60: {  	_ =	swait.ge [sflag:s13], $0x280  }
0x61: {  	[sflag:s13] =	ssyncset.done $0x0  }
0x62: {  	[sflag:s13] =	ssyncadd.s32 $0xFFFFFD80  }
0x63: {  	_ =	sfence.sel $0x180000  }
0x64: {  	[bflag:$0x0] =	sbarrier.arrive $0xFFFF  }
0x65: {  	p0 =	sne.s32 s0, $0x0;
	_ =	strace $0x9000004D  }
0x66: {  	s0 =	sadd.s32 @!p0 $0x100000, s1;
	[bflag:$0x2] =	sbarrier.arrive $0xFFFF  }
0x67: {  	[sflag:s0] =	ssyncadd.tile.s32 @!p0 $0x1;
	_ =	shalt  }
.Lfunc_end2:
_tile_overlayer_lowered:
.L_overlay_start_2:
0x68: {  	(tag) =	ssettag $0x2  }
0x69: {  	s0 =	rddreg [dreg:$0x0];
	s2 =	stileid.u32  }
0x6a: {  	s1 =	rddreg [dreg:$0x1];
	p0 =	sne.s32 s2, $0x0  }
0x6b: {  	s3 =	rddreg [dreg:$0x2];
	[bflag:$0x3] =	sbarrier.arrive $0xFFFF;
	s2 =	simm.s32 @!p0 $0x1C05  }
0x6c: {  	[timem:s3], [sflag:s2] =	dma.local @!p0 [hbm:s0], s1  }
0x6d: {  	s0 =	simm.s32 @!p0 $0x5  }
0x6e: {  	_ =	swait.ge @!p0 [sflag:s0], s1  }
0x6f: {  	s1 =	ssub.s32 @!p0 $0x0, s1;
	[sflag:s0] =	ssyncset.done @!p0 $0x0  }
0x70: {  	[sflag:s0] =	ssyncadd.s32 @!p0 s1  }
0x71: {  	[bflag:$0x3] =	sbarrier.arrive $0xFFFF  }
0x72: {  	_ =	shalt  }

// kernel: kernel.7.cloned.1.call-start
scs
__scs_entry_jumppad:
0x0: {  	(pc) =	sbr.rel $0x88, $3  }
0x1: {  	(tag) =	ssettag $0x0;
	lr =	simm.s32 $0x1  }
0x2: {  	[smem:$0x3F8C] =	sst lr;
	_ =	strace $0xD0000000  }
0x3: {  	_ = 	snop  }
0x4: {  	_ = 	snop  }
0x5: {  	_ = 	snop  }
0x6: {  	_ = 	snop  }
0x7: {  	_ = 	snop  }
__scs_overlays_trampoline_lowered:
0x8: {  	[smem:$0x3F9B] =	sst s0  }
0x9: {  	[smem:$0x3F9C] =	sst s1  }
0xa: {  	[smem:$0x3F9D] =	sst s2  }
0xb: {  	[smem:$0x3F9E] =	sst s3  }
0xc: {  	[smem:$0x3F9F] =	sst s4  }
0xd: {  	[smem:$0x3FA0] =	sst s5  }
0xe: {  	[smem:$0x3FA1] =	sst s6  }
0xf: {  	[smem:$0x3FA2] =	sst s7  }
0x10: {  	[smem:$0x3FA3] =	sst s8  }
0x11: {  	[smem:$0x3FA4] =	sst s9;
	s0 =	simm.s32 @!p0 $0x0  }
0x12: {  	s1 =	sld [smem:$0x3F8A];
	s0 =	simm.s32 @p0 $0x1  }
0x13: {  	[smem:$0x3FA5] =	sst s0;
	s0 =	simm.s32 @!p1 $0x0  }
0x14: {  	s2 =	sld [smem:$0x3F89];
	s0 =	simm.s32 @p1 $0x1  }
0x15: {  	[smem:$0x3FA6] =	sst s0;
	s0 =	simm.s32 @!p2 $0x0  }
0x16: {  	s3 =	sld [smem:$0x3FDB];
	s0 =	simm.s32 @p2 $0x1  }
0x17: {  	s4 =	simm.s32 $0x1BF5;
	[smem:$0x3FA8] =	sst s0  }
0x18: {  	s0 =	sld [smem:$0x3F8B];
	_ =	swait.ge [sflag:s4], $0x0  }
0x19: {  	s7 =	sld [smem:$0x3F8C]  }
0x1a: {  	s8 =	sadd.s32 $0xFFFFE003, lr  }
0x1b: {  	s9 =	sadd.s32 $0xFFFFFEF7, lr;
	s5 =	simm.s32 $0xFFFFFFFF;
	p2 =	slt.u32 s8, $0xFFFFF086  }
0x1c: {  	p1 =	slt.u32 s9, $0xF7A;
	s5 =	simm.s32 @!p2 $0x0  }
0x1d: {  	s5 =	simm.s32 @p1 $0x1;
	p0 =	seq.s32 s7, s2  }
0x1e: {  	s7 =	smul.u32 @!p0 $0xF7A, s2;
	p2 =	seq.s32 @!p0 s5, $0x0  }
0x1f: {  	s9 =	smul.u32 $0xF7A, s1;
	s8 =	simm.s32 @!p0 $0x1BF5;
	p2 =	por !p2, p0  }
0x20: {  	[sflag:s8] =	ssyncset.s32 @!p0 $0xFFFFF086;
	s6 =	sadd.s32 @!p0 s3, s7;
	s7 =	simm.s32 @!p0 $0x108  }
0x21: {  	s3 =	sadd.s32 s3, s9;
	s6 =	sadd.s32 @!p0 $0x88, s6;
	s7 =	simm.s32 @p2 $0x1082  }
0x22: {  	[simem:s7], [sflag:s8] =	dma.local @!p0 [hbm:s6], $0xF7A  }
0x23: {  	s9 =	sor.u32 $0xD0000000, s2;
	s6 =	simm.s32 $0x108;
	_ =	swait.ge @!p0 [sflag:s8], $0x0  }
0x24: {  	s3 =	sadd.s32 $0x88, s3;
	s6 =	simm.s32 @!p1 $0x1082;
	[sflag:s4] =	ssyncset.s32 $0xFFFFF086  }
0x25: {  	[simem:s6], [sflag:s4] =	dma.local [hbm:s3], $0xF7A  }
0x26: {  	[smem:$0x3F8C] =	sst s1;
	(tag) =	ssettag s2;
	_ =	strace s9  }
0x27: {  	s1 =	sld [smem:$0x3F9C]  }
0x28: {  	s2 =	sld [smem:$0x3F9D]  }
0x29: {  	s4 =	sld [smem:$0x3F9F]  }
0x2a: {  	p0 =	seq.s32 s5, $0x0;
	s5 =	sld [smem:$0x3FA0]  }
0x2b: {  	s6 =	sld [smem:$0x3FA1]  }
0x2c: {  	s7 =	sld [smem:$0x3FA2]  }
0x2d: {  	s3 =	simm.s32 $0x108;
	s8 =	sld [smem:$0x3FA3]  }
0x2e: {  	s3 =	simm.s32 @!p0 $0x1082;
	s9 =	sld [smem:$0x3FA4]  }
0x2f: {  	lr =	sadd.s32 s0, s3;
	s0 =	sld [smem:$0x3F9B]  }
0x30: {  	s3 =	sld [smem:$0x3F9E]  }
0x31: {  	[smem:$0x3FA7] =	sst s10  }
0x32: {  	s10 =	sld [smem:$0x3FA5];
	_ =	sdelay $0x3  }
0x33: {  	p0 =	seq.s32 s10, $0x1;
	s10 =	sld [smem:$0x3FA7];
	_ =	sdelay $0x3  }
0x34: {  	[smem:$0x3FA7] =	sst s10  }
0x35: {  	s10 =	sld [smem:$0x3FA6];
	_ =	sdelay $0x3  }
0x36: {  	p1 =	seq.s32 s10, $0x1;
	s10 =	sld [smem:$0x3FA7];
	_ =	sdelay $0x3  }
0x37: {  	[smem:$0x3FA7] =	sst s10  }
0x38: {  	s10 =	sld [smem:$0x3FA8]  }
0x39: {  	_ = 	snop;
	(pc) =	sbr.ind lr, $3  }
0x3a: {  	_ = 	snop  }
0x3b: {  	_ = 	snop  }
0x3c: {  	p2 =	seq.s32 s10, $0x1;
	s10 =	sld [smem:$0x3FA7]  }
0x3d: {  	_ =	shalt  }
0x3e: {  	_ =	shalt  }
0x3f: {  	_ =	shalt  }
0x40: {  	_ =	shalt  }
0x41: {  	_ =	shalt  }
0x42: {  	_ =	shalt  }
0x43: {  	_ =	shalt  }
0x44: {  	_ =	shalt  }
0x45: {  	_ =	shalt  }
0x46: {  	_ =	shalt  }
0x47: {  	_ =	shalt  }
0x48: {  	_ =	shalt  }
0x49: {  	_ =	shalt  }
0x4a: {  	_ =	shalt  }
0x4b: {  	_ =	shalt  }
0x4c: {  	_ =	shalt  }
0x4d: {  	_ =	shalt  }
0x4e: {  	_ =	shalt  }
0x4f: {  	_ =	shalt  }
0x50: {  	_ =	shalt  }
0x51: {  	_ =	shalt  }
0x52: {  	_ =	shalt  }
0x53: {  	_ =	shalt  }
0x54: {  	_ =	shalt  }
0x55: {  	_ =	shalt  }
0x56: {  	_ =	shalt  }
0x57: {  	_ =	shalt  }
0x58: {  	_ =	shalt  }
0x59: {  	_ =	shalt  }
0x5a: {  	_ =	shalt  }
0x5b: {  	_ =	shalt  }
0x5c: {  	_ =	shalt  }
0x5d: {  	_ =	shalt  }
0x5e: {  	_ =	shalt  }
0x5f: {  	_ =	shalt  }
0x60: {  	_ =	shalt  }
0x61: {  	_ =	shalt  }
0x62: {  	_ =	shalt  }
0x63: {  	_ =	shalt  }
0x64: {  	_ =	shalt  }
0x65: {  	_ =	shalt  }
0x66: {  	_ =	shalt  }
0x67: {  	_ =	shalt  }
0x68: {  	_ =	shalt  }
0x69: {  	_ =	shalt  }
0x6a: {  	_ =	shalt  }
0x6b: {  	_ =	shalt  }
0x6c: {  	_ =	shalt  }
0x6d: {  	_ =	shalt  }
0x6e: {  	_ =	shalt  }
0x6f: {  	_ =	shalt  }
0x70: {  	_ =	shalt  }
0x71: {  	_ =	shalt  }
0x72: {  	_ =	shalt  }
0x73: {  	_ =	shalt  }
0x74: {  	_ =	shalt  }
0x75: {  	_ =	shalt  }
0x76: {  	_ =	shalt  }
0x77: {  	_ =	shalt  }
0x78: {  	_ =	shalt  }
0x79: {  	_ =	shalt  }
0x7a: {  	_ =	shalt  }
0x7b: {  	_ =	shalt  }
0x7c: {  	_ =	shalt  }
0x7d: {  	_ =	shalt  }
0x7e: {  	_ =	shalt  }
0x7f: {  	_ =	shalt  }
0x80: {  	_ =	shalt  }
0x81: {  	_ =	shalt  }
0x82: {  	_ =	shalt  }
0x83: {  	_ =	shalt  }
0x84: {  	_ =	shalt  }
0x85: {  	_ =	shalt  }
0x86: {  	_ =	shalt  }
0x87: {  	_ =	shalt  }
.Lfunc_end0:
.L_simem_size_0:
called_computation_lowered:
.L_overlay_start_0:
0x88: {  	s2 =	sld [smem:$0x3FD9]  }
0x89: {  	s3 =	sld [smem:$0x3FFE];
	_ =	sdelay $0x1  }
0x8a: {  	s1 =	srdreg.scid  }
0x8b: {  	s0 =	sand.u32 $0x1, s1  }
0x8c: {  	s16 =	sshll.u32 s0, $0xA;
	s2 =	sadd.s32 s3, s2  }
0x8d: {  	s2 =	sadd.s32 s2, s16  }
0x8e: {  	[smem:$0x3FB3] =	sst s2  }
0x8f: {  	_ = 	snop  }
0x90: {  	(tm) =	ssettm $0x1  }
0x91: {  	s17 =	sld [smem:$0x3FFB];
	_ =	sdelay $0x3  }
0x92: {  	_ =	strace s17  }
0x93: {  	s2 =	sld [smem:$0x3FFC];
	_ =	sdelay $0x3  }
0x94: {  	_ =	strace s2  }
0x95: {  	s2 =	sld [smem:$0x3FFD];
	_ =	sdelay $0x3  }
0x96: {  	_ =	strace s2  }
0x97: {  	_ =	strace $0x8FFFFFFF  }
0x98: {  	s18 =	sld [smem:$0x3FDB];
	_ =	sdelay $0x1  }
0x99: {  	s19 =	simm.s32 $_scs_section_size  }
0x9a: {  	s4 =	simm.s32 $_size__tile_overlayer_lowered;
	s5 =	simm.s32 $_tile_overlayer_lowered  }
0x9b: {  	s22 =	simm.s32 $0x1BFF;
	s21 =	sshll.u32 s5, $0x1;
	s2 =	sadd.s32 s19, s18  }
0x9c: {  	s6 =	simm.s32 $0x0;
	s20 =	sshll.u32 s4, $0x1;
	s4 =	sadd.s32 s21, s2  }
0x9d: {  	[timem:s6], [sflag:s22] =	dma.local [hbm:s4], s20  }
0x9e: {  	_ =	swait.ge [sflag:s22], s20  }
0x9f: {  	s3 =	ssub.s32 $0x0, s20;
	[sflag:s22] =	ssyncset.done $0x0  }
0xa0: {  	[sflag:s22] =	ssyncadd.s32 s3;
	_ =	sdelay $0x1  }
0xa1: {  	s23 =	simm.s32 $0x1B8B  }
0xa2: {  	_ =	swait.ge [sflag:s23], $0x1  }
0xa3: {  	[sflag:s23] =	ssyncset.done $0x0  }
0xa4: {  	s25 =	simm.s32 $0x1B8E;
	s24 =	sld [smem:$0x3FFE];
	[sflag:s23] =	ssyncadd.s32 $0xFFFFFFFF  }
0xa5: {  	s26 =	simm.s32 $execute0_lowered;
	[smem:$0x3FD2] =	sst s25  }
0xa6: {  	s4 =	sshll.u32 s26, $0x1;
	_ =	strace $0x80000046;
	[dreg:$0x1] =	wrdreg $0xFFFFFFFF  }
0xa7: {  	s28 =	simm.s32 $_size_execute0_lowered;
	s2 =	sadd.s32 s2, s4;
	[dreg:$0x0] =	wrdreg $0x0  }
0xa8: {  	s4 =	sshll.u32 s28, $0x1;
	[dreg:$0x2] =	wrdreg s2  }
0xa9: {  	[dreg:$0x3] =	wrdreg s4  }
0xaa: {  	[dreg:$0x4] =	wrdreg $0xC0  }
0xab: {  	_ =	task [dreg:s6], $0x5FFFF  }
0xac: {  	[dreg:$0x1] =	wrdreg $0xFFFFFFFF  }
0xad: {  	[dreg:$0x0] =	wrdreg $0x60  }
0xae: {  	[dreg:$0x2] =	wrdreg s24  }
0xaf: {  	[dreg:$0x3] =	wrdreg $0xA8000  }
0xb0: {  	[dreg:$0x4] =	wrdreg $0x9  }
0xb1: {  	_ =	task.clear_ibuf [dreg:s6], $0x5FFFF;
	_ =	strace $0x90000046  }
0xb2: {  	s29 =	simm.s32 $0x9;
	_ =	strace $0x80000048  }
0xb3: {  	_ =	swait.ge [sflag:s29], $0x1  }
0xb4: {  	[sflag:s29] =	ssyncadd.s32 $0xFFFFFFFF  }
0xb5: {  	_ =	strace $0x90000048  }
0xb6: {  	_ =	sfence  }
0xb7: {  	s30 =	sld [smem:$0x0];
	_ =	sdelay $0x2  }
0xb8: {  	s31 =	sshll.u32 s1, $0xD;
	s1 =	sshrl.u32 s1, $0x2  }
0xb9: {  	s3 =	sand.u32 $0x4000, s31;
	s1 =	sadd.s32 s1, s30  }
0xba: {  	s0 =	sor.u32 s3, s0;
	s1 =	sshll.u32 s1, $0x11  }
0xbb: {  	s0 =	sor.u32 s1, s0  }
0xbc: {  	s0 =	sadd.s32 $0x8F2B, s0  }
0xbd: {  	[sflag:s0] =	ssyncadd.remote.s32 $0x1  }
0xbe: {  	_ =	sfence.sel $0xFFFF  }
0xbf: {  	[dreg:$0x0] =	wrdreg $0xFFFFFFFF;
	(pc) =	sbr.abs _section_cstart, $3  }
0xc0: {  	[dreg:$0x1] =	wrdreg $0xFFFFFFFF  }
0xc1: {  	_ =	task.clear_ibuf [dreg:s6], $0x2FFFF;
	_ =	strace $0x9FFFFFFF  }
0xc2: {  	(tm) =	ssettm $0x7FFFFFFF  }
0xc3: {  	_ =	shalt  }
tec
execute0_lowered:
.L_overlay_start_1:
0x0: {  	(tag) =	ssettag $0x1  }
0x1: {  	s0 =	rddreg [dreg:$0x0]  }
0x2: {  	s1 =	rddreg [dreg:$0x1];
	s2 =	simm.s32 $0x0;
	s3 =	srdreg.scid  }
0x3: {  	s13 =	stileid.u32;
	s28 =	simm.s32 $0x9;
	s30 =	simm.s32 $0x80  }
0x4: {  	s31 =	simm.s32 $0x4800;
	[smem:$0x7FF] =	sst s2;
	s4 =	sadd.s32 $0x4400, s0  }
0x5: {  	s22 =	sadd.s32 $0x7A000, s0;
	s6 =	sadd.s32 $0x66000, s0;
	s5 =	smul.u32 $0x50000, s13  }
0x6: {  	s3 =	sand.u32 $0x1, s3;
	s0 =	sadd.s32 $0x8E000, s0;
	s8 =	smul.u32 $0x28000, s13  }
0x7: {  	s13 =	smul.u32 $0x2800, s13;
	_ =	strace $0x80000047;
	s7 =	ssub.s32 $0x2, s3  }
0x8: {  	s10 =	smul.u32 $0x50000, s3;
	p0 =	seq.s32 s3, $0x0;
	s9 =	sshrl.u32 s7, $0x1  }
0x9: {  	s5 =	sshrl.u32 s5, $0x2;
	s11 =	sshrl.u32 s8, $0x1;
	s3 =	sadd.s32 $0x500000, s8  }
0xa: {  	s12 =	sadd.s32 s5, s1;
	s7 =	ssub.s32 s7, s9;
	s5 =	sadd.s32 s11, s1  }
0xb: {  	s25 =	sadd.s32 s13, s10;
	s3 =	smov.u32 @p0 s8;
	s23 =	sadd.s32 $0x6000, s12  }
0xc: {  	s29 =	sadd.s32 $0x2000, s12;
	s26 =	sadd.s32 $0x8000, s12;
	[dreg:$0x3] =	wrdreg s23  }
0xd: {  	s24 =	sadd.s32 $0x4000, s12;
	s11 =	sadd.s32 $0xA000, s12;
	[dreg:$0x4] =	wrdreg s26  }
0xe: {  	s9 =	sshrl.u32 s25, $0x3;
	s20 =	sadd.s32 $0xC000, s12;
	[dreg:$0x5] =	wrdreg s11  }
0xf: {  	s3 =	sshrl.u32 s3, $0x4;
	s25 =	sadd.s32 $0x12000, s12;
	[dreg:$0xe] =	wrdreg s20  }
0x10: {  	s13 =	sadd.s32 s22, s9;
	s14 =	sadd.s32 s6, s9;
	[dreg:$0x13] =	wrdreg s25  }
0x11: {  	s15 =	sadd.s32 $0x280, s9;
	s17 =	sadd.s32 $0x5000, s9;
	[dreg:$0x6] =	wrdreg s13  }
0x12: {  	s9 =	sadd.s32 $0x5280, s9;
	s3 =	sadd.s32 s0, s3;
	[dreg:$0x7] =	wrdreg s14  }
0x13: {  	s23 =	sadd.s32 $0x10000, s12;
	s26 =	smax.u32 s7, $0x1;
	[dreg:$0x10] =	wrdreg s3  }
0x14: {  	s11 =	simm.s32 $0x8800;
	s25 =	simm.s32 $0x2680;
	[dreg:$0x12] =	wrdreg s23  }
0x15: {  	s7 =	simm.s32 $0x2780;
	s16 =	sadd.s32 s22, s15;
	[dreg:$0x14] =	wrdreg s26  }
0x16: {  	s10 =	sadd.s32 s6, s15;
	s18 =	sadd.s32 s22, s17;
	[dreg:$0x8] =	wrdreg s16  }
0x17: {  	s2 =	sadd.s32 s22, s9;
	s19 =	sadd.s32 s6, s9;
	[dreg:$0x9] =	wrdreg s10  }
0x18: {  	s22 =	sadd.s32 $0xE000, s12;
	s26 =	simm.s32 $0x2800;
	[dreg:$0xa] =	wrdreg s18  }
0x19: {  	s3 =	simm.s32 $0x6800;
	s12 =	simm.s32 $0x1;
	[dreg:$0xc] =	wrdreg s2  }
0x1a: {  	s13 =	simm.s32 $0x2;
	s10 =	sadd.s32 s6, s17;
	[dreg:$0xd] =	wrdreg s19  }
0x1b: {  	s14 =	simm.s32 $0x3;
	[dreg:$0xb] =	wrdreg s10;
	s10 =	simm.s32 $0x280000  }
0x1c: {  	s15 =	simm.s32 $0x4;
	[dreg:$0xf] =	wrdreg s22;
	s10 =	simm.s32 @!p0 $0x780000  }
0x1d: {  	s16 =	simm.s32 $0x5;
	s17 =	simm.s32 $0x6;
	s21 =	sadd.s32 s10, s8  }
0x1e: {  	s18 =	simm.s32 $0x7;
	s22 =	simm.s32 $0x2600;
	s2 =	sshrl.u32 s21, $0x4  }
0x1f: {  	s6 =	simm.s32 $0x2700;
	s8 =	simm.s32 $0x0;
	s0 =	sadd.s32 s0, s2  }
0x20: {  	v0 =	vimm.bf16 $0.0e+00;
	s21 =	simm.s32 $0x8;
	s2 =	simm.s32 $0x180;
	[dreg:$0x11] =	wrdreg s0  }
.LBB2_1:
0x21: {  	s10 =	simm.s32 $0x0  }
0x22: {  	s9 =	sand.u32 $0x7F00, s10;
	s10 =	sand.u32 $0x60, s10  }
0x23: {  	s9 =	sshrl.u32 s9, $0x2;
	s10 =	sshrl.u32 s10, $0x1  }
0x24: {  	s10 =	sor.u32 s10, s9  }
0x25: {  	s9 =	simm.s32 $0x40;
	[tilespmem:s10+$0x2800] =	vst v0;
	s10 =	simm.s32 $0x0  }
.LBB2_2:
0x26: {  	p0 =	sne.s32 s9, $0x7FC0  }
.Ltmp0:
0x27: {  	s19 =	sand.u32 $0x7F00, s9;
	s10 =	sadd.s32 $0x20, s10;
	(pc) =	sbr.rel @p0 .LBB2_2-.Ltmp0, $4  }
0x28: {  	s9 =	sadd.s32 $0x40, s9;
	s20 =	sand.u32 $0x60, s10  }
0x29: {  	s19 =	sshrl.u32 s19, $0x2;
	s20 =	sshrl.u32 s20, $0x1  }
0x2a: {  	s19 =	sor.u32 s20, s19  }
0x2b: {  	[tilespmem:s19+$0x2800] =	vst v0  }
0x2c: {  	[spmem:s5] =	stream.linear.scatter [tilespmem:s26], [sflag:$0x9], $0x2000, $0x38;
	[tilespmem:$0x1E800] =	vst v63  }
0x2d: {  	_ =	swait.ge [sflag:s28], $0x2000  }
0x2e: {  	[sflag:s28] =	ssyncset.done $0x0  }
0x2f: {  	[sflag:s28] =	ssyncadd.s32 $0xFFFFE000  }
0x30: {  	[spmem:s29] =	stream.linear.scatter [tilespmem:s26], [sflag:$0x9], $0x2000, $0x38;
	[tilespmem:$0x1E800] =	vst v63  }
0x31: {  	_ =	swait.ge [sflag:s28], $0x2000  }
0x32: {  	[sflag:s28] =	ssyncset.done $0x0  }
0x33: {  	[sflag:s28] =	ssyncadd.s32 $0xFFFFE000  }
0x34: {  	[spmem:s24] =	stream.linear.scatter [tilespmem:s26], [sflag:$0x9], $0x2000, $0x38;
	[tilespmem:$0x1E800] =	vst v63  }
0x35: {  	_ =	swait.ge [sflag:s28], $0x2000  }
0x36: {  	[sflag:s28] =	ssyncset.done $0x0  }
0x37: {  	s9 =	rddreg [dreg:$0x3];
	[sflag:s28] =	ssyncadd.s32 $0xFFFFE000  }
0x38: {  	[spmem:s9] =	stream.linear.scatter [tilespmem:s26], [sflag:$0x9], $0x2000, $0x38;
	[tilespmem:$0x1E800] =	vst v63  }
0x39: {  	_ =	swait.ge [sflag:s28], $0x2000  }
0x3a: {  	[sflag:s28] =	ssyncset.done $0x0  }
0x3b: {  	s20 =	rddreg [dreg:$0x4];
	[sflag:s28] =	ssyncadd.s32 $0xFFFFE000  }
0x3c: {  	[spmem:s20] =	stream.linear.scatter [tilespmem:s26], [sflag:$0x9], $0x2000, $0x38;
	[tilespmem:$0x1E800] =	vst v63  }
0x3d: {  	_ =	swait.ge [sflag:s28], $0x2000  }
0x3e: {  	[sflag:s28] =	ssyncset.done $0x0  }
0x3f: {  	s23 =	rddreg [dreg:$0x5];
	[sflag:s28] =	ssyncadd.s32 $0xFFFFE000  }
0x40: {  	[spmem:s23] =	stream.linear.scatter [tilespmem:s26], [sflag:$0x9], $0x2000, $0x38;
	[tilespmem:$0x1E800] =	vst v63  }
0x41: {  	_ =	swait.ge [sflag:s28], $0x2000  }
0x42: {  	[sflag:s28] =	ssyncset.done $0x0  }
0x43: {  	s0 =	smov.u32 s24;
	s24 =	rddreg [dreg:$0xe];
	[sflag:s28] =	ssyncadd.s32 $0xFFFFE000  }
0x44: {  	[spmem:s24] =	stream.linear.scatter [tilespmem:s26], [sflag:$0x9], $0x2000, $0x38;
	[tilespmem:$0x1E800] =	vst v63  }
0x45: {  	_ =	swait.ge [sflag:s28], $0x2000  }
0x46: {  	[sflag:s28] =	ssyncset.done $0x0  }
0x47: {  	s10 =	rddreg [dreg:$0xf];
	[sflag:s28] =	ssyncadd.s32 $0xFFFFE000  }
0x48: {  	[spmem:s10] =	stream.linear.scatter [tilespmem:s26], [sflag:$0x9], $0x2000, $0x38;
	[tilespmem:$0x1E800] =	vst v63  }
0x49: {  	_ =	swait.ge [sflag:s28], $0x2000  }
0x4a: {  	[sflag:s28] =	ssyncset.done $0x0  }
0x4b: {  	s19 =	rddreg [dreg:$0x12];
	[sflag:s28] =	ssyncadd.s32 $0xFFFFE000  }
0x4c: {  	[spmem:s19] =	stream.linear.scatter [tilespmem:s26], [sflag:$0x9], $0x2000, $0x38;
	[tilespmem:$0x1E800] =	vst v63  }
0x4d: {  	_ =	swait.ge [sflag:s28], $0x2000  }
0x4e: {  	[sflag:s28] =	ssyncset.done $0x0  }
0x4f: {  	s20 =	rddreg [dreg:$0x13];
	[sflag:s28] =	ssyncadd.s32 $0xFFFFE000  }
0x50: {  	[spmem:s20] =	stream.linear.scatter [tilespmem:s26], [sflag:$0x9], $0x2000, $0x38;
	[tilespmem:$0x1E800] =	vst v63  }
0x51: {  	_ =	swait.ge [sflag:s28], $0x2000  }
0x52: {  	[sflag:s28] =	ssyncset.done $0x0  }
0x53: {  	[sflag:s28] =	ssyncadd.s32 $0xFFFFE000  }
0x54: {  	[bflag:$0x0] =	sbarrier.arrive $0xFFFF  }
0x55: {  	s23 =	simm.s32 $0x0;
	s10 =	rddreg [dreg:$0x6]  }
0x56: {  	[tilespmem:s23], [sflag:$0x9] =	stream.linear.gather [hbm4b:s10+s23], $0x1400, $0x38;
	[tilespmem:$0x1E800] =	vst v63  }
0x57: {  	_ =	swait.ge [sflag:s28], $0x1400  }
0x58: {  	[sflag:s28] =	ssyncset.done $0x0  }
0x59: {  	s19 =	simm.s32 $0x1400;
	s24 =	rddreg [dreg:$0x7];
	[sflag:s28] =	ssyncadd.s32 $0xFFFFEC00  }
0x5a: {  	[tilespmem:s19], [sflag:$0x9] =	stream.linear.gather [hbm4b:s24+s23], $0x1400, $0x38;
	[tilespmem:$0x1E800] =	vst v63  }
0x5b: {  	_ =	swait.ge [sflag:s28], $0x1400  }
0x5c: {  	[sflag:s28] =	ssyncset.done $0x0  }
0x5d: {  	[sflag:s28] =	ssyncadd.s32 $0xFFFFEC00  }
0x5e: {  	[tilespmem:s26], [sflag:$0x1] =	stream.indirect.gather [hbm4b:s4+s30], $0x40, s23, s30, $0xb8;
	[tilespmem:$0x1E800] =	vst v63  }
0x5f: {  	_ = 	snop  }
0x60: {  	[tilespmem:s31], [sflag:$0x2] =	stream.indirect.gather [hbm4b:s4+s30], $0x40, s30, s30, $0xb8;
	[tilespmem:$0x1E800] =	vst v63  }
0x61: {  	s20 =	simm.s32 $0x100  }
0x62: {  	[tilespmem:s3], [sflag:$0x3] =	stream.indirect.gather [hbm4b:s4+s30], $0x40, s20, s30, $0xb8;
	[tilespmem:$0x1E800] =	vst v63  }
0x63: {  	_ = 	snop  }
0x64: {  	[tilespmem:s11], [sflag:$0x4] =	stream.indirect.gather [hbm4b:s4+s30], $0x40, s2, s30, $0xb8;
	[tilespmem:$0x1E800] =	vst v63  }
0x65: {  	_ =	swait.ge [sflag:s12], $0x2000  }
0x66: {  	[sflag:s12] =	ssyncset.done $0x0  }
0x67: {  	s23 =	simm.s32 $0x1400;
	[sflag:s12] =	ssyncadd.s32 $0xFFFFE000  }
0x68: {  	[spmem:s1] =	stream.indirect.scatter.add.bf16 [tilespmem:s26], [sflag:$0x5], $0x40, s23, s30, $0xb8;
	[tilespmem:$0x1E800] =	vst v63  }
0x69: {  	_ =	swait.ge [sflag:s13], $0x2000  }
0x6a: {  	[sflag:s13] =	ssyncset.done $0x0  }
0x6b: {  	s24 =	simm.s32 $0x1480;
	[sflag:s13] =	ssyncadd.s32 $0xFFFFE000  }
0x6c: {  	[spmem:s1] =	stream.indirect.scatter.add.bf16 [tilespmem:s31], [sflag:$0x6], $0x40, s24, s30, $0xb8;
	[tilespmem:$0x1E800] =	vst v63  }
0x6d: {  	_ =	swait.ge [sflag:s14], $0x2000  }
0x6e: {  	[sflag:s14] =	ssyncset.done $0x0  }
0x6f: {  	s10 =	simm.s32 $0x1500;
	[sflag:s14] =	ssyncadd.s32 $0xFFFFE000  }
0x70: {  	[spmem:s1] =	stream.indirect.scatter.add.bf16 [tilespmem:s3], [sflag:$0x7], $0x40, s10, s30, $0xb8;
	[tilespmem:$0x1E800] =	vst v63  }
0x71: {  	_ =	swait.ge [sflag:s15], $0x2000  }
0x72: {  	[sflag:s15] =	ssyncset.done $0x0  }
0x73: {  	s19 =	simm.s32 $0x1580;
	[sflag:s15] =	ssyncadd.s32 $0xFFFFE000  }
0x74: {  	[spmem:s1] =	stream.indirect.scatter.add.bf16 [tilespmem:s11], [sflag:$0x8], $0x40, s19, s30, $0xb8;
	[tilespmem:$0x1E800] =	vst v63  }
0x75: {  	_ =	swait.ge [sflag:s16], $0x2000  }
0x76: {  	[sflag:s16] =	ssyncset.done $0x0  }
0x77: {  	s20 =	simm.s32 $0x200;
	[sflag:s16] =	ssyncadd.s32 $0xFFFFE000  }
0x78: {  	[tilespmem:s26], [sflag:$0x1] =	stream.indirect.gather [hbm4b:s4+s30], $0x40, s20, s30, $0xb8;
	[tilespmem:$0x1E800] =	vst v63  }
0x79: {  	_ =	swait.ge [sflag:s17], $0x2000  }
0x7a: {  	[sflag:s17] =	ssyncset.done $0x0  }
0x7b: {  	s23 =	simm.s32 $0x280;
	[sflag:s17] =	ssyncadd.s32 $0xFFFFE000  }
0x7c: {  	[tilespmem:s31], [sflag:$0x2] =	stream.indirect.gather [hbm4b:s4+s30], $0x40, s23, s30, $0xb8;
	[tilespmem:$0x1E800] =	vst v63  }
0x7d: {  	_ =	swait.ge [sflag:s18], $0x2000  }
0x7e: {  	[sflag:s18] =	ssyncset.done $0x0  }
0x7f: {  	s24 =	simm.s32 $0x300;
	[sflag:s18] =	ssyncadd.s32 $0xFFFFE000  }
0x80: {  	[tilespmem:s3], [sflag:$0x3] =	stream.indirect.gather [hbm4b:s4+s30], $0x40, s24, s30, $0xb8;
	[tilespmem:$0x1E800] =	vst v63  }
0x81: {  	_ =	swait.ge [sflag:s21], $0x2000  }
0x82: {  	[sflag:s21] =	ssyncset.done $0x0  }
0x83: {  	s9 =	simm.s32 $0x800;
	s10 =	simm.s32 $0x380;
	[sflag:s21] =	ssyncadd.s32 $0xFFFFE000  }
.LBB2_4:
0x84: {  	[tilespmem:s11], [sflag:$0x4] =	stream.indirect.gather [hbm4b:s4+s30], $0x40, s10, s30, $0xb8;
	[tilespmem:$0x1E800] =	vst v63  }
0x85: {  	s10 =	smov.u32 s9  }
0x86: {  	p0 =	sne.s32 s9, $0x4000;
	s9 =	sadd.s32 $0x800, s9;
	_ =	swait.ge [sflag:s12], $0x2000  }
0x87: {  	s10 =	sshra.s32 s10, $0x2;
	[sflag:s12] =	ssyncset.done $0x0  }
0x88: {  	s19 =	sadd.s32 $0x1400, s10;
	[sflag:s12] =	ssyncadd.s32 $0xFFFFE000  }
0x89: {  	[spmem:s1] =	stream.indirect.scatter.add.bf16 [tilespmem:s26], [sflag:$0x5], $0x40, s19, s30, $0xb8;
	[tilespmem:$0x1E800] =	vst v63  }
0x8a: {  	_ =	swait.ge [sflag:s13], $0x2000  }
0x8b: {  	[sflag:s13] =	ssyncset.done $0x0  }
0x8c: {  	s19 =	sadd.s32 $0x1480, s10;
	[sflag:s13] =	ssyncadd.s32 $0xFFFFE000  }
0x8d: {  	[spmem:s1] =	stream.indirect.scatter.add.bf16 [tilespmem:s31], [sflag:$0x6], $0x40, s19, s30, $0xb8;
	[tilespmem:$0x1E800] =	vst v63  }
0x8e: {  	_ =	swait.ge [sflag:s14], $0x2000  }
0x8f: {  	[sflag:s14] =	ssyncset.done $0x0  }
0x90: {  	s19 =	sadd.s32 $0x1500, s10;
	[sflag:s14] =	ssyncadd.s32 $0xFFFFE000  }
0x91: {  	[spmem:s1] =	stream.indirect.scatter.add.bf16 [tilespmem:s3], [sflag:$0x7], $0x40, s19, s30, $0xb8;
	[tilespmem:$0x1E800] =	vst v63  }
0x92: {  	_ =	swait.ge [sflag:s15], $0x2000  }
0x93: {  	[sflag:s15] =	ssyncset.done $0x0  }
0x94: {  	s19 =	sadd.s32 $0x1580, s10;
	[sflag:s15] =	ssyncadd.s32 $0xFFFFE000  }
0x95: {  	[spmem:s1] =	stream.indirect.scatter.add.bf16 [tilespmem:s11], [sflag:$0x8], $0x40, s19, s30, $0xb8;
	[tilespmem:$0x1E800] =	vst v63  }
0x96: {  	_ =	swait.ge [sflag:s16], $0x2000  }
0x97: {  	[sflag:s16] =	ssyncset.done $0x0  }
0x98: {  	s19 =	sadd.s32 $0x200, s10;
	[sflag:s16] =	ssyncadd.s32 $0xFFFFE000  }
0x99: {  	[tilespmem:s26], [sflag:$0x1] =	stream.indirect.gather [hbm4b:s4+s30], $0x40, s19, s30, $0xb8;
	[tilespmem:$0x1E800] =	vst v63  }
0x9a: {  	_ =	swait.ge [sflag:s17], $0x2000  }
0x9b: {  	[sflag:s17] =	ssyncset.done $0x0  }
0x9c: {  	s19 =	sadd.s32 $0x280, s10;
	[sflag:s17] =	ssyncadd.s32 $0xFFFFE000  }
0x9d: {  	[tilespmem:s31], [sflag:$0x2] =	stream.indirect.gather [hbm4b:s4+s30], $0x40, s19, s30, $0xb8;
	[tilespmem:$0x1E800] =	vst v63  }
0x9e: {  	_ =	swait.ge [sflag:s18], $0x2000  }
0x9f: {  	[sflag:s18] =	ssyncset.done $0x0  }
.Ltmp1:
0xa0: {  	s19 =	sadd.s32 $0x300, s10;
	[sflag:s18] =	ssyncadd.s32 $0xFFFFE000;
	(pc) =	sbr.rel @p0 .LBB2_4-.Ltmp1, $4  }
0xa1: {  	[tilespmem:s3], [sflag:$0x3] =	stream.indirect.gather [hbm4b:s4+s30], $0x40, s19, s30, $0xb8;
	[tilespmem:$0x1E800] =	vst v63  }
0xa2: {  	_ =	swait.ge [sflag:s21], $0x2000  }
0xa3: {  	[sflag:s21] =	ssyncset.done $0x0  }
0xa4: {  	s10 =	sadd.s32 $0x380, s10;
	[sflag:s21] =	ssyncadd.s32 $0xFFFFE000  }
0xa5: {  	[tilespmem:s11], [sflag:$0x4] =	stream.indirect.gather [hbm4b:s4+s30], $0x40, s10, s30, $0xb8;
	[tilespmem:$0x1E800] =	vst v63  }
0xa6: {  	_ =	swait.ge [sflag:s12], $0x2000  }
0xa7: {  	[sflag:s12] =	ssyncset.done $0x0  }
0xa8: {  	[sflag:s12] =	ssyncadd.s32 $0xFFFFE000  }
0xa9: {  	[spmem:s1] =	stream.indirect.scatter.add.bf16 [tilespmem:s26], [sflag:$0x5], $0x40, s22, s30, $0xb8;
	[tilespmem:$0x1E800] =	vst v63  }
0xaa: {  	_ =	swait.ge [sflag:s13], $0x2000  }
0xab: {  	[sflag:s13] =	ssyncset.done $0x0  }
0xac: {  	[sflag:s13] =	ssyncadd.s32 $0xFFFFE000  }
0xad: {  	[spmem:s1] =	stream.indirect.scatter.add.bf16 [tilespmem:s31], [sflag:$0x6], $0x40, s25, s30, $0xb8;
	[tilespmem:$0x1E800] =	vst v63  }
0xae: {  	_ =	swait.ge [sflag:s14], $0x2000  }
0xaf: {  	[sflag:s14] =	ssyncset.done $0x0  }
0xb0: {  	[sflag:s14] =	ssyncadd.s32 $0xFFFFE000  }
0xb1: {  	[spmem:s1] =	stream.indirect.scatter.add.bf16 [tilespmem:s3], [sflag:$0x7], $0x40, s6, s30, $0xb8;
	[tilespmem:$0x1E800] =	vst v63  }
0xb2: {  	_ =	swait.ge [sflag:s15], $0x2000  }
0xb3: {  	[sflag:s15] =	ssyncset.done $0x0  }
0xb4: {  	[sflag:s15] =	ssyncadd.s32 $0xFFFFE000  }
0xb5: {  	[spmem:s1] =	stream.indirect.scatter.add.bf16 [tilespmem:s11], [sflag:$0x8], $0x40, s7, s30, $0xb8;
	[tilespmem:$0x1E800] =	vst v63  }
0xb6: {  	_ =	swait.ge [sflag:s16], $0x2000  }
0xb7: {  	[sflag:s16] =	ssyncset.done $0x0  }
0xb8: {  	[sflag:s16] =	ssyncadd.s32 $0xFFFFE000  }
0xb9: {  	_ =	swait.ge [sflag:s17], $0x2000  }
0xba: {  	[sflag:s17] =	ssyncset.done $0x0  }
0xbb: {  	[sflag:s17] =	ssyncadd.s32 $0xFFFFE000  }
0xbc: {  	_ =	swait.ge [sflag:s18], $0x2000  }
0xbd: {  	[sflag:s18] =	ssyncset.done $0x0  }
0xbe: {  	[sflag:s18] =	ssyncadd.s32 $0xFFFFE000  }
0xbf: {  	_ =	swait.ge [sflag:s21], $0x2000  }
0xc0: {  	[sflag:s21] =	ssyncset.done $0x0  }
0xc1: {  	s9 =	simm.s32 $0x0;
	s23 =	rddreg [dreg:$0x8];
	[sflag:s21] =	ssyncadd.s32 $0xFFFFE000  }
0xc2: {  	[tilespmem:s9], [sflag:$0x9] =	stream.linear.gather [hbm4b:s23+s9], $0x1400, $0x38;
	[tilespmem:$0x1E800] =	vst v63  }
0xc3: {  	_ =	swait.ge [sflag:s28], $0x1400  }
0xc4: {  	s24 =	smov.u32 s29;
	[sflag:s28] =	ssyncset.done $0x0  }
0xc5: {  	s19 =	simm.s32 $0x1400;
	s29 =	rddreg [dreg:$0x9];
	[sflag:s28] =	ssyncadd.s32 $0xFFFFEC00  }
0xc6: {  	[tilespmem:s19], [sflag:$0x9] =	stream.linear.gather [hbm4b:s29+s9], $0x1400, $0x38;
	[tilespmem:$0x1E800] =	vst v63  }
0xc7: {  	_ =	swait.ge [sflag:s28], $0x1400  }
0xc8: {  	[sflag:s28] =	ssyncset.done $0x0  }
0xc9: {  	[sflag:s28] =	ssyncadd.s32 $0xFFFFEC00  }
0xca: {  	[tilespmem:s26], [sflag:$0x1] =	stream.indirect.gather [hbm4b:s4+s30], $0x40, s9, s30, $0xb8;
	[tilespmem:$0x1E800] =	vst v63  }
0xcb: {  	_ = 	snop  }
0xcc: {  	[tilespmem:s31], [sflag:$0x2] =	stream.indirect.gather [hbm4b:s4+s30], $0x40, s30, s30, $0xb8;
	[tilespmem:$0x1E800] =	vst v63  }
0xcd: {  	s20 =	simm.s32 $0x100  }
0xce: {  	[tilespmem:s3], [sflag:$0x3] =	stream.indirect.gather [hbm4b:s4+s30], $0x40, s20, s30, $0xb8;
	[tilespmem:$0x1E800] =	vst v63  }
0xcf: {  	_ = 	snop  }
0xd0: {  	[tilespmem:s11], [sflag:$0x4] =	stream.indirect.gather [hbm4b:s4+s30], $0x40, s2, s30, $0xb8;
	[tilespmem:$0x1E800] =	vst v63  }
0xd1: {  	_ =	swait.ge [sflag:s12], $0x2000  }
0xd2: {  	[sflag:s12] =	ssyncset.done $0x0  }
0xd3: {  	s23 =	simm.s32 $0x1400;
	[sflag:s12] =	ssyncadd.s32 $0xFFFFE000  }
0xd4: {  	[spmem:s1] =	stream.indirect.scatter.add.bf16 [tilespmem:s26], [sflag:$0x5], $0x40, s23, s30, $0xb8;
	[tilespmem:$0x1E800] =	vst v63  }
0xd5: {  	_ =	swait.ge [sflag:s13], $0x2000  }
0xd6: {  	[sflag:s13] =	ssyncset.done $0x0  }
0xd7: {  	s29 =	simm.s32 $0x1480;
	[sflag:s13] =	ssyncadd.s32 $0xFFFFE000  }
0xd8: {  	[spmem:s1] =	stream.indirect.scatter.add.bf16 [tilespmem:s31], [sflag:$0x6], $0x40, s29, s30, $0xb8;
	[tilespmem:$0x1E800] =	vst v63  }
0xd9: {  	_ =	swait.ge [sflag:s14], $0x2000  }
0xda: {  	[sflag:s14] =	ssyncset.done $0x0  }
0xdb: {  	s10 =	simm.s32 $0x1500;
	[sflag:s14] =	ssyncadd.s32 $0xFFFFE000  }
0xdc: {  	[spmem:s1] =	stream.indirect.scatter.add.bf16 [tilespmem:s3], [sflag:$0x7], $0x40, s10, s30, $0xb8;
	[tilespmem:$0x1E800] =	vst v63  }
0xdd: {  	_ =	swait.ge [sflag:s15], $0x2000  }
0xde: {  	[sflag:s15] =	ssyncset.done $0x0  }
0xdf: {  	s19 =	simm.s32 $0x1580;
	[sflag:s15] =	ssyncadd.s32 $0xFFFFE000  }
0xe0: {  	[spmem:s1] =	stream.indirect.scatter.add.bf16 [tilespmem:s11], [sflag:$0x8], $0x40, s19, s30, $0xb8;
	[tilespmem:$0x1E800] =	vst v63  }
0xe1: {  	_ =	swait.ge [sflag:s16], $0x2000  }
0xe2: {  	[sflag:s16] =	ssyncset.done $0x0  }
0xe3: {  	s20 =	simm.s32 $0x200;
	[sflag:s16] =	ssyncadd.s32 $0xFFFFE000  }
0xe4: {  	[tilespmem:s26], [sflag:$0x1] =	stream.indirect.gather [hbm4b:s4+s30], $0x40, s20, s30, $0xb8;
	[tilespmem:$0x1E800] =	vst v63  }
0xe5: {  	_ =	swait.ge [sflag:s17], $0x2000  }
0xe6: {  	[sflag:s17] =	ssyncset.done $0x0  }
0xe7: {  	s23 =	simm.s32 $0x280;
	[sflag:s17] =	ssyncadd.s32 $0xFFFFE000  }
0xe8: {  	[tilespmem:s31], [sflag:$0x2] =	stream.indirect.gather [hbm4b:s4+s30], $0x40, s23, s30, $0xb8;
	[tilespmem:$0x1E800] =	vst v63  }
0xe9: {  	_ =	swait.ge [sflag:s18], $0x2000  }
0xea: {  	[sflag:s18] =	ssyncset.done $0x0  }
0xeb: {  	s29 =	simm.s32 $0x300;
	[sflag:s18] =	ssyncadd.s32 $0xFFFFE000  }
0xec: {  	[tilespmem:s3], [sflag:$0x3] =	stream.indirect.gather [hbm4b:s4+s30], $0x40, s29, s30, $0xb8;
	[tilespmem:$0x1E800] =	vst v63  }
0xed: {  	_ =	swait.ge [sflag:s21], $0x2000  }
0xee: {  	[sflag:s21] =	ssyncset.done $0x0  }
0xef: {  	s9 =	simm.s32 $0x800;
	s10 =	simm.s32 $0x380;
	[sflag:s21] =	ssyncadd.s32 $0xFFFFE000  }
.LBB2_6:
0xf0: {  	[tilespmem:s11], [sflag:$0x4] =	stream.indirect.gather [hbm4b:s4+s30], $0x40, s10, s30, $0xb8;
	[tilespmem:$0x1E800] =	vst v63  }
0xf1: {  	s10 =	smov.u32 s9  }
0xf2: {  	p0 =	sne.s32 s9, $0x4000;
	s9 =	sadd.s32 $0x800, s9;
	_ =	swait.ge [sflag:s12], $0x2000  }
0xf3: {  	s10 =	sshra.s32 s10, $0x2;
	[sflag:s12] =	ssyncset.done $0x0  }
0xf4: {  	s19 =	sadd.s32 $0x1400, s10;
	[sflag:s12] =	ssyncadd.s32 $0xFFFFE000  }
0xf5: {  	[spmem:s1] =	stream.indirect.scatter.add.bf16 [tilespmem:s26], [sflag:$0x5], $0x40, s19, s30, $0xb8;
	[tilespmem:$0x1E800] =	vst v63  }
0xf6: {  	_ =	swait.ge [sflag:s13], $0x2000  }
0xf7: {  	[sflag:s13] =	ssyncset.done $0x0  }
0xf8: {  	s19 =	sadd.s32 $0x1480, s10;
	[sflag:s13] =	ssyncadd.s32 $0xFFFFE000  }
0xf9: {  	[spmem:s1] =	stream.indirect.scatter.add.bf16 [tilespmem:s31], [sflag:$0x6], $0x40, s19, s30, $0xb8;
	[tilespmem:$0x1E800] =	vst v63  }
0xfa: {  	_ =	swait.ge [sflag:s14], $0x2000  }
0xfb: {  	[sflag:s14] =	ssyncset.done $0x0  }
0xfc: {  	s19 =	sadd.s32 $0x1500, s10;
	[sflag:s14] =	ssyncadd.s32 $0xFFFFE000  }
0xfd: {  	[spmem:s1] =	stream.indirect.scatter.add.bf16 [tilespmem:s3], [sflag:$0x7], $0x40, s19, s30, $0xb8;
	[tilespmem:$0x1E800] =	vst v63  }
0xfe: {  	_ =	swait.ge [sflag:s15], $0x2000  }
0xff: {  	[sflag:s15] =	ssyncset.done $0x0  }
0x100: {  	s19 =	sadd.s32 $0x1580, s10;
	[sflag:s15] =	ssyncadd.s32 $0xFFFFE000  }
0x101: {  	[spmem:s1] =	stream.indirect.scatter.add.bf16 [tilespmem:s11], [sflag:$0x8], $0x40, s19, s30, $0xb8;
	[tilespmem:$0x1E800] =	vst v63  }
0x102: {  	_ =	swait.ge [sflag:s16], $0x2000  }
0x103: {  	[sflag:s16] =	ssyncset.done $0x0  }
0x104: {  	s19 =	sadd.s32 $0x200, s10;
	[sflag:s16] =	ssyncadd.s32 $0xFFFFE000  }
0x105: {  	[tilespmem:s26], [sflag:$0x1] =	stream.indirect.gather [hbm4b:s4+s30], $0x40, s19, s30, $0xb8;
	[tilespmem:$0x1E800] =	vst v63  }
0x106: {  	_ =	swait.ge [sflag:s17], $0x2000  }
0x107: {  	[sflag:s17] =	ssyncset.done $0x0  }
0x108: {  	s19 =	sadd.s32 $0x280, s10;
	[sflag:s17] =	ssyncadd.s32 $0xFFFFE000  }
0x109: {  	[tilespmem:s31], [sflag:$0x2] =	stream.indirect.gather [hbm4b:s4+s30], $0x40, s19, s30, $0xb8;
	[tilespmem:$0x1E800] =	vst v63  }
0x10a: {  	_ =	swait.ge [sflag:s18], $0x2000  }
0x10b: {  	[sflag:s18] =	ssyncset.done $0x0  }
.Ltmp2:
0x10c: {  	s19 =	sadd.s32 $0x300, s10;
	[sflag:s18] =	ssyncadd.s32 $0xFFFFE000;
	(pc) =	sbr.rel @p0 .LBB2_6-.Ltmp2, $4  }
0x10d: {  	[tilespmem:s3], [sflag:$0x3] =	stream.indirect.gather [hbm4b:s4+s30], $0x40, s19, s30, $0xb8;
	[tilespmem:$0x1E800] =	vst v63  }
0x10e: {  	_ =	swait.ge [sflag:s21], $0x2000  }
0x10f: {  	[sflag:s21] =	ssyncset.done $0x0  }
0x110: {  	s10 =	sadd.s32 $0x380, s10;
	[sflag:s21] =	ssyncadd.s32 $0xFFFFE000  }
0x111: {  	[tilespmem:s11], [sflag:$0x4] =	stream.indirect.gather [hbm4b:s4+s30], $0x40, s10, s30, $0xb8;
	[tilespmem:$0x1E800] =	vst v63  }
0x112: {  	_ =	swait.ge [sflag:s12], $0x2000  }
0x113: {  	[sflag:s12] =	ssyncset.done $0x0  }
0x114: {  	[sflag:s12] =	ssyncadd.s32 $0xFFFFE000  }
0x115: {  	[spmem:s1] =	stream.indirect.scatter.add.bf16 [tilespmem:s26], [sflag:$0x5], $0x40, s22, s30, $0xb8;
	[tilespmem:$0x1E800] =	vst v63  }
0x116: {  	_ =	swait.ge [sflag:s13], $0x2000  }
0x117: {  	[sflag:s13] =	ssyncset.done $0x0  }
0x118: {  	[sflag:s13] =	ssyncadd.s32 $0xFFFFE000  }
0x119: {  	[spmem:s1] =	stream.indirect.scatter.add.bf16 [tilespmem:s31], [sflag:$0x6], $0x40, s25, s30, $0xb8;
	[tilespmem:$0x1E800] =	vst v63  }
0x11a: {  	_ =	swait.ge [sflag:s14], $0x2000  }
0x11b: {  	[sflag:s14] =	ssyncset.done $0x0  }
0x11c: {  	[sflag:s14] =	ssyncadd.s32 $0xFFFFE000  }
0x11d: {  	[spmem:s1] =	stream.indirect.scatter.add.bf16 [tilespmem:s3], [sflag:$0x7], $0x40, s6, s30, $0xb8;
	[tilespmem:$0x1E800] =	vst v63  }
0x11e: {  	_ =	swait.ge [sflag:s15], $0x2000  }
0x11f: {  	[sflag:s15] =	ssyncset.done $0x0  }
0x120: {  	[sflag:s15] =	ssyncadd.s32 $0xFFFFE000  }
0x121: {  	[spmem:s1] =	stream.indirect.scatter.add.bf16 [tilespmem:s11], [sflag:$0x8], $0x40, s7, s30, $0xb8;
	[tilespmem:$0x1E800] =	vst v63  }
0x122: {  	_ =	swait.ge [sflag:s16], $0x2000  }
0x123: {  	[sflag:s16] =	ssyncset.done $0x0  }
0x124: {  	[sflag:s16] =	ssyncadd.s32 $0xFFFFE000  }
0x125: {  	_ =	swait.ge [sflag:s17], $0x2000  }
0x126: {  	[sflag:s17] =	ssyncset.done $0x0  }
0x127: {  	[sflag:s17] =	ssyncadd.s32 $0xFFFFE000  }
0x128: {  	_ =	swait.ge [sflag:s18], $0x2000  }
0x129: {  	[sflag:s18] =	ssyncset.done $0x0  }
0x12a: {  	[sflag:s18] =	ssyncadd.s32 $0xFFFFE000  }
0x12b: {  	_ =	swait.ge [sflag:s21], $0x2000  }
0x12c: {  	[sflag:s21] =	ssyncset.done $0x0  }
0x12d: {  	s9 =	stileid.u32;
	[sflag:s21] =	ssyncadd.s32 $0xFFFFE000  }
0x12e: {  	s9 =	sshll.u32 s9, $0x6;
	[bflag:$0x0] =	sbarrier.arrive $0xFFFF  }
0x12f: {  	s10 =	sshrl.u32 s5, $0x3;
	s9 =	sor.u32 $0x1C09, s9;
	s19 =	rddreg [dreg:$0x10]  }
0x130: {  	[hbm:s19], [sflag:s9] =	dma.local [spmem:s10], $0x2800  }
0x131: {  	s19 =	simm.s32 $0x0  }
0x132: {  	_ =	swait.ge [sflag:s28], $0x2800;
	s20 =	sand.u32 $0x7F00, s19;
	s29 =	sand.u32 $0x60, s19  }
0x133: {  	[sflag:s28] =	ssyncset.done $0x0;
	s20 =	sshrl.u32 s20, $0x2;
	s29 =	sshrl.u32 s29, $0x1  }
0x134: {  	s20 =	sor.u32 s29, s20;
	[sflag:s28] =	ssyncadd.s32 $0xFFFFD800  }
0x135: {  	[tilespmem:s20+$0x2800] =	vst v0;
	s20 =	simm.s32 $0x40  }
.LBB2_8:
0x136: {  	p0 =	sne.s32 s20, $0x7FC0  }
.Ltmp3:
0x137: {  	s29 =	sand.u32 $0x7F00, s20;
	s19 =	sadd.s32 $0x20, s19;
	(pc) =	sbr.rel @p0 .LBB2_8-.Ltmp3, $4  }
0x138: {  	s20 =	sadd.s32 $0x40, s20;
	s23 =	sand.u32 $0x60, s19  }
0x139: {  	s29 =	sshrl.u32 s29, $0x2;
	s23 =	sshrl.u32 s23, $0x1  }
0x13a: {  	s23 =	sor.u32 s23, s29  }
0x13b: {  	[tilespmem:s23+$0x2800] =	vst v0  }
0x13c: {  	[spmem:s5] =	stream.linear.scatter [tilespmem:s26], [sflag:$0x9], $0x2000, $0x38;
	[tilespmem:$0x1E800] =	vst v63  }
0x13d: {  	_ =	swait.ge [sflag:s28], $0x2000  }
0x13e: {  	[sflag:s28] =	ssyncset.done $0x0  }
0x13f: {  	[sflag:s28] =	ssyncadd.s32 $0xFFFFE000  }
0x140: {  	[spmem:s24] =	stream.linear.scatter [tilespmem:s26], [sflag:$0x9], $0x2000, $0x38;
	[tilespmem:$0x1E800] =	vst v63  }
0x141: {  	_ =	swait.ge [sflag:s28], $0x2000  }
0x142: {  	[sflag:s28] =	ssyncset.done $0x0  }
0x143: {  	[sflag:s28] =	ssyncadd.s32 $0xFFFFE000  }
0x144: {  	[spmem:s0] =	stream.linear.scatter [tilespmem:s26], [sflag:$0x9], $0x2000, $0x38;
	[tilespmem:$0x1E800] =	vst v63  }
0x145: {  	_ =	swait.ge [sflag:s28], $0x2000  }
0x146: {  	[sflag:s28] =	ssyncset.done $0x0  }
0x147: {  	s19 =	rddreg [dreg:$0x3];
	[sflag:s28] =	ssyncadd.s32 $0xFFFFE000  }
0x148: {  	[spmem:s19] =	stream.linear.scatter [tilespmem:s26], [sflag:$0x9], $0x2000, $0x38;
	[tilespmem:$0x1E800] =	vst v63  }
0x149: {  	_ =	swait.ge [sflag:s28], $0x2000  }
0x14a: {  	[sflag:s28] =	ssyncset.done $0x0  }
0x14b: {  	s20 =	rddreg [dreg:$0x4];
	[sflag:s28] =	ssyncadd.s32 $0xFFFFE000  }
0x14c: {  	[spmem:s20] =	stream.linear.scatter [tilespmem:s26], [sflag:$0x9], $0x2000, $0x38;
	[tilespmem:$0x1E800] =	vst v63  }
0x14d: {  	_ =	swait.ge [sflag:s28], $0x2000  }
0x14e: {  	[sflag:s28] =	ssyncset.done $0x0  }
0x14f: {  	s23 =	rddreg [dreg:$0x5];
	[sflag:s28] =	ssyncadd.s32 $0xFFFFE000  }
0x150: {  	[spmem:s23] =	stream.linear.scatter [tilespmem:s26], [sflag:$0x9], $0x2000, $0x38;
	[tilespmem:$0x1E800] =	vst v63  }
0x151: {  	_ =	swait.ge [sflag:s28], $0x2000  }
0x152: {  	[sflag:s28] =	ssyncset.done $0x0  }
0x153: {  	s19 =	rddreg [dreg:$0xe];
	[sflag:s28] =	ssyncadd.s32 $0xFFFFE000  }
0x154: {  	[spmem:s19] =	stream.linear.scatter [tilespmem:s26], [sflag:$0x9], $0x2000, $0x38;
	[tilespmem:$0x1E800] =	vst v63  }
0x155: {  	_ =	swait.ge [sflag:s28], $0x2000  }
0x156: {  	[sflag:s28] =	ssyncset.done $0x0  }
0x157: {  	s20 =	rddreg [dreg:$0xf];
	[sflag:s28] =	ssyncadd.s32 $0xFFFFE000  }
0x158: {  	[spmem:s20] =	stream.linear.scatter [tilespmem:s26], [sflag:$0x9], $0x2000, $0x38;
	[tilespmem:$0x1E800] =	vst v63  }
0x159: {  	_ =	swait.ge [sflag:s28], $0x2000  }
0x15a: {  	[sflag:s28] =	ssyncset.done $0x0  }
0x15b: {  	s23 =	rddreg [dreg:$0x12];
	[sflag:s28] =	ssyncadd.s32 $0xFFFFE000  }
0x15c: {  	[spmem:s23] =	stream.linear.scatter [tilespmem:s26], [sflag:$0x9], $0x2000, $0x38;
	[tilespmem:$0x1E800] =	vst v63  }
0x15d: {  	_ =	swait.ge [sflag:s28], $0x2000  }
0x15e: {  	[sflag:s28] =	ssyncset.done $0x0  }
0x15f: {  	s19 =	rddreg [dreg:$0x13];
	[sflag:s28] =	ssyncadd.s32 $0xFFFFE000  }
0x160: {  	[spmem:s19] =	stream.linear.scatter [tilespmem:s26], [sflag:$0x9], $0x2000, $0x38;
	[tilespmem:$0x1E800] =	vst v63  }
0x161: {  	_ =	swait.ge [sflag:s28], $0x2000  }
0x162: {  	[sflag:s28] =	ssyncset.done $0x0  }
0x163: {  	[sflag:s28] =	ssyncadd.s32 $0xFFFFE000  }
0x164: {  	[bflag:$0x0] =	sbarrier.arrive $0xFFFF  }
0x165: {  	s19 =	simm.s32 $0x0;
	s20 =	rddreg [dreg:$0xa]  }
0x166: {  	[tilespmem:s19], [sflag:$0x9] =	stream.linear.gather [hbm4b:s20+s19], $0x1400, $0x38;
	[tilespmem:$0x1E800] =	vst v63  }
0x167: {  	_ =	swait.ge [sflag:s28], $0x1400  }
0x168: {  	[sflag:s28] =	ssyncset.done $0x0  }
0x169: {  	s20 =	simm.s32 $0x1400;
	s23 =	rddreg [dreg:$0xb];
	[sflag:s28] =	ssyncadd.s32 $0xFFFFEC00  }
0x16a: {  	[tilespmem:s20], [sflag:$0x9] =	stream.linear.gather [hbm4b:s23+s19], $0x1400, $0x38;
	[tilespmem:$0x1E800] =	vst v63  }
0x16b: {  	_ =	swait.ge [sflag:s28], $0x1400  }
0x16c: {  	[sflag:s28] =	ssyncset.done $0x0  }
0x16d: {  	[sflag:s28] =	ssyncadd.s32 $0xFFFFEC00  }
0x16e: {  	[tilespmem:s26], [sflag:$0x1] =	stream.indirect.gather [hbm4b:s4+s30], $0x40, s19, s30, $0xb8;
	[tilespmem:$0x1E800] =	vst v63  }
0x16f: {  	_ = 	snop  }
0x170: {  	[tilespmem:s31], [sflag:$0x2] =	stream.indirect.gather [hbm4b:s4+s30], $0x40, s30, s30, $0xb8;
	[tilespmem:$0x1E800] =	vst v63  }
0x171: {  	s20 =	simm.s32 $0x100  }
0x172: {  	[tilespmem:s3], [sflag:$0x3] =	stream.indirect.gather [hbm4b:s4+s30], $0x40, s20, s30, $0xb8;
	[tilespmem:$0x1E800] =	vst v63  }
0x173: {  	_ = 	snop  }
0x174: {  	[tilespmem:s11], [sflag:$0x4] =	stream.indirect.gather [hbm4b:s4+s30], $0x40, s2, s30, $0xb8;
	[tilespmem:$0x1E800] =	vst v63  }
0x175: {  	_ =	swait.ge [sflag:s12], $0x2000  }
0x176: {  	[sflag:s12] =	ssyncset.done $0x0  }
0x177: {  	s23 =	simm.s32 $0x1400;
	[sflag:s12] =	ssyncadd.s32 $0xFFFFE000  }
0x178: {  	[spmem:s1] =	stream.indirect.scatter.add.bf16 [tilespmem:s26], [sflag:$0x5], $0x40, s23, s30, $0xb8;
	[tilespmem:$0x1E800] =	vst v63  }
0x179: {  	_ =	swait.ge [sflag:s13], $0x2000  }
0x17a: {  	s29 =	smov.u32 s24;
	[sflag:s13] =	ssyncset.done $0x0  }
0x17b: {  	s24 =	smov.u32 s0;
	s0 =	simm.s32 $0x1480;
	[sflag:s13] =	ssyncadd.s32 $0xFFFFE000  }
0x17c: {  	[spmem:s1] =	stream.indirect.scatter.add.bf16 [tilespmem:s31], [sflag:$0x6], $0x40, s0, s30, $0xb8;
	[tilespmem:$0x1E800] =	vst v63  }
0x17d: {  	_ =	swait.ge [sflag:s14], $0x2000  }
0x17e: {  	[sflag:s14] =	ssyncset.done $0x0  }
0x17f: {  	s20 =	simm.s32 $0x1500;
	[sflag:s14] =	ssyncadd.s32 $0xFFFFE000  }
0x180: {  	[spmem:s1] =	stream.indirect.scatter.add.bf16 [tilespmem:s3], [sflag:$0x7], $0x40, s20, s30, $0xb8;
	[tilespmem:$0x1E800] =	vst v63  }
0x181: {  	_ =	swait.ge [sflag:s15], $0x2000  }
0x182: {  	[sflag:s15] =	ssyncset.done $0x0  }
0x183: {  	s23 =	simm.s32 $0x1580;
	[sflag:s15] =	ssyncadd.s32 $0xFFFFE000  }
0x184: {  	[spmem:s1] =	stream.indirect.scatter.add.bf16 [tilespmem:s11], [sflag:$0x8], $0x40, s23, s30, $0xb8;
	[tilespmem:$0x1E800] =	vst v63  }
0x185: {  	_ =	swait.ge [sflag:s16], $0x2000  }
0x186: {  	[sflag:s16] =	ssyncset.done $0x0  }
0x187: {  	s0 =	simm.s32 $0x200;
	[sflag:s16] =	ssyncadd.s32 $0xFFFFE000  }
0x188: {  	[tilespmem:s26], [sflag:$0x1] =	stream.indirect.gather [hbm4b:s4+s30], $0x40, s0, s30, $0xb8;
	[tilespmem:$0x1E800] =	vst v63  }
0x189: {  	_ =	swait.ge [sflag:s17], $0x2000  }
0x18a: {  	[sflag:s17] =	ssyncset.done $0x0  }
0x18b: {  	s20 =	simm.s32 $0x280;
	[sflag:s17] =	ssyncadd.s32 $0xFFFFE000  }
0x18c: {  	[tilespmem:s31], [sflag:$0x2] =	stream.indirect.gather [hbm4b:s4+s30], $0x40, s20, s30, $0xb8;
	[tilespmem:$0x1E800] =	vst v63  }
0x18d: {  	_ =	swait.ge [sflag:s18], $0x2000  }
0x18e: {  	[sflag:s18] =	ssyncset.done $0x0  }
0x18f: {  	s23 =	simm.s32 $0x300;
	[sflag:s18] =	ssyncadd.s32 $0xFFFFE000  }
0x190: {  	[tilespmem:s3], [sflag:$0x3] =	stream.indirect.gather [hbm4b:s4+s30], $0x40, s23, s30, $0xb8;
	[tilespmem:$0x1E800] =	vst v63  }
0x191: {  	_ =	swait.ge [sflag:s21], $0x2000  }
0x192: {  	[sflag:s21] =	ssyncset.done $0x0  }
0x193: {  	s19 =	simm.s32 $0x800;
	s20 =	simm.s32 $0x380;
	[sflag:s21] =	ssyncadd.s32 $0xFFFFE000  }
.LBB2_10:
0x194: {  	[tilespmem:s11], [sflag:$0x4] =	stream.indirect.gather [hbm4b:s4+s30], $0x40, s20, s30, $0xb8;
	[tilespmem:$0x1E800] =	vst v63  }
0x195: {  	s20 =	smov.u32 s19  }
0x196: {  	p0 =	sne.s32 s19, $0x4000;
	s19 =	sadd.s32 $0x800, s19;
	_ =	swait.ge [sflag:s12], $0x2000  }
0x197: {  	s20 =	sshra.s32 s20, $0x2;
	[sflag:s12] =	ssyncset.done $0x0  }
0x198: {  	s23 =	sadd.s32 $0x1400, s20;
	[sflag:s12] =	ssyncadd.s32 $0xFFFFE000  }
0x199: {  	[spmem:s1] =	stream.indirect.scatter.add.bf16 [tilespmem:s26], [sflag:$0x5], $0x40, s23, s30, $0xb8;
	[tilespmem:$0x1E800] =	vst v63  }
0x19a: {  	_ =	swait.ge [sflag:s13], $0x2000  }
0x19b: {  	[sflag:s13] =	ssyncset.done $0x0  }
0x19c: {  	s23 =	sadd.s32 $0x1480, s20;
	[sflag:s13] =	ssyncadd.s32 $0xFFFFE000  }
0x19d: {  	[spmem:s1] =	stream.indirect.scatter.add.bf16 [tilespmem:s31], [sflag:$0x6], $0x40, s23, s30, $0xb8;
	[tilespmem:$0x1E800] =	vst v63  }
0x19e: {  	_ =	swait.ge [sflag:s14], $0x2000  }
0x19f: {  	[sflag:s14] =	ssyncset.done $0x0  }
0x1a0: {  	s23 =	sadd.s32 $0x1500, s20;
	[sflag:s14] =	ssyncadd.s32 $0xFFFFE000  }
0x1a1: {  	[spmem:s1] =	stream.indirect.scatter.add.bf16 [tilespmem:s3], [sflag:$0x7], $0x40, s23, s30, $0xb8;
	[tilespmem:$0x1E800] =	vst v63  }
0x1a2: {  	_ =	swait.ge [sflag:s15], $0x2000  }
0x1a3: {  	[sflag:s15] =	ssyncset.done $0x0  }
0x1a4: {  	s23 =	sadd.s32 $0x1580, s20;
	[sflag:s15] =	ssyncadd.s32 $0xFFFFE000  }
0x1a5: {  	[spmem:s1] =	stream.indirect.scatter.add.bf16 [tilespmem:s11], [sflag:$0x8], $0x40, s23, s30, $0xb8;
	[tilespmem:$0x1E800] =	vst v63  }
0x1a6: {  	_ =	swait.ge [sflag:s16], $0x2000  }
0x1a7: {  	[sflag:s16] =	ssyncset.done $0x0  }
0x1a8: {  	s23 =	sadd.s32 $0x200, s20;
	[sflag:s16] =	ssyncadd.s32 $0xFFFFE000  }
0x1a9: {  	[tilespmem:s26], [sflag:$0x1] =	stream.indirect.gather [hbm4b:s4+s30], $0x40, s23, s30, $0xb8;
	[tilespmem:$0x1E800] =	vst v63  }
0x1aa: {  	_ =	swait.ge [sflag:s17], $0x2000  }
0x1ab: {  	[sflag:s17] =	ssyncset.done $0x0  }
0x1ac: {  	s23 =	sadd.s32 $0x280, s20;
	[sflag:s17] =	ssyncadd.s32 $0xFFFFE000  }
0x1ad: {  	[tilespmem:s31], [sflag:$0x2] =	stream.indirect.gather [hbm4b:s4+s30], $0x40, s23, s30, $0xb8;
	[tilespmem:$0x1E800] =	vst v63  }
0x1ae: {  	_ =	swait.ge [sflag:s18], $0x2000  }
0x1af: {  	[sflag:s18] =	ssyncset.done $0x0  }
.Ltmp4:
0x1b0: {  	s23 =	sadd.s32 $0x300, s20;
	[sflag:s18] =	ssyncadd.s32 $0xFFFFE000;
	(pc) =	sbr.rel @p0 .LBB2_10-.Ltmp4, $4  }
0x1b1: {  	[tilespmem:s3], [sflag:$0x3] =	stream.indirect.gather [hbm4b:s4+s30], $0x40, s23, s30, $0xb8;
	[tilespmem:$0x1E800] =	vst v63  }
0x1b2: {  	_ =	swait.ge [sflag:s21], $0x2000  }
0x1b3: {  	[sflag:s21] =	ssyncset.done $0x0  }
0x1b4: {  	s20 =	sadd.s32 $0x380, s20;
	[sflag:s21] =	ssyncadd.s32 $0xFFFFE000  }
0x1b5: {  	[tilespmem:s11], [sflag:$0x4] =	stream.indirect.gather [hbm4b:s4+s30], $0x40, s20, s30, $0xb8;
	[tilespmem:$0x1E800] =	vst v63  }
0x1b6: {  	_ =	swait.ge [sflag:s12], $0x2000  }
0x1b7: {  	[sflag:s12] =	ssyncset.done $0x0  }
0x1b8: {  	[sflag:s12] =	ssyncadd.s32 $0xFFFFE000  }
0x1b9: {  	[spmem:s1] =	stream.indirect.scatter.add.bf16 [tilespmem:s26], [sflag:$0x5], $0x40, s22, s30, $0xb8;
	[tilespmem:$0x1E800] =	vst v63  }
0x1ba: {  	_ =	swait.ge [sflag:s13], $0x2000  }
0x1bb: {  	[sflag:s13] =	ssyncset.done $0x0  }
0x1bc: {  	[sflag:s13] =	ssyncadd.s32 $0xFFFFE000  }
0x1bd: {  	[spmem:s1] =	stream.indirect.scatter.add.bf16 [tilespmem:s31], [sflag:$0x6], $0x40, s25, s30, $0xb8;
	[tilespmem:$0x1E800] =	vst v63  }
0x1be: {  	_ =	swait.ge [sflag:s14], $0x2000  }
0x1bf: {  	[sflag:s14] =	ssyncset.done $0x0  }
0x1c0: {  	[sflag:s14] =	ssyncadd.s32 $0xFFFFE000  }
0x1c1: {  	[spmem:s1] =	stream.indirect.scatter.add.bf16 [tilespmem:s3], [sflag:$0x7], $0x40, s6, s30, $0xb8;
	[tilespmem:$0x1E800] =	vst v63  }
0x1c2: {  	_ =	swait.ge [sflag:s15], $0x2000  }
0x1c3: {  	[sflag:s15] =	ssyncset.done $0x0  }
0x1c4: {  	[sflag:s15] =	ssyncadd.s32 $0xFFFFE000  }
0x1c5: {  	[spmem:s1] =	stream.indirect.scatter.add.bf16 [tilespmem:s11], [sflag:$0x8], $0x40, s7, s30, $0xb8;
	[tilespmem:$0x1E800] =	vst v63  }
0x1c6: {  	_ =	swait.ge [sflag:s16], $0x2000  }
0x1c7: {  	[sflag:s16] =	ssyncset.done $0x0  }
0x1c8: {  	[sflag:s16] =	ssyncadd.s32 $0xFFFFE000  }
0x1c9: {  	_ =	swait.ge [sflag:s17], $0x2000  }
0x1ca: {  	[sflag:s17] =	ssyncset.done $0x0  }
0x1cb: {  	[sflag:s17] =	ssyncadd.s32 $0xFFFFE000  }
0x1cc: {  	_ =	swait.ge [sflag:s18], $0x2000  }
0x1cd: {  	[sflag:s18] =	ssyncset.done $0x0  }
0x1ce: {  	[sflag:s18] =	ssyncadd.s32 $0xFFFFE000  }
0x1cf: {  	_ =	swait.ge [sflag:s21], $0x2000  }
0x1d0: {  	[sflag:s21] =	ssyncset.done $0x0  }
0x1d1: {  	s19 =	simm.s32 $0x0;
	s0 =	rddreg [dreg:$0xc];
	[sflag:s21] =	ssyncadd.s32 $0xFFFFE000  }
0x1d2: {  	[tilespmem:s19], [sflag:$0x9] =	stream.linear.gather [hbm4b:s0+s19], $0x1400, $0x38;
	[tilespmem:$0x1E800] =	vst v63  }
0x1d3: {  	_ =	swait.ge [sflag:s28], $0x1400  }
0x1d4: {  	[sflag:s28] =	ssyncset.done $0x0  }
0x1d5: {  	s23 =	simm.s32 $0x1400;
	s20 =	rddreg [dreg:$0xd];
	[sflag:s28] =	ssyncadd.s32 $0xFFFFEC00  }
0x1d6: {  	[tilespmem:s23], [sflag:$0x9] =	stream.linear.gather [hbm4b:s20+s19], $0x1400, $0x38;
	[tilespmem:$0x1E800] =	vst v63  }
0x1d7: {  	_ =	swait.ge [sflag:s28], $0x1400  }
0x1d8: {  	[sflag:s28] =	ssyncset.done $0x0  }
0x1d9: {  	[sflag:s28] =	ssyncadd.s32 $0xFFFFEC00  }
0x1da: {  	[tilespmem:s26], [sflag:$0x1] =	stream.indirect.gather [hbm4b:s4+s30], $0x40, s19, s30, $0xb8;
	[tilespmem:$0x1E800] =	vst v63  }
0x1db: {  	_ = 	snop  }
0x1dc: {  	[tilespmem:s31], [sflag:$0x2] =	stream.indirect.gather [hbm4b:s4+s30], $0x40, s30, s30, $0xb8;
	[tilespmem:$0x1E800] =	vst v63  }
0x1dd: {  	s20 =	simm.s32 $0x100  }
0x1de: {  	[tilespmem:s3], [sflag:$0x3] =	stream.indirect.gather [hbm4b:s4+s30], $0x40, s20, s30, $0xb8;
	[tilespmem:$0x1E800] =	vst v63  }
0x1df: {  	_ = 	snop  }
0x1e0: {  	[tilespmem:s11], [sflag:$0x4] =	stream.indirect.gather [hbm4b:s4+s30], $0x40, s2, s30, $0xb8;
	[tilespmem:$0x1E800] =	vst v63  }
0x1e1: {  	_ =	swait.ge [sflag:s12], $0x2000  }
0x1e2: {  	[sflag:s12] =	ssyncset.done $0x0  }
0x1e3: {  	s23 =	simm.s32 $0x1400;
	[sflag:s12] =	ssyncadd.s32 $0xFFFFE000  }
0x1e4: {  	[spmem:s1] =	stream.indirect.scatter.add.bf16 [tilespmem:s26], [sflag:$0x5], $0x40, s23, s30, $0xb8;
	[tilespmem:$0x1E800] =	vst v63  }
0x1e5: {  	_ =	swait.ge [sflag:s13], $0x2000  }
0x1e6: {  	[sflag:s13] =	ssyncset.done $0x0  }
0x1e7: {  	s0 =	simm.s32 $0x1480;
	[sflag:s13] =	ssyncadd.s32 $0xFFFFE000  }
0x1e8: {  	[spmem:s1] =	stream.indirect.scatter.add.bf16 [tilespmem:s31], [sflag:$0x6], $0x40, s0, s30, $0xb8;
	[tilespmem:$0x1E800] =	vst v63  }
0x1e9: {  	_ =	swait.ge [sflag:s14], $0x2000  }
0x1ea: {  	[sflag:s14] =	ssyncset.done $0x0  }
0x1eb: {  	s20 =	simm.s32 $0x1500;
	[sflag:s14] =	ssyncadd.s32 $0xFFFFE000  }
0x1ec: {  	[spmem:s1] =	stream.indirect.scatter.add.bf16 [tilespmem:s3], [sflag:$0x7], $0x40, s20, s30, $0xb8;
	[tilespmem:$0x1E800] =	vst v63  }
0x1ed: {  	_ =	swait.ge [sflag:s15], $0x2000  }
0x1ee: {  	[sflag:s15] =	ssyncset.done $0x0  }
0x1ef: {  	s23 =	simm.s32 $0x1580;
	[sflag:s15] =	ssyncadd.s32 $0xFFFFE000  }
0x1f0: {  	[spmem:s1] =	stream.indirect.scatter.add.bf16 [tilespmem:s11], [sflag:$0x8], $0x40, s23, s30, $0xb8;
	[tilespmem:$0x1E800] =	vst v63  }
0x1f1: {  	_ =	swait.ge [sflag:s16], $0x2000  }
0x1f2: {  	[sflag:s16] =	ssyncset.done $0x0  }
0x1f3: {  	s0 =	simm.s32 $0x200;
	[sflag:s16] =	ssyncadd.s32 $0xFFFFE000  }
0x1f4: {  	[tilespmem:s26], [sflag:$0x1] =	stream.indirect.gather [hbm4b:s4+s30], $0x40, s0, s30, $0xb8;
	[tilespmem:$0x1E800] =	vst v63  }
0x1f5: {  	_ =	swait.ge [sflag:s17], $0x2000  }
0x1f6: {  	[sflag:s17] =	ssyncset.done $0x0  }
0x1f7: {  	s20 =	simm.s32 $0x280;
	[sflag:s17] =	ssyncadd.s32 $0xFFFFE000  }
0x1f8: {  	[tilespmem:s31], [sflag:$0x2] =	stream.indirect.gather [hbm4b:s4+s30], $0x40, s20, s30, $0xb8;
	[tilespmem:$0x1E800] =	vst v63  }
0x1f9: {  	_ =	swait.ge [sflag:s18], $0x2000  }
0x1fa: {  	[sflag:s18] =	ssyncset.done $0x0  }
0x1fb: {  	s23 =	simm.s32 $0x300;
	[sflag:s18] =	ssyncadd.s32 $0xFFFFE000  }
0x1fc: {  	[tilespmem:s3], [sflag:$0x3] =	stream.indirect.gather [hbm4b:s4+s30], $0x40, s23, s30, $0xb8;
	[tilespmem:$0x1E800] =	vst v63  }
0x1fd: {  	_ =	swait.ge [sflag:s21], $0x2000  }
0x1fe: {  	[sflag:s21] =	ssyncset.done $0x0  }
0x1ff: {  	s19 =	simm.s32 $0x800;
	s20 =	simm.s32 $0x380;
	[sflag:s21] =	ssyncadd.s32 $0xFFFFE000  }
.LBB2_12:
0x200: {  	[tilespmem:s11], [sflag:$0x4] =	stream.indirect.gather [hbm4b:s4+s30], $0x40, s20, s30, $0xb8;
	[tilespmem:$0x1E800] =	vst v63  }
0x201: {  	s20 =	smov.u32 s19  }
0x202: {  	p0 =	sne.s32 s19, $0x4000;
	s19 =	sadd.s32 $0x800, s19;
	_ =	swait.ge [sflag:s12], $0x2000  }
0x203: {  	s20 =	sshra.s32 s20, $0x2;
	[sflag:s12] =	ssyncset.done $0x0  }
0x204: {  	s23 =	sadd.s32 $0x1400, s20;
	[sflag:s12] =	ssyncadd.s32 $0xFFFFE000  }
0x205: {  	[spmem:s1] =	stream.indirect.scatter.add.bf16 [tilespmem:s26], [sflag:$0x5], $0x40, s23, s30, $0xb8;
	[tilespmem:$0x1E800] =	vst v63  }
0x206: {  	_ =	swait.ge [sflag:s13], $0x2000  }
0x207: {  	[sflag:s13] =	ssyncset.done $0x0  }
0x208: {  	s23 =	sadd.s32 $0x1480, s20;
	[sflag:s13] =	ssyncadd.s32 $0xFFFFE000  }
0x209: {  	[spmem:s1] =	stream.indirect.scatter.add.bf16 [tilespmem:s31], [sflag:$0x6], $0x40, s23, s30, $0xb8;
	[tilespmem:$0x1E800] =	vst v63  }
0x20a: {  	_ =	swait.ge [sflag:s14], $0x2000  }
0x20b: {  	[sflag:s14] =	ssyncset.done $0x0  }
0x20c: {  	s23 =	sadd.s32 $0x1500, s20;
	[sflag:s14] =	ssyncadd.s32 $0xFFFFE000  }
0x20d: {  	[spmem:s1] =	stream.indirect.scatter.add.bf16 [tilespmem:s3], [sflag:$0x7], $0x40, s23, s30, $0xb8;
	[tilespmem:$0x1E800] =	vst v63  }
0x20e: {  	_ =	swait.ge [sflag:s15], $0x2000  }
0x20f: {  	[sflag:s15] =	ssyncset.done $0x0  }
0x210: {  	s23 =	sadd.s32 $0x1580, s20;
	[sflag:s15] =	ssyncadd.s32 $0xFFFFE000  }
0x211: {  	[spmem:s1] =	stream.indirect.scatter.add.bf16 [tilespmem:s11], [sflag:$0x8], $0x40, s23, s30, $0xb8;
	[tilespmem:$0x1E800] =	vst v63  }
0x212: {  	_ =	swait.ge [sflag:s16], $0x2000  }
0x213: {  	[sflag:s16] =	ssyncset.done $0x0  }
0x214: {  	s23 =	sadd.s32 $0x200, s20;
	[sflag:s16] =	ssyncadd.s32 $0xFFFFE000  }
0x215: {  	[tilespmem:s26], [sflag:$0x1] =	stream.indirect.gather [hbm4b:s4+s30], $0x40, s23, s30, $0xb8;
	[tilespmem:$0x1E800] =	vst v63  }
0x216: {  	_ =	swait.ge [sflag:s17], $0x2000  }
0x217: {  	[sflag:s17] =	ssyncset.done $0x0  }
0x218: {  	s23 =	sadd.s32 $0x280, s20;
	[sflag:s17] =	ssyncadd.s32 $0xFFFFE000  }
0x219: {  	[tilespmem:s31], [sflag:$0x2] =	stream.indirect.gather [hbm4b:s4+s30], $0x40, s23, s30, $0xb8;
	[tilespmem:$0x1E800] =	vst v63  }
0x21a: {  	_ =	swait.ge [sflag:s18], $0x2000  }
0x21b: {  	[sflag:s18] =	ssyncset.done $0x0  }
.Ltmp5:
0x21c: {  	s23 =	sadd.s32 $0x300, s20;
	[sflag:s18] =	ssyncadd.s32 $0xFFFFE000;
	(pc) =	sbr.rel @p0 .LBB2_12-.Ltmp5, $4  }
0x21d: {  	[tilespmem:s3], [sflag:$0x3] =	stream.indirect.gather [hbm4b:s4+s30], $0x40, s23, s30, $0xb8;
	[tilespmem:$0x1E800] =	vst v63  }
0x21e: {  	_ =	swait.ge [sflag:s21], $0x2000  }
0x21f: {  	[sflag:s21] =	ssyncset.done $0x0  }
0x220: {  	s20 =	sadd.s32 $0x380, s20;
	[sflag:s21] =	ssyncadd.s32 $0xFFFFE000  }
0x221: {  	[tilespmem:s11], [sflag:$0x4] =	stream.indirect.gather [hbm4b:s4+s30], $0x40, s20, s30, $0xb8;
	[tilespmem:$0x1E800] =	vst v63  }
0x222: {  	_ =	swait.ge [sflag:s12], $0x2000  }
0x223: {  	[sflag:s12] =	ssyncset.done $0x0  }
0x224: {  	[sflag:s12] =	ssyncadd.s32 $0xFFFFE000  }
0x225: {  	[spmem:s1] =	stream.indirect.scatter.add.bf16 [tilespmem:s26], [sflag:$0x5], $0x40, s22, s30, $0xb8;
	[tilespmem:$0x1E800] =	vst v63  }
0x226: {  	_ =	swait.ge [sflag:s13], $0x2000  }
0x227: {  	[sflag:s13] =	ssyncset.done $0x0  }
0x228: {  	[sflag:s13] =	ssyncadd.s32 $0xFFFFE000  }
0x229: {  	[spmem:s1] =	stream.indirect.scatter.add.bf16 [tilespmem:s31], [sflag:$0x6], $0x40, s25, s30, $0xb8;
	[tilespmem:$0x1E800] =	vst v63  }
0x22a: {  	_ =	swait.ge [sflag:s14], $0x2000  }
0x22b: {  	[sflag:s14] =	ssyncset.done $0x0  }
0x22c: {  	[sflag:s14] =	ssyncadd.s32 $0xFFFFE000  }
0x22d: {  	[spmem:s1] =	stream.indirect.scatter.add.bf16 [tilespmem:s3], [sflag:$0x7], $0x40, s6, s30, $0xb8;
	[tilespmem:$0x1E800] =	vst v63  }
0x22e: {  	_ =	swait.ge [sflag:s15], $0x2000  }
0x22f: {  	[sflag:s15] =	ssyncset.done $0x0  }
0x230: {  	[sflag:s15] =	ssyncadd.s32 $0xFFFFE000  }
0x231: {  	[spmem:s1] =	stream.indirect.scatter.add.bf16 [tilespmem:s11], [sflag:$0x8], $0x40, s7, s30, $0xb8;
	[tilespmem:$0x1E800] =	vst v63  }
0x232: {  	_ =	swait.ge [sflag:s16], $0x2000  }
0x233: {  	[sflag:s16] =	ssyncset.done $0x0  }
0x234: {  	[sflag:s16] =	ssyncadd.s32 $0xFFFFE000  }
0x235: {  	_ =	swait.ge [sflag:s17], $0x2000  }
0x236: {  	[sflag:s17] =	ssyncset.done $0x0  }
0x237: {  	[sflag:s17] =	ssyncadd.s32 $0xFFFFE000  }
0x238: {  	_ =	swait.ge [sflag:s18], $0x2000  }
0x239: {  	[sflag:s18] =	ssyncset.done $0x0  }
0x23a: {  	[sflag:s18] =	ssyncadd.s32 $0xFFFFE000  }
0x23b: {  	_ =	swait.ge [sflag:s21], $0x2000  }
0x23c: {  	[sflag:s21] =	ssyncset.done $0x0  }
0x23d: {  	[sflag:s21] =	ssyncadd.s32 $0xFFFFE000  }
0x23e: {  	[bflag:$0x0] =	sbarrier.arrive $0xFFFF  }
0x23f: {  	s0 =	rddreg [dreg:$0x11]  }
0x240: {  	[hbm:s0], [sflag:s9] =	dma.local [spmem:s10], $0x2800  }
0x241: {  	_ =	swait.ge [sflag:s28], $0x2800  }
0x242: {  	s8 =	sadd.s32 $0x1, s8;
	s23 =	rddreg [dreg:$0x14]  }
0x243: {  	p0 =	sne.s32 s8, s23  }
.Ltmp6:
0x244: {  	_ = 	snop;
	(pc) =	sbr.rel @p0 .LBB2_1-.Ltmp6, $3  }
0x245: {  	_ =	sdelay $0x1  }
0x246: {  	[sflag:s28] =	ssyncset.done $0x0  }
0x247: {  	[sflag:s28] =	ssyncadd.s32 $0xFFFFD800  }
0x248: {  	_ =	sfence.sel $0x180000  }
0x249: {  	[bflag:$0x0] =	sbarrier.arrive $0xFFFF  }
0x24a: {  	_ =	strace $0x90000047  }
0x24b: {  	s0 =	stileid.u32;
	[bflag:$0x2] =	sbarrier.arrive $0xFFFF  }
0x24c: {  	p0 =	sne.s32 s0, $0x0;
	s0 =	rddreg [dreg:$0x2]  }
0x24d: {  	s0 =	sadd.s32 @!p0 $0x100000, s0  }
0x24e: {  	[sflag:s0] =	ssyncadd.tile.s32 @!p0 $0x1;
	_ =	shalt  }
.Lfunc_end2:
_tile_overlayer_lowered:
.L_overlay_start_2:
0x24f: {  	(tag) =	ssettag $0x2  }
0x250: {  	s0 =	rddreg [dreg:$0x0];
	s2 =	stileid.u32  }
0x251: {  	s1 =	rddreg [dreg:$0x1];
	p0 =	sne.s32 s2, $0x0  }
0x252: {  	s3 =	rddreg [dreg:$0x2];
	[bflag:$0x3] =	sbarrier.arrive $0xFFFF;
	s2 =	simm.s32 @!p0 $0x1C09  }
0x253: {  	[timem:s3], [sflag:s2] =	dma.local @!p0 [hbm:s0], s1  }
0x254: {  	s0 =	simm.s32 @!p0 $0x9  }
0x255: {  	_ =	swait.ge @!p0 [sflag:s0], s1  }
0x256: {  	s1 =	ssub.s32 @!p0 $0x0, s1;
	[sflag:s0] =	ssyncset.done @!p0 $0x0  }
0x257: {  	[sflag:s0] =	ssyncadd.s32 @!p0 s1  }
0x258: {  	[bflag:$0x3] =	sbarrier.arrive $0xFFFF  }
0x259: {  	_ =	shalt  }

</sc_bundles>
